<compile_context>
chip_gen: v7x
topology: tpu7x:2x2x1
jax: 0.10.2.dev20260603
libtpu: 0.0.44.dev20260713+nightly
codegen_flags: <defaults>
</compile_context>

<pallas_src>
import jax
import jax.numpy as jnp
from jax import lax
from jax.experimental import pallas as pl
from jax.experimental.pallas import tpu as pltpu
from jax.experimental.pallas import tpu_sc as plsc

_N = 10000
_VOCAB = 100
_EMBED = 10
_H = 128
_E = 320000

_NW = 32
_NPAD = 10240
_NPW = _NPAD // _NW
_GCH = 80
_EPW = _E // _NW
_TPW = _NPAD // 16


def _mesh():
    return plsc.VectorSubcoreMesh(core_axis_name="c", subcore_axis_name="s")


def _ring(nchk, nbuf, gather_start, gather_wait, scatter):
    for b in range(nbuf):
        gather_start(b, b)
    fg = (nchk - nbuf) // nbuf

    def step(grp, carry):
        for b in range(nbuf):
            t = nbuf * grp + b
            gather_wait(t, b)
            scatter(t, b)
            gather_start(t + nbuf, b)
        return carry

    lax.fori_loop(0, fg, step, 0)
    for t in range(fg * nbuf, nchk):
        b = t % nbuf
        gather_wait(t, b)
        scatter(t, b)
        if t + nbuf < nchk:
            gather_start(t + nbuf, b)


_DCH = 80
_DNCHK = 2 * _EPW // _DCH
_NGRP = _NPAD // 16 // 16


def _sc_deg_emb(xp, ei, table):
    epw = 2 * _EPW

    def body(x_hbm, ei_hbm, table_hbm, dinv_out, g1_out,
             partials, degloc, didx_all, pbuf, dinvbuf, xloc, tabflat,
             g1buf):
        c = lax.axis_index("c")
        s = lax.axis_index("s")
        wid = s * 2 + c
        iota = lax.iota(jnp.int32, 16)
        ones16 = jnp.ones((16,), jnp.float32)

        pltpu.sync_copy(ei_hbm.at[1, pl.ds(s * epw, epw)], didx_all)

        def zero_deg(i, carry):
            degloc[pl.ds(i * 16, 16)] = jnp.zeros((16,), jnp.float32)
            return carry

        lax.fori_loop(0, _NPAD // 16, zero_deg, 0)

        def deg_step(t, carry):
            for j in range(4):
                idxv = didx_all[pl.ds(t * 64 + j * 16, 16)]
                plsc.addupdate_scatter(degloc, [idxv], ones16)
            return carry

        lax.fori_loop(0, epw // 64, deg_step, 0)
        pltpu.sync_copy(degloc, partials.at[s])

        pltpu.sync_copy(x_hbm.at[pl.ds(wid * _NPW, _NPW)], xloc)
        pltpu.sync_copy(table_hbm, tabflat)

        plsc.subcore_barrier()

        for p in range(16):
            pltpu.sync_copy(partials.at[p, pl.ds(s * _TPW, _TPW)],
                            pbuf.at[pl.ds(p * _TPW, _TPW)])

        def dinv_step(grp, carry):
            d = pbuf[pl.ds(grp * 16, 16)]
            for p in range(1, 16):
                d = d + pbuf[pl.ds(p * _TPW + grp * 16, 16)]
            d = d + 1.0
            yi = 1597463007 - jnp.right_shift(plsc.bitcast(d, jnp.int32), 1)
            y = plsc.bitcast(yi, jnp.float32)
            h = d * 0.5
            for _ in range(3):
                y = y * (1.5 - h * y * y)
            dinvbuf[pl.ds(grp * 16, 16)] = y
            return carry

        lax.fori_loop(0, _TPW // 16, dinv_step, 0)

        @pl.when(c == 0)
        def _():
            pltpu.sync_copy(dinvbuf, dinv_out.at[pl.ds(s * _TPW, _TPW)])

        def scale_step(grp, carry):
            xv = xloc[pl.ds(grp * 16, 16)]
            dv = dinvbuf[pl.ds(c * _NPW + grp * 16, 16)]
            tbase = xv * 16
            obase = (grp * 16 + iota) * 16
            for j in range(16):
                col = plsc.load_gather(tabflat, [tbase + j])
                plsc.store_scatter(g1buf, [obase + j], col * dv)
            return carry

        lax.fori_loop(0, _NPW // 16, scale_step, 0)
        pltpu.sync_copy(g1buf, g1_out.at[pl.ds(wid * _NPW * 16, _NPW * 16)])

    f = pl.kernel(
        body,
        out_type=[jax.ShapeDtypeStruct((_NPAD,), jnp.float32),
                  jax.ShapeDtypeStruct((_NPAD * 16,), jnp.float32)],
        mesh=_mesh(),
        compiler_params=pltpu.CompilerParams(
            use_tc_tiling_on_sc=False, needs_layout_passes=False),
        scratch_types=[
            pltpu.VMEM_SHARED((16, _NPAD), jnp.float32),
            pltpu.VMEM((_NPAD,), jnp.float32),
            pltpu.VMEM((epw,), jnp.int32),
            pltpu.VMEM((16 * _TPW,), jnp.float32),
            pltpu.VMEM((_TPW,), jnp.float32),
            pltpu.VMEM((_NPW,), jnp.int32),
            pltpu.VMEM((16 * _VOCAB,), jnp.float32),
            pltpu.VMEM((_NPW * 16,), jnp.float32),
        ],
    )
    return f(xp, ei, table)


def _sc_scatter(ei3, g, D, chunk, nbuf, zrows):
    nz = _TPW // zrows
    nchk = _EPW // chunk

    def body(ei_hbm, g_hbm, out, acc, sidx_all, didx_all, rows, zbuf, *sems):
        c = lax.axis_index("c")
        s = lax.axis_index("s")
        wid = s * 2 + c

        pltpu.sync_copy(ei_hbm.at[0, pl.ds(wid * nchk, nchk)], sidx_all)
        pltpu.sync_copy(ei_hbm.at[1, pl.ds(wid * nchk, nchk)], didx_all)

        def fill_zero(i, carry):
            for j in range(D // 16):
                zbuf[i, pl.ds(j * 16, 16)] = jnp.zeros((16,), jnp.float32)
            return carry

        lax.fori_loop(0, zrows, fill_zero, 0)
        for k in range(nz):
            pltpu.sync_copy(zbuf, acc.at[pl.ds(s * _TPW + k * zrows, zrows)])
        plsc.subcore_barrier()

        def gather_start(t, b):
            pltpu.make_async_copy(
                g_hbm.at[sidx_all.at[t]], rows.at[b], sems[b]).start()

        def gather_wait(t, b):
            pltpu.make_async_copy(
                g_hbm.at[sidx_all.at[t]], rows.at[b], sems[b]).wait()

        def scatter(t, b):
            pltpu.sync_copy(rows.at[b], acc.at[didx_all.at[t]], add=True)

        _ring(nchk, nbuf, gather_start, gather_wait, scatter)

        plsc.subcore_barrier()
        pltpu.sync_copy(acc.at[pl.ds(s * _TPW, _TPW)],
                        out.at[pl.ds(c * _NPAD + s * _TPW, _TPW)])

    f = pl.kernel(
        body,
        out_type=jax.ShapeDtypeStruct((2 * _NPAD, D), jnp.float32),
        mesh=_mesh(),
        compiler_params=pltpu.CompilerParams(use_tc_tiling_on_sc=False),
        scratch_types=[
            pltpu.VMEM_SHARED((_NPAD, D), jnp.float32),
            pltpu.VMEM((nchk, chunk), jnp.int32),
            pltpu.VMEM((nchk, chunk), jnp.int32),
            pltpu.VMEM((nbuf, chunk, D), jnp.float32),
            pltpu.VMEM((zrows, D), jnp.float32),
        ] + [pltpu.SemaphoreType.DMA] * nbuf,
    )
    return f(ei3, g)


_BLK = 1280
_NB = _NPAD // _BLK


def _tc_b(agg1, W1p, b1):
    def body(a, w, b, h1_ref):
        h1_ref[...] = jnp.maximum(
            jnp.dot(a[...], w[...], preferred_element_type=jnp.float32)
            + b[...], 0.0)

    return pl.pallas_call(
        body,
        grid=(_NB,),
        in_specs=[pl.BlockSpec((_BLK, 16), lambda i: (i, 0)),
                  pl.BlockSpec((16, _H), lambda i: (0, 0)),
                  pl.BlockSpec((1, _H), lambda i: (0, 0))],
        out_specs=pl.BlockSpec((_BLK, _H), lambda i: (i, 0)),
        out_shape=jax.ShapeDtypeStruct((_NPAD, _H), jnp.float32),
    )(agg1, W1p, b1)


_BLKC = 2000


def _tc_c(agg2, W2, b2, W3r, b3):
    def body(a, w2, b2r, w3, b3r, out_ref):
        h2 = jnp.maximum(
            jnp.dot(a[...], w2[...], preferred_element_type=jnp.float32)
            + b2r[...], 0.0)
        z = jnp.sum(h2 * w3[...], axis=1, keepdims=True) + b3r[...]
        out_ref[...] = jax.nn.sigmoid(z)

    return pl.pallas_call(
        body,
        grid=(_N // _BLKC,),
        in_specs=[pl.BlockSpec((_BLKC, _H), lambda i: (i, 0)),
                  pl.BlockSpec((_H, _H), lambda i: (0, 0)),
                  pl.BlockSpec((1, _H), lambda i: (0, 0)),
                  pl.BlockSpec((1, _H), lambda i: (0, 0)),
                  pl.BlockSpec((1, 1), lambda i: (0, 0))],
        out_specs=pl.BlockSpec((_BLKC, 1), lambda i: (i, 0)),
        out_shape=jax.ShapeDtypeStruct((_N, 1), jnp.float32),
    )(agg2, W2, b2, W3r, b3)


def kernel(x, edge_index, batch, item_embedding, W1, b1, W2, b2, W3, b3):
    xp = jnp.pad(x[:, 0], (0, _NPAD - _N))
    ei80 = edge_index.reshape(2, _E // _DCH, _DCH)
    ei40 = edge_index.reshape(2, _NW * (_EPW // 40), 40)
    table = jnp.pad(item_embedding, ((0, 0), (0, 16 - _EMBED)))
    W1p = jnp.pad(W1, ((0, 16 - _EMBED), (0, 0)))

    dinv, g1f = _sc_deg_emb(xp, edge_index, table.reshape(-1))
    dinv1 = dinv[:, None]
    g1 = g1f.reshape(_NPAD, 16)
    scat1f = _sc_scatter(ei80, g1, 16, 80, 10, _TPW)
    agg1 = dinv1 * (scat1f[:_NPAD] + scat1f[_NPAD:] + g1)
    h1 = _tc_b(agg1, W1p, b1.reshape(1, _H))
    g2 = dinv1 * h1
    scat2f = _sc_scatter(ei40, g2, _H, 40, 5, 16)
    agg2 = dinv1 * (scat2f[:_NPAD] + scat2f[_NPAD:] + g2)
    return _tc_c(agg2, W2, b2.reshape(1, _H), W3.reshape(1, _H),
                 b3.reshape(1, 1))[:, 0]

# --- scband reference (transcript-rebuilt; emitter-appended) ---
"""Pipeline reference for scband-net-49512382988633 (READ-ONLY COPY).

The authoritative reference and input builder live on the scoring server;
editing this copy changes nothing except your own understanding.
"""

import jax, jax.numpy as jnp
import numpy as np

N = 10000
E = 320000
VOCAB = 100
EMBED = 10
H = 128


def setup_inputs(seed: int = 0) -> dict:
    key = jax.random.key(seed)
    ks = jax.random.split(key, 12)
    x = jax.random.randint(ks[0], (N, 1), 0, VOCAB, dtype=jnp.int32)
    edge_index = jax.random.randint(ks[1], (2, E), 0, N, dtype=jnp.int32)
    batch = jnp.sort(jax.random.randint(ks[2], (N,), 0, 64, dtype=jnp.int32))
    item_embedding = jax.random.normal(ks[3], (VOCAB, EMBED), dtype=jnp.float32)
    W1 = jax.random.normal(ks[4], (EMBED, H), dtype=jnp.float32) * (1.0 / np.sqrt(EMBED))
    b1 = jnp.zeros((H,), dtype=jnp.float32)
    W2 = jax.random.normal(ks[5], (H, H), dtype=jnp.float32) * (1.0 / np.sqrt(H))
    b2 = jnp.zeros((H,), dtype=jnp.float32)
    W3 = jax.random.normal(ks[6], (H, 1), dtype=jnp.float32) * (1.0 / np.sqrt(H))
    b3 = jnp.zeros((1,), dtype=jnp.float32)
    return {"x": x, "edge_index": edge_index, "batch": batch,
            "item_embedding": item_embedding,
            "W1": W1, "b1": b1, "W2": W2, "b2": b2, "W3": W3, "b3": b3}


def _gcn(h, W, b, src, dst, norm, n):
    # PyG GCNConv: linear transform, symmetric-normalized propagation, bias
    h = h @ W
    msg = h[src] * norm[:, None]
    out = jax.ops.segment_sum(msg, dst, num_segments=n)
    return out + b


def reference(x, edge_index, batch, item_embedding, W1, b1, W2, b2, W3, b3):
    n = x.shape[0]
    # embedding lookup + squeeze
    emb = item_embedding[x[:, 0]]
    # add self-loops (GCNConv default)
    loops = jnp.arange(n, dtype=edge_index.dtype)
    src = jnp.concatenate([edge_index[0], loops])
    dst = jnp.concatenate([edge_index[1], loops])
    deg = jax.ops.segment_sum(jnp.ones(src.shape[0], dtype=emb.dtype), dst, num_segments=n)
    dinv = jnp.where(deg > 0, deg ** -0.5, 0.0)
    norm = dinv[src] * dinv[dst]
    h = jax.nn.relu(_gcn(emb, W1, b1, src, dst, norm, n))
    # dropout p=0.5: identity in eval mode
    h = jax.nn.relu(_gcn(h, W2, b2, src, dst, norm, n))
    out = (h @ W3 + b3).reshape(-1)
    return jax.nn.sigmoid(out)

if __name__ == "__main__":
    import jax
    _d = setup_inputs()
    print(jax.jit(kernel)(*tuple(_d.values())))

</pallas_src>

<mosaic_0001>
#map = affine_map<(d0, d1) -> (0, 0, 0)>
#map1 = affine_map<(d0, d1) -> (0, 0)>
module attributes {stable_mosaic.version = 14 : i64} {
  func.func @body(%arg0: i32, %arg1: i32, %arg2: memref<2x8000x40xi32, #tpu.memory_space<hbm>>, %arg3: memref<10240x128xf32, #tpu.memory_space<hbm>>, %arg4: memref<20480x128xf32, #tpu.memory_space<hbm>>, %arg5: memref<10240x128xf32, #tpu.memory_space<vmem_shared>>, %arg6: memref<250x40xi32, #tpu.memory_space<vmem>>, %arg7: memref<250x40xi32, #tpu.memory_space<vmem>>, %arg8: memref<5x40x128xf32, #tpu.memory_space<vmem>>, %arg9: memref<16x128xf32, #tpu.memory_space<vmem>>, %arg10: memref<!tpu.dma_semaphore, #tpu.memory_space<semaphore_mem>>, %arg11: memref<!tpu.dma_semaphore, #tpu.memory_space<semaphore_mem>>, %arg12: memref<!tpu.dma_semaphore, #tpu.memory_space<semaphore_mem>>, %arg13: memref<!tpu.dma_semaphore, #tpu.memory_space<semaphore_mem>>, %arg14: memref<!tpu.dma_semaphore, #tpu.memory_space<semaphore_mem>>) attributes {dimension_semantics = [#tpu.dimension_semantics<core_parallel>, #tpu.dimension_semantics<subcore_parallel>], iteration_bounds = array<i64: 2, 16>, scalar_prefetch = 0 : i64, scratch_operands = 10 : i64, tpu.core_type = #tpu.core_type<sc_vector_subcore>, window_params = [{transform_indices = #map}, {transform_indices = #map1}, {transform_indices = #map1}]} {
    %mul3A = arith.constant 2 : i32
    %mul3A_0 = arith.muli %arg1, %mul3A : i32
    %add3A = arith.addi %mul3A_0, %arg0 : i32
    %mul3A_1 = arith.constant 250 : i32
    %mul3A_2 = arith.muli %add3A, %mul3A_1 : i32
    %run_scoped3A = arith.constant 0 : i32
    "tpu.region"() ({
      %run_scoped3A_313 = tpu.sem_alloc : memref<!tpu.dma_semaphore, #tpu.memory_space<semaphore_mem>>
      %dma_start3A_314 = arith.constant 0 : i32
      %dma_start3A_315 = tpu.memref_slice %arg2[%run_scoped3A, %mul3A_2, %dma_start3A_314] : memref<2x8000x40xi32, #tpu.memory_space<hbm>> -> memref<1x250x40xi32, #tpu.memory_space<hbm>>
      %dma_start3A_316 = tpu.memref_squeeze %dma_start3A_315 : memref<1x250x40xi32, #tpu.memory_space<hbm>> -> memref<250x40xi32, #tpu.memory_space<hbm>>
      %dma_start3A_317 = arith.constant 0 : i32
      %dma_start3A_318 = tpu.memref_slice %arg2[%run_scoped3A, %mul3A_2, %dma_start3A_317] : memref<2x8000x40xi32, #tpu.memory_space<hbm>> -> memref<1x250x40xi32, #tpu.memory_space<hbm>>
      %dma_start3A_319 = tpu.memref_squeeze %dma_start3A_318 : memref<1x250x40xi32, #tpu.memory_space<hbm>> -> memref<250x40xi32, #tpu.memory_space<hbm>>
      tpu.enqueue_dma source(%dma_start3A_319 : memref<250x40xi32, #tpu.memory_space<hbm>>) target(%arg6 : memref<250x40xi32, #tpu.memory_space<vmem>>) target_semaphore(%run_scoped3A_313 : memref<!tpu.dma_semaphore, #tpu.memory_space<semaphore_mem>>)
      %dma_wait3A_320 = arith.constant 0 : i32
      %dma_wait3A_321 = tpu.memref_slice %arg2[%run_scoped3A, %mul3A_2, %dma_wait3A_320] : memref<2x8000x40xi32, #tpu.memory_space<hbm>> -> memref<1x250x40xi32, #tpu.memory_space<hbm>>
      %dma_wait3A_322 = tpu.memref_squeeze %dma_wait3A_321 : memref<1x250x40xi32, #tpu.memory_space<hbm>> -> memref<250x40xi32, #tpu.memory_space<hbm>>
      %dma_wait3A_323 = arith.constant 0 : i32
      %dma_wait3A_324 = tpu.memref_slice %arg2[%run_scoped3A, %mul3A_2, %dma_wait3A_323] : memref<2x8000x40xi32, #tpu.memory_space<hbm>> -> memref<1x250x40xi32, #tpu.memory_space<hbm>>
      %dma_wait3A_325 = tpu.memref_squeeze %dma_wait3A_324 : memref<1x250x40xi32, #tpu.memory_space<hbm>> -> memref<250x40xi32, #tpu.memory_space<hbm>>
      tpu.wait_dma2 semaphore(%run_scoped3A_313 : memref<!tpu.dma_semaphore, #tpu.memory_space<semaphore_mem>>) src(%dma_wait3A_325 : memref<250x40xi32, #tpu.memory_space<hbm>>) dst(%arg6 : memref<250x40xi32, #tpu.memory_space<vmem>>)
      tpu.yield
    }) : () -> ()
    %mul3A_3 = arith.constant 250 : i32
    %mul3A_4 = arith.muli %add3A, %mul3A_3 : i32
    %run_scoped3A_5 = arith.constant 1 : i32
    "tpu.region"() ({
      %run_scoped3A_313 = tpu.sem_alloc : memref<!tpu.dma_semaphore, #tpu.memory_space<semaphore_mem>>
      %dma_start3A_314 = arith.constant 0 : i32
      %dma_start3A_315 = tpu.memref_slice %arg2[%run_scoped3A_5, %mul3A_4, %dma_start3A_314] : memref<2x8000x40xi32, #tpu.memory_space<hbm>> -> memref<1x250x40xi32, #tpu.memory_space<hbm>>
      %dma_start3A_316 = tpu.memref_squeeze %dma_start3A_315 : memref<1x250x40xi32, #tpu.memory_space<hbm>> -> memref<250x40xi32, #tpu.memory_space<hbm>>
      %dma_start3A_317 = arith.constant 0 : i32
      %dma_start3A_318 = tpu.memref_slice %arg2[%run_scoped3A_5, %mul3A_4, %dma_start3A_317] : memref<2x8000x40xi32, #tpu.memory_space<hbm>> -> memref<1x250x40xi32, #tpu.memory_space<hbm>>
      %dma_start3A_319 = tpu.memref_squeeze %dma_start3A_318 : memref<1x250x40xi32, #tpu.memory_space<hbm>> -> memref<250x40xi32, #tpu.memory_space<hbm>>
      tpu.enqueue_dma source(%dma_start3A_319 : memref<250x40xi32, #tpu.memory_space<hbm>>) target(%arg7 : memref<250x40xi32, #tpu.memory_space<vmem>>) target_semaphore(%run_scoped3A_313 : memref<!tpu.dma_semaphore, #tpu.memory_space<semaphore_mem>>)
      %dma_wait3A_320 = arith.constant 0 : i32
      %dma_wait3A_321 = tpu.memref_slice %arg2[%run_scoped3A_5, %mul3A_4, %dma_wait3A_320] : memref<2x8000x40xi32, #tpu.memory_space<hbm>> -> memref<1x250x40xi32, #tpu.memory_space<hbm>>
      %dma_wait3A_322 = tpu.memref_squeeze %dma_wait3A_321 : memref<1x250x40xi32, #tpu.memory_space<hbm>> -> memref<250x40xi32, #tpu.memory_space<hbm>>
      %dma_wait3A_323 = arith.constant 0 : i32
      %dma_wait3A_324 = tpu.memref_slice %arg2[%run_scoped3A_5, %mul3A_4, %dma_wait3A_323] : memref<2x8000x40xi32, #tpu.memory_space<hbm>> -> memref<1x250x40xi32, #tpu.memory_space<hbm>>
      %dma_wait3A_325 = tpu.memref_squeeze %dma_wait3A_324 : memref<1x250x40xi32, #tpu.memory_space<hbm>> -> memref<250x40xi32, #tpu.memory_space<hbm>>
      tpu.wait_dma2 semaphore(%run_scoped3A_313 : memref<!tpu.dma_semaphore, #tpu.memory_space<semaphore_mem>>) src(%dma_wait3A_325 : memref<250x40xi32, #tpu.memory_space<hbm>>) dst(%arg7 : memref<250x40xi32, #tpu.memory_space<vmem>>)
      tpu.yield
    }) : () -> ()
    %scan3A = arith.constant 0 : i32
    %scan3A_6 = arith.constant 0 : i32
    %scan3A_7 = arith.constant 16 : i32
    %scan3A_8 = arith.addi %scan3A_6, %scan3A_7 : i32
    %scan3A_9 = arith.constant 1 : i32
    scf.for %scan3A_313 = %scan3A_6 to %scan3A_8 step %scan3A_9  : i32 {
      %broadcast_in_dim3A = arith.constant 0.000000e+00 : f32
      %broadcast_in_dim3A_314 = vector.broadcast %broadcast_in_dim3A : f32 to vector<16xf32>
      %swap3A = arith.index_cast %scan3A_313 : i32 to index
      %swap3A_315 = arith.constant 0 : index
      %swap3A_316 = tpu.vector_load %arg9[%swap3A, %swap3A_315] {strides = array<i32>} : memref<16x128xf32, #tpu.memory_space<vmem>>, vector<1x16xf32>,
      %swap3A_317 = vector.shape_cast %swap3A_316 : vector<1x16xf32> to vector<16xf32>
      %swap3A_318 = vector.shape_cast %broadcast_in_dim3A_314 : vector<16xf32> to vector<1x16xf32>
      tpu.vector_store %arg9[%swap3A, %swap3A_315], %swap3A_318 {strides = array<i32>} : memref<16x128xf32, #tpu.memory_space<vmem>>, vector<1x16xf32>,
      %broadcast_in_dim3A_319 = arith.constant 0.000000e+00 : f32
      %broadcast_in_dim3A_320 = vector.broadcast %broadcast_in_dim3A_319 : f32 to vector<16xf32>
      %swap3A_321 = arith.index_cast %scan3A_313 : i32 to index
      %swap3A_322 = arith.constant 16 : index
      %swap3A_323 = tpu.vector_load %arg9[%swap3A_321, %swap3A_322] {strides = array<i32>} : memref<16x128xf32, #tpu.memory_space<vmem>>, vector<1x16xf32>,
      %swap3A_324 = vector.shape_cast %swap3A_323 : vector<1x16xf32> to vector<16xf32>
      %swap3A_325 = vector.shape_cast %broadcast_in_dim3A_320 : vector<16xf32> to vector<1x16xf32>
      tpu.vector_store %arg9[%swap3A_321, %swap3A_322], %swap3A_325 {strides = array<i32>} : memref<16x128xf32, #tpu.memory_space<vmem>>, vector<1x16xf32>,
      %broadcast_in_dim3A_326 = arith.constant 0.000000e+00 : f32
      %broadcast_in_dim3A_327 = vector.broadcast %broadcast_in_dim3A_326 : f32 to vector<16xf32>
      %swap3A_328 = arith.index_cast %scan3A_313 : i32 to index
      %swap3A_329 = arith.constant 32 : index
      %swap3A_330 = tpu.vector_load %arg9[%swap3A_328, %swap3A_329] {strides = array<i32>} : memref<16x128xf32, #tpu.memory_space<vmem>>, vector<1x16xf32>,
      %swap3A_331 = vector.shape_cast %swap3A_330 : vector<1x16xf32> to vector<16xf32>
      %swap3A_332 = vector.shape_cast %broadcast_in_dim3A_327 : vector<16xf32> to vector<1x16xf32>
      tpu.vector_store %arg9[%swap3A_328, %swap3A_329], %swap3A_332 {strides = array<i32>} : memref<16x128xf32, #tpu.memory_space<vmem>>, vector<1x16xf32>,
      %broadcast_in_dim3A_333 = arith.constant 0.000000e+00 : f32
      %broadcast_in_dim3A_334 = vector.broadcast %broadcast_in_dim3A_333 : f32 to vector<16xf32>
      %swap3A_335 = arith.index_cast %scan3A_313 : i32 to index
      %swap3A_336 = arith.constant 48 : index
      %swap3A_337 = tpu.vector_load %arg9[%swap3A_335, %swap3A_336] {strides = array<i32>} : memref<16x128xf32, #tpu.memory_space<vmem>>, vector<1x16xf32>,
      %swap3A_338 = vector.shape_cast %swap3A_337 : vector<1x16xf32> to vector<16xf32>
      %swap3A_339 = vector.shape_cast %broadcast_in_dim3A_334 : vector<16xf32> to vector<1x16xf32>
      tpu.vector_store %arg9[%swap3A_335, %swap3A_336], %swap3A_339 {strides = array<i32>} : memref<16x128xf32, #tpu.memory_space<vmem>>, vector<1x16xf32>,
      %broadcast_in_dim3A_340 = arith.constant 0.000000e+00 : f32
      %broadcast_in_dim3A_341 = vector.broadcast %broadcast_in_dim3A_340 : f32 to vector<16xf32>
      %swap3A_342 = arith.index_cast %scan3A_313 : i32 to index
      %swap3A_343 = arith.constant 64 : index
      %swap3A_344 = tpu.vector_load %arg9[%swap3A_342, %swap3A_343] {strides = array<i32>} : memref<16x128xf32, #tpu.memory_space<vmem>>, vector<1x16xf32>,
      %swap3A_345 = vector.shape_cast %swap3A_344 : vector<1x16xf32> to vector<16xf32>
      %swap3A_346 = vector.shape_cast %broadcast_in_dim3A_341 : vector<16xf32> to vector<1x16xf32>
      tpu.vector_store %arg9[%swap3A_342, %swap3A_343], %swap3A_346 {strides = array<i32>} : memref<16x128xf32, #tpu.memory_space<vmem>>, vector<1x16xf32>,
      %broadcast_in_dim3A_347 = arith.constant 0.000000e+00 : f32
      %broadcast_in_dim3A_348 = vector.broadcast %broadcast_in_dim3A_347 : f32 to vector<16xf32>
      %swap3A_349 = arith.index_cast %scan3A_313 : i32 to index
      %swap3A_350 = arith.constant 80 : index
      %swap3A_351 = tpu.vector_load %arg9[%swap3A_349, %swap3A_350] {strides = array<i32>} : memref<16x128xf32, #tpu.memory_space<vmem>>, vector<1x16xf32>,
      %swap3A_352 = vector.shape_cast %swap3A_351 : vector<1x16xf32> to vector<16xf32>
      %swap3A_353 = vector.shape_cast %broadcast_in_dim3A_348 : vector<16xf32> to vector<1x16xf32>
      tpu.vector_store %arg9[%swap3A_349, %swap3A_350], %swap3A_353 {strides = array<i32>} : memref<16x128xf32, #tpu.memory_space<vmem>>, vector<1x16xf32>,
      %broadcast_in_dim3A_354 = arith.constant 0.000000e+00 : f32
      %broadcast_in_dim3A_355 = vector.broadcast %broadcast_in_dim3A_354 : f32 to vector<16xf32>
      %swap3A_356 = arith.index_cast %scan3A_313 : i32 to index
      %swap3A_357 = arith.constant 96 : index
      %swap3A_358 = tpu.vector_load %arg9[%swap3A_356, %swap3A_357] {strides = array<i32>} : memref<16x128xf32, #tpu.memory_space<vmem>>, vector<1x16xf32>,
      %swap3A_359 = vector.shape_cast %swap3A_358 : vector<1x16xf32> to vector<16xf32>
      %swap3A_360 = vector.shape_cast %broadcast_in_dim3A_355 : vector<16xf32> to vector<1x16xf32>
      tpu.vector_store %arg9[%swap3A_356, %swap3A_357], %swap3A_360 {strides = array<i32>} : memref<16x128xf32, #tpu.memory_space<vmem>>, vector<1x16xf32>,
      %broadcast_in_dim3A_361 = arith.constant 0.000000e+00 : f32
      %broadcast_in_dim3A_362 = vector.broadcast %broadcast_in_dim3A_361 : f32 to vector<16xf32>
      %swap3A_363 = arith.index_cast %scan3A_313 : i32 to index
      %swap3A_364 = arith.constant 112 : index
      %swap3A_365 = tpu.vector_load %arg9[%swap3A_363, %swap3A_364] {strides = array<i32>} : memref<16x128xf32, #tpu.memory_space<vmem>>, vector<1x16xf32>,
      %swap3A_366 = vector.shape_cast %swap3A_365 : vector<1x16xf32> to vector<16xf32>
      %swap3A_367 = vector.shape_cast %broadcast_in_dim3A_362 : vector<16xf32> to vector<1x16xf32>
      tpu.vector_store %arg9[%swap3A_363, %swap3A_364], %swap3A_367 {strides = array<i32>} : memref<16x128xf32, #tpu.memory_space<vmem>>, vector<1x16xf32>,
    }
    %scan3A_10 = arith.constant 16 : i32
    %mul3A_11 = arith.constant 640 : i32
    %mul3A_12 = arith.muli %arg1, %mul3A_11 : i32
    %add3A_13 = arith.constant 0 : i32
    %add3A_14 = arith.addi %mul3A_12, %add3A_13 : i32
    "tpu.region"() ({
      %run_scoped3A_313 = tpu.sem_alloc : memref<!tpu.dma_semaphore, #tpu.memory_space<semaphore_mem>>
      %dma_start3A_314 = arith.constant 0 : i32
      %dma_start3A_315 = tpu.memref_slice %arg5[%add3A_14, %dma_start3A_314] : memref<10240x128xf32, #tpu.memory_space<vmem_shared>> -> memref<16x128xf32, #tpu.memory_space<vmem_shared>>
      %dma_start3A_316 = arith.constant 0 : i32
      %dma_start3A_317 = tpu.memref_slice %arg5[%add3A_14, %dma_start3A_316] : memref<10240x128xf32, #tpu.memory_space<vmem_shared>> -> memref<16x128xf32, #tpu.memory_space<vmem_shared>>
      tpu.enqueue_dma source(%arg9 : memref<16x128xf32, #tpu.memory_space<vmem>>) target(%dma_start3A_317 : memref<16x128xf32, #tpu.memory_space<vmem_shared>>) target_semaphore(%run_scoped3A_313 : memref<!tpu.dma_semaphore, #tpu.memory_space<semaphore_mem>>)
      %dma_wait3A_318 = arith.constant 0 : i32
      %dma_wait3A_319 = tpu.memref_slice %arg5[%add3A_14, %dma_wait3A_318] : memref<10240x128xf32, #tpu.memory_space<vmem_shared>> -> memref<16x128xf32, #tpu.memory_space<vmem_shared>>
      %dma_wait3A_320 = arith.constant 0 : i32
      %dma_wait3A_321 = tpu.memref_slice %arg5[%add3A_14, %dma_wait3A_320] : memref<10240x128xf32, #tpu.memory_space<vmem_shared>> -> memref<16x128xf32, #tpu.memory_space<vmem_shared>>
      tpu.wait_dma2 semaphore(%run_scoped3A_313 : memref<!tpu.dma_semaphore, #tpu.memory_space<semaphore_mem>>) src(%arg9 : memref<16x128xf32, #tpu.memory_space<vmem>>) dst(%dma_wait3A_321 : memref<16x128xf32, #tpu.memory_space<vmem_shared>>)
      tpu.yield
    }) : () -> ()
    %mul3A_15 = arith.constant 640 : i32
    %mul3A_16 = arith.muli %arg1, %mul3A_15 : i32
    %add3A_17 = arith.constant 16 : i32
    %add3A_18 = arith.addi %mul3A_16, %add3A_17 : i32
    "tpu.region"() ({
      %run_scoped3A_313 = tpu.sem_alloc : memref<!tpu.dma_semaphore, #tpu.memory_space<semaphore_mem>>
      %dma_start3A_314 = arith.constant 0 : i32
      %dma_start3A_315 = tpu.memref_slice %arg5[%add3A_18, %dma_start3A_314] : memref<10240x128xf32, #tpu.memory_space<vmem_shared>> -> memref<16x128xf32, #tpu.memory_space<vmem_shared>>
      %dma_start3A_316 = arith.constant 0 : i32
      %dma_start3A_317 = tpu.memref_slice %arg5[%add3A_18, %dma_start3A_316] : memref<10240x128xf32, #tpu.memory_space<vmem_shared>> -> memref<16x128xf32, #tpu.memory_space<vmem_shared>>
      tpu.enqueue_dma source(%arg9 : memref<16x128xf32, #tpu.memory_space<vmem>>) target(%dma_start3A_317 : memref<16x128xf32, #tpu.memory_space<vmem_shared>>) target_semaphore(%run_scoped3A_313 : memref<!tpu.dma_semaphore, #tpu.memory_space<semaphore_mem>>)
      %dma_wait3A_318 = arith.constant 0 : i32
      %dma_wait3A_319 = tpu.memref_slice %arg5[%add3A_18, %dma_wait3A_318] : memref<10240x128xf32, #tpu.memory_space<vmem_shared>> -> memref<16x128xf32, #tpu.memory_space<vmem_shared>>
      %dma_wait3A_320 = arith.constant 0 : i32
      %dma_wait3A_321 = tpu.memref_slice %arg5[%add3A_18, %dma_wait3A_320] : memref<10240x128xf32, #tpu.memory_space<vmem_shared>> -> memref<16x128xf32, #tpu.memory_space<vmem_shared>>
      tpu.wait_dma2 semaphore(%run_scoped3A_313 : memref<!tpu.dma_semaphore, #tpu.memory_space<semaphore_mem>>) src(%arg9 : memref<16x128xf32, #tpu.memory_space<vmem>>) dst(%dma_wait3A_321 : memref<16x128xf32, #tpu.memory_space<vmem_shared>>)
      tpu.yield
    }) : () -> ()
    %mul3A_19 = arith.constant 640 : i32
    %mul3A_20 = arith.muli %arg1, %mul3A_19 : i32
    %add3A_21 = arith.constant 32 : i32
    %add3A_22 = arith.addi %mul3A_20, %add3A_21 : i32
    "tpu.region"() ({
      %run_scoped3A_313 = tpu.sem_alloc : memref<!tpu.dma_semaphore, #tpu.memory_space<semaphore_mem>>
      %dma_start3A_314 = arith.constant 0 : i32
      %dma_start3A_315 = tpu.memref_slice %arg5[%add3A_22, %dma_start3A_314] : memref<10240x128xf32, #tpu.memory_space<vmem_shared>> -> memref<16x128xf32, #tpu.memory_space<vmem_shared>>
      %dma_start3A_316 = arith.constant 0 : i32
      %dma_start3A_317 = tpu.memref_slice %arg5[%add3A_22, %dma_start3A_316] : memref<10240x128xf32, #tpu.memory_space<vmem_shared>> -> memref<16x128xf32, #tpu.memory_space<vmem_shared>>
      tpu.enqueue_dma source(%arg9 : memref<16x128xf32, #tpu.memory_space<vmem>>) target(%dma_start3A_317 : memref<16x128xf32, #tpu.memory_space<vmem_shared>>) target_semaphore(%run_scoped3A_313 : memref<!tpu.dma_semaphore, #tpu.memory_space<semaphore_mem>>)
      %dma_wait3A_318 = arith.constant 0 : i32
      %dma_wait3A_319 = tpu.memref_slice %arg5[%add3A_22, %dma_wait3A_318] : memref<10240x128xf32, #tpu.memory_space<vmem_shared>> -> memref<16x128xf32, #tpu.memory_space<vmem_shared>>
      %dma_wait3A_320 = arith.constant 0 : i32
      %dma_wait3A_321 = tpu.memref_slice %arg5[%add3A_22, %dma_wait3A_320] : memref<10240x128xf32, #tpu.memory_space<vmem_shared>> -> memref<16x128xf32, #tpu.memory_space<vmem_shared>>
      tpu.wait_dma2 semaphore(%run_scoped3A_313 : memref<!tpu.dma_semaphore, #tpu.memory_space<semaphore_mem>>) src(%arg9 : memref<16x128xf32, #tpu.memory_space<vmem>>) dst(%dma_wait3A_321 : memref<16x128xf32, #tpu.memory_space<vmem_shared>>)
      tpu.yield
    }) : () -> ()
    %mul3A_23 = arith.constant 640 : i32
    %mul3A_24 = arith.muli %arg1, %mul3A_23 : i32
    %add3A_25 = arith.constant 48 : i32
    %add3A_26 = arith.addi %mul3A_24, %add3A_25 : i32
    "tpu.region"() ({
      %run_scoped3A_313 = tpu.sem_alloc : memref<!tpu.dma_semaphore, #tpu.memory_space<semaphore_mem>>
      %dma_start3A_314 = arith.constant 0 : i32
      %dma_start3A_315 = tpu.memref_slice %arg5[%add3A_26, %dma_start3A_314] : memref<10240x128xf32, #tpu.memory_space<vmem_shared>> -> memref<16x128xf32, #tpu.memory_space<vmem_shared>>
      %dma_start3A_316 = arith.constant 0 : i32
      %dma_start3A_317 = tpu.memref_slice %arg5[%add3A_26, %dma_start3A_316] : memref<10240x128xf32, #tpu.memory_space<vmem_shared>> -> memref<16x128xf32, #tpu.memory_space<vmem_shared>>
      tpu.enqueue_dma source(%arg9 : memref<16x128xf32, #tpu.memory_space<vmem>>) target(%dma_start3A_317 : memref<16x128xf32, #tpu.memory_space<vmem_shared>>) target_semaphore(%run_scoped3A_313 : memref<!tpu.dma_semaphore, #tpu.memory_space<semaphore_mem>>)
      %dma_wait3A_318 = arith.constant 0 : i32
      %dma_wait3A_319 = tpu.memref_slice %arg5[%add3A_26, %dma_wait3A_318] : memref<10240x128xf32, #tpu.memory_space<vmem_shared>> -> memref<16x128xf32, #tpu.memory_space<vmem_shared>>
      %dma_wait3A_320 = arith.constant 0 : i32
      %dma_wait3A_321 = tpu.memref_slice %arg5[%add3A_26, %dma_wait3A_320] : memref<10240x128xf32, #tpu.memory_space<vmem_shared>> -> memref<16x128xf32, #tpu.memory_space<vmem_shared>>
      tpu.wait_dma2 semaphore(%run_scoped3A_313 : memref<!tpu.dma_semaphore, #tpu.memory_space<semaphore_mem>>) src(%arg9 : memref<16x128xf32, #tpu.memory_space<vmem>>) dst(%dma_wait3A_321 : memref<16x128xf32, #tpu.memory_space<vmem_shared>>)
      tpu.yield
    }) : () -> ()
    %mul3A_27 = arith.constant 640 : i32
    %mul3A_28 = arith.muli %arg1, %mul3A_27 : i32
    %add3A_29 = arith.constant 64 : i32
    %add3A_30 = arith.addi %mul3A_28, %add3A_29 : i32
    "tpu.region"() ({
      %run_scoped3A_313 = tpu.sem_alloc : memref<!tpu.dma_semaphore, #tpu.memory_space<semaphore_mem>>
      %dma_start3A_314 = arith.constant 0 : i32
      %dma_start3A_315 = tpu.memref_slice %arg5[%add3A_30, %dma_start3A_314] : memref<10240x128xf32, #tpu.memory_space<vmem_shared>> -> memref<16x128xf32, #tpu.memory_space<vmem_shared>>
      %dma_start3A_316 = arith.constant 0 : i32
      %dma_start3A_317 = tpu.memref_slice %arg5[%add3A_30, %dma_start3A_316] : memref<10240x128xf32, #tpu.memory_space<vmem_shared>> -> memref<16x128xf32, #tpu.memory_space<vmem_shared>>
      tpu.enqueue_dma source(%arg9 : memref<16x128xf32, #tpu.memory_space<vmem>>) target(%dma_start3A_317 : memref<16x128xf32, #tpu.memory_space<vmem_shared>>) target_semaphore(%run_scoped3A_313 : memref<!tpu.dma_semaphore, #tpu.memory_space<semaphore_mem>>)
      %dma_wait3A_318 = arith.constant 0 : i32
      %dma_wait3A_319 = tpu.memref_slice %arg5[%add3A_30, %dma_wait3A_318] : memref<10240x128xf32, #tpu.memory_space<vmem_shared>> -> memref<16x128xf32, #tpu.memory_space<vmem_shared>>
      %dma_wait3A_320 = arith.constant 0 : i32
      %dma_wait3A_321 = tpu.memref_slice %arg5[%add3A_30, %dma_wait3A_320] : memref<10240x128xf32, #tpu.memory_space<vmem_shared>> -> memref<16x128xf32, #tpu.memory_space<vmem_shared>>
      tpu.wait_dma2 semaphore(%run_scoped3A_313 : memref<!tpu.dma_semaphore, #tpu.memory_space<semaphore_mem>>) src(%arg9 : memref<16x128xf32, #tpu.memory_space<vmem>>) dst(%dma_wait3A_321 : memref<16x128xf32, #tpu.memory_space<vmem_shared>>)
      tpu.yield
    }) : () -> ()
    %mul3A_31 = arith.constant 640 : i32
    %mul3A_32 = arith.muli %arg1, %mul3A_31 : i32
    %add3A_33 = arith.constant 80 : i32
    %add3A_34 = arith.addi %mul3A_32, %add3A_33 : i32
    "tpu.region"() ({
      %run_scoped3A_313 = tpu.sem_alloc : memref<!tpu.dma_semaphore, #tpu.memory_space<semaphore_mem>>
      %dma_start3A_314 = arith.constant 0 : i32
      %dma_start3A_315 = tpu.memref_slice %arg5[%add3A_34, %dma_start3A_314] : memref<10240x128xf32, #tpu.memory_space<vmem_shared>> -> memref<16x128xf32, #tpu.memory_space<vmem_shared>>
      %dma_start3A_316 = arith.constant 0 : i32
      %dma_start3A_317 = tpu.memref_slice %arg5[%add3A_34, %dma_start3A_316] : memref<10240x128xf32, #tpu.memory_space<vmem_shared>> -> memref<16x128xf32, #tpu.memory_space<vmem_shared>>
      tpu.enqueue_dma source(%arg9 : memref<16x128xf32, #tpu.memory_space<vmem>>) target(%dma_start3A_317 : memref<16x128xf32, #tpu.memory_space<vmem_shared>>) target_semaphore(%run_scoped3A_313 : memref<!tpu.dma_semaphore, #tpu.memory_space<semaphore_mem>>)
      %dma_wait3A_318 = arith.constant 0 : i32
      %dma_wait3A_319 = tpu.memref_slice %arg5[%add3A_34, %dma_wait3A_318] : memref<10240x128xf32, #tpu.memory_space<vmem_shared>> -> memref<16x128xf32, #tpu.memory_space<vmem_shared>>
      %dma_wait3A_320 = arith.constant 0 : i32
      %dma_wait3A_321 = tpu.memref_slice %arg5[%add3A_34, %dma_wait3A_320] : memref<10240x128xf32, #tpu.memory_space<vmem_shared>> -> memref<16x128xf32, #tpu.memory_space<vmem_shared>>
      tpu.wait_dma2 semaphore(%run_scoped3A_313 : memref<!tpu.dma_semaphore, #tpu.memory_space<semaphore_mem>>) src(%arg9 : memref<16x128xf32, #tpu.memory_space<vmem>>) dst(%dma_wait3A_321 : memref<16x128xf32, #tpu.memory_space<vmem_shared>>)
      tpu.yield
    }) : () -> ()
    %mul3A_35 = arith.constant 640 : i32
    %mul3A_36 = arith.muli %arg1, %mul3A_35 : i32
    %add3A_37 = arith.constant 96 : i32
    %add3A_38 = arith.addi %mul3A_36, %add3A_37 : i32
    "tpu.region"() ({
      %run_scoped3A_313 = tpu.sem_alloc : memref<!tpu.dma_semaphore, #tpu.memory_space<semaphore_mem>>
      %dma_start3A_314 = arith.constant 0 : i32
      %dma_start3A_315 = tpu.memref_slice %arg5[%add3A_38, %dma_start3A_314] : memref<10240x128xf32, #tpu.memory_space<vmem_shared>> -> memref<16x128xf32, #tpu.memory_space<vmem_shared>>
      %dma_start3A_316 = arith.constant 0 : i32
      %dma_start3A_317 = tpu.memref_slice %arg5[%add3A_38, %dma_start3A_316] : memref<10240x128xf32, #tpu.memory_space<vmem_shared>> -> memref<16x128xf32, #tpu.memory_space<vmem_shared>>
      tpu.enqueue_dma source(%arg9 : memref<16x128xf32, #tpu.memory_space<vmem>>) target(%dma_start3A_317 : memref<16x128xf32, #tpu.memory_space<vmem_shared>>) target_semaphore(%run_scoped3A_313 : memref<!tpu.dma_semaphore, #tpu.memory_space<semaphore_mem>>)
      %dma_wait3A_318 = arith.constant 0 : i32
      %dma_wait3A_319 = tpu.memref_slice %arg5[%add3A_38, %dma_wait3A_318] : memref<10240x128xf32, #tpu.memory_space<vmem_shared>> -> memref<16x128xf32, #tpu.memory_space<vmem_shared>>
      %dma_wait3A_320 = arith.constant 0 : i32
      %dma_wait3A_321 = tpu.memref_slice %arg5[%add3A_38, %dma_wait3A_320] : memref<10240x128xf32, #tpu.memory_space<vmem_shared>> -> memref<16x128xf32, #tpu.memory_space<vmem_shared>>
      tpu.wait_dma2 semaphore(%run_scoped3A_313 : memref<!tpu.dma_semaphore, #tpu.memory_space<semaphore_mem>>) src(%arg9 : memref<16x128xf32, #tpu.memory_space<vmem>>) dst(%dma_wait3A_321 : memref<16x128xf32, #tpu.memory_space<vmem_shared>>)
      tpu.yield
    }) : () -> ()
    %mul3A_39 = arith.constant 640 : i32
    %mul3A_40 = arith.muli %arg1, %mul3A_39 : i32
    %add3A_41 = arith.constant 112 : i32
    %add3A_42 = arith.addi %mul3A_40, %add3A_41 : i32
    "tpu.region"() ({
      %run_scoped3A_313 = tpu.sem_alloc : memref<!tpu.dma_semaphore, #tpu.memory_space<semaphore_mem>>
      %dma_start3A_314 = arith.constant 0 : i32
      %dma_start3A_315 = tpu.memref_slice %arg5[%add3A_42, %dma_start3A_314] : memref<10240x128xf32, #tpu.memory_space<vmem_shared>> -> memref<16x128xf32, #tpu.memory_space<vmem_shared>>
      %dma_start3A_316 = arith.constant 0 : i32
      %dma_start3A_317 = tpu.memref_slice %arg5[%add3A_42, %dma_start3A_316] : memref<10240x128xf32, #tpu.memory_space<vmem_shared>> -> memref<16x128xf32, #tpu.memory_space<vmem_shared>>
      tpu.enqueue_dma source(%arg9 : memref<16x128xf32, #tpu.memory_space<vmem>>) target(%dma_start3A_317 : memref<16x128xf32, #tpu.memory_space<vmem_shared>>) target_semaphore(%run_scoped3A_313 : memref<!tpu.dma_semaphore, #tpu.memory_space<semaphore_mem>>)
      %dma_wait3A_318 = arith.constant 0 : i32
      %dma_wait3A_319 = tpu.memref_slice %arg5[%add3A_42, %dma_wait3A_318] : memref<10240x128xf32, #tpu.memory_space<vmem_shared>> -> memref<16x128xf32, #tpu.memory_space<vmem_shared>>
      %dma_wait3A_320 = arith.constant 0 : i32
      %dma_wait3A_321 = tpu.memref_slice %arg5[%add3A_42, %dma_wait3A_320] : memref<10240x128xf32, #tpu.memory_space<vmem_shared>> -> memref<16x128xf32, #tpu.memory_space<vmem_shared>>
      tpu.wait_dma2 semaphore(%run_scoped3A_313 : memref<!tpu.dma_semaphore, #tpu.memory_space<semaphore_mem>>) src(%arg9 : memref<16x128xf32, #tpu.memory_space<vmem>>) dst(%dma_wait3A_321 : memref<16x128xf32, #tpu.memory_space<vmem_shared>>)
      tpu.yield
    }) : () -> ()
    %mul3A_43 = arith.constant 640 : i32
    %mul3A_44 = arith.muli %arg1, %mul3A_43 : i32
    %add3A_45 = arith.constant 128 : i32
    %add3A_46 = arith.addi %mul3A_44, %add3A_45 : i32
    "tpu.region"() ({
      %run_scoped3A_313 = tpu.sem_alloc : memref<!tpu.dma_semaphore, #tpu.memory_space<semaphore_mem>>
      %dma_start3A_314 = arith.constant 0 : i32
      %dma_start3A_315 = tpu.memref_slice %arg5[%add3A_46, %dma_start3A_314] : memref<10240x128xf32, #tpu.memory_space<vmem_shared>> -> memref<16x128xf32, #tpu.memory_space<vmem_shared>>
      %dma_start3A_316 = arith.constant 0 : i32
      %dma_start3A_317 = tpu.memref_slice %arg5[%add3A_46, %dma_start3A_316] : memref<10240x128xf32, #tpu.memory_space<vmem_shared>> -> memref<16x128xf32, #tpu.memory_space<vmem_shared>>
      tpu.enqueue_dma source(%arg9 : memref<16x128xf32, #tpu.memory_space<vmem>>) target(%dma_start3A_317 : memref<16x128xf32, #tpu.memory_space<vmem_shared>>) target_semaphore(%run_scoped3A_313 : memref<!tpu.dma_semaphore, #tpu.memory_space<semaphore_mem>>)
      %dma_wait3A_318 = arith.constant 0 : i32
      %dma_wait3A_319 = tpu.memref_slice %arg5[%add3A_46, %dma_wait3A_318] : memref<10240x128xf32, #tpu.memory_space<vmem_shared>> -> memref<16x128xf32, #tpu.memory_space<vmem_shared>>
      %dma_wait3A_320 = arith.constant 0 : i32
      %dma_wait3A_321 = tpu.memref_slice %arg5[%add3A_46, %dma_wait3A_320] : memref<10240x128xf32, #tpu.memory_space<vmem_shared>> -> memref<16x128xf32, #tpu.memory_space<vmem_shared>>
      tpu.wait_dma2 semaphore(%run_scoped3A_313 : memref<!tpu.dma_semaphore, #tpu.memory_space<semaphore_mem>>) src(%arg9 : memref<16x128xf32, #tpu.memory_space<vmem>>) dst(%dma_wait3A_321 : memref<16x128xf32, #tpu.memory_space<vmem_shared>>)
      tpu.yield
    }) : () -> ()
    %mul3A_47 = arith.constant 640 : i32
    %mul3A_48 = arith.muli %arg1, %mul3A_47 : i32
    %add3A_49 = arith.constant 144 : i32
    %add3A_50 = arith.addi %mul3A_48, %add3A_49 : i32
    "tpu.region"() ({
      %run_scoped3A_313 = tpu.sem_alloc : memref<!tpu.dma_semaphore, #tpu.memory_space<semaphore_mem>>
      %dma_start3A_314 = arith.constant 0 : i32
      %dma_start3A_315 = tpu.memref_slice %arg5[%add3A_50, %dma_start3A_314] : memref<10240x128xf32, #tpu.memory_space<vmem_shared>> -> memref<16x128xf32, #tpu.memory_space<vmem_shared>>
      %dma_start3A_316 = arith.constant 0 : i32
      %dma_start3A_317 = tpu.memref_slice %arg5[%add3A_50, %dma_start3A_316] : memref<10240x128xf32, #tpu.memory_space<vmem_shared>> -> memref<16x128xf32, #tpu.memory_space<vmem_shared>>
      tpu.enqueue_dma source(%arg9 : memref<16x128xf32, #tpu.memory_space<vmem>>) target(%dma_start3A_317 : memref<16x128xf32, #tpu.memory_space<vmem_shared>>) target_semaphore(%run_scoped3A_313 : memref<!tpu.dma_semaphore, #tpu.memory_space<semaphore_mem>>)
      %dma_wait3A_318 = arith.constant 0 : i32
      %dma_wait3A_319 = tpu.memref_slice %arg5[%add3A_50, %dma_wait3A_318] : memref<10240x128xf32, #tpu.memory_space<vmem_shared>> -> memref<16x128xf32, #tpu.memory_space<vmem_shared>>
      %dma_wait3A_320 = arith.constant 0 : i32
      %dma_wait3A_321 = tpu.memref_slice %arg5[%add3A_50, %dma_wait3A_320] : memref<10240x128xf32, #tpu.memory_space<vmem_shared>> -> memref<16x128xf32, #tpu.memory_space<vmem_shared>>
      tpu.wait_dma2 semaphore(%run_scoped3A_313 : memref<!tpu.dma_semaphore, #tpu.memory_space<semaphore_mem>>) src(%arg9 : memref<16x128xf32, #tpu.memory_space<vmem>>) dst(%dma_wait3A_321 : memref<16x128xf32, #tpu.memory_space<vmem_shared>>)
      tpu.yield
    }) : () -> ()
    %mul3A_51 = arith.constant 640 : i32
    %mul3A_52 = arith.muli %arg1, %mul3A_51 : i32
    %add3A_53 = arith.constant 160 : i32
    %add3A_54 = arith.addi %mul3A_52, %add3A_53 : i32
    "tpu.region"() ({
      %run_scoped3A_313 = tpu.sem_alloc : memref<!tpu.dma_semaphore, #tpu.memory_space<semaphore_mem>>
      %dma_start3A_314 = arith.constant 0 : i32
      %dma_start3A_315 = tpu.memref_slice %arg5[%add3A_54, %dma_start3A_314] : memref<10240x128xf32, #tpu.memory_space<vmem_shared>> -> memref<16x128xf32, #tpu.memory_space<vmem_shared>>
      %dma_start3A_316 = arith.constant 0 : i32
      %dma_start3A_317 = tpu.memref_slice %arg5[%add3A_54, %dma_start3A_316] : memref<10240x128xf32, #tpu.memory_space<vmem_shared>> -> memref<16x128xf32, #tpu.memory_space<vmem_shared>>
      tpu.enqueue_dma source(%arg9 : memref<16x128xf32, #tpu.memory_space<vmem>>) target(%dma_start3A_317 : memref<16x128xf32, #tpu.memory_space<vmem_shared>>) target_semaphore(%run_scoped3A_313 : memref<!tpu.dma_semaphore, #tpu.memory_space<semaphore_mem>>)
      %dma_wait3A_318 = arith.constant 0 : i32
      %dma_wait3A_319 = tpu.memref_slice %arg5[%add3A_54, %dma_wait3A_318] : memref<10240x128xf32, #tpu.memory_space<vmem_shared>> -> memref<16x128xf32, #tpu.memory_space<vmem_shared>>
      %dma_wait3A_320 = arith.constant 0 : i32
      %dma_wait3A_321 = tpu.memref_slice %arg5[%add3A_54, %dma_wait3A_320] : memref<10240x128xf32, #tpu.memory_space<vmem_shared>> -> memref<16x128xf32, #tpu.memory_space<vmem_shared>>
      tpu.wait_dma2 semaphore(%run_scoped3A_313 : memref<!tpu.dma_semaphore, #tpu.memory_space<semaphore_mem>>) src(%arg9 : memref<16x128xf32, #tpu.memory_space<vmem>>) dst(%dma_wait3A_321 : memref<16x128xf32, #tpu.memory_space<vmem_shared>>)
      tpu.yield
    }) : () -> ()
    %mul3A_55 = arith.constant 640 : i32
    %mul3A_56 = arith.muli %arg1, %mul3A_55 : i32
    %add3A_57 = arith.constant 176 : i32
    %add3A_58 = arith.addi %mul3A_56, %add3A_57 : i32
    "tpu.region"() ({
      %run_scoped3A_313 = tpu.sem_alloc : memref<!tpu.dma_semaphore, #tpu.memory_space<semaphore_mem>>
      %dma_start3A_314 = arith.constant 0 : i32
      %dma_start3A_315 = tpu.memref_slice %arg5[%add3A_58, %dma_start3A_314] : memref<10240x128xf32, #tpu.memory_space<vmem_shared>> -> memref<16x128xf32, #tpu.memory_space<vmem_shared>>
      %dma_start3A_316 = arith.constant 0 : i32
      %dma_start3A_317 = tpu.memref_slice %arg5[%add3A_58, %dma_start3A_316] : memref<10240x128xf32, #tpu.memory_space<vmem_shared>> -> memref<16x128xf32, #tpu.memory_space<vmem_shared>>
      tpu.enqueue_dma source(%arg9 : memref<16x128xf32, #tpu.memory_space<vmem>>) target(%dma_start3A_317 : memref<16x128xf32, #tpu.memory_space<vmem_shared>>) target_semaphore(%run_scoped3A_313 : memref<!tpu.dma_semaphore, #tpu.memory_space<semaphore_mem>>)
      %dma_wait3A_318 = arith.constant 0 : i32
      %dma_wait3A_319 = tpu.memref_slice %arg5[%add3A_58, %dma_wait3A_318] : memref<10240x128xf32, #tpu.memory_space<vmem_shared>> -> memref<16x128xf32, #tpu.memory_space<vmem_shared>>
      %dma_wait3A_320 = arith.constant 0 : i32
      %dma_wait3A_321 = tpu.memref_slice %arg5[%add3A_58, %dma_wait3A_320] : memref<10240x128xf32, #tpu.memory_space<vmem_shared>> -> memref<16x128xf32, #tpu.memory_space<vmem_shared>>
      tpu.wait_dma2 semaphore(%run_scoped3A_313 : memref<!tpu.dma_semaphore, #tpu.memory_space<semaphore_mem>>) src(%arg9 : memref<16x128xf32, #tpu.memory_space<vmem>>) dst(%dma_wait3A_321 : memref<16x128xf32, #tpu.memory_space<vmem_shared>>)
      tpu.yield
    }) : () -> ()
    %mul3A_59 = arith.constant 640 : i32
    %mul3A_60 = arith.muli %arg1, %mul3A_59 : i32
    %add3A_61 = arith.constant 192 : i32
    %add3A_62 = arith.addi %mul3A_60, %add3A_61 : i32
    "tpu.region"() ({
      %run_scoped3A_313 = tpu.sem_alloc : memref<!tpu.dma_semaphore, #tpu.memory_space<semaphore_mem>>
      %dma_start3A_314 = arith.constant 0 : i32
      %dma_start3A_315 = tpu.memref_slice %arg5[%add3A_62, %dma_start3A_314] : memref<10240x128xf32, #tpu.memory_space<vmem_shared>> -> memref<16x128xf32, #tpu.memory_space<vmem_shared>>
      %dma_start3A_316 = arith.constant 0 : i32
      %dma_start3A_317 = tpu.memref_slice %arg5[%add3A_62, %dma_start3A_316] : memref<10240x128xf32, #tpu.memory_space<vmem_shared>> -> memref<16x128xf32, #tpu.memory_space<vmem_shared>>
      tpu.enqueue_dma source(%arg9 : memref<16x128xf32, #tpu.memory_space<vmem>>) target(%dma_start3A_317 : memref<16x128xf32, #tpu.memory_space<vmem_shared>>) target_semaphore(%run_scoped3A_313 : memref<!tpu.dma_semaphore, #tpu.memory_space<semaphore_mem>>)
      %dma_wait3A_318 = arith.constant 0 : i32
      %dma_wait3A_319 = tpu.memref_slice %arg5[%add3A_62, %dma_wait3A_318] : memref<10240x128xf32, #tpu.memory_space<vmem_shared>> -> memref<16x128xf32, #tpu.memory_space<vmem_shared>>
      %dma_wait3A_320 = arith.constant 0 : i32
      %dma_wait3A_321 = tpu.memref_slice %arg5[%add3A_62, %dma_wait3A_320] : memref<10240x128xf32, #tpu.memory_space<vmem_shared>> -> memref<16x128xf32, #tpu.memory_space<vmem_shared>>
      tpu.wait_dma2 semaphore(%run_scoped3A_313 : memref<!tpu.dma_semaphore, #tpu.memory_space<semaphore_mem>>) src(%arg9 : memref<16x128xf32, #tpu.memory_space<vmem>>) dst(%dma_wait3A_321 : memref<16x128xf32, #tpu.memory_space<vmem_shared>>)
      tpu.yield
    }) : () -> ()
    %mul3A_63 = arith.constant 640 : i32
    %mul3A_64 = arith.muli %arg1, %mul3A_63 : i32
    %add3A_65 = arith.constant 208 : i32
    %add3A_66 = arith.addi %mul3A_64, %add3A_65 : i32
    "tpu.region"() ({
      %run_scoped3A_313 = tpu.sem_alloc : memref<!tpu.dma_semaphore, #tpu.memory_space<semaphore_mem>>
      %dma_start3A_314 = arith.constant 0 : i32
      %dma_start3A_315 = tpu.memref_slice %arg5[%add3A_66, %dma_start3A_314] : memref<10240x128xf32, #tpu.memory_space<vmem_shared>> -> memref<16x128xf32, #tpu.memory_space<vmem_shared>>
      %dma_start3A_316 = arith.constant 0 : i32
      %dma_start3A_317 = tpu.memref_slice %arg5[%add3A_66, %dma_start3A_316] : memref<10240x128xf32, #tpu.memory_space<vmem_shared>> -> memref<16x128xf32, #tpu.memory_space<vmem_shared>>
      tpu.enqueue_dma source(%arg9 : memref<16x128xf32, #tpu.memory_space<vmem>>) target(%dma_start3A_317 : memref<16x128xf32, #tpu.memory_space<vmem_shared>>) target_semaphore(%run_scoped3A_313 : memref<!tpu.dma_semaphore, #tpu.memory_space<semaphore_mem>>)
      %dma_wait3A_318 = arith.constant 0 : i32
      %dma_wait3A_319 = tpu.memref_slice %arg5[%add3A_66, %dma_wait3A_318] : memref<10240x128xf32, #tpu.memory_space<vmem_shared>> -> memref<16x128xf32, #tpu.memory_space<vmem_shared>>
      %dma_wait3A_320 = arith.constant 0 : i32
      %dma_wait3A_321 = tpu.memref_slice %arg5[%add3A_66, %dma_wait3A_320] : memref<10240x128xf32, #tpu.memory_space<vmem_shared>> -> memref<16x128xf32, #tpu.memory_space<vmem_shared>>
      tpu.wait_dma2 semaphore(%run_scoped3A_313 : memref<!tpu.dma_semaphore, #tpu.memory_space<semaphore_mem>>) src(%arg9 : memref<16x128xf32, #tpu.memory_space<vmem>>) dst(%dma_wait3A_321 : memref<16x128xf32, #tpu.memory_space<vmem_shared>>)
      tpu.yield
    }) : () -> ()
    %mul3A_67 = arith.constant 640 : i32
    %mul3A_68 = arith.muli %arg1, %mul3A_67 : i32
    %add3A_69 = arith.constant 224 : i32
    %add3A_70 = arith.addi %mul3A_68, %add3A_69 : i32
    "tpu.region"() ({
      %run_scoped3A_313 = tpu.sem_alloc : memref<!tpu.dma_semaphore, #tpu.memory_space<semaphore_mem>>
      %dma_start3A_314 = arith.constant 0 : i32
      %dma_start3A_315 = tpu.memref_slice %arg5[%add3A_70, %dma_start3A_314] : memref<10240x128xf32, #tpu.memory_space<vmem_shared>> -> memref<16x128xf32, #tpu.memory_space<vmem_shared>>
      %dma_start3A_316 = arith.constant 0 : i32
      %dma_start3A_317 = tpu.memref_slice %arg5[%add3A_70, %dma_start3A_316] : memref<10240x128xf32, #tpu.memory_space<vmem_shared>> -> memref<16x128xf32, #tpu.memory_space<vmem_shared>>
      tpu.enqueue_dma source(%arg9 : memref<16x128xf32, #tpu.memory_space<vmem>>) target(%dma_start3A_317 : memref<16x128xf32, #tpu.memory_space<vmem_shared>>) target_semaphore(%run_scoped3A_313 : memref<!tpu.dma_semaphore, #tpu.memory_space<semaphore_mem>>)
      %dma_wait3A_318 = arith.constant 0 : i32
      %dma_wait3A_319 = tpu.memref_slice %arg5[%add3A_70, %dma_wait3A_318] : memref<10240x128xf32, #tpu.memory_space<vmem_shared>> -> memref<16x128xf32, #tpu.memory_space<vmem_shared>>
      %dma_wait3A_320 = arith.constant 0 : i32
      %dma_wait3A_321 = tpu.memref_slice %arg5[%add3A_70, %dma_wait3A_320] : memref<10240x128xf32, #tpu.memory_space<vmem_shared>> -> memref<16x128xf32, #tpu.memory_space<vmem_shared>>
      tpu.wait_dma2 semaphore(%run_scoped3A_313 : memref<!tpu.dma_semaphore, #tpu.memory_space<semaphore_mem>>) src(%arg9 : memref<16x128xf32, #tpu.memory_space<vmem>>) dst(%dma_wait3A_321 : memref<16x128xf32, #tpu.memory_space<vmem_shared>>)
      tpu.yield
    }) : () -> ()
    %mul3A_71 = arith.constant 640 : i32
    %mul3A_72 = arith.muli %arg1, %mul3A_71 : i32
    %add3A_73 = arith.constant 240 : i32
    %add3A_74 = arith.addi %mul3A_72, %add3A_73 : i32
    "tpu.region"() ({
      %run_scoped3A_313 = tpu.sem_alloc : memref<!tpu.dma_semaphore, #tpu.memory_space<semaphore_mem>>
      %dma_start3A_314 = arith.constant 0 : i32
      %dma_start3A_315 = tpu.memref_slice %arg5[%add3A_74, %dma_start3A_314] : memref<10240x128xf32, #tpu.memory_space<vmem_shared>> -> memref<16x128xf32, #tpu.memory_space<vmem_shared>>
      %dma_start3A_316 = arith.constant 0 : i32
      %dma_start3A_317 = tpu.memref_slice %arg5[%add3A_74, %dma_start3A_316] : memref<10240x128xf32, #tpu.memory_space<vmem_shared>> -> memref<16x128xf32, #tpu.memory_space<vmem_shared>>
      tpu.enqueue_dma source(%arg9 : memref<16x128xf32, #tpu.memory_space<vmem>>) target(%dma_start3A_317 : memref<16x128xf32, #tpu.memory_space<vmem_shared>>) target_semaphore(%run_scoped3A_313 : memref<!tpu.dma_semaphore, #tpu.memory_space<semaphore_mem>>)
      %dma_wait3A_318 = arith.constant 0 : i32
      %dma_wait3A_319 = tpu.memref_slice %arg5[%add3A_74, %dma_wait3A_318] : memref<10240x128xf32, #tpu.memory_space<vmem_shared>> -> memref<16x128xf32, #tpu.memory_space<vmem_shared>>
      %dma_wait3A_320 = arith.constant 0 : i32
      %dma_wait3A_321 = tpu.memref_slice %arg5[%add3A_74, %dma_wait3A_320] : memref<10240x128xf32, #tpu.memory_space<vmem_shared>> -> memref<16x128xf32, #tpu.memory_space<vmem_shared>>
      tpu.wait_dma2 semaphore(%run_scoped3A_313 : memref<!tpu.dma_semaphore, #tpu.memory_space<semaphore_mem>>) src(%arg9 : memref<16x128xf32, #tpu.memory_space<vmem>>) dst(%dma_wait3A_321 : memref<16x128xf32, #tpu.memory_space<vmem_shared>>)
      tpu.yield
    }) : () -> ()
    %mul3A_75 = arith.constant 640 : i32
    %mul3A_76 = arith.muli %arg1, %mul3A_75 : i32
    %add3A_77 = arith.constant 256 : i32
    %add3A_78 = arith.addi %mul3A_76, %add3A_77 : i32
    "tpu.region"() ({
      %run_scoped3A_313 = tpu.sem_alloc : memref<!tpu.dma_semaphore, #tpu.memory_space<semaphore_mem>>
      %dma_start3A_314 = arith.constant 0 : i32
      %dma_start3A_315 = tpu.memref_slice %arg5[%add3A_78, %dma_start3A_314] : memref<10240x128xf32, #tpu.memory_space<vmem_shared>> -> memref<16x128xf32, #tpu.memory_space<vmem_shared>>
      %dma_start3A_316 = arith.constant 0 : i32
      %dma_start3A_317 = tpu.memref_slice %arg5[%add3A_78, %dma_start3A_316] : memref<10240x128xf32, #tpu.memory_space<vmem_shared>> -> memref<16x128xf32, #tpu.memory_space<vmem_shared>>
      tpu.enqueue_dma source(%arg9 : memref<16x128xf32, #tpu.memory_space<vmem>>) target(%dma_start3A_317 : memref<16x128xf32, #tpu.memory_space<vmem_shared>>) target_semaphore(%run_scoped3A_313 : memref<!tpu.dma_semaphore, #tpu.memory_space<semaphore_mem>>)
      %dma_wait3A_318 = arith.constant 0 : i32
      %dma_wait3A_319 = tpu.memref_slice %arg5[%add3A_78, %dma_wait3A_318] : memref<10240x128xf32, #tpu.memory_space<vmem_shared>> -> memref<16x128xf32, #tpu.memory_space<vmem_shared>>
      %dma_wait3A_320 = arith.constant 0 : i32
      %dma_wait3A_321 = tpu.memref_slice %arg5[%add3A_78, %dma_wait3A_320] : memref<10240x128xf32, #tpu.memory_space<vmem_shared>> -> memref<16x128xf32, #tpu.memory_space<vmem_shared>>
      tpu.wait_dma2 semaphore(%run_scoped3A_313 : memref<!tpu.dma_semaphore, #tpu.memory_space<semaphore_mem>>) src(%arg9 : memref<16x128xf32, #tpu.memory_space<vmem>>) dst(%dma_wait3A_321 : memref<16x128xf32, #tpu.memory_space<vmem_shared>>)
      tpu.yield
    }) : () -> ()
    %mul3A_79 = arith.constant 640 : i32
    %mul3A_80 = arith.muli %arg1, %mul3A_79 : i32
    %add3A_81 = arith.constant 272 : i32
    %add3A_82 = arith.addi %mul3A_80, %add3A_81 : i32
    "tpu.region"() ({
      %run_scoped3A_313 = tpu.sem_alloc : memref<!tpu.dma_semaphore, #tpu.memory_space<semaphore_mem>>
      %dma_start3A_314 = arith.constant 0 : i32
      %dma_start3A_315 = tpu.memref_slice %arg5[%add3A_82, %dma_start3A_314] : memref<10240x128xf32, #tpu.memory_space<vmem_shared>> -> memref<16x128xf32, #tpu.memory_space<vmem_shared>>
      %dma_start3A_316 = arith.constant 0 : i32
      %dma_start3A_317 = tpu.memref_slice %arg5[%add3A_82, %dma_start3A_316] : memref<10240x128xf32, #tpu.memory_space<vmem_shared>> -> memref<16x128xf32, #tpu.memory_space<vmem_shared>>
      tpu.enqueue_dma source(%arg9 : memref<16x128xf32, #tpu.memory_space<vmem>>) target(%dma_start3A_317 : memref<16x128xf32, #tpu.memory_space<vmem_shared>>) target_semaphore(%run_scoped3A_313 : memref<!tpu.dma_semaphore, #tpu.memory_space<semaphore_mem>>)
      %dma_wait3A_318 = arith.constant 0 : i32
      %dma_wait3A_319 = tpu.memref_slice %arg5[%add3A_82, %dma_wait3A_318] : memref<10240x128xf32, #tpu.memory_space<vmem_shared>> -> memref<16x128xf32, #tpu.memory_space<vmem_shared>>
      %dma_wait3A_320 = arith.constant 0 : i32
      %dma_wait3A_321 = tpu.memref_slice %arg5[%add3A_82, %dma_wait3A_320] : memref<10240x128xf32, #tpu.memory_space<vmem_shared>> -> memref<16x128xf32, #tpu.memory_space<vmem_shared>>
      tpu.wait_dma2 semaphore(%run_scoped3A_313 : memref<!tpu.dma_semaphore, #tpu.memory_space<semaphore_mem>>) src(%arg9 : memref<16x128xf32, #tpu.memory_space<vmem>>) dst(%dma_wait3A_321 : memref<16x128xf32, #tpu.memory_space<vmem_shared>>)
      tpu.yield
    }) : () -> ()
    %mul3A_83 = arith.constant 640 : i32
    %mul3A_84 = arith.muli %arg1, %mul3A_83 : i32
    %add3A_85 = arith.constant 288 : i32
    %add3A_86 = arith.addi %mul3A_84, %add3A_85 : i32
    "tpu.region"() ({
      %run_scoped3A_313 = tpu.sem_alloc : memref<!tpu.dma_semaphore, #tpu.memory_space<semaphore_mem>>
      %dma_start3A_314 = arith.constant 0 : i32
      %dma_start3A_315 = tpu.memref_slice %arg5[%add3A_86, %dma_start3A_314] : memref<10240x128xf32, #tpu.memory_space<vmem_shared>> -> memref<16x128xf32, #tpu.memory_space<vmem_shared>>
      %dma_start3A_316 = arith.constant 0 : i32
      %dma_start3A_317 = tpu.memref_slice %arg5[%add3A_86, %dma_start3A_316] : memref<10240x128xf32, #tpu.memory_space<vmem_shared>> -> memref<16x128xf32, #tpu.memory_space<vmem_shared>>
      tpu.enqueue_dma source(%arg9 : memref<16x128xf32, #tpu.memory_space<vmem>>) target(%dma_start3A_317 : memref<16x128xf32, #tpu.memory_space<vmem_shared>>) target_semaphore(%run_scoped3A_313 : memref<!tpu.dma_semaphore, #tpu.memory_space<semaphore_mem>>)
      %dma_wait3A_318 = arith.constant 0 : i32
      %dma_wait3A_319 = tpu.memref_slice %arg5[%add3A_86, %dma_wait3A_318] : memref<10240x128xf32, #tpu.memory_space<vmem_shared>> -> memref<16x128xf32, #tpu.memory_space<vmem_shared>>
      %dma_wait3A_320 = arith.constant 0 : i32
      %dma_wait3A_321 = tpu.memref_slice %arg5[%add3A_86, %dma_wait3A_320] : memref<10240x128xf32, #tpu.memory_space<vmem_shared>> -> memref<16x128xf32, #tpu.memory_space<vmem_shared>>
      tpu.wait_dma2 semaphore(%run_scoped3A_313 : memref<!tpu.dma_semaphore, #tpu.memory_space<semaphore_mem>>) src(%arg9 : memref<16x128xf32, #tpu.memory_space<vmem>>) dst(%dma_wait3A_321 : memref<16x128xf32, #tpu.memory_space<vmem_shared>>)
      tpu.yield
    }) : () -> ()
    %mul3A_87 = arith.constant 640 : i32
    %mul3A_88 = arith.muli %arg1, %mul3A_87 : i32
    %add3A_89 = arith.constant 304 : i32
    %add3A_90 = arith.addi %mul3A_88, %add3A_89 : i32
    "tpu.region"() ({
      %run_scoped3A_313 = tpu.sem_alloc : memref<!tpu.dma_semaphore, #tpu.memory_space<semaphore_mem>>
      %dma_start3A_314 = arith.constant 0 : i32
      %dma_start3A_315 = tpu.memref_slice %arg5[%add3A_90, %dma_start3A_314] : memref<10240x128xf32, #tpu.memory_space<vmem_shared>> -> memref<16x128xf32, #tpu.memory_space<vmem_shared>>
      %dma_start3A_316 = arith.constant 0 : i32
      %dma_start3A_317 = tpu.memref_slice %arg5[%add3A_90, %dma_start3A_316] : memref<10240x128xf32, #tpu.memory_space<vmem_shared>> -> memref<16x128xf32, #tpu.memory_space<vmem_shared>>
      tpu.enqueue_dma source(%arg9 : memref<16x128xf32, #tpu.memory_space<vmem>>) target(%dma_start3A_317 : memref<16x128xf32, #tpu.memory_space<vmem_shared>>) target_semaphore(%run_scoped3A_313 : memref<!tpu.dma_semaphore, #tpu.memory_space<semaphore_mem>>)
      %dma_wait3A_318 = arith.constant 0 : i32
      %dma_wait3A_319 = tpu.memref_slice %arg5[%add3A_90, %dma_wait3A_318] : memref<10240x128xf32, #tpu.memory_space<vmem_shared>> -> memref<16x128xf32, #tpu.memory_space<vmem_shared>>
      %dma_wait3A_320 = arith.constant 0 : i32
      %dma_wait3A_321 = tpu.memref_slice %arg5[%add3A_90, %dma_wait3A_320] : memref<10240x128xf32, #tpu.memory_space<vmem_shared>> -> memref<16x128xf32, #tpu.memory_space<vmem_shared>>
      tpu.wait_dma2 semaphore(%run_scoped3A_313 : memref<!tpu.dma_semaphore, #tpu.memory_space<semaphore_mem>>) src(%arg9 : memref<16x128xf32, #tpu.memory_space<vmem>>) dst(%dma_wait3A_321 : memref<16x128xf32, #tpu.memory_space<vmem_shared>>)
      tpu.yield
    }) : () -> ()
    %mul3A_91 = arith.constant 640 : i32
    %mul3A_92 = arith.muli %arg1, %mul3A_91 : i32
    %add3A_93 = arith.constant 320 : i32
    %add3A_94 = arith.addi %mul3A_92, %add3A_93 : i32
    "tpu.region"() ({
      %run_scoped3A_313 = tpu.sem_alloc : memref<!tpu.dma_semaphore, #tpu.memory_space<semaphore_mem>>
      %dma_start3A_314 = arith.constant 0 : i32
      %dma_start3A_315 = tpu.memref_slice %arg5[%add3A_94, %dma_start3A_314] : memref<10240x128xf32, #tpu.memory_space<vmem_shared>> -> memref<16x128xf32, #tpu.memory_space<vmem_shared>>
      %dma_start3A_316 = arith.constant 0 : i32
      %dma_start3A_317 = tpu.memref_slice %arg5[%add3A_94, %dma_start3A_316] : memref<10240x128xf32, #tpu.memory_space<vmem_shared>> -> memref<16x128xf32, #tpu.memory_space<vmem_shared>>
      tpu.enqueue_dma source(%arg9 : memref<16x128xf32, #tpu.memory_space<vmem>>) target(%dma_start3A_317 : memref<16x128xf32, #tpu.memory_space<vmem_shared>>) target_semaphore(%run_scoped3A_313 : memref<!tpu.dma_semaphore, #tpu.memory_space<semaphore_mem>>)
      %dma_wait3A_318 = arith.constant 0 : i32
      %dma_wait3A_319 = tpu.memref_slice %arg5[%add3A_94, %dma_wait3A_318] : memref<10240x128xf32, #tpu.memory_space<vmem_shared>> -> memref<16x128xf32, #tpu.memory_space<vmem_shared>>
      %dma_wait3A_320 = arith.constant 0 : i32
      %dma_wait3A_321 = tpu.memref_slice %arg5[%add3A_94, %dma_wait3A_320] : memref<10240x128xf32, #tpu.memory_space<vmem_shared>> -> memref<16x128xf32, #tpu.memory_space<vmem_shared>>
      tpu.wait_dma2 semaphore(%run_scoped3A_313 : memref<!tpu.dma_semaphore, #tpu.memory_space<semaphore_mem>>) src(%arg9 : memref<16x128xf32, #tpu.memory_space<vmem>>) dst(%dma_wait3A_321 : memref<16x128xf32, #tpu.memory_space<vmem_shared>>)
      tpu.yield
    }) : () -> ()
    %mul3A_95 = arith.constant 640 : i32
    %mul3A_96 = arith.muli %arg1, %mul3A_95 : i32
    %add3A_97 = arith.constant 336 : i32
    %add3A_98 = arith.addi %mul3A_96, %add3A_97 : i32
    "tpu.region"() ({
      %run_scoped3A_313 = tpu.sem_alloc : memref<!tpu.dma_semaphore, #tpu.memory_space<semaphore_mem>>
      %dma_start3A_314 = arith.constant 0 : i32
      %dma_start3A_315 = tpu.memref_slice %arg5[%add3A_98, %dma_start3A_314] : memref<10240x128xf32, #tpu.memory_space<vmem_shared>> -> memref<16x128xf32, #tpu.memory_space<vmem_shared>>
      %dma_start3A_316 = arith.constant 0 : i32
      %dma_start3A_317 = tpu.memref_slice %arg5[%add3A_98, %dma_start3A_316] : memref<10240x128xf32, #tpu.memory_space<vmem_shared>> -> memref<16x128xf32, #tpu.memory_space<vmem_shared>>
      tpu.enqueue_dma source(%arg9 : memref<16x128xf32, #tpu.memory_space<vmem>>) target(%dma_start3A_317 : memref<16x128xf32, #tpu.memory_space<vmem_shared>>) target_semaphore(%run_scoped3A_313 : memref<!tpu.dma_semaphore, #tpu.memory_space<semaphore_mem>>)
      %dma_wait3A_318 = arith.constant 0 : i32
      %dma_wait3A_319 = tpu.memref_slice %arg5[%add3A_98, %dma_wait3A_318] : memref<10240x128xf32, #tpu.memory_space<vmem_shared>> -> memref<16x128xf32, #tpu.memory_space<vmem_shared>>
      %dma_wait3A_320 = arith.constant 0 : i32
      %dma_wait3A_321 = tpu.memref_slice %arg5[%add3A_98, %dma_wait3A_320] : memref<10240x128xf32, #tpu.memory_space<vmem_shared>> -> memref<16x128xf32, #tpu.memory_space<vmem_shared>>
      tpu.wait_dma2 semaphore(%run_scoped3A_313 : memref<!tpu.dma_semaphore, #tpu.memory_space<semaphore_mem>>) src(%arg9 : memref<16x128xf32, #tpu.memory_space<vmem>>) dst(%dma_wait3A_321 : memref<16x128xf32, #tpu.memory_space<vmem_shared>>)
      tpu.yield
    }) : () -> ()
    %mul3A_99 = arith.constant 640 : i32
    %mul3A_100 = arith.muli %arg1, %mul3A_99 : i32
    %add3A_101 = arith.constant 352 : i32
    %add3A_102 = arith.addi %mul3A_100, %add3A_101 : i32
    "tpu.region"() ({
      %run_scoped3A_313 = tpu.sem_alloc : memref<!tpu.dma_semaphore, #tpu.memory_space<semaphore_mem>>
      %dma_start3A_314 = arith.constant 0 : i32
      %dma_start3A_315 = tpu.memref_slice %arg5[%add3A_102, %dma_start3A_314] : memref<10240x128xf32, #tpu.memory_space<vmem_shared>> -> memref<16x128xf32, #tpu.memory_space<vmem_shared>>
      %dma_start3A_316 = arith.constant 0 : i32
      %dma_start3A_317 = tpu.memref_slice %arg5[%add3A_102, %dma_start3A_316] : memref<10240x128xf32, #tpu.memory_space<vmem_shared>> -> memref<16x128xf32, #tpu.memory_space<vmem_shared>>
      tpu.enqueue_dma source(%arg9 : memref<16x128xf32, #tpu.memory_space<vmem>>) target(%dma_start3A_317 : memref<16x128xf32, #tpu.memory_space<vmem_shared>>) target_semaphore(%run_scoped3A_313 : memref<!tpu.dma_semaphore, #tpu.memory_space<semaphore_mem>>)
      %dma_wait3A_318 = arith.constant 0 : i32
      %dma_wait3A_319 = tpu.memref_slice %arg5[%add3A_102, %dma_wait3A_318] : memref<10240x128xf32, #tpu.memory_space<vmem_shared>> -> memref<16x128xf32, #tpu.memory_space<vmem_shared>>
      %dma_wait3A_320 = arith.constant 0 : i32
      %dma_wait3A_321 = tpu.memref_slice %arg5[%add3A_102, %dma_wait3A_320] : memref<10240x128xf32, #tpu.memory_space<vmem_shared>> -> memref<16x128xf32, #tpu.memory_space<vmem_shared>>
      tpu.wait_dma2 semaphore(%run_scoped3A_313 : memref<!tpu.dma_semaphore, #tpu.memory_space<semaphore_mem>>) src(%arg9 : memref<16x128xf32, #tpu.memory_space<vmem>>) dst(%dma_wait3A_321 : memref<16x128xf32, #tpu.memory_space<vmem_shared>>)
      tpu.yield
    }) : () -> ()
    %mul3A_103 = arith.constant 640 : i32
    %mul3A_104 = arith.muli %arg1, %mul3A_103 : i32
    %add3A_105 = arith.constant 368 : i32
    %add3A_106 = arith.addi %mul3A_104, %add3A_105 : i32
    "tpu.region"() ({
      %run_scoped3A_313 = tpu.sem_alloc : memref<!tpu.dma_semaphore, #tpu.memory_space<semaphore_mem>>
      %dma_start3A_314 = arith.constant 0 : i32
      %dma_start3A_315 = tpu.memref_slice %arg5[%add3A_106, %dma_start3A_314] : memref<10240x128xf32, #tpu.memory_space<vmem_shared>> -> memref<16x128xf32, #tpu.memory_space<vmem_shared>>
      %dma_start3A_316 = arith.constant 0 : i32
      %dma_start3A_317 = tpu.memref_slice %arg5[%add3A_106, %dma_start3A_316] : memref<10240x128xf32, #tpu.memory_space<vmem_shared>> -> memref<16x128xf32, #tpu.memory_space<vmem_shared>>
      tpu.enqueue_dma source(%arg9 : memref<16x128xf32, #tpu.memory_space<vmem>>) target(%dma_start3A_317 : memref<16x128xf32, #tpu.memory_space<vmem_shared>>) target_semaphore(%run_scoped3A_313 : memref<!tpu.dma_semaphore, #tpu.memory_space<semaphore_mem>>)
      %dma_wait3A_318 = arith.constant 0 : i32
      %dma_wait3A_319 = tpu.memref_slice %arg5[%add3A_106, %dma_wait3A_318] : memref<10240x128xf32, #tpu.memory_space<vmem_shared>> -> memref<16x128xf32, #tpu.memory_space<vmem_shared>>
      %dma_wait3A_320 = arith.constant 0 : i32
      %dma_wait3A_321 = tpu.memref_slice %arg5[%add3A_106, %dma_wait3A_320] : memref<10240x128xf32, #tpu.memory_space<vmem_shared>> -> memref<16x128xf32, #tpu.memory_space<vmem_shared>>
      tpu.wait_dma2 semaphore(%run_scoped3A_313 : memref<!tpu.dma_semaphore, #tpu.memory_space<semaphore_mem>>) src(%arg9 : memref<16x128xf32, #tpu.memory_space<vmem>>) dst(%dma_wait3A_321 : memref<16x128xf32, #tpu.memory_space<vmem_shared>>)
      tpu.yield
    }) : () -> ()
    %mul3A_107 = arith.constant 640 : i32
    %mul3A_108 = arith.muli %arg1, %mul3A_107 : i32
    %add3A_109 = arith.constant 384 : i32
    %add3A_110 = arith.addi %mul3A_108, %add3A_109 : i32
    "tpu.region"() ({
      %run_scoped3A_313 = tpu.sem_alloc : memref<!tpu.dma_semaphore, #tpu.memory_space<semaphore_mem>>
      %dma_start3A_314 = arith.constant 0 : i32
      %dma_start3A_315 = tpu.memref_slice %arg5[%add3A_110, %dma_start3A_314] : memref<10240x128xf32, #tpu.memory_space<vmem_shared>> -> memref<16x128xf32, #tpu.memory_space<vmem_shared>>
      %dma_start3A_316 = arith.constant 0 : i32
      %dma_start3A_317 = tpu.memref_slice %arg5[%add3A_110, %dma_start3A_316] : memref<10240x128xf32, #tpu.memory_space<vmem_shared>> -> memref<16x128xf32, #tpu.memory_space<vmem_shared>>
      tpu.enqueue_dma source(%arg9 : memref<16x128xf32, #tpu.memory_space<vmem>>) target(%dma_start3A_317 : memref<16x128xf32, #tpu.memory_space<vmem_shared>>) target_semaphore(%run_scoped3A_313 : memref<!tpu.dma_semaphore, #tpu.memory_space<semaphore_mem>>)
      %dma_wait3A_318 = arith.constant 0 : i32
      %dma_wait3A_319 = tpu.memref_slice %arg5[%add3A_110, %dma_wait3A_318] : memref<10240x128xf32, #tpu.memory_space<vmem_shared>> -> memref<16x128xf32, #tpu.memory_space<vmem_shared>>
      %dma_wait3A_320 = arith.constant 0 : i32
      %dma_wait3A_321 = tpu.memref_slice %arg5[%add3A_110, %dma_wait3A_320] : memref<10240x128xf32, #tpu.memory_space<vmem_shared>> -> memref<16x128xf32, #tpu.memory_space<vmem_shared>>
      tpu.wait_dma2 semaphore(%run_scoped3A_313 : memref<!tpu.dma_semaphore, #tpu.memory_space<semaphore_mem>>) src(%arg9 : memref<16x128xf32, #tpu.memory_space<vmem>>) dst(%dma_wait3A_321 : memref<16x128xf32, #tpu.memory_space<vmem_shared>>)
      tpu.yield
    }) : () -> ()
    %mul3A_111 = arith.constant 640 : i32
    %mul3A_112 = arith.muli %arg1, %mul3A_111 : i32
    %add3A_113 = arith.constant 400 : i32
    %add3A_114 = arith.addi %mul3A_112, %add3A_113 : i32
    "tpu.region"() ({
      %run_scoped3A_313 = tpu.sem_alloc : memref<!tpu.dma_semaphore, #tpu.memory_space<semaphore_mem>>
      %dma_start3A_314 = arith.constant 0 : i32
      %dma_start3A_315 = tpu.memref_slice %arg5[%add3A_114, %dma_start3A_314] : memref<10240x128xf32, #tpu.memory_space<vmem_shared>> -> memref<16x128xf32, #tpu.memory_space<vmem_shared>>
      %dma_start3A_316 = arith.constant 0 : i32
      %dma_start3A_317 = tpu.memref_slice %arg5[%add3A_114, %dma_start3A_316] : memref<10240x128xf32, #tpu.memory_space<vmem_shared>> -> memref<16x128xf32, #tpu.memory_space<vmem_shared>>
      tpu.enqueue_dma source(%arg9 : memref<16x128xf32, #tpu.memory_space<vmem>>) target(%dma_start3A_317 : memref<16x128xf32, #tpu.memory_space<vmem_shared>>) target_semaphore(%run_scoped3A_313 : memref<!tpu.dma_semaphore, #tpu.memory_space<semaphore_mem>>)
      %dma_wait3A_318 = arith.constant 0 : i32
      %dma_wait3A_319 = tpu.memref_slice %arg5[%add3A_114, %dma_wait3A_318] : memref<10240x128xf32, #tpu.memory_space<vmem_shared>> -> memref<16x128xf32, #tpu.memory_space<vmem_shared>>
      %dma_wait3A_320 = arith.constant 0 : i32
      %dma_wait3A_321 = tpu.memref_slice %arg5[%add3A_114, %dma_wait3A_320] : memref<10240x128xf32, #tpu.memory_space<vmem_shared>> -> memref<16x128xf32, #tpu.memory_space<vmem_shared>>
      tpu.wait_dma2 semaphore(%run_scoped3A_313 : memref<!tpu.dma_semaphore, #tpu.memory_space<semaphore_mem>>) src(%arg9 : memref<16x128xf32, #tpu.memory_space<vmem>>) dst(%dma_wait3A_321 : memref<16x128xf32, #tpu.memory_space<vmem_shared>>)
      tpu.yield
    }) : () -> ()
    %mul3A_115 = arith.constant 640 : i32
    %mul3A_116 = arith.muli %arg1, %mul3A_115 : i32
    %add3A_117 = arith.constant 416 : i32
    %add3A_118 = arith.addi %mul3A_116, %add3A_117 : i32
    "tpu.region"() ({
      %run_scoped3A_313 = tpu.sem_alloc : memref<!tpu.dma_semaphore, #tpu.memory_space<semaphore_mem>>
      %dma_start3A_314 = arith.constant 0 : i32
      %dma_start3A_315 = tpu.memref_slice %arg5[%add3A_118, %dma_start3A_314] : memref<10240x128xf32, #tpu.memory_space<vmem_shared>> -> memref<16x128xf32, #tpu.memory_space<vmem_shared>>
      %dma_start3A_316 = arith.constant 0 : i32
      %dma_start3A_317 = tpu.memref_slice %arg5[%add3A_118, %dma_start3A_316] : memref<10240x128xf32, #tpu.memory_space<vmem_shared>> -> memref<16x128xf32, #tpu.memory_space<vmem_shared>>
      tpu.enqueue_dma source(%arg9 : memref<16x128xf32, #tpu.memory_space<vmem>>) target(%dma_start3A_317 : memref<16x128xf32, #tpu.memory_space<vmem_shared>>) target_semaphore(%run_scoped3A_313 : memref<!tpu.dma_semaphore, #tpu.memory_space<semaphore_mem>>)
      %dma_wait3A_318 = arith.constant 0 : i32
      %dma_wait3A_319 = tpu.memref_slice %arg5[%add3A_118, %dma_wait3A_318] : memref<10240x128xf32, #tpu.memory_space<vmem_shared>> -> memref<16x128xf32, #tpu.memory_space<vmem_shared>>
      %dma_wait3A_320 = arith.constant 0 : i32
      %dma_wait3A_321 = tpu.memref_slice %arg5[%add3A_118, %dma_wait3A_320] : memref<10240x128xf32, #tpu.memory_space<vmem_shared>> -> memref<16x128xf32, #tpu.memory_space<vmem_shared>>
      tpu.wait_dma2 semaphore(%run_scoped3A_313 : memref<!tpu.dma_semaphore, #tpu.memory_space<semaphore_mem>>) src(%arg9 : memref<16x128xf32, #tpu.memory_space<vmem>>) dst(%dma_wait3A_321 : memref<16x128xf32, #tpu.memory_space<vmem_shared>>)
      tpu.yield
    }) : () -> ()
    %mul3A_119 = arith.constant 640 : i32
    %mul3A_120 = arith.muli %arg1, %mul3A_119 : i32
    %add3A_121 = arith.constant 432 : i32
    %add3A_122 = arith.addi %mul3A_120, %add3A_121 : i32
    "tpu.region"() ({
      %run_scoped3A_313 = tpu.sem_alloc : memref<!tpu.dma_semaphore, #tpu.memory_space<semaphore_mem>>
      %dma_start3A_314 = arith.constant 0 : i32
      %dma_start3A_315 = tpu.memref_slice %arg5[%add3A_122, %dma_start3A_314] : memref<10240x128xf32, #tpu.memory_space<vmem_shared>> -> memref<16x128xf32, #tpu.memory_space<vmem_shared>>
      %dma_start3A_316 = arith.constant 0 : i32
      %dma_start3A_317 = tpu.memref_slice %arg5[%add3A_122, %dma_start3A_316] : memref<10240x128xf32, #tpu.memory_space<vmem_shared>> -> memref<16x128xf32, #tpu.memory_space<vmem_shared>>
      tpu.enqueue_dma source(%arg9 : memref<16x128xf32, #tpu.memory_space<vmem>>) target(%dma_start3A_317 : memref<16x128xf32, #tpu.memory_space<vmem_shared>>) target_semaphore(%run_scoped3A_313 : memref<!tpu.dma_semaphore, #tpu.memory_space<semaphore_mem>>)
      %dma_wait3A_318 = arith.constant 0 : i32
      %dma_wait3A_319 = tpu.memref_slice %arg5[%add3A_122, %dma_wait3A_318] : memref<10240x128xf32, #tpu.memory_space<vmem_shared>> -> memref<16x128xf32, #tpu.memory_space<vmem_shared>>
      %dma_wait3A_320 = arith.constant 0 : i32
      %dma_wait3A_321 = tpu.memref_slice %arg5[%add3A_122, %dma_wait3A_320] : memref<10240x128xf32, #tpu.memory_space<vmem_shared>> -> memref<16x128xf32, #tpu.memory_space<vmem_shared>>
      tpu.wait_dma2 semaphore(%run_scoped3A_313 : memref<!tpu.dma_semaphore, #tpu.memory_space<semaphore_mem>>) src(%arg9 : memref<16x128xf32, #tpu.memory_space<vmem>>) dst(%dma_wait3A_321 : memref<16x128xf32, #tpu.memory_space<vmem_shared>>)
      tpu.yield
    }) : () -> ()
    %mul3A_123 = arith.constant 640 : i32
    %mul3A_124 = arith.muli %arg1, %mul3A_123 : i32
    %add3A_125 = arith.constant 448 : i32
    %add3A_126 = arith.addi %mul3A_124, %add3A_125 : i32
    "tpu.region"() ({
      %run_scoped3A_313 = tpu.sem_alloc : memref<!tpu.dma_semaphore, #tpu.memory_space<semaphore_mem>>
      %dma_start3A_314 = arith.constant 0 : i32
      %dma_start3A_315 = tpu.memref_slice %arg5[%add3A_126, %dma_start3A_314] : memref<10240x128xf32, #tpu.memory_space<vmem_shared>> -> memref<16x128xf32, #tpu.memory_space<vmem_shared>>
      %dma_start3A_316 = arith.constant 0 : i32
      %dma_start3A_317 = tpu.memref_slice %arg5[%add3A_126, %dma_start3A_316] : memref<10240x128xf32, #tpu.memory_space<vmem_shared>> -> memref<16x128xf32, #tpu.memory_space<vmem_shared>>
      tpu.enqueue_dma source(%arg9 : memref<16x128xf32, #tpu.memory_space<vmem>>) target(%dma_start3A_317 : memref<16x128xf32, #tpu.memory_space<vmem_shared>>) target_semaphore(%run_scoped3A_313 : memref<!tpu.dma_semaphore, #tpu.memory_space<semaphore_mem>>)
      %dma_wait3A_318 = arith.constant 0 : i32
      %dma_wait3A_319 = tpu.memref_slice %arg5[%add3A_126, %dma_wait3A_318] : memref<10240x128xf32, #tpu.memory_space<vmem_shared>> -> memref<16x128xf32, #tpu.memory_space<vmem_shared>>
      %dma_wait3A_320 = arith.constant 0 : i32
      %dma_wait3A_321 = tpu.memref_slice %arg5[%add3A_126, %dma_wait3A_320] : memref<10240x128xf32, #tpu.memory_space<vmem_shared>> -> memref<16x128xf32, #tpu.memory_space<vmem_shared>>
      tpu.wait_dma2 semaphore(%run_scoped3A_313 : memref<!tpu.dma_semaphore, #tpu.memory_space<semaphore_mem>>) src(%arg9 : memref<16x128xf32, #tpu.memory_space<vmem>>) dst(%dma_wait3A_321 : memref<16x128xf32, #tpu.memory_space<vmem_shared>>)
      tpu.yield
    }) : () -> ()
    %mul3A_127 = arith.constant 640 : i32
    %mul3A_128 = arith.muli %arg1, %mul3A_127 : i32
    %add3A_129 = arith.constant 464 : i32
    %add3A_130 = arith.addi %mul3A_128, %add3A_129 : i32
    "tpu.region"() ({
      %run_scoped3A_313 = tpu.sem_alloc : memref<!tpu.dma_semaphore, #tpu.memory_space<semaphore_mem>>
      %dma_start3A_314 = arith.constant 0 : i32
      %dma_start3A_315 = tpu.memref_slice %arg5[%add3A_130, %dma_start3A_314] : memref<10240x128xf32, #tpu.memory_space<vmem_shared>> -> memref<16x128xf32, #tpu.memory_space<vmem_shared>>
      %dma_start3A_316 = arith.constant 0 : i32
      %dma_start3A_317 = tpu.memref_slice %arg5[%add3A_130, %dma_start3A_316] : memref<10240x128xf32, #tpu.memory_space<vmem_shared>> -> memref<16x128xf32, #tpu.memory_space<vmem_shared>>
      tpu.enqueue_dma source(%arg9 : memref<16x128xf32, #tpu.memory_space<vmem>>) target(%dma_start3A_317 : memref<16x128xf32, #tpu.memory_space<vmem_shared>>) target_semaphore(%run_scoped3A_313 : memref<!tpu.dma_semaphore, #tpu.memory_space<semaphore_mem>>)
      %dma_wait3A_318 = arith.constant 0 : i32
      %dma_wait3A_319 = tpu.memref_slice %arg5[%add3A_130, %dma_wait3A_318] : memref<10240x128xf32, #tpu.memory_space<vmem_shared>> -> memref<16x128xf32, #tpu.memory_space<vmem_shared>>
      %dma_wait3A_320 = arith.constant 0 : i32
      %dma_wait3A_321 = tpu.memref_slice %arg5[%add3A_130, %dma_wait3A_320] : memref<10240x128xf32, #tpu.memory_space<vmem_shared>> -> memref<16x128xf32, #tpu.memory_space<vmem_shared>>
      tpu.wait_dma2 semaphore(%run_scoped3A_313 : memref<!tpu.dma_semaphore, #tpu.memory_space<semaphore_mem>>) src(%arg9 : memref<16x128xf32, #tpu.memory_space<vmem>>) dst(%dma_wait3A_321 : memref<16x128xf32, #tpu.memory_space<vmem_shared>>)
      tpu.yield
    }) : () -> ()
    %mul3A_131 = arith.constant 640 : i32
    %mul3A_132 = arith.muli %arg1, %mul3A_131 : i32
    %add3A_133 = arith.constant 480 : i32
    %add3A_134 = arith.addi %mul3A_132, %add3A_133 : i32
    "tpu.region"() ({
      %run_scoped3A_313 = tpu.sem_alloc : memref<!tpu.dma_semaphore, #tpu.memory_space<semaphore_mem>>
      %dma_start3A_314 = arith.constant 0 : i32
      %dma_start3A_315 = tpu.memref_slice %arg5[%add3A_134, %dma_start3A_314] : memref<10240x128xf32, #tpu.memory_space<vmem_shared>> -> memref<16x128xf32, #tpu.memory_space<vmem_shared>>
      %dma_start3A_316 = arith.constant 0 : i32
      %dma_start3A_317 = tpu.memref_slice %arg5[%add3A_134, %dma_start3A_316] : memref<10240x128xf32, #tpu.memory_space<vmem_shared>> -> memref<16x128xf32, #tpu.memory_space<vmem_shared>>
      tpu.enqueue_dma source(%arg9 : memref<16x128xf32, #tpu.memory_space<vmem>>) target(%dma_start3A_317 : memref<16x128xf32, #tpu.memory_space<vmem_shared>>) target_semaphore(%run_scoped3A_313 : memref<!tpu.dma_semaphore, #tpu.memory_space<semaphore_mem>>)
      %dma_wait3A_318 = arith.constant 0 : i32
      %dma_wait3A_319 = tpu.memref_slice %arg5[%add3A_134, %dma_wait3A_318] : memref<10240x128xf32, #tpu.memory_space<vmem_shared>> -> memref<16x128xf32, #tpu.memory_space<vmem_shared>>
      %dma_wait3A_320 = arith.constant 0 : i32
      %dma_wait3A_321 = tpu.memref_slice %arg5[%add3A_134, %dma_wait3A_320] : memref<10240x128xf32, #tpu.memory_space<vmem_shared>> -> memref<16x128xf32, #tpu.memory_space<vmem_shared>>
      tpu.wait_dma2 semaphore(%run_scoped3A_313 : memref<!tpu.dma_semaphore, #tpu.memory_space<semaphore_mem>>) src(%arg9 : memref<16x128xf32, #tpu.memory_space<vmem>>) dst(%dma_wait3A_321 : memref<16x128xf32, #tpu.memory_space<vmem_shared>>)
      tpu.yield
    }) : () -> ()
    %mul3A_135 = arith.constant 640 : i32
    %mul3A_136 = arith.muli %arg1, %mul3A_135 : i32
    %add3A_137 = arith.constant 496 : i32
    %add3A_138 = arith.addi %mul3A_136, %add3A_137 : i32
    "tpu.region"() ({
      %run_scoped3A_313 = tpu.sem_alloc : memref<!tpu.dma_semaphore, #tpu.memory_space<semaphore_mem>>
      %dma_start3A_314 = arith.constant 0 : i32
      %dma_start3A_315 = tpu.memref_slice %arg5[%add3A_138, %dma_start3A_314] : memref<10240x128xf32, #tpu.memory_space<vmem_shared>> -> memref<16x128xf32, #tpu.memory_space<vmem_shared>>
      %dma_start3A_316 = arith.constant 0 : i32
      %dma_start3A_317 = tpu.memref_slice %arg5[%add3A_138, %dma_start3A_316] : memref<10240x128xf32, #tpu.memory_space<vmem_shared>> -> memref<16x128xf32, #tpu.memory_space<vmem_shared>>
      tpu.enqueue_dma source(%arg9 : memref<16x128xf32, #tpu.memory_space<vmem>>) target(%dma_start3A_317 : memref<16x128xf32, #tpu.memory_space<vmem_shared>>) target_semaphore(%run_scoped3A_313 : memref<!tpu.dma_semaphore, #tpu.memory_space<semaphore_mem>>)
      %dma_wait3A_318 = arith.constant 0 : i32
      %dma_wait3A_319 = tpu.memref_slice %arg5[%add3A_138, %dma_wait3A_318] : memref<10240x128xf32, #tpu.memory_space<vmem_shared>> -> memref<16x128xf32, #tpu.memory_space<vmem_shared>>
      %dma_wait3A_320 = arith.constant 0 : i32
      %dma_wait3A_321 = tpu.memref_slice %arg5[%add3A_138, %dma_wait3A_320] : memref<10240x128xf32, #tpu.memory_space<vmem_shared>> -> memref<16x128xf32, #tpu.memory_space<vmem_shared>>
      tpu.wait_dma2 semaphore(%run_scoped3A_313 : memref<!tpu.dma_semaphore, #tpu.memory_space<semaphore_mem>>) src(%arg9 : memref<16x128xf32, #tpu.memory_space<vmem>>) dst(%dma_wait3A_321 : memref<16x128xf32, #tpu.memory_space<vmem_shared>>)
      tpu.yield
    }) : () -> ()
    %mul3A_139 = arith.constant 640 : i32
    %mul3A_140 = arith.muli %arg1, %mul3A_139 : i32
    %add3A_141 = arith.constant 512 : i32
    %add3A_142 = arith.addi %mul3A_140, %add3A_141 : i32
    "tpu.region"() ({
      %run_scoped3A_313 = tpu.sem_alloc : memref<!tpu.dma_semaphore, #tpu.memory_space<semaphore_mem>>
      %dma_start3A_314 = arith.constant 0 : i32
      %dma_start3A_315 = tpu.memref_slice %arg5[%add3A_142, %dma_start3A_314] : memref<10240x128xf32, #tpu.memory_space<vmem_shared>> -> memref<16x128xf32, #tpu.memory_space<vmem_shared>>
      %dma_start3A_316 = arith.constant 0 : i32
      %dma_start3A_317 = tpu.memref_slice %arg5[%add3A_142, %dma_start3A_316] : memref<10240x128xf32, #tpu.memory_space<vmem_shared>> -> memref<16x128xf32, #tpu.memory_space<vmem_shared>>
      tpu.enqueue_dma source(%arg9 : memref<16x128xf32, #tpu.memory_space<vmem>>) target(%dma_start3A_317 : memref<16x128xf32, #tpu.memory_space<vmem_shared>>) target_semaphore(%run_scoped3A_313 : memref<!tpu.dma_semaphore, #tpu.memory_space<semaphore_mem>>)
      %dma_wait3A_318 = arith.constant 0 : i32
      %dma_wait3A_319 = tpu.memref_slice %arg5[%add3A_142, %dma_wait3A_318] : memref<10240x128xf32, #tpu.memory_space<vmem_shared>> -> memref<16x128xf32, #tpu.memory_space<vmem_shared>>
      %dma_wait3A_320 = arith.constant 0 : i32
      %dma_wait3A_321 = tpu.memref_slice %arg5[%add3A_142, %dma_wait3A_320] : memref<10240x128xf32, #tpu.memory_space<vmem_shared>> -> memref<16x128xf32, #tpu.memory_space<vmem_shared>>
      tpu.wait_dma2 semaphore(%run_scoped3A_313 : memref<!tpu.dma_semaphore, #tpu.memory_space<semaphore_mem>>) src(%arg9 : memref<16x128xf32, #tpu.memory_space<vmem>>) dst(%dma_wait3A_321 : memref<16x128xf32, #tpu.memory_space<vmem_shared>>)
      tpu.yield
    }) : () -> ()
    %mul3A_143 = arith.constant 640 : i32
    %mul3A_144 = arith.muli %arg1, %mul3A_143 : i32
    %add3A_145 = arith.constant 528 : i32
    %add3A_146 = arith.addi %mul3A_144, %add3A_145 : i32
    "tpu.region"() ({
      %run_scoped3A_313 = tpu.sem_alloc : memref<!tpu.dma_semaphore, #tpu.memory_space<semaphore_mem>>
      %dma_start3A_314 = arith.constant 0 : i32
      %dma_start3A_315 = tpu.memref_slice %arg5[%add3A_146, %dma_start3A_314] : memref<10240x128xf32, #tpu.memory_space<vmem_shared>> -> memref<16x128xf32, #tpu.memory_space<vmem_shared>>
      %dma_start3A_316 = arith.constant 0 : i32
      %dma_start3A_317 = tpu.memref_slice %arg5[%add3A_146, %dma_start3A_316] : memref<10240x128xf32, #tpu.memory_space<vmem_shared>> -> memref<16x128xf32, #tpu.memory_space<vmem_shared>>
      tpu.enqueue_dma source(%arg9 : memref<16x128xf32, #tpu.memory_space<vmem>>) target(%dma_start3A_317 : memref<16x128xf32, #tpu.memory_space<vmem_shared>>) target_semaphore(%run_scoped3A_313 : memref<!tpu.dma_semaphore, #tpu.memory_space<semaphore_mem>>)
      %dma_wait3A_318 = arith.constant 0 : i32
      %dma_wait3A_319 = tpu.memref_slice %arg5[%add3A_146, %dma_wait3A_318] : memref<10240x128xf32, #tpu.memory_space<vmem_shared>> -> memref<16x128xf32, #tpu.memory_space<vmem_shared>>
      %dma_wait3A_320 = arith.constant 0 : i32
      %dma_wait3A_321 = tpu.memref_slice %arg5[%add3A_146, %dma_wait3A_320] : memref<10240x128xf32, #tpu.memory_space<vmem_shared>> -> memref<16x128xf32, #tpu.memory_space<vmem_shared>>
      tpu.wait_dma2 semaphore(%run_scoped3A_313 : memref<!tpu.dma_semaphore, #tpu.memory_space<semaphore_mem>>) src(%arg9 : memref<16x128xf32, #tpu.memory_space<vmem>>) dst(%dma_wait3A_321 : memref<16x128xf32, #tpu.memory_space<vmem_shared>>)
      tpu.yield
    }) : () -> ()
    %mul3A_147 = arith.constant 640 : i32
    %mul3A_148 = arith.muli %arg1, %mul3A_147 : i32
    %add3A_149 = arith.constant 544 : i32
    %add3A_150 = arith.addi %mul3A_148, %add3A_149 : i32
    "tpu.region"() ({
      %run_scoped3A_313 = tpu.sem_alloc : memref<!tpu.dma_semaphore, #tpu.memory_space<semaphore_mem>>
      %dma_start3A_314 = arith.constant 0 : i32
      %dma_start3A_315 = tpu.memref_slice %arg5[%add3A_150, %dma_start3A_314] : memref<10240x128xf32, #tpu.memory_space<vmem_shared>> -> memref<16x128xf32, #tpu.memory_space<vmem_shared>>
      %dma_start3A_316 = arith.constant 0 : i32
      %dma_start3A_317 = tpu.memref_slice %arg5[%add3A_150, %dma_start3A_316] : memref<10240x128xf32, #tpu.memory_space<vmem_shared>> -> memref<16x128xf32, #tpu.memory_space<vmem_shared>>
      tpu.enqueue_dma source(%arg9 : memref<16x128xf32, #tpu.memory_space<vmem>>) target(%dma_start3A_317 : memref<16x128xf32, #tpu.memory_space<vmem_shared>>) target_semaphore(%run_scoped3A_313 : memref<!tpu.dma_semaphore, #tpu.memory_space<semaphore_mem>>)
      %dma_wait3A_318 = arith.constant 0 : i32
      %dma_wait3A_319 = tpu.memref_slice %arg5[%add3A_150, %dma_wait3A_318] : memref<10240x128xf32, #tpu.memory_space<vmem_shared>> -> memref<16x128xf32, #tpu.memory_space<vmem_shared>>
      %dma_wait3A_320 = arith.constant 0 : i32
      %dma_wait3A_321 = tpu.memref_slice %arg5[%add3A_150, %dma_wait3A_320] : memref<10240x128xf32, #tpu.memory_space<vmem_shared>> -> memref<16x128xf32, #tpu.memory_space<vmem_shared>>
      tpu.wait_dma2 semaphore(%run_scoped3A_313 : memref<!tpu.dma_semaphore, #tpu.memory_space<semaphore_mem>>) src(%arg9 : memref<16x128xf32, #tpu.memory_space<vmem>>) dst(%dma_wait3A_321 : memref<16x128xf32, #tpu.memory_space<vmem_shared>>)
      tpu.yield
    }) : () -> ()
    %mul3A_151 = arith.constant 640 : i32
    %mul3A_152 = arith.muli %arg1, %mul3A_151 : i32
    %add3A_153 = arith.constant 560 : i32
    %add3A_154 = arith.addi %mul3A_152, %add3A_153 : i32
    "tpu.region"() ({
      %run_scoped3A_313 = tpu.sem_alloc : memref<!tpu.dma_semaphore, #tpu.memory_space<semaphore_mem>>
      %dma_start3A_314 = arith.constant 0 : i32
      %dma_start3A_315 = tpu.memref_slice %arg5[%add3A_154, %dma_start3A_314] : memref<10240x128xf32, #tpu.memory_space<vmem_shared>> -> memref<16x128xf32, #tpu.memory_space<vmem_shared>>
      %dma_start3A_316 = arith.constant 0 : i32
      %dma_start3A_317 = tpu.memref_slice %arg5[%add3A_154, %dma_start3A_316] : memref<10240x128xf32, #tpu.memory_space<vmem_shared>> -> memref<16x128xf32, #tpu.memory_space<vmem_shared>>
      tpu.enqueue_dma source(%arg9 : memref<16x128xf32, #tpu.memory_space<vmem>>) target(%dma_start3A_317 : memref<16x128xf32, #tpu.memory_space<vmem_shared>>) target_semaphore(%run_scoped3A_313 : memref<!tpu.dma_semaphore, #tpu.memory_space<semaphore_mem>>)
      %dma_wait3A_318 = arith.constant 0 : i32
      %dma_wait3A_319 = tpu.memref_slice %arg5[%add3A_154, %dma_wait3A_318] : memref<10240x128xf32, #tpu.memory_space<vmem_shared>> -> memref<16x128xf32, #tpu.memory_space<vmem_shared>>
      %dma_wait3A_320 = arith.constant 0 : i32
      %dma_wait3A_321 = tpu.memref_slice %arg5[%add3A_154, %dma_wait3A_320] : memref<10240x128xf32, #tpu.memory_space<vmem_shared>> -> memref<16x128xf32, #tpu.memory_space<vmem_shared>>
      tpu.wait_dma2 semaphore(%run_scoped3A_313 : memref<!tpu.dma_semaphore, #tpu.memory_space<semaphore_mem>>) src(%arg9 : memref<16x128xf32, #tpu.memory_space<vmem>>) dst(%dma_wait3A_321 : memref<16x128xf32, #tpu.memory_space<vmem_shared>>)
      tpu.yield
    }) : () -> ()
    %mul3A_155 = arith.constant 640 : i32
    %mul3A_156 = arith.muli %arg1, %mul3A_155 : i32
    %add3A_157 = arith.constant 576 : i32
    %add3A_158 = arith.addi %mul3A_156, %add3A_157 : i32
    "tpu.region"() ({
      %run_scoped3A_313 = tpu.sem_alloc : memref<!tpu.dma_semaphore, #tpu.memory_space<semaphore_mem>>
      %dma_start3A_314 = arith.constant 0 : i32
      %dma_start3A_315 = tpu.memref_slice %arg5[%add3A_158, %dma_start3A_314] : memref<10240x128xf32, #tpu.memory_space<vmem_shared>> -> memref<16x128xf32, #tpu.memory_space<vmem_shared>>
      %dma_start3A_316 = arith.constant 0 : i32
      %dma_start3A_317 = tpu.memref_slice %arg5[%add3A_158, %dma_start3A_316] : memref<10240x128xf32, #tpu.memory_space<vmem_shared>> -> memref<16x128xf32, #tpu.memory_space<vmem_shared>>
      tpu.enqueue_dma source(%arg9 : memref<16x128xf32, #tpu.memory_space<vmem>>) target(%dma_start3A_317 : memref<16x128xf32, #tpu.memory_space<vmem_shared>>) target_semaphore(%run_scoped3A_313 : memref<!tpu.dma_semaphore, #tpu.memory_space<semaphore_mem>>)
      %dma_wait3A_318 = arith.constant 0 : i32
      %dma_wait3A_319 = tpu.memref_slice %arg5[%add3A_158, %dma_wait3A_318] : memref<10240x128xf32, #tpu.memory_space<vmem_shared>> -> memref<16x128xf32, #tpu.memory_space<vmem_shared>>
      %dma_wait3A_320 = arith.constant 0 : i32
      %dma_wait3A_321 = tpu.memref_slice %arg5[%add3A_158, %dma_wait3A_320] : memref<10240x128xf32, #tpu.memory_space<vmem_shared>> -> memref<16x128xf32, #tpu.memory_space<vmem_shared>>
      tpu.wait_dma2 semaphore(%run_scoped3A_313 : memref<!tpu.dma_semaphore, #tpu.memory_space<semaphore_mem>>) src(%arg9 : memref<16x128xf32, #tpu.memory_space<vmem>>) dst(%dma_wait3A_321 : memref<16x128xf32, #tpu.memory_space<vmem_shared>>)
      tpu.yield
    }) : () -> ()
    %mul3A_159 = arith.constant 640 : i32
    %mul3A_160 = arith.muli %arg1, %mul3A_159 : i32
    %add3A_161 = arith.constant 592 : i32
    %add3A_162 = arith.addi %mul3A_160, %add3A_161 : i32
    "tpu.region"() ({
      %run_scoped3A_313 = tpu.sem_alloc : memref<!tpu.dma_semaphore, #tpu.memory_space<semaphore_mem>>
      %dma_start3A_314 = arith.constant 0 : i32
      %dma_start3A_315 = tpu.memref_slice %arg5[%add3A_162, %dma_start3A_314] : memref<10240x128xf32, #tpu.memory_space<vmem_shared>> -> memref<16x128xf32, #tpu.memory_space<vmem_shared>>
      %dma_start3A_316 = arith.constant 0 : i32
      %dma_start3A_317 = tpu.memref_slice %arg5[%add3A_162, %dma_start3A_316] : memref<10240x128xf32, #tpu.memory_space<vmem_shared>> -> memref<16x128xf32, #tpu.memory_space<vmem_shared>>
      tpu.enqueue_dma source(%arg9 : memref<16x128xf32, #tpu.memory_space<vmem>>) target(%dma_start3A_317 : memref<16x128xf32, #tpu.memory_space<vmem_shared>>) target_semaphore(%run_scoped3A_313 : memref<!tpu.dma_semaphore, #tpu.memory_space<semaphore_mem>>)
      %dma_wait3A_318 = arith.constant 0 : i32
      %dma_wait3A_319 = tpu.memref_slice %arg5[%add3A_162, %dma_wait3A_318] : memref<10240x128xf32, #tpu.memory_space<vmem_shared>> -> memref<16x128xf32, #tpu.memory_space<vmem_shared>>
      %dma_wait3A_320 = arith.constant 0 : i32
      %dma_wait3A_321 = tpu.memref_slice %arg5[%add3A_162, %dma_wait3A_320] : memref<10240x128xf32, #tpu.memory_space<vmem_shared>> -> memref<16x128xf32, #tpu.memory_space<vmem_shared>>
      tpu.wait_dma2 semaphore(%run_scoped3A_313 : memref<!tpu.dma_semaphore, #tpu.memory_space<semaphore_mem>>) src(%arg9 : memref<16x128xf32, #tpu.memory_space<vmem>>) dst(%dma_wait3A_321 : memref<16x128xf32, #tpu.memory_space<vmem_shared>>)
      tpu.yield
    }) : () -> ()
    %mul3A_163 = arith.constant 640 : i32
    %mul3A_164 = arith.muli %arg1, %mul3A_163 : i32
    %add3A_165 = arith.constant 608 : i32
    %add3A_166 = arith.addi %mul3A_164, %add3A_165 : i32
    "tpu.region"() ({
      %run_scoped3A_313 = tpu.sem_alloc : memref<!tpu.dma_semaphore, #tpu.memory_space<semaphore_mem>>
      %dma_start3A_314 = arith.constant 0 : i32
      %dma_start3A_315 = tpu.memref_slice %arg5[%add3A_166, %dma_start3A_314] : memref<10240x128xf32, #tpu.memory_space<vmem_shared>> -> memref<16x128xf32, #tpu.memory_space<vmem_shared>>
      %dma_start3A_316 = arith.constant 0 : i32
      %dma_start3A_317 = tpu.memref_slice %arg5[%add3A_166, %dma_start3A_316] : memref<10240x128xf32, #tpu.memory_space<vmem_shared>> -> memref<16x128xf32, #tpu.memory_space<vmem_shared>>
      tpu.enqueue_dma source(%arg9 : memref<16x128xf32, #tpu.memory_space<vmem>>) target(%dma_start3A_317 : memref<16x128xf32, #tpu.memory_space<vmem_shared>>) target_semaphore(%run_scoped3A_313 : memref<!tpu.dma_semaphore, #tpu.memory_space<semaphore_mem>>)
      %dma_wait3A_318 = arith.constant 0 : i32
      %dma_wait3A_319 = tpu.memref_slice %arg5[%add3A_166, %dma_wait3A_318] : memref<10240x128xf32, #tpu.memory_space<vmem_shared>> -> memref<16x128xf32, #tpu.memory_space<vmem_shared>>
      %dma_wait3A_320 = arith.constant 0 : i32
      %dma_wait3A_321 = tpu.memref_slice %arg5[%add3A_166, %dma_wait3A_320] : memref<10240x128xf32, #tpu.memory_space<vmem_shared>> -> memref<16x128xf32, #tpu.memory_space<vmem_shared>>
      tpu.wait_dma2 semaphore(%run_scoped3A_313 : memref<!tpu.dma_semaphore, #tpu.memory_space<semaphore_mem>>) src(%arg9 : memref<16x128xf32, #tpu.memory_space<vmem>>) dst(%dma_wait3A_321 : memref<16x128xf32, #tpu.memory_space<vmem_shared>>)
      tpu.yield
    }) : () -> ()
    %mul3A_167 = arith.constant 640 : i32
    %mul3A_168 = arith.muli %arg1, %mul3A_167 : i32
    %add3A_169 = arith.constant 624 : i32
    %add3A_170 = arith.addi %mul3A_168, %add3A_169 : i32
    "tpu.region"() ({
      %run_scoped3A_313 = tpu.sem_alloc : memref<!tpu.dma_semaphore, #tpu.memory_space<semaphore_mem>>
      %dma_start3A_314 = arith.constant 0 : i32
      %dma_start3A_315 = tpu.memref_slice %arg5[%add3A_170, %dma_start3A_314] : memref<10240x128xf32, #tpu.memory_space<vmem_shared>> -> memref<16x128xf32, #tpu.memory_space<vmem_shared>>
      %dma_start3A_316 = arith.constant 0 : i32
      %dma_start3A_317 = tpu.memref_slice %arg5[%add3A_170, %dma_start3A_316] : memref<10240x128xf32, #tpu.memory_space<vmem_shared>> -> memref<16x128xf32, #tpu.memory_space<vmem_shared>>
      tpu.enqueue_dma source(%arg9 : memref<16x128xf32, #tpu.memory_space<vmem>>) target(%dma_start3A_317 : memref<16x128xf32, #tpu.memory_space<vmem_shared>>) target_semaphore(%run_scoped3A_313 : memref<!tpu.dma_semaphore, #tpu.memory_space<semaphore_mem>>)
      %dma_wait3A_318 = arith.constant 0 : i32
      %dma_wait3A_319 = tpu.memref_slice %arg5[%add3A_170, %dma_wait3A_318] : memref<10240x128xf32, #tpu.memory_space<vmem_shared>> -> memref<16x128xf32, #tpu.memory_space<vmem_shared>>
      %dma_wait3A_320 = arith.constant 0 : i32
      %dma_wait3A_321 = tpu.memref_slice %arg5[%add3A_170, %dma_wait3A_320] : memref<10240x128xf32, #tpu.memory_space<vmem_shared>> -> memref<16x128xf32, #tpu.memory_space<vmem_shared>>
      tpu.wait_dma2 semaphore(%run_scoped3A_313 : memref<!tpu.dma_semaphore, #tpu.memory_space<semaphore_mem>>) src(%arg9 : memref<16x128xf32, #tpu.memory_space<vmem>>) dst(%dma_wait3A_321 : memref<16x128xf32, #tpu.memory_space<vmem_shared>>)
      tpu.yield
    }) : () -> ()
    %barrier3A = arith.constant 0 : index
    tpu.barrier barrier_id(%barrier3A)
    %dma_start3A = arith.constant 0 : i32
    %dma_start3A_171 = arith.constant 0 : i32
    %dma_start3A_172 = arith.constant 0 : i32
    %dma_start3A_173 = arith.constant 0 : i32
    %dma_start3A_174 = tpu.memref_slice %arg8[%dma_start3A_171, %dma_start3A_172, %dma_start3A_173] : memref<5x40x128xf32, #tpu.memory_space<vmem>> -> memref<1x40x128xf32, #tpu.memory_space<vmem>>
    %dma_start3A_175 = tpu.memref_squeeze %dma_start3A_174 : memref<1x40x128xf32, #tpu.memory_space<vmem>> -> memref<40x128xf32, #tpu.memory_space<vmem>>
    %dma_start3A_176 = arith.constant 0 : i32
    %dma_start3A_177 = tpu.memref_slice %arg6[%dma_start3A, %dma_start3A_176] : memref<250x40xi32, #tpu.memory_space<vmem>> -> memref<1x40xi32, #tpu.memory_space<vmem>>
    %dma_start3A_178 = tpu.memref_squeeze %dma_start3A_177 : memref<1x40xi32, #tpu.memory_space<vmem>> -> memref<40xi32, #tpu.memory_space<vmem>>
    %dma_start3A_179 = arith.constant 0 : i32
    %dma_start3A_180 = arith.constant 0 : i32
    %dma_start3A_181 = tpu.memref_slice %arg3[%dma_start3A_179, %dma_start3A_180] : memref<10240x128xf32, #tpu.memory_space<hbm>> -> memref<10240x128xf32, #tpu.memory_space<hbm>>
    tpu.enqueue_indirect_dma source(%dma_start3A_181 : memref<10240x128xf32, #tpu.memory_space<hbm>>) target(%dma_start3A_175 : memref<40x128xf32, #tpu.memory_space<vmem>>) offsets(%dma_start3A_178 : memref<40xi32, #tpu.memory_space<vmem>>) semaphore(%arg10 : memref<!tpu.dma_semaphore, #tpu.memory_space<semaphore_mem>>)
    %dma_start3A_182 = arith.constant 1 : i32
    %dma_start3A_183 = arith.constant 1 : i32
    %dma_start3A_184 = arith.constant 0 : i32
    %dma_start3A_185 = arith.constant 0 : i32
    %dma_start3A_186 = tpu.memref_slice %arg8[%dma_start3A_183, %dma_start3A_184, %dma_start3A_185] : memref<5x40x128xf32, #tpu.memory_space<vmem>> -> memref<1x40x128xf32, #tpu.memory_space<vmem>>
    %dma_start3A_187 = tpu.memref_squeeze %dma_start3A_186 : memref<1x40x128xf32, #tpu.memory_space<vmem>> -> memref<40x128xf32, #tpu.memory_space<vmem>>
    %dma_start3A_188 = arith.constant 0 : i32
    %dma_start3A_189 = tpu.memref_slice %arg6[%dma_start3A_182, %dma_start3A_188] : memref<250x40xi32, #tpu.memory_space<vmem>> -> memref<1x40xi32, #tpu.memory_space<vmem>>
    %dma_start3A_190 = tpu.memref_squeeze %dma_start3A_189 : memref<1x40xi32, #tpu.memory_space<vmem>> -> memref<40xi32, #tpu.memory_space<vmem>>
    %dma_start3A_191 = arith.constant 0 : i32
    %dma_start3A_192 = arith.constant 0 : i32
    %dma_start3A_193 = tpu.memref_slice %arg3[%dma_start3A_191, %dma_start3A_192] : memref<10240x128xf32, #tpu.memory_space<hbm>> -> memref<10240x128xf32, #tpu.memory_space<hbm>>
    tpu.enqueue_indirect_dma source(%dma_start3A_193 : memref<10240x128xf32, #tpu.memory_space<hbm>>) target(%dma_start3A_187 : memref<40x128xf32, #tpu.memory_space<vmem>>) offsets(%dma_start3A_190 : memref<40xi32, #tpu.memory_space<vmem>>) semaphore(%arg11 : memref<!tpu.dma_semaphore, #tpu.memory_space<semaphore_mem>>)
    %dma_start3A_194 = arith.constant 2 : i32
    %dma_start3A_195 = arith.constant 2 : i32
    %dma_start3A_196 = arith.constant 0 : i32
    %dma_start3A_197 = arith.constant 0 : i32
    %dma_start3A_198 = tpu.memref_slice %arg8[%dma_start3A_195, %dma_start3A_196, %dma_start3A_197] : memref<5x40x128xf32, #tpu.memory_space<vmem>> -> memref<1x40x128xf32, #tpu.memory_space<vmem>>
    %dma_start3A_199 = tpu.memref_squeeze %dma_start3A_198 : memref<1x40x128xf32, #tpu.memory_space<vmem>> -> memref<40x128xf32, #tpu.memory_space<vmem>>
    %dma_start3A_200 = arith.constant 0 : i32
    %dma_start3A_201 = tpu.memref_slice %arg6[%dma_start3A_194, %dma_start3A_200] : memref<250x40xi32, #tpu.memory_space<vmem>> -> memref<1x40xi32, #tpu.memory_space<vmem>>
    %dma_start3A_202 = tpu.memref_squeeze %dma_start3A_201 : memref<1x40xi32, #tpu.memory_space<vmem>> -> memref<40xi32, #tpu.memory_space<vmem>>
    %dma_start3A_203 = arith.constant 0 : i32
    %dma_start3A_204 = arith.constant 0 : i32
    %dma_start3A_205 = tpu.memref_slice %arg3[%dma_start3A_203, %dma_start3A_204] : memref<10240x128xf32, #tpu.memory_space<hbm>> -> memref<10240x128xf32, #tpu.memory_space<hbm>>
    tpu.enqueue_indirect_dma source(%dma_start3A_205 : memref<10240x128xf32, #tpu.memory_space<hbm>>) target(%dma_start3A_199 : memref<40x128xf32, #tpu.memory_space<vmem>>) offsets(%dma_start3A_202 : memref<40xi32, #tpu.memory_space<vmem>>) semaphore(%arg12 : memref<!tpu.dma_semaphore, #tpu.memory_space<semaphore_mem>>)
    %dma_start3A_206 = arith.constant 3 : i32
    %dma_start3A_207 = arith.constant 3 : i32
    %dma_start3A_208 = arith.constant 0 : i32
    %dma_start3A_209 = arith.constant 0 : i32
    %dma_start3A_210 = tpu.memref_slice %arg8[%dma_start3A_207, %dma_start3A_208, %dma_start3A_209] : memref<5x40x128xf32, #tpu.memory_space<vmem>> -> memref<1x40x128xf32, #tpu.memory_space<vmem>>
    %dma_start3A_211 = tpu.memref_squeeze %dma_start3A_210 : memref<1x40x128xf32, #tpu.memory_space<vmem>> -> memref<40x128xf32, #tpu.memory_space<vmem>>
    %dma_start3A_212 = arith.constant 0 : i32
    %dma_start3A_213 = tpu.memref_slice %arg6[%dma_start3A_206, %dma_start3A_212] : memref<250x40xi32, #tpu.memory_space<vmem>> -> memref<1x40xi32, #tpu.memory_space<vmem>>
    %dma_start3A_214 = tpu.memref_squeeze %dma_start3A_213 : memref<1x40xi32, #tpu.memory_space<vmem>> -> memref<40xi32, #tpu.memory_space<vmem>>
    %dma_start3A_215 = arith.constant 0 : i32
    %dma_start3A_216 = arith.constant 0 : i32
    %dma_start3A_217 = tpu.memref_slice %arg3[%dma_start3A_215, %dma_start3A_216] : memref<10240x128xf32, #tpu.memory_space<hbm>> -> memref<10240x128xf32, #tpu.memory_space<hbm>>
    tpu.enqueue_indirect_dma source(%dma_start3A_217 : memref<10240x128xf32, #tpu.memory_space<hbm>>) target(%dma_start3A_211 : memref<40x128xf32, #tpu.memory_space<vmem>>) offsets(%dma_start3A_214 : memref<40xi32, #tpu.memory_space<vmem>>) semaphore(%arg13 : memref<!tpu.dma_semaphore, #tpu.memory_space<semaphore_mem>>)
    %dma_start3A_218 = arith.constant 4 : i32
    %dma_start3A_219 = arith.constant 4 : i32
    %dma_start3A_220 = arith.constant 0 : i32
    %dma_start3A_221 = arith.constant 0 : i32
    %dma_start3A_222 = tpu.memref_slice %arg8[%dma_start3A_219, %dma_start3A_220, %dma_start3A_221] : memref<5x40x128xf32, #tpu.memory_space<vmem>> -> memref<1x40x128xf32, #tpu.memory_space<vmem>>
    %dma_start3A_223 = tpu.memref_squeeze %dma_start3A_222 : memref<1x40x128xf32, #tpu.memory_space<vmem>> -> memref<40x128xf32, #tpu.memory_space<vmem>>
    %dma_start3A_224 = arith.constant 0 : i32
    %dma_start3A_225 = tpu.memref_slice %arg6[%dma_start3A_218, %dma_start3A_224] : memref<250x40xi32, #tpu.memory_space<vmem>> -> memref<1x40xi32, #tpu.memory_space<vmem>>
    %dma_start3A_226 = tpu.memref_squeeze %dma_start3A_225 : memref<1x40xi32, #tpu.memory_space<vmem>> -> memref<40xi32, #tpu.memory_space<vmem>>
    %dma_start3A_227 = arith.constant 0 : i32
    %dma_start3A_228 = arith.constant 0 : i32
    %dma_start3A_229 = tpu.memref_slice %arg3[%dma_start3A_227, %dma_start3A_228] : memref<10240x128xf32, #tpu.memory_space<hbm>> -> memref<10240x128xf32, #tpu.memory_space<hbm>>
    tpu.enqueue_indirect_dma source(%dma_start3A_229 : memref<10240x128xf32, #tpu.memory_space<hbm>>) target(%dma_start3A_223 : memref<40x128xf32, #tpu.memory_space<vmem>>) offsets(%dma_start3A_226 : memref<40xi32, #tpu.memory_space<vmem>>) semaphore(%arg14 : memref<!tpu.dma_semaphore, #tpu.memory_space<semaphore_mem>>)
    %scan3A_230 = arith.constant 0 : i32
    %scan3A_231 = arith.constant 0 : i32
    %scan3A_232 = arith.constant 49 : i32
    %scan3A_233 = arith.addi %scan3A_231, %scan3A_232 : i32
    %scan3A_234 = arith.constant 1 : i32
    scf.for %scan3A_313 = %scan3A_231 to %scan3A_233 step %scan3A_234  : i32 {
      %mul3A_314 = arith.constant 5 : i32
      %mul3A_315 = arith.muli %mul3A_314, %scan3A_313 : i32
      %add3A_316 = arith.constant 0 : i32
      %add3A_317 = arith.addi %mul3A_315, %add3A_316 : i32
      %dma_wait3A_318 = arith.constant 0 : i32
      %dma_wait3A_319 = arith.constant 0 : i32
      %dma_wait3A_320 = arith.constant 0 : i32
      %dma_wait3A_321 = tpu.memref_slice %arg8[%dma_wait3A_318, %dma_wait3A_319, %dma_wait3A_320] : memref<5x40x128xf32, #tpu.memory_space<vmem>> -> memref<1x40x128xf32, #tpu.memory_space<vmem>>
      %dma_wait3A_322 = tpu.memref_squeeze %dma_wait3A_321 : memref<1x40x128xf32, #tpu.memory_space<vmem>> -> memref<40x128xf32, #tpu.memory_space<vmem>>
      %dma_wait3A_323 = arith.constant 0 : i32
      %dma_wait3A_324 = tpu.memref_slice %arg6[%add3A_317, %dma_wait3A_323] : memref<250x40xi32, #tpu.memory_space<vmem>> -> memref<1x40xi32, #tpu.memory_space<vmem>>
      %dma_wait3A_325 = tpu.memref_squeeze %dma_wait3A_324 : memref<1x40xi32, #tpu.memory_space<vmem>> -> memref<40xi32, #tpu.memory_space<vmem>>
      %dma_wait3A_326 = arith.constant 0 : i32
      %dma_wait3A_327 = arith.constant 0 : i32
      %dma_wait3A_328 = tpu.memref_slice %arg3[%dma_wait3A_326, %dma_wait3A_327] : memref<10240x128xf32, #tpu.memory_space<hbm>> -> memref<10240x128xf32, #tpu.memory_space<hbm>>
      tpu.wait_indirect_dma semaphore(%arg10 : memref<!tpu.dma_semaphore, #tpu.memory_space<semaphore_mem>>) src(%dma_wait3A_328 : memref<10240x128xf32, #tpu.memory_space<hbm>>) dst(%dma_wait3A_322 : memref<40x128xf32, #tpu.memory_space<vmem>>)
      %run_scoped3A_329 = arith.constant 0 : i32
      "tpu.region"() ({
        %run_scoped3A_459 = tpu.sem_alloc : memref<!tpu.dma_semaphore, #tpu.memory_space<semaphore_mem>>
        %dma_start3A_460 = arith.constant 0 : i32
        %dma_start3A_461 = arith.constant 0 : i32
        %dma_start3A_462 = tpu.memref_slice %arg8[%run_scoped3A_329, %dma_start3A_460, %dma_start3A_461] : memref<5x40x128xf32, #tpu.memory_space<vmem>> -> memref<1x40x128xf32, #tpu.memory_space<vmem>>
        %dma_start3A_463 = tpu.memref_squeeze %dma_start3A_462 : memref<1x40x128xf32, #tpu.memory_space<vmem>> -> memref<40x128xf32, #tpu.memory_space<vmem>>
        %dma_start3A_464 = arith.constant 0 : i32
        %dma_start3A_465 = tpu.memref_slice %arg7[%add3A_317, %dma_start3A_464] : memref<250x40xi32, #tpu.memory_space<vmem>> -> memref<1x40xi32, #tpu.memory_space<vmem>>
        %dma_start3A_466 = tpu.memref_squeeze %dma_start3A_465 : memref<1x40xi32, #tpu.memory_space<vmem>> -> memref<40xi32, #tpu.memory_space<vmem>>
        %dma_start3A_467 = arith.constant 0 : i32
        %dma_start3A_468 = arith.constant 0 : i32
        %dma_start3A_469 = tpu.memref_slice %arg5[%dma_start3A_467, %dma_start3A_468] : memref<10240x128xf32, #tpu.memory_space<vmem_shared>> -> memref<10240x128xf32, #tpu.memory_space<vmem_shared>>
        tpu.enqueue_indirect_dma source(%dma_start3A_463 : memref<40x128xf32, #tpu.memory_space<vmem>>) target(%dma_start3A_469 : memref<10240x128xf32, #tpu.memory_space<vmem_shared>>) offsets(%dma_start3A_466 : memref<40xi32, #tpu.memory_space<vmem>>) semaphore(%run_scoped3A_459 : memref<!tpu.dma_semaphore, #tpu.memory_space<semaphore_mem>>) {add = true}
        %dma_wait3A_470 = arith.constant 0 : i32
        %dma_wait3A_471 = arith.constant 0 : i32
        %dma_wait3A_472 = tpu.memref_slice %arg8[%run_scoped3A_329, %dma_wait3A_470, %dma_wait3A_471] : memref<5x40x128xf32, #tpu.memory_space<vmem>> -> memref<1x40x128xf32, #tpu.memory_space<vmem>>
        %dma_wait3A_473 = tpu.memref_squeeze %dma_wait3A_472 : memref<1x40x128xf32, #tpu.memory_space<vmem>> -> memref<40x128xf32, #tpu.memory_space<vmem>>
        %dma_wait3A_474 = arith.constant 0 : i32
        %dma_wait3A_475 = tpu.memref_slice %arg7[%add3A_317, %dma_wait3A_474] : memref<250x40xi32, #tpu.memory_space<vmem>> -> memref<1x40xi32, #tpu.memory_space<vmem>>
        %dma_wait3A_476 = tpu.memref_squeeze %dma_wait3A_475 : memref<1x40xi32, #tpu.memory_space<vmem>> -> memref<40xi32, #tpu.memory_space<vmem>>
        %dma_wait3A_477 = arith.constant 0 : i32
        %dma_wait3A_478 = arith.constant 0 : i32
        %dma_wait3A_479 = tpu.memref_slice %arg5[%dma_wait3A_477, %dma_wait3A_478] : memref<10240x128xf32, #tpu.memory_space<vmem_shared>> -> memref<10240x128xf32, #tpu.memory_space<vmem_shared>>
        tpu.wait_indirect_dma semaphore(%run_scoped3A_459 : memref<!tpu.dma_semaphore, #tpu.memory_space<semaphore_mem>>) src(%dma_wait3A_473 : memref<40x128xf32, #tpu.memory_space<vmem>>) dst(%dma_wait3A_479 : memref<10240x128xf32, #tpu.memory_space<vmem_shared>>)
        tpu.yield
      }) : () -> ()
      %add3A_330 = arith.constant 5 : i32
      %add3A_331 = arith.addi %add3A_317, %add3A_330 : i32
      %dma_start3A_332 = arith.constant 0 : i32
      %dma_start3A_333 = arith.constant 0 : i32
      %dma_start3A_334 = arith.constant 0 : i32
      %dma_start3A_335 = tpu.memref_slice %arg8[%dma_start3A_332, %dma_start3A_333, %dma_start3A_334] : memref<5x40x128xf32, #tpu.memory_space<vmem>> -> memref<1x40x128xf32, #tpu.memory_space<vmem>>
      %dma_start3A_336 = tpu.memref_squeeze %dma_start3A_335 : memref<1x40x128xf32, #tpu.memory_space<vmem>> -> memref<40x128xf32, #tpu.memory_space<vmem>>
      %dma_start3A_337 = arith.constant 0 : i32
      %dma_start3A_338 = tpu.memref_slice %arg6[%add3A_331, %dma_start3A_337] : memref<250x40xi32, #tpu.memory_space<vmem>> -> memref<1x40xi32, #tpu.memory_space<vmem>>
      %dma_start3A_339 = tpu.memref_squeeze %dma_start3A_338 : memref<1x40xi32, #tpu.memory_space<vmem>> -> memref<40xi32, #tpu.memory_space<vmem>>
      %dma_start3A_340 = arith.constant 0 : i32
      %dma_start3A_341 = arith.constant 0 : i32
      %dma_start3A_342 = tpu.memref_slice %arg3[%dma_start3A_340, %dma_start3A_341] : memref<10240x128xf32, #tpu.memory_space<hbm>> -> memref<10240x128xf32, #tpu.memory_space<hbm>>
      tpu.enqueue_indirect_dma source(%dma_start3A_342 : memref<10240x128xf32, #tpu.memory_space<hbm>>) target(%dma_start3A_336 : memref<40x128xf32, #tpu.memory_space<vmem>>) offsets(%dma_start3A_339 : memref<40xi32, #tpu.memory_space<vmem>>) semaphore(%arg10 : memref<!tpu.dma_semaphore, #tpu.memory_space<semaphore_mem>>)
      %mul3A_343 = arith.constant 5 : i32
      %mul3A_344 = arith.muli %mul3A_343, %scan3A_313 : i32
      %add3A_345 = arith.constant 1 : i32
      %add3A_346 = arith.addi %mul3A_344, %add3A_345 : i32
      %dma_wait3A_347 = arith.constant 1 : i32
      %dma_wait3A_348 = arith.constant 0 : i32
      %dma_wait3A_349 = arith.constant 0 : i32
      %dma_wait3A_350 = tpu.memref_slice %arg8[%dma_wait3A_347, %dma_wait3A_348, %dma_wait3A_349] : memref<5x40x128xf32, #tpu.memory_space<vmem>> -> memref<1x40x128xf32, #tpu.memory_space<vmem>>
      %dma_wait3A_351 = tpu.memref_squeeze %dma_wait3A_350 : memref<1x40x128xf32, #tpu.memory_space<vmem>> -> memref<40x128xf32, #tpu.memory_space<vmem>>
      %dma_wait3A_352 = arith.constant 0 : i32
      %dma_wait3A_353 = tpu.memref_slice %arg6[%add3A_346, %dma_wait3A_352] : memref<250x40xi32, #tpu.memory_space<vmem>> -> memref<1x40xi32, #tpu.memory_space<vmem>>
      %dma_wait3A_354 = tpu.memref_squeeze %dma_wait3A_353 : memref<1x40xi32, #tpu.memory_space<vmem>> -> memref<40xi32, #tpu.memory_space<vmem>>
      %dma_wait3A_355 = arith.constant 0 : i32
      %dma_wait3A_356 = arith.constant 0 : i32
      %dma_wait3A_357 = tpu.memref_slice %arg3[%dma_wait3A_355, %dma_wait3A_356] : memref<10240x128xf32, #tpu.memory_space<hbm>> -> memref<10240x128xf32, #tpu.memory_space<hbm>>
      tpu.wait_indirect_dma semaphore(%arg11 : memref<!tpu.dma_semaphore, #tpu.memory_space<semaphore_mem>>) src(%dma_wait3A_357 : memref<10240x128xf32, #tpu.memory_space<hbm>>) dst(%dma_wait3A_351 : memref<40x128xf32, #tpu.memory_space<vmem>>)
      %run_scoped3A_358 = arith.constant 1 : i32
      "tpu.region"() ({
        %run_scoped3A_459 = tpu.sem_alloc : memref<!tpu.dma_semaphore, #tpu.memory_space<semaphore_mem>>
        %dma_start3A_460 = arith.constant 0 : i32
        %dma_start3A_461 = arith.constant 0 : i32
        %dma_start3A_462 = tpu.memref_slice %arg8[%run_scoped3A_358, %dma_start3A_460, %dma_start3A_461] : memref<5x40x128xf32, #tpu.memory_space<vmem>> -> memref<1x40x128xf32, #tpu.memory_space<vmem>>
        %dma_start3A_463 = tpu.memref_squeeze %dma_start3A_462 : memref<1x40x128xf32, #tpu.memory_space<vmem>> -> memref<40x128xf32, #tpu.memory_space<vmem>>
        %dma_start3A_464 = arith.constant 0 : i32
        %dma_start3A_465 = tpu.memref_slice %arg7[%add3A_346, %dma_start3A_464] : memref<250x40xi32, #tpu.memory_space<vmem>> -> memref<1x40xi32, #tpu.memory_space<vmem>>
        %dma_start3A_466 = tpu.memref_squeeze %dma_start3A_465 : memref<1x40xi32, #tpu.memory_space<vmem>> -> memref<40xi32, #tpu.memory_space<vmem>>
        %dma_start3A_467 = arith.constant 0 : i32
        %dma_start3A_468 = arith.constant 0 : i32
        %dma_start3A_469 = tpu.memref_slice %arg5[%dma_start3A_467, %dma_start3A_468] : memref<10240x128xf32, #tpu.memory_space<vmem_shared>> -> memref<10240x128xf32, #tpu.memory_space<vmem_shared>>
        tpu.enqueue_indirect_dma source(%dma_start3A_463 : memref<40x128xf32, #tpu.memory_space<vmem>>) target(%dma_start3A_469 : memref<10240x128xf32, #tpu.memory_space<vmem_shared>>) offsets(%dma_start3A_466 : memref<40xi32, #tpu.memory_space<vmem>>) semaphore(%run_scoped3A_459 : memref<!tpu.dma_semaphore, #tpu.memory_space<semaphore_mem>>) {add = true}
        %dma_wait3A_470 = arith.constant 0 : i32
        %dma_wait3A_471 = arith.constant 0 : i32
        %dma_wait3A_472 = tpu.memref_slice %arg8[%run_scoped3A_358, %dma_wait3A_470, %dma_wait3A_471] : memref<5x40x128xf32, #tpu.memory_space<vmem>> -> memref<1x40x128xf32, #tpu.memory_space<vmem>>
        %dma_wait3A_473 = tpu.memref_squeeze %dma_wait3A_472 : memref<1x40x128xf32, #tpu.memory_space<vmem>> -> memref<40x128xf32, #tpu.memory_space<vmem>>
        %dma_wait3A_474 = arith.constant 0 : i32
        %dma_wait3A_475 = tpu.memref_slice %arg7[%add3A_346, %dma_wait3A_474] : memref<250x40xi32, #tpu.memory_space<vmem>> -> memref<1x40xi32, #tpu.memory_space<vmem>>
        %dma_wait3A_476 = tpu.memref_squeeze %dma_wait3A_475 : memref<1x40xi32, #tpu.memory_space<vmem>> -> memref<40xi32, #tpu.memory_space<vmem>>
        %dma_wait3A_477 = arith.constant 0 : i32
        %dma_wait3A_478 = arith.constant 0 : i32
        %dma_wait3A_479 = tpu.memref_slice %arg5[%dma_wait3A_477, %dma_wait3A_478] : memref<10240x128xf32, #tpu.memory_space<vmem_shared>> -> memref<10240x128xf32, #tpu.memory_space<vmem_shared>>
        tpu.wait_indirect_dma semaphore(%run_scoped3A_459 : memref<!tpu.dma_semaphore, #tpu.memory_space<semaphore_mem>>) src(%dma_wait3A_473 : memref<40x128xf32, #tpu.memory_space<vmem>>) dst(%dma_wait3A_479 : memref<10240x128xf32, #tpu.memory_space<vmem_shared>>)
        tpu.yield
      }) : () -> ()
      %add3A_359 = arith.constant 5 : i32
      %add3A_360 = arith.addi %add3A_346, %add3A_359 : i32
      %dma_start3A_361 = arith.constant 1 : i32
      %dma_start3A_362 = arith.constant 0 : i32
      %dma_start3A_363 = arith.constant 0 : i32
      %dma_start3A_364 = tpu.memref_slice %arg8[%dma_start3A_361, %dma_start3A_362, %dma_start3A_363] : memref<5x40x128xf32, #tpu.memory_space<vmem>> -> memref<1x40x128xf32, #tpu.memory_space<vmem>>
      %dma_start3A_365 = tpu.memref_squeeze %dma_start3A_364 : memref<1x40x128xf32, #tpu.memory_space<vmem>> -> memref<40x128xf32, #tpu.memory_space<vmem>>
      %dma_start3A_366 = arith.constant 0 : i32
      %dma_start3A_367 = tpu.memref_slice %arg6[%add3A_360, %dma_start3A_366] : memref<250x40xi32, #tpu.memory_space<vmem>> -> memref<1x40xi32, #tpu.memory_space<vmem>>
      %dma_start3A_368 = tpu.memref_squeeze %dma_start3A_367 : memref<1x40xi32, #tpu.memory_space<vmem>> -> memref<40xi32, #tpu.memory_space<vmem>>
      %dma_start3A_369 = arith.constant 0 : i32
      %dma_start3A_370 = arith.constant 0 : i32
      %dma_start3A_371 = tpu.memref_slice %arg3[%dma_start3A_369, %dma_start3A_370] : memref<10240x128xf32, #tpu.memory_space<hbm>> -> memref<10240x128xf32, #tpu.memory_space<hbm>>
      tpu.enqueue_indirect_dma source(%dma_start3A_371 : memref<10240x128xf32, #tpu.memory_space<hbm>>) target(%dma_start3A_365 : memref<40x128xf32, #tpu.memory_space<vmem>>) offsets(%dma_start3A_368 : memref<40xi32, #tpu.memory_space<vmem>>) semaphore(%arg11 : memref<!tpu.dma_semaphore, #tpu.memory_space<semaphore_mem>>)
      %mul3A_372 = arith.constant 5 : i32
      %mul3A_373 = arith.muli %mul3A_372, %scan3A_313 : i32
      %add3A_374 = arith.constant 2 : i32
      %add3A_375 = arith.addi %mul3A_373, %add3A_374 : i32
      %dma_wait3A_376 = arith.constant 2 : i32
      %dma_wait3A_377 = arith.constant 0 : i32
      %dma_wait3A_378 = arith.constant 0 : i32
      %dma_wait3A_379 = tpu.memref_slice %arg8[%dma_wait3A_376, %dma_wait3A_377, %dma_wait3A_378] : memref<5x40x128xf32, #tpu.memory_space<vmem>> -> memref<1x40x128xf32, #tpu.memory_space<vmem>>
      %dma_wait3A_380 = tpu.memref_squeeze %dma_wait3A_379 : memref<1x40x128xf32, #tpu.memory_space<vmem>> -> memref<40x128xf32, #tpu.memory_space<vmem>>
      %dma_wait3A_381 = arith.constant 0 : i32
      %dma_wait3A_382 = tpu.memref_slice %arg6[%add3A_375, %dma_wait3A_381] : memref<250x40xi32, #tpu.memory_space<vmem>> -> memref<1x40xi32, #tpu.memory_space<vmem>>
      %dma_wait3A_383 = tpu.memref_squeeze %dma_wait3A_382 : memref<1x40xi32, #tpu.memory_space<vmem>> -> memref<40xi32, #tpu.memory_space<vmem>>
      %dma_wait3A_384 = arith.constant 0 : i32
      %dma_wait3A_385 = arith.constant 0 : i32
      %dma_wait3A_386 = tpu.memref_slice %arg3[%dma_wait3A_384, %dma_wait3A_385] : memref<10240x128xf32, #tpu.memory_space<hbm>> -> memref<10240x128xf32, #tpu.memory_space<hbm>>
      tpu.wait_indirect_dma semaphore(%arg12 : memref<!tpu.dma_semaphore, #tpu.memory_space<semaphore_mem>>) src(%dma_wait3A_386 : memref<10240x128xf32, #tpu.memory_space<hbm>>) dst(%dma_wait3A_380 : memref<40x128xf32, #tpu.memory_space<vmem>>)
      %run_scoped3A_387 = arith.constant 2 : i32
      "tpu.region"() ({
        %run_scoped3A_459 = tpu.sem_alloc : memref<!tpu.dma_semaphore, #tpu.memory_space<semaphore_mem>>
        %dma_start3A_460 = arith.constant 0 : i32
        %dma_start3A_461 = arith.constant 0 : i32
        %dma_start3A_462 = tpu.memref_slice %arg8[%run_scoped3A_387, %dma_start3A_460, %dma_start3A_461] : memref<5x40x128xf32, #tpu.memory_space<vmem>> -> memref<1x40x128xf32, #tpu.memory_space<vmem>>
        %dma_start3A_463 = tpu.memref_squeeze %dma_start3A_462 : memref<1x40x128xf32, #tpu.memory_space<vmem>> -> memref<40x128xf32, #tpu.memory_space<vmem>>
        %dma_start3A_464 = arith.constant 0 : i32
        %dma_start3A_465 = tpu.memref_slice %arg7[%add3A_375, %dma_start3A_464] : memref<250x40xi32, #tpu.memory_space<vmem>> -> memref<1x40xi32, #tpu.memory_space<vmem>>
        %dma_start3A_466 = tpu.memref_squeeze %dma_start3A_465 : memref<1x40xi32, #tpu.memory_space<vmem>> -> memref<40xi32, #tpu.memory_space<vmem>>
        %dma_start3A_467 = arith.constant 0 : i32
        %dma_start3A_468 = arith.constant 0 : i32
        %dma_start3A_469 = tpu.memref_slice %arg5[%dma_start3A_467, %dma_start3A_468] : memref<10240x128xf32, #tpu.memory_space<vmem_shared>> -> memref<10240x128xf32, #tpu.memory_space<vmem_shared>>
        tpu.enqueue_indirect_dma source(%dma_start3A_463 : memref<40x128xf32, #tpu.memory_space<vmem>>) target(%dma_start3A_469 : memref<10240x128xf32, #tpu.memory_space<vmem_shared>>) offsets(%dma_start3A_466 : memref<40xi32, #tpu.memory_space<vmem>>) semaphore(%run_scoped3A_459 : memref<!tpu.dma_semaphore, #tpu.memory_space<semaphore_mem>>) {add = true}
        %dma_wait3A_470 = arith.constant 0 : i32
        %dma_wait3A_471 = arith.constant 0 : i32
        %dma_wait3A_472 = tpu.memref_slice %arg8[%run_scoped3A_387, %dma_wait3A_470, %dma_wait3A_471] : memref<5x40x128xf32, #tpu.memory_space<vmem>> -> memref<1x40x128xf32, #tpu.memory_space<vmem>>
        %dma_wait3A_473 = tpu.memref_squeeze %dma_wait3A_472 : memref<1x40x128xf32, #tpu.memory_space<vmem>> -> memref<40x128xf32, #tpu.memory_space<vmem>>
        %dma_wait3A_474 = arith.constant 0 : i32
        %dma_wait3A_475 = tpu.memref_slice %arg7[%add3A_375, %dma_wait3A_474] : memref<250x40xi32, #tpu.memory_space<vmem>> -> memref<1x40xi32, #tpu.memory_space<vmem>>
        %dma_wait3A_476 = tpu.memref_squeeze %dma_wait3A_475 : memref<1x40xi32, #tpu.memory_space<vmem>> -> memref<40xi32, #tpu.memory_space<vmem>>
        %dma_wait3A_477 = arith.constant 0 : i32
        %dma_wait3A_478 = arith.constant 0 : i32
        %dma_wait3A_479 = tpu.memref_slice %arg5[%dma_wait3A_477, %dma_wait3A_478] : memref<10240x128xf32, #tpu.memory_space<vmem_shared>> -> memref<10240x128xf32, #tpu.memory_space<vmem_shared>>
        tpu.wait_indirect_dma semaphore(%run_scoped3A_459 : memref<!tpu.dma_semaphore, #tpu.memory_space<semaphore_mem>>) src(%dma_wait3A_473 : memref<40x128xf32, #tpu.memory_space<vmem>>) dst(%dma_wait3A_479 : memref<10240x128xf32, #tpu.memory_space<vmem_shared>>)
        tpu.yield
      }) : () -> ()
      %add3A_388 = arith.constant 5 : i32
      %add3A_389 = arith.addi %add3A_375, %add3A_388 : i32
      %dma_start3A_390 = arith.constant 2 : i32
      %dma_start3A_391 = arith.constant 0 : i32
      %dma_start3A_392 = arith.constant 0 : i32
      %dma_start3A_393 = tpu.memref_slice %arg8[%dma_start3A_390, %dma_start3A_391, %dma_start3A_392] : memref<5x40x128xf32, #tpu.memory_space<vmem>> -> memref<1x40x128xf32, #tpu.memory_space<vmem>>
      %dma_start3A_394 = tpu.memref_squeeze %dma_start3A_393 : memref<1x40x128xf32, #tpu.memory_space<vmem>> -> memref<40x128xf32, #tpu.memory_space<vmem>>
      %dma_start3A_395 = arith.constant 0 : i32
      %dma_start3A_396 = tpu.memref_slice %arg6[%add3A_389, %dma_start3A_395] : memref<250x40xi32, #tpu.memory_space<vmem>> -> memref<1x40xi32, #tpu.memory_space<vmem>>
      %dma_start3A_397 = tpu.memref_squeeze %dma_start3A_396 : memref<1x40xi32, #tpu.memory_space<vmem>> -> memref<40xi32, #tpu.memory_space<vmem>>
      %dma_start3A_398 = arith.constant 0 : i32
      %dma_start3A_399 = arith.constant 0 : i32
      %dma_start3A_400 = tpu.memref_slice %arg3[%dma_start3A_398, %dma_start3A_399] : memref<10240x128xf32, #tpu.memory_space<hbm>> -> memref<10240x128xf32, #tpu.memory_space<hbm>>
      tpu.enqueue_indirect_dma source(%dma_start3A_400 : memref<10240x128xf32, #tpu.memory_space<hbm>>) target(%dma_start3A_394 : memref<40x128xf32, #tpu.memory_space<vmem>>) offsets(%dma_start3A_397 : memref<40xi32, #tpu.memory_space<vmem>>) semaphore(%arg12 : memref<!tpu.dma_semaphore, #tpu.memory_space<semaphore_mem>>)
      %mul3A_401 = arith.constant 5 : i32
      %mul3A_402 = arith.muli %mul3A_401, %scan3A_313 : i32
      %add3A_403 = arith.constant 3 : i32
      %add3A_404 = arith.addi %mul3A_402, %add3A_403 : i32
      %dma_wait3A_405 = arith.constant 3 : i32
      %dma_wait3A_406 = arith.constant 0 : i32
      %dma_wait3A_407 = arith.constant 0 : i32
      %dma_wait3A_408 = tpu.memref_slice %arg8[%dma_wait3A_405, %dma_wait3A_406, %dma_wait3A_407] : memref<5x40x128xf32, #tpu.memory_space<vmem>> -> memref<1x40x128xf32, #tpu.memory_space<vmem>>
      %dma_wait3A_409 = tpu.memref_squeeze %dma_wait3A_408 : memref<1x40x128xf32, #tpu.memory_space<vmem>> -> memref<40x128xf32, #tpu.memory_space<vmem>>
      %dma_wait3A_410 = arith.constant 0 : i32
      %dma_wait3A_411 = tpu.memref_slice %arg6[%add3A_404, %dma_wait3A_410] : memref<250x40xi32, #tpu.memory_space<vmem>> -> memref<1x40xi32, #tpu.memory_space<vmem>>
      %dma_wait3A_412 = tpu.memref_squeeze %dma_wait3A_411 : memref<1x40xi32, #tpu.memory_space<vmem>> -> memref<40xi32, #tpu.memory_space<vmem>>
      %dma_wait3A_413 = arith.constant 0 : i32
      %dma_wait3A_414 = arith.constant 0 : i32
      %dma_wait3A_415 = tpu.memref_slice %arg3[%dma_wait3A_413, %dma_wait3A_414] : memref<10240x128xf32, #tpu.memory_space<hbm>> -> memref<10240x128xf32, #tpu.memory_space<hbm>>
      tpu.wait_indirect_dma semaphore(%arg13 : memref<!tpu.dma_semaphore, #tpu.memory_space<semaphore_mem>>) src(%dma_wait3A_415 : memref<10240x128xf32, #tpu.memory_space<hbm>>) dst(%dma_wait3A_409 : memref<40x128xf32, #tpu.memory_space<vmem>>)
      %run_scoped3A_416 = arith.constant 3 : i32
      "tpu.region"() ({
        %run_scoped3A_459 = tpu.sem_alloc : memref<!tpu.dma_semaphore, #tpu.memory_space<semaphore_mem>>
        %dma_start3A_460 = arith.constant 0 : i32
        %dma_start3A_461 = arith.constant 0 : i32
        %dma_start3A_462 = tpu.memref_slice %arg8[%run_scoped3A_416, %dma_start3A_460, %dma_start3A_461] : memref<5x40x128xf32, #tpu.memory_space<vmem>> -> memref<1x40x128xf32, #tpu.memory_space<vmem>>
        %dma_start3A_463 = tpu.memref_squeeze %dma_start3A_462 : memref<1x40x128xf32, #tpu.memory_space<vmem>> -> memref<40x128xf32, #tpu.memory_space<vmem>>
        %dma_start3A_464 = arith.constant 0 : i32
        %dma_start3A_465 = tpu.memref_slice %arg7[%add3A_404, %dma_start3A_464] : memref<250x40xi32, #tpu.memory_space<vmem>> -> memref<1x40xi32, #tpu.memory_space<vmem>>
        %dma_start3A_466 = tpu.memref_squeeze %dma_start3A_465 : memref<1x40xi32, #tpu.memory_space<vmem>> -> memref<40xi32, #tpu.memory_space<vmem>>
        %dma_start3A_467 = arith.constant 0 : i32
        %dma_start3A_468 = arith.constant 0 : i32
        %dma_start3A_469 = tpu.memref_slice %arg5[%dma_start3A_467, %dma_start3A_468] : memref<10240x128xf32, #tpu.memory_space<vmem_shared>> -> memref<10240x128xf32, #tpu.memory_space<vmem_shared>>
        tpu.enqueue_indirect_dma source(%dma_start3A_463 : memref<40x128xf32, #tpu.memory_space<vmem>>) target(%dma_start3A_469 : memref<10240x128xf32, #tpu.memory_space<vmem_shared>>) offsets(%dma_start3A_466 : memref<40xi32, #tpu.memory_space<vmem>>) semaphore(%run_scoped3A_459 : memref<!tpu.dma_semaphore, #tpu.memory_space<semaphore_mem>>) {add = true}
        %dma_wait3A_470 = arith.constant 0 : i32
        %dma_wait3A_471 = arith.constant 0 : i32
        %dma_wait3A_472 = tpu.memref_slice %arg8[%run_scoped3A_416, %dma_wait3A_470, %dma_wait3A_471] : memref<5x40x128xf32, #tpu.memory_space<vmem>> -> memref<1x40x128xf32, #tpu.memory_space<vmem>>
        %dma_wait3A_473 = tpu.memref_squeeze %dma_wait3A_472 : memref<1x40x128xf32, #tpu.memory_space<vmem>> -> memref<40x128xf32, #tpu.memory_space<vmem>>
        %dma_wait3A_474 = arith.constant 0 : i32
        %dma_wait3A_475 = tpu.memref_slice %arg7[%add3A_404, %dma_wait3A_474] : memref<250x40xi32, #tpu.memory_space<vmem>> -> memref<1x40xi32, #tpu.memory_space<vmem>>
        %dma_wait3A_476 = tpu.memref_squeeze %dma_wait3A_475 : memref<1x40xi32, #tpu.memory_space<vmem>> -> memref<40xi32, #tpu.memory_space<vmem>>
        %dma_wait3A_477 = arith.constant 0 : i32
        %dma_wait3A_478 = arith.constant 0 : i32
        %dma_wait3A_479 = tpu.memref_slice %arg5[%dma_wait3A_477, %dma_wait3A_478] : memref<10240x128xf32, #tpu.memory_space<vmem_shared>> -> memref<10240x128xf32, #tpu.memory_space<vmem_shared>>
        tpu.wait_indirect_dma semaphore(%run_scoped3A_459 : memref<!tpu.dma_semaphore, #tpu.memory_space<semaphore_mem>>) src(%dma_wait3A_473 : memref<40x128xf32, #tpu.memory_space<vmem>>) dst(%dma_wait3A_479 : memref<10240x128xf32, #tpu.memory_space<vmem_shared>>)
        tpu.yield
      }) : () -> ()
      %add3A_417 = arith.constant 5 : i32
      %add3A_418 = arith.addi %add3A_404, %add3A_417 : i32
      %dma_start3A_419 = arith.constant 3 : i32
      %dma_start3A_420 = arith.constant 0 : i32
      %dma_start3A_421 = arith.constant 0 : i32
      %dma_start3A_422 = tpu.memref_slice %arg8[%dma_start3A_419, %dma_start3A_420, %dma_start3A_421] : memref<5x40x128xf32, #tpu.memory_space<vmem>> -> memref<1x40x128xf32, #tpu.memory_space<vmem>>
      %dma_start3A_423 = tpu.memref_squeeze %dma_start3A_422 : memref<1x40x128xf32, #tpu.memory_space<vmem>> -> memref<40x128xf32, #tpu.memory_space<vmem>>
      %dma_start3A_424 = arith.constant 0 : i32
      %dma_start3A_425 = tpu.memref_slice %arg6[%add3A_418, %dma_start3A_424] : memref<250x40xi32, #tpu.memory_space<vmem>> -> memref<1x40xi32, #tpu.memory_space<vmem>>
      %dma_start3A_426 = tpu.memref_squeeze %dma_start3A_425 : memref<1x40xi32, #tpu.memory_space<vmem>> -> memref<40xi32, #tpu.memory_space<vmem>>
      %dma_start3A_427 = arith.constant 0 : i32
      %dma_start3A_428 = arith.constant 0 : i32
      %dma_start3A_429 = tpu.memref_slice %arg3[%dma_start3A_427, %dma_start3A_428] : memref<10240x128xf32, #tpu.memory_space<hbm>> -> memref<10240x128xf32, #tpu.memory_space<hbm>>
      tpu.enqueue_indirect_dma source(%dma_start3A_429 : memref<10240x128xf32, #tpu.memory_space<hbm>>) target(%dma_start3A_423 : memref<40x128xf32, #tpu.memory_space<vmem>>) offsets(%dma_start3A_426 : memref<40xi32, #tpu.memory_space<vmem>>) semaphore(%arg13 : memref<!tpu.dma_semaphore, #tpu.memory_space<semaphore_mem>>)
      %mul3A_430 = arith.constant 5 : i32
      %mul3A_431 = arith.muli %mul3A_430, %scan3A_313 : i32
      %add3A_432 = arith.constant 4 : i32
      %add3A_433 = arith.addi %mul3A_431, %add3A_432 : i32
      %dma_wait3A_434 = arith.constant 4 : i32
      %dma_wait3A_435 = arith.constant 0 : i32
      %dma_wait3A_436 = arith.constant 0 : i32
      %dma_wait3A_437 = tpu.memref_slice %arg8[%dma_wait3A_434, %dma_wait3A_435, %dma_wait3A_436] : memref<5x40x128xf32, #tpu.memory_space<vmem>> -> memref<1x40x128xf32, #tpu.memory_space<vmem>>
      %dma_wait3A_438 = tpu.memref_squeeze %dma_wait3A_437 : memref<1x40x128xf32, #tpu.memory_space<vmem>> -> memref<40x128xf32, #tpu.memory_space<vmem>>
      %dma_wait3A_439 = arith.constant 0 : i32
      %dma_wait3A_440 = tpu.memref_slice %arg6[%add3A_433, %dma_wait3A_439] : memref<250x40xi32, #tpu.memory_space<vmem>> -> memref<1x40xi32, #tpu.memory_space<vmem>>
      %dma_wait3A_441 = tpu.memref_squeeze %dma_wait3A_440 : memref<1x40xi32, #tpu.memory_space<vmem>> -> memref<40xi32, #tpu.memory_space<vmem>>
      %dma_wait3A_442 = arith.constant 0 : i32
      %dma_wait3A_443 = arith.constant 0 : i32
      %dma_wait3A_444 = tpu.memref_slice %arg3[%dma_wait3A_442, %dma_wait3A_443] : memref<10240x128xf32, #tpu.memory_space<hbm>> -> memref<10240x128xf32, #tpu.memory_space<hbm>>
      tpu.wait_indirect_dma semaphore(%arg14 : memref<!tpu.dma_semaphore, #tpu.memory_space<semaphore_mem>>) src(%dma_wait3A_444 : memref<10240x128xf32, #tpu.memory_space<hbm>>) dst(%dma_wait3A_438 : memref<40x128xf32, #tpu.memory_space<vmem>>)
      %run_scoped3A_445 = arith.constant 4 : i32
      "tpu.region"() ({
        %run_scoped3A_459 = tpu.sem_alloc : memref<!tpu.dma_semaphore, #tpu.memory_space<semaphore_mem>>
        %dma_start3A_460 = arith.constant 0 : i32
        %dma_start3A_461 = arith.constant 0 : i32
        %dma_start3A_462 = tpu.memref_slice %arg8[%run_scoped3A_445, %dma_start3A_460, %dma_start3A_461] : memref<5x40x128xf32, #tpu.memory_space<vmem>> -> memref<1x40x128xf32, #tpu.memory_space<vmem>>
        %dma_start3A_463 = tpu.memref_squeeze %dma_start3A_462 : memref<1x40x128xf32, #tpu.memory_space<vmem>> -> memref<40x128xf32, #tpu.memory_space<vmem>>
        %dma_start3A_464 = arith.constant 0 : i32
        %dma_start3A_465 = tpu.memref_slice %arg7[%add3A_433, %dma_start3A_464] : memref<250x40xi32, #tpu.memory_space<vmem>> -> memref<1x40xi32, #tpu.memory_space<vmem>>
        %dma_start3A_466 = tpu.memref_squeeze %dma_start3A_465 : memref<1x40xi32, #tpu.memory_space<vmem>> -> memref<40xi32, #tpu.memory_space<vmem>>
        %dma_start3A_467 = arith.constant 0 : i32
        %dma_start3A_468 = arith.constant 0 : i32
        %dma_start3A_469 = tpu.memref_slice %arg5[%dma_start3A_467, %dma_start3A_468] : memref<10240x128xf32, #tpu.memory_space<vmem_shared>> -> memref<10240x128xf32, #tpu.memory_space<vmem_shared>>
        tpu.enqueue_indirect_dma source(%dma_start3A_463 : memref<40x128xf32, #tpu.memory_space<vmem>>) target(%dma_start3A_469 : memref<10240x128xf32, #tpu.memory_space<vmem_shared>>) offsets(%dma_start3A_466 : memref<40xi32, #tpu.memory_space<vmem>>) semaphore(%run_scoped3A_459 : memref<!tpu.dma_semaphore, #tpu.memory_space<semaphore_mem>>) {add = true}
        %dma_wait3A_470 = arith.constant 0 : i32
        %dma_wait3A_471 = arith.constant 0 : i32
        %dma_wait3A_472 = tpu.memref_slice %arg8[%run_scoped3A_445, %dma_wait3A_470, %dma_wait3A_471] : memref<5x40x128xf32, #tpu.memory_space<vmem>> -> memref<1x40x128xf32, #tpu.memory_space<vmem>>
        %dma_wait3A_473 = tpu.memref_squeeze %dma_wait3A_472 : memref<1x40x128xf32, #tpu.memory_space<vmem>> -> memref<40x128xf32, #tpu.memory_space<vmem>>
        %dma_wait3A_474 = arith.constant 0 : i32
        %dma_wait3A_475 = tpu.memref_slice %arg7[%add3A_433, %dma_wait3A_474] : memref<250x40xi32, #tpu.memory_space<vmem>> -> memref<1x40xi32, #tpu.memory_space<vmem>>
        %dma_wait3A_476 = tpu.memref_squeeze %dma_wait3A_475 : memref<1x40xi32, #tpu.memory_space<vmem>> -> memref<40xi32, #tpu.memory_space<vmem>>
        %dma_wait3A_477 = arith.constant 0 : i32
        %dma_wait3A_478 = arith.constant 0 : i32
        %dma_wait3A_479 = tpu.memref_slice %arg5[%dma_wait3A_477, %dma_wait3A_478] : memref<10240x128xf32, #tpu.memory_space<vmem_shared>> -> memref<10240x128xf32, #tpu.memory_space<vmem_shared>>
        tpu.wait_indirect_dma semaphore(%run_scoped3A_459 : memref<!tpu.dma_semaphore, #tpu.memory_space<semaphore_mem>>) src(%dma_wait3A_473 : memref<40x128xf32, #tpu.memory_space<vmem>>) dst(%dma_wait3A_479 : memref<10240x128xf32, #tpu.memory_space<vmem_shared>>)
        tpu.yield
      }) : () -> ()
      %add3A_446 = arith.constant 5 : i32
      %add3A_447 = arith.addi %add3A_433, %add3A_446 : i32
      %dma_start3A_448 = arith.constant 4 : i32
      %dma_start3A_449 = arith.constant 0 : i32
      %dma_start3A_450 = arith.constant 0 : i32
      %dma_start3A_451 = tpu.memref_slice %arg8[%dma_start3A_448, %dma_start3A_449, %dma_start3A_450] : memref<5x40x128xf32, #tpu.memory_space<vmem>> -> memref<1x40x128xf32, #tpu.memory_space<vmem>>
      %dma_start3A_452 = tpu.memref_squeeze %dma_start3A_451 : memref<1x40x128xf32, #tpu.memory_space<vmem>> -> memref<40x128xf32, #tpu.memory_space<vmem>>
      %dma_start3A_453 = arith.constant 0 : i32
      %dma_start3A_454 = tpu.memref_slice %arg6[%add3A_447, %dma_start3A_453] : memref<250x40xi32, #tpu.memory_space<vmem>> -> memref<1x40xi32, #tpu.memory_space<vmem>>
      %dma_start3A_455 = tpu.memref_squeeze %dma_start3A_454 : memref<1x40xi32, #tpu.memory_space<vmem>> -> memref<40xi32, #tpu.memory_space<vmem>>
      %dma_start3A_456 = arith.constant 0 : i32
      %dma_start3A_457 = arith.constant 0 : i32
      %dma_start3A_458 = tpu.memref_slice %arg3[%dma_start3A_456, %dma_start3A_457] : memref<10240x128xf32, #tpu.memory_space<hbm>> -> memref<10240x128xf32, #tpu.memory_space<hbm>>
      tpu.enqueue_indirect_dma source(%dma_start3A_458 : memref<10240x128xf32, #tpu.memory_space<hbm>>) target(%dma_start3A_452 : memref<40x128xf32, #tpu.memory_space<vmem>>) offsets(%dma_start3A_455 : memref<40xi32, #tpu.memory_space<vmem>>) semaphore(%arg14 : memref<!tpu.dma_semaphore, #tpu.memory_space<semaphore_mem>>)
    }
    %scan3A_235 = arith.constant 49 : i32
    %dma_wait3A = arith.constant 245 : i32
    %dma_wait3A_236 = arith.constant 0 : i32
    %dma_wait3A_237 = arith.constant 0 : i32
    %dma_wait3A_238 = arith.constant 0 : i32
    %dma_wait3A_239 = tpu.memref_slice %arg8[%dma_wait3A_236, %dma_wait3A_237, %dma_wait3A_238] : memref<5x40x128xf32, #tpu.memory_space<vmem>> -> memref<1x40x128xf32, #tpu.memory_space<vmem>>
    %dma_wait3A_240 = tpu.memref_squeeze %dma_wait3A_239 : memref<1x40x128xf32, #tpu.memory_space<vmem>> -> memref<40x128xf32, #tpu.memory_space<vmem>>
    %dma_wait3A_241 = arith.constant 0 : i32
    %dma_wait3A_242 = tpu.memref_slice %arg6[%dma_wait3A, %dma_wait3A_241] : memref<250x40xi32, #tpu.memory_space<vmem>> -> memref<1x40xi32, #tpu.memory_space<vmem>>
    %dma_wait3A_243 = tpu.memref_squeeze %dma_wait3A_242 : memref<1x40xi32, #tpu.memory_space<vmem>> -> memref<40xi32, #tpu.memory_space<vmem>>
    %dma_wait3A_244 = arith.constant 0 : i32
    %dma_wait3A_245 = arith.constant 0 : i32
    %dma_wait3A_246 = tpu.memref_slice %arg3[%dma_wait3A_244, %dma_wait3A_245] : memref<10240x128xf32, #tpu.memory_space<hbm>> -> memref<10240x128xf32, #tpu.memory_space<hbm>>
    tpu.wait_indirect_dma semaphore(%arg10 : memref<!tpu.dma_semaphore, #tpu.memory_space<semaphore_mem>>) src(%dma_wait3A_246 : memref<10240x128xf32, #tpu.memory_space<hbm>>) dst(%dma_wait3A_240 : memref<40x128xf32, #tpu.memory_space<vmem>>)
    %run_scoped3A_247 = arith.constant 0 : i32
    %run_scoped3A_248 = arith.constant 245 : i32
    "tpu.region"() ({
      %run_scoped3A_313 = tpu.sem_alloc : memref<!tpu.dma_semaphore, #tpu.memory_space<semaphore_mem>>
      %dma_start3A_314 = arith.constant 0 : i32
      %dma_start3A_315 = arith.constant 0 : i32
      %dma_start3A_316 = tpu.memref_slice %arg8[%run_scoped3A_247, %dma_start3A_314, %dma_start3A_315] : memref<5x40x128xf32, #tpu.memory_space<vmem>> -> memref<1x40x128xf32, #tpu.memory_space<vmem>>
      %dma_start3A_317 = tpu.memref_squeeze %dma_start3A_316 : memref<1x40x128xf32, #tpu.memory_space<vmem>> -> memref<40x128xf32, #tpu.memory_space<vmem>>
      %dma_start3A_318 = arith.constant 0 : i32
      %dma_start3A_319 = tpu.memref_slice %arg7[%run_scoped3A_248, %dma_start3A_318] : memref<250x40xi32, #tpu.memory_space<vmem>> -> memref<1x40xi32, #tpu.memory_space<vmem>>
      %dma_start3A_320 = tpu.memref_squeeze %dma_start3A_319 : memref<1x40xi32, #tpu.memory_space<vmem>> -> memref<40xi32, #tpu.memory_space<vmem>>
      %dma_start3A_321 = arith.constant 0 : i32
      %dma_start3A_322 = arith.constant 0 : i32
      %dma_start3A_323 = tpu.memref_slice %arg5[%dma_start3A_321, %dma_start3A_322] : memref<10240x128xf32, #tpu.memory_space<vmem_shared>> -> memref<10240x128xf32, #tpu.memory_space<vmem_shared>>
      tpu.enqueue_indirect_dma source(%dma_start3A_317 : memref<40x128xf32, #tpu.memory_space<vmem>>) target(%dma_start3A_323 : memref<10240x128xf32, #tpu.memory_space<vmem_shared>>) offsets(%dma_start3A_320 : memref<40xi32, #tpu.memory_space<vmem>>) semaphore(%run_scoped3A_313 : memref<!tpu.dma_semaphore, #tpu.memory_space<semaphore_mem>>) {add = true}
      %dma_wait3A_324 = arith.constant 0 : i32
      %dma_wait3A_325 = arith.constant 0 : i32
      %dma_wait3A_326 = tpu.memref_slice %arg8[%run_scoped3A_247, %dma_wait3A_324, %dma_wait3A_325] : memref<5x40x128xf32, #tpu.memory_space<vmem>> -> memref<1x40x128xf32, #tpu.memory_space<vmem>>
      %dma_wait3A_327 = tpu.memref_squeeze %dma_wait3A_326 : memref<1x40x128xf32, #tpu.memory_space<vmem>> -> memref<40x128xf32, #tpu.memory_space<vmem>>
      %dma_wait3A_328 = arith.constant 0 : i32
      %dma_wait3A_329 = tpu.memref_slice %arg7[%run_scoped3A_248, %dma_wait3A_328] : memref<250x40xi32, #tpu.memory_space<vmem>> -> memref<1x40xi32, #tpu.memory_space<vmem>>
      %dma_wait3A_330 = tpu.memref_squeeze %dma_wait3A_329 : memref<1x40xi32, #tpu.memory_space<vmem>> -> memref<40xi32, #tpu.memory_space<vmem>>
      %dma_wait3A_331 = arith.constant 0 : i32
      %dma_wait3A_332 = arith.constant 0 : i32
      %dma_wait3A_333 = tpu.memref_slice %arg5[%dma_wait3A_331, %dma_wait3A_332] : memref<10240x128xf32, #tpu.memory_space<vmem_shared>> -> memref<10240x128xf32, #tpu.memory_space<vmem_shared>>
      tpu.wait_indirect_dma semaphore(%run_scoped3A_313 : memref<!tpu.dma_semaphore, #tpu.memory_space<semaphore_mem>>) src(%dma_wait3A_327 : memref<40x128xf32, #tpu.memory_space<vmem>>) dst(%dma_wait3A_333 : memref<10240x128xf32, #tpu.memory_space<vmem_shared>>)
      tpu.yield
    }) : () -> ()
    %dma_wait3A_249 = arith.constant 246 : i32
    %dma_wait3A_250 = arith.constant 1 : i32
    %dma_wait3A_251 = arith.constant 0 : i32
    %dma_wait3A_252 = arith.constant 0 : i32
    %dma_wait3A_253 = tpu.memref_slice %arg8[%dma_wait3A_250, %dma_wait3A_251, %dma_wait3A_252] : memref<5x40x128xf32, #tpu.memory_space<vmem>> -> memref<1x40x128xf32, #tpu.memory_space<vmem>>
    %dma_wait3A_254 = tpu.memref_squeeze %dma_wait3A_253 : memref<1x40x128xf32, #tpu.memory_space<vmem>> -> memref<40x128xf32, #tpu.memory_space<vmem>>
    %dma_wait3A_255 = arith.constant 0 : i32
    %dma_wait3A_256 = tpu.memref_slice %arg6[%dma_wait3A_249, %dma_wait3A_255] : memref<250x40xi32, #tpu.memory_space<vmem>> -> memref<1x40xi32, #tpu.memory_space<vmem>>
    %dma_wait3A_257 = tpu.memref_squeeze %dma_wait3A_256 : memref<1x40xi32, #tpu.memory_space<vmem>> -> memref<40xi32, #tpu.memory_space<vmem>>
    %dma_wait3A_258 = arith.constant 0 : i32
    %dma_wait3A_259 = arith.constant 0 : i32
    %dma_wait3A_260 = tpu.memref_slice %arg3[%dma_wait3A_258, %dma_wait3A_259] : memref<10240x128xf32, #tpu.memory_space<hbm>> -> memref<10240x128xf32, #tpu.memory_space<hbm>>
    tpu.wait_indirect_dma semaphore(%arg11 : memref<!tpu.dma_semaphore, #tpu.memory_space<semaphore_mem>>) src(%dma_wait3A_260 : memref<10240x128xf32, #tpu.memory_space<hbm>>) dst(%dma_wait3A_254 : memref<40x128xf32, #tpu.memory_space<vmem>>)
    %run_scoped3A_261 = arith.constant 1 : i32
    %run_scoped3A_262 = arith.constant 246 : i32
    "tpu.region"() ({
      %run_scoped3A_313 = tpu.sem_alloc : memref<!tpu.dma_semaphore, #tpu.memory_space<semaphore_mem>>
      %dma_start3A_314 = arith.constant 0 : i32
      %dma_start3A_315 = arith.constant 0 : i32
      %dma_start3A_316 = tpu.memref_slice %arg8[%run_scoped3A_261, %dma_start3A_314, %dma_start3A_315] : memref<5x40x128xf32, #tpu.memory_space<vmem>> -> memref<1x40x128xf32, #tpu.memory_space<vmem>>
      %dma_start3A_317 = tpu.memref_squeeze %dma_start3A_316 : memref<1x40x128xf32, #tpu.memory_space<vmem>> -> memref<40x128xf32, #tpu.memory_space<vmem>>
      %dma_start3A_318 = arith.constant 0 : i32
      %dma_start3A_319 = tpu.memref_slice %arg7[%run_scoped3A_262, %dma_start3A_318] : memref<250x40xi32, #tpu.memory_space<vmem>> -> memref<1x40xi32, #tpu.memory_space<vmem>>
      %dma_start3A_320 = tpu.memref_squeeze %dma_start3A_319 : memref<1x40xi32, #tpu.memory_space<vmem>> -> memref<40xi32, #tpu.memory_space<vmem>>
      %dma_start3A_321 = arith.constant 0 : i32
      %dma_start3A_322 = arith.constant 0 : i32
      %dma_start3A_323 = tpu.memref_slice %arg5[%dma_start3A_321, %dma_start3A_322] : memref<10240x128xf32, #tpu.memory_space<vmem_shared>> -> memref<10240x128xf32, #tpu.memory_space<vmem_shared>>
      tpu.enqueue_indirect_dma source(%dma_start3A_317 : memref<40x128xf32, #tpu.memory_space<vmem>>) target(%dma_start3A_323 : memref<10240x128xf32, #tpu.memory_space<vmem_shared>>) offsets(%dma_start3A_320 : memref<40xi32, #tpu.memory_space<vmem>>) semaphore(%run_scoped3A_313 : memref<!tpu.dma_semaphore, #tpu.memory_space<semaphore_mem>>) {add = true}
      %dma_wait3A_324 = arith.constant 0 : i32
      %dma_wait3A_325 = arith.constant 0 : i32
      %dma_wait3A_326 = tpu.memref_slice %arg8[%run_scoped3A_261, %dma_wait3A_324, %dma_wait3A_325] : memref<5x40x128xf32, #tpu.memory_space<vmem>> -> memref<1x40x128xf32, #tpu.memory_space<vmem>>
      %dma_wait3A_327 = tpu.memref_squeeze %dma_wait3A_326 : memref<1x40x128xf32, #tpu.memory_space<vmem>> -> memref<40x128xf32, #tpu.memory_space<vmem>>
      %dma_wait3A_328 = arith.constant 0 : i32
      %dma_wait3A_329 = tpu.memref_slice %arg7[%run_scoped3A_262, %dma_wait3A_328] : memref<250x40xi32, #tpu.memory_space<vmem>> -> memref<1x40xi32, #tpu.memory_space<vmem>>
      %dma_wait3A_330 = tpu.memref_squeeze %dma_wait3A_329 : memref<1x40xi32, #tpu.memory_space<vmem>> -> memref<40xi32, #tpu.memory_space<vmem>>
      %dma_wait3A_331 = arith.constant 0 : i32
      %dma_wait3A_332 = arith.constant 0 : i32
      %dma_wait3A_333 = tpu.memref_slice %arg5[%dma_wait3A_331, %dma_wait3A_332] : memref<10240x128xf32, #tpu.memory_space<vmem_shared>> -> memref<10240x128xf32, #tpu.memory_space<vmem_shared>>
      tpu.wait_indirect_dma semaphore(%run_scoped3A_313 : memref<!tpu.dma_semaphore, #tpu.memory_space<semaphore_mem>>) src(%dma_wait3A_327 : memref<40x128xf32, #tpu.memory_space<vmem>>) dst(%dma_wait3A_333 : memref<10240x128xf32, #tpu.memory_space<vmem_shared>>)
      tpu.yield
    }) : () -> ()
    %dma_wait3A_263 = arith.constant 247 : i32
    %dma_wait3A_264 = arith.constant 2 : i32
    %dma_wait3A_265 = arith.constant 0 : i32
    %dma_wait3A_266 = arith.constant 0 : i32
    %dma_wait3A_267 = tpu.memref_slice %arg8[%dma_wait3A_264, %dma_wait3A_265, %dma_wait3A_266] : memref<5x40x128xf32, #tpu.memory_space<vmem>> -> memref<1x40x128xf32, #tpu.memory_space<vmem>>
    %dma_wait3A_268 = tpu.memref_squeeze %dma_wait3A_267 : memref<1x40x128xf32, #tpu.memory_space<vmem>> -> memref<40x128xf32, #tpu.memory_space<vmem>>
    %dma_wait3A_269 = arith.constant 0 : i32
    %dma_wait3A_270 = tpu.memref_slice %arg6[%dma_wait3A_263, %dma_wait3A_269] : memref<250x40xi32, #tpu.memory_space<vmem>> -> memref<1x40xi32, #tpu.memory_space<vmem>>
    %dma_wait3A_271 = tpu.memref_squeeze %dma_wait3A_270 : memref<1x40xi32, #tpu.memory_space<vmem>> -> memref<40xi32, #tpu.memory_space<vmem>>
    %dma_wait3A_272 = arith.constant 0 : i32
    %dma_wait3A_273 = arith.constant 0 : i32
    %dma_wait3A_274 = tpu.memref_slice %arg3[%dma_wait3A_272, %dma_wait3A_273] : memref<10240x128xf32, #tpu.memory_space<hbm>> -> memref<10240x128xf32, #tpu.memory_space<hbm>>
    tpu.wait_indirect_dma semaphore(%arg12 : memref<!tpu.dma_semaphore, #tpu.memory_space<semaphore_mem>>) src(%dma_wait3A_274 : memref<10240x128xf32, #tpu.memory_space<hbm>>) dst(%dma_wait3A_268 : memref<40x128xf32, #tpu.memory_space<vmem>>)
    %run_scoped3A_275 = arith.constant 2 : i32
    %run_scoped3A_276 = arith.constant 247 : i32
    "tpu.region"() ({
      %run_scoped3A_313 = tpu.sem_alloc : memref<!tpu.dma_semaphore, #tpu.memory_space<semaphore_mem>>
      %dma_start3A_314 = arith.constant 0 : i32
      %dma_start3A_315 = arith.constant 0 : i32
      %dma_start3A_316 = tpu.memref_slice %arg8[%run_scoped3A_275, %dma_start3A_314, %dma_start3A_315] : memref<5x40x128xf32, #tpu.memory_space<vmem>> -> memref<1x40x128xf32, #tpu.memory_space<vmem>>
      %dma_start3A_317 = tpu.memref_squeeze %dma_start3A_316 : memref<1x40x128xf32, #tpu.memory_space<vmem>> -> memref<40x128xf32, #tpu.memory_space<vmem>>
      %dma_start3A_318 = arith.constant 0 : i32
      %dma_start3A_319 = tpu.memref_slice %arg7[%run_scoped3A_276, %dma_start3A_318] : memref<250x40xi32, #tpu.memory_space<vmem>> -> memref<1x40xi32, #tpu.memory_space<vmem>>
      %dma_start3A_320 = tpu.memref_squeeze %dma_start3A_319 : memref<1x40xi32, #tpu.memory_space<vmem>> -> memref<40xi32, #tpu.memory_space<vmem>>
      %dma_start3A_321 = arith.constant 0 : i32
      %dma_start3A_322 = arith.constant 0 : i32
      %dma_start3A_323 = tpu.memref_slice %arg5[%dma_start3A_321, %dma_start3A_322] : memref<10240x128xf32, #tpu.memory_space<vmem_shared>> -> memref<10240x128xf32, #tpu.memory_space<vmem_shared>>
      tpu.enqueue_indirect_dma source(%dma_start3A_317 : memref<40x128xf32, #tpu.memory_space<vmem>>) target(%dma_start3A_323 : memref<10240x128xf32, #tpu.memory_space<vmem_shared>>) offsets(%dma_start3A_320 : memref<40xi32, #tpu.memory_space<vmem>>) semaphore(%run_scoped3A_313 : memref<!tpu.dma_semaphore, #tpu.memory_space<semaphore_mem>>) {add = true}
      %dma_wait3A_324 = arith.constant 0 : i32
      %dma_wait3A_325 = arith.constant 0 : i32
      %dma_wait3A_326 = tpu.memref_slice %arg8[%run_scoped3A_275, %dma_wait3A_324, %dma_wait3A_325] : memref<5x40x128xf32, #tpu.memory_space<vmem>> -> memref<1x40x128xf32, #tpu.memory_space<vmem>>
      %dma_wait3A_327 = tpu.memref_squeeze %dma_wait3A_326 : memref<1x40x128xf32, #tpu.memory_space<vmem>> -> memref<40x128xf32, #tpu.memory_space<vmem>>
      %dma_wait3A_328 = arith.constant 0 : i32
      %dma_wait3A_329 = tpu.memref_slice %arg7[%run_scoped3A_276, %dma_wait3A_328] : memref<250x40xi32, #tpu.memory_space<vmem>> -> memref<1x40xi32, #tpu.memory_space<vmem>>
      %dma_wait3A_330 = tpu.memref_squeeze %dma_wait3A_329 : memref<1x40xi32, #tpu.memory_space<vmem>> -> memref<40xi32, #tpu.memory_space<vmem>>
      %dma_wait3A_331 = arith.constant 0 : i32
      %dma_wait3A_332 = arith.constant 0 : i32
      %dma_wait3A_333 = tpu.memref_slice %arg5[%dma_wait3A_331, %dma_wait3A_332] : memref<10240x128xf32, #tpu.memory_space<vmem_shared>> -> memref<10240x128xf32, #tpu.memory_space<vmem_shared>>
      tpu.wait_indirect_dma semaphore(%run_scoped3A_313 : memref<!tpu.dma_semaphore, #tpu.memory_space<semaphore_mem>>) src(%dma_wait3A_327 : memref<40x128xf32, #tpu.memory_space<vmem>>) dst(%dma_wait3A_333 : memref<10240x128xf32, #tpu.memory_space<vmem_shared>>)
      tpu.yield
    }) : () -> ()
    %dma_wait3A_277 = arith.constant 248 : i32
    %dma_wait3A_278 = arith.constant 3 : i32
    %dma_wait3A_279 = arith.constant 0 : i32
    %dma_wait3A_280 = arith.constant 0 : i32
    %dma_wait3A_281 = tpu.memref_slice %arg8[%dma_wait3A_278, %dma_wait3A_279, %dma_wait3A_280] : memref<5x40x128xf32, #tpu.memory_space<vmem>> -> memref<1x40x128xf32, #tpu.memory_space<vmem>>
    %dma_wait3A_282 = tpu.memref_squeeze %dma_wait3A_281 : memref<1x40x128xf32, #tpu.memory_space<vmem>> -> memref<40x128xf32, #tpu.memory_space<vmem>>
    %dma_wait3A_283 = arith.constant 0 : i32
    %dma_wait3A_284 = tpu.memref_slice %arg6[%dma_wait3A_277, %dma_wait3A_283] : memref<250x40xi32, #tpu.memory_space<vmem>> -> memref<1x40xi32, #tpu.memory_space<vmem>>
    %dma_wait3A_285 = tpu.memref_squeeze %dma_wait3A_284 : memref<1x40xi32, #tpu.memory_space<vmem>> -> memref<40xi32, #tpu.memory_space<vmem>>
    %dma_wait3A_286 = arith.constant 0 : i32
    %dma_wait3A_287 = arith.constant 0 : i32
    %dma_wait3A_288 = tpu.memref_slice %arg3[%dma_wait3A_286, %dma_wait3A_287] : memref<10240x128xf32, #tpu.memory_space<hbm>> -> memref<10240x128xf32, #tpu.memory_space<hbm>>
    tpu.wait_indirect_dma semaphore(%arg13 : memref<!tpu.dma_semaphore, #tpu.memory_space<semaphore_mem>>) src(%dma_wait3A_288 : memref<10240x128xf32, #tpu.memory_space<hbm>>) dst(%dma_wait3A_282 : memref<40x128xf32, #tpu.memory_space<vmem>>)
    %run_scoped3A_289 = arith.constant 3 : i32
    %run_scoped3A_290 = arith.constant 248 : i32
    "tpu.region"() ({
      %run_scoped3A_313 = tpu.sem_alloc : memref<!tpu.dma_semaphore, #tpu.memory_space<semaphore_mem>>
      %dma_start3A_314 = arith.constant 0 : i32
      %dma_start3A_315 = arith.constant 0 : i32
      %dma_start3A_316 = tpu.memref_slice %arg8[%run_scoped3A_289, %dma_start3A_314, %dma_start3A_315] : memref<5x40x128xf32, #tpu.memory_space<vmem>> -> memref<1x40x128xf32, #tpu.memory_space<vmem>>
      %dma_start3A_317 = tpu.memref_squeeze %dma_start3A_316 : memref<1x40x128xf32, #tpu.memory_space<vmem>> -> memref<40x128xf32, #tpu.memory_space<vmem>>
      %dma_start3A_318 = arith.constant 0 : i32
      %dma_start3A_319 = tpu.memref_slice %arg7[%run_scoped3A_290, %dma_start3A_318] : memref<250x40xi32, #tpu.memory_space<vmem>> -> memref<1x40xi32, #tpu.memory_space<vmem>>
      %dma_start3A_320 = tpu.memref_squeeze %dma_start3A_319 : memref<1x40xi32, #tpu.memory_space<vmem>> -> memref<40xi32, #tpu.memory_space<vmem>>
      %dma_start3A_321 = arith.constant 0 : i32
      %dma_start3A_322 = arith.constant 0 : i32
      %dma_start3A_323 = tpu.memref_slice %arg5[%dma_start3A_321, %dma_start3A_322] : memref<10240x128xf32, #tpu.memory_space<vmem_shared>> -> memref<10240x128xf32, #tpu.memory_space<vmem_shared>>
      tpu.enqueue_indirect_dma source(%dma_start3A_317 : memref<40x128xf32, #tpu.memory_space<vmem>>) target(%dma_start3A_323 : memref<10240x128xf32, #tpu.memory_space<vmem_shared>>) offsets(%dma_start3A_320 : memref<40xi32, #tpu.memory_space<vmem>>) semaphore(%run_scoped3A_313 : memref<!tpu.dma_semaphore, #tpu.memory_space<semaphore_mem>>) {add = true}
      %dma_wait3A_324 = arith.constant 0 : i32
      %dma_wait3A_325 = arith.constant 0 : i32
      %dma_wait3A_326 = tpu.memref_slice %arg8[%run_scoped3A_289, %dma_wait3A_324, %dma_wait3A_325] : memref<5x40x128xf32, #tpu.memory_space<vmem>> -> memref<1x40x128xf32, #tpu.memory_space<vmem>>
      %dma_wait3A_327 = tpu.memref_squeeze %dma_wait3A_326 : memref<1x40x128xf32, #tpu.memory_space<vmem>> -> memref<40x128xf32, #tpu.memory_space<vmem>>
      %dma_wait3A_328 = arith.constant 0 : i32
      %dma_wait3A_329 = tpu.memref_slice %arg7[%run_scoped3A_290, %dma_wait3A_328] : memref<250x40xi32, #tpu.memory_space<vmem>> -> memref<1x40xi32, #tpu.memory_space<vmem>>
      %dma_wait3A_330 = tpu.memref_squeeze %dma_wait3A_329 : memref<1x40xi32, #tpu.memory_space<vmem>> -> memref<40xi32, #tpu.memory_space<vmem>>
      %dma_wait3A_331 = arith.constant 0 : i32
      %dma_wait3A_332 = arith.constant 0 : i32
      %dma_wait3A_333 = tpu.memref_slice %arg5[%dma_wait3A_331, %dma_wait3A_332] : memref<10240x128xf32, #tpu.memory_space<vmem_shared>> -> memref<10240x128xf32, #tpu.memory_space<vmem_shared>>
      tpu.wait_indirect_dma semaphore(%run_scoped3A_313 : memref<!tpu.dma_semaphore, #tpu.memory_space<semaphore_mem>>) src(%dma_wait3A_327 : memref<40x128xf32, #tpu.memory_space<vmem>>) dst(%dma_wait3A_333 : memref<10240x128xf32, #tpu.memory_space<vmem_shared>>)
      tpu.yield
    }) : () -> ()
    %dma_wait3A_291 = arith.constant 249 : i32
    %dma_wait3A_292 = arith.constant 4 : i32
    %dma_wait3A_293 = arith.constant 0 : i32
    %dma_wait3A_294 = arith.constant 0 : i32
    %dma_wait3A_295 = tpu.memref_slice %arg8[%dma_wait3A_292, %dma_wait3A_293, %dma_wait3A_294] : memref<5x40x128xf32, #tpu.memory_space<vmem>> -> memref<1x40x128xf32, #tpu.memory_space<vmem>>
    %dma_wait3A_296 = tpu.memref_squeeze %dma_wait3A_295 : memref<1x40x128xf32, #tpu.memory_space<vmem>> -> memref<40x128xf32, #tpu.memory_space<vmem>>
    %dma_wait3A_297 = arith.constant 0 : i32
    %dma_wait3A_298 = tpu.memref_slice %arg6[%dma_wait3A_291, %dma_wait3A_297] : memref<250x40xi32, #tpu.memory_space<vmem>> -> memref<1x40xi32, #tpu.memory_space<vmem>>
    %dma_wait3A_299 = tpu.memref_squeeze %dma_wait3A_298 : memref<1x40xi32, #tpu.memory_space<vmem>> -> memref<40xi32, #tpu.memory_space<vmem>>
    %dma_wait3A_300 = arith.constant 0 : i32
    %dma_wait3A_301 = arith.constant 0 : i32
    %dma_wait3A_302 = tpu.memref_slice %arg3[%dma_wait3A_300, %dma_wait3A_301] : memref<10240x128xf32, #tpu.memory_space<hbm>> -> memref<10240x128xf32, #tpu.memory_space<hbm>>
    tpu.wait_indirect_dma semaphore(%arg14 : memref<!tpu.dma_semaphore, #tpu.memory_space<semaphore_mem>>) src(%dma_wait3A_302 : memref<10240x128xf32, #tpu.memory_space<hbm>>) dst(%dma_wait3A_296 : memref<40x128xf32, #tpu.memory_space<vmem>>)
    %run_scoped3A_303 = arith.constant 4 : i32
    %run_scoped3A_304 = arith.constant 249 : i32
    "tpu.region"() ({
      %run_scoped3A_313 = tpu.sem_alloc : memref<!tpu.dma_semaphore, #tpu.memory_space<semaphore_mem>>
      %dma_start3A_314 = arith.constant 0 : i32
      %dma_start3A_315 = arith.constant 0 : i32
      %dma_start3A_316 = tpu.memref_slice %arg8[%run_scoped3A_303, %dma_start3A_314, %dma_start3A_315] : memref<5x40x128xf32, #tpu.memory_space<vmem>> -> memref<1x40x128xf32, #tpu.memory_space<vmem>>
      %dma_start3A_317 = tpu.memref_squeeze %dma_start3A_316 : memref<1x40x128xf32, #tpu.memory_space<vmem>> -> memref<40x128xf32, #tpu.memory_space<vmem>>
      %dma_start3A_318 = arith.constant 0 : i32
      %dma_start3A_319 = tpu.memref_slice %arg7[%run_scoped3A_304, %dma_start3A_318] : memref<250x40xi32, #tpu.memory_space<vmem>> -> memref<1x40xi32, #tpu.memory_space<vmem>>
      %dma_start3A_320 = tpu.memref_squeeze %dma_start3A_319 : memref<1x40xi32, #tpu.memory_space<vmem>> -> memref<40xi32, #tpu.memory_space<vmem>>
      %dma_start3A_321 = arith.constant 0 : i32
      %dma_start3A_322 = arith.constant 0 : i32
      %dma_start3A_323 = tpu.memref_slice %arg5[%dma_start3A_321, %dma_start3A_322] : memref<10240x128xf32, #tpu.memory_space<vmem_shared>> -> memref<10240x128xf32, #tpu.memory_space<vmem_shared>>
      tpu.enqueue_indirect_dma source(%dma_start3A_317 : memref<40x128xf32, #tpu.memory_space<vmem>>) target(%dma_start3A_323 : memref<10240x128xf32, #tpu.memory_space<vmem_shared>>) offsets(%dma_start3A_320 : memref<40xi32, #tpu.memory_space<vmem>>) semaphore(%run_scoped3A_313 : memref<!tpu.dma_semaphore, #tpu.memory_space<semaphore_mem>>) {add = true}
      %dma_wait3A_324 = arith.constant 0 : i32
      %dma_wait3A_325 = arith.constant 0 : i32
      %dma_wait3A_326 = tpu.memref_slice %arg8[%run_scoped3A_303, %dma_wait3A_324, %dma_wait3A_325] : memref<5x40x128xf32, #tpu.memory_space<vmem>> -> memref<1x40x128xf32, #tpu.memory_space<vmem>>
      %dma_wait3A_327 = tpu.memref_squeeze %dma_wait3A_326 : memref<1x40x128xf32, #tpu.memory_space<vmem>> -> memref<40x128xf32, #tpu.memory_space<vmem>>
      %dma_wait3A_328 = arith.constant 0 : i32
      %dma_wait3A_329 = tpu.memref_slice %arg7[%run_scoped3A_304, %dma_wait3A_328] : memref<250x40xi32, #tpu.memory_space<vmem>> -> memref<1x40xi32, #tpu.memory_space<vmem>>
      %dma_wait3A_330 = tpu.memref_squeeze %dma_wait3A_329 : memref<1x40xi32, #tpu.memory_space<vmem>> -> memref<40xi32, #tpu.memory_space<vmem>>
      %dma_wait3A_331 = arith.constant 0 : i32
      %dma_wait3A_332 = arith.constant 0 : i32
      %dma_wait3A_333 = tpu.memref_slice %arg5[%dma_wait3A_331, %dma_wait3A_332] : memref<10240x128xf32, #tpu.memory_space<vmem_shared>> -> memref<10240x128xf32, #tpu.memory_space<vmem_shared>>
      tpu.wait_indirect_dma semaphore(%run_scoped3A_313 : memref<!tpu.dma_semaphore, #tpu.memory_space<semaphore_mem>>) src(%dma_wait3A_327 : memref<40x128xf32, #tpu.memory_space<vmem>>) dst(%dma_wait3A_333 : memref<10240x128xf32, #tpu.memory_space<vmem_shared>>)
      tpu.yield
    }) : () -> ()
    %barrier3A_305 = arith.constant 0 : index
    tpu.barrier barrier_id(%barrier3A_305)
    %mul3A_306 = arith.constant 640 : i32
    %mul3A_307 = arith.muli %arg1, %mul3A_306 : i32
    %mul3A_308 = arith.constant 10240 : i32
    %mul3A_309 = arith.muli %arg0, %mul3A_308 : i32
    %mul3A_310 = arith.constant 640 : i32
    %mul3A_311 = arith.muli %arg1, %mul3A_310 : i32
    %add3A_312 = arith.addi %mul3A_309, %mul3A_311 : i32
    "tpu.region"() ({
      %run_scoped3A_313 = tpu.sem_alloc : memref<!tpu.dma_semaphore, #tpu.memory_space<semaphore_mem>>
      %dma_start3A_314 = arith.constant 0 : i32
      %dma_start3A_315 = tpu.memref_slice %arg4[%add3A_312, %dma_start3A_314] : memref<20480x128xf32, #tpu.memory_space<hbm>> -> memref<640x128xf32, #tpu.memory_space<hbm>>
      %dma_start3A_316 = arith.constant 0 : i32
      %dma_start3A_317 = tpu.memref_slice %arg5[%mul3A_307, %dma_start3A_316] : memref<10240x128xf32, #tpu.memory_space<vmem_shared>> -> memref<640x128xf32, #tpu.memory_space<vmem_shared>>
      tpu.enqueue_dma source(%dma_start3A_317 : memref<640x128xf32, #tpu.memory_space<vmem_shared>>) target(%dma_start3A_315 : memref<640x128xf32, #tpu.memory_space<hbm>>) target_semaphore(%run_scoped3A_313 : memref<!tpu.dma_semaphore, #tpu.memory_space<semaphore_mem>>)
      %dma_wait3A_318 = arith.constant 0 : i32
      %dma_wait3A_319 = tpu.memref_slice %arg4[%add3A_312, %dma_wait3A_318] : memref<20480x128xf32, #tpu.memory_space<hbm>> -> memref<640x128xf32, #tpu.memory_space<hbm>>
      %dma_wait3A_320 = arith.constant 0 : i32
      %dma_wait3A_321 = tpu.memref_slice %arg5[%mul3A_307, %dma_wait3A_320] : memref<10240x128xf32, #tpu.memory_space<vmem_shared>> -> memref<640x128xf32, #tpu.memory_space<vmem_shared>>
      tpu.wait_dma2 semaphore(%run_scoped3A_313 : memref<!tpu.dma_semaphore, #tpu.memory_space<semaphore_mem>>) src(%dma_wait3A_321 : memref<640x128xf32, #tpu.memory_space<vmem_shared>>) dst(%dma_wait3A_319 : memref<640x128xf32, #tpu.memory_space<hbm>>)
      tpu.yield
    }) : () -> ()
    return
  }
}

#map = affine_map<(d0, d1) -> (0)>
#map1 = affine_map<(d0, d1) -> (0, 0)>
module attributes {stable_mosaic.version = 14 : i64} {
  func.func @body(%arg0: i32, %arg1: i32, %arg2: memref<10240xi32, #tpu.memory_space<hbm>>, %arg3: memref<2x320000xi32, #tpu.memory_space<hbm>>, %arg4: memref<1600xf32, #tpu.memory_space<hbm>>, %arg5: memref<10240xf32, #tpu.memory_space<hbm>>, %arg6: memref<163840xf32, #tpu.memory_space<hbm>>, %arg7: memref<16x10240xf32, #tpu.memory_space<vmem_shared>>, %arg8: memref<10240xf32, #tpu.memory_space<vmem>>, %arg9: memref<20000xi32, #tpu.memory_space<vmem>>, %arg10: memref<10240xf32, #tpu.memory_space<vmem>>, %arg11: memref<640xf32, #tpu.memory_space<vmem>>, %arg12: memref<320xi32, #tpu.memory_space<vmem>>, %arg13: memref<1600xf32, #tpu.memory_space<vmem>>, %arg14: memref<5120xf32, #tpu.memory_space<vmem>>) attributes {dimension_semantics = [#tpu.dimension_semantics<core_parallel>, #tpu.dimension_semantics<subcore_parallel>], iteration_bounds = array<i64: 2, 16>, scalar_prefetch = 0 : i64, scratch_operands = 8 : i64, tpu.core_type = #tpu.core_type<sc_vector_subcore>, window_params = [{transform_indices = #map}, {transform_indices = #map1}, {transform_indices = #map}, {transform_indices = #map}, {transform_indices = #map}]} {
    %mul3A = arith.constant 2 : i32
    %mul3A_0 = arith.muli %arg1, %mul3A : i32
    %add3A = arith.addi %mul3A_0, %arg0 : i32
    %iota3A = tpu.iota {dimensions = array<i32: 0>} : vector<16xi32>
    %broadcast_in_dim3A = arith.constant 1.000000e+00 : f32
    %broadcast_in_dim3A_1 = vector.broadcast %broadcast_in_dim3A : f32 to vector<16xf32>
    %mul3A_2 = arith.constant 20000 : i32
    %mul3A_3 = arith.muli %arg1, %mul3A_2 : i32
    %run_scoped3A = arith.constant 1 : i32
    "tpu.region"() ({
      %run_scoped3A_83 = tpu.sem_alloc : memref<!tpu.dma_semaphore, #tpu.memory_space<semaphore_mem>>
      %dma_start3A = tpu.memref_slice %arg3[%run_scoped3A, %mul3A_3] : memref<2x320000xi32, #tpu.memory_space<hbm>> -> memref<1x20000xi32, #tpu.memory_space<hbm>>
      %dma_start3A_84 = tpu.memref_squeeze %dma_start3A : memref<1x20000xi32, #tpu.memory_space<hbm>> -> memref<20000xi32, #tpu.memory_space<hbm>>
      %dma_start3A_85 = tpu.memref_slice %arg3[%run_scoped3A, %mul3A_3] : memref<2x320000xi32, #tpu.memory_space<hbm>> -> memref<1x20000xi32, #tpu.memory_space<hbm>>
      %dma_start3A_86 = tpu.memref_squeeze %dma_start3A_85 : memref<1x20000xi32, #tpu.memory_space<hbm>> -> memref<20000xi32, #tpu.memory_space<hbm>>
      tpu.enqueue_dma source(%dma_start3A_86 : memref<20000xi32, #tpu.memory_space<hbm>>) target(%arg9 : memref<20000xi32, #tpu.memory_space<vmem>>) target_semaphore(%run_scoped3A_83 : memref<!tpu.dma_semaphore, #tpu.memory_space<semaphore_mem>>)
      %dma_wait3A = tpu.memref_slice %arg3[%run_scoped3A, %mul3A_3] : memref<2x320000xi32, #tpu.memory_space<hbm>> -> memref<1x20000xi32, #tpu.memory_space<hbm>>
      %dma_wait3A_87 = tpu.memref_squeeze %dma_wait3A : memref<1x20000xi32, #tpu.memory_space<hbm>> -> memref<20000xi32, #tpu.memory_space<hbm>>
      %dma_wait3A_88 = tpu.memref_slice %arg3[%run_scoped3A, %mul3A_3] : memref<2x320000xi32, #tpu.memory_space<hbm>> -> memref<1x20000xi32, #tpu.memory_space<hbm>>
      %dma_wait3A_89 = tpu.memref_squeeze %dma_wait3A_88 : memref<1x20000xi32, #tpu.memory_space<hbm>> -> memref<20000xi32, #tpu.memory_space<hbm>>
      tpu.wait_dma2 semaphore(%run_scoped3A_83 : memref<!tpu.dma_semaphore, #tpu.memory_space<semaphore_mem>>) src(%dma_wait3A_89 : memref<20000xi32, #tpu.memory_space<hbm>>) dst(%arg9 : memref<20000xi32, #tpu.memory_space<vmem>>)
      tpu.yield
    }) : () -> ()
    %scan3A = arith.constant 0 : i32
    %scan3A_4 = arith.constant 0 : i32
    %scan3A_5 = arith.constant 640 : i32
    %scan3A_6 = arith.addi %scan3A_4, %scan3A_5 : i32
    %scan3A_7 = arith.constant 1 : i32
    scf.for %scan3A_83 = %scan3A_4 to %scan3A_6 step %scan3A_7  : i32 {
      %broadcast_in_dim3A_84 = arith.constant 0.000000e+00 : f32
      %broadcast_in_dim3A_85 = vector.broadcast %broadcast_in_dim3A_84 : f32 to vector<16xf32>
      %mul3A_86 = arith.constant 16 : i32
      %mul3A_87 = arith.muli %scan3A_83, %mul3A_86 : i32
      %swap3A = arith.index_cast %mul3A_87 : i32 to index
      %swap3A_88 = tpu.vector_load %arg8[%swap3A] {strides = array<i32>} : memref<10240xf32, #tpu.memory_space<vmem>>, vector<16xf32>,
      tpu.vector_store %arg8[%swap3A], %broadcast_in_dim3A_85 {strides = array<i32>} : memref<10240xf32, #tpu.memory_space<vmem>>, vector<16xf32>,
    }
    %scan3A_8 = arith.constant 640 : i32
    %scan3A_9 = arith.constant 0 : i32
    %scan3A_10 = arith.constant 0 : i32
    %scan3A_11 = arith.constant 312 : i32
    %scan3A_12 = arith.addi %scan3A_10, %scan3A_11 : i32
    %scan3A_13 = arith.constant 1 : i32
    scf.for %scan3A_83 = %scan3A_10 to %scan3A_12 step %scan3A_13  : i32 {
      %mul3A_84 = arith.constant 64 : i32
      %mul3A_85 = arith.muli %scan3A_83, %mul3A_84 : i32
      %add3A_86 = arith.constant 0 : i32
      %add3A_87 = arith.addi %mul3A_85, %add3A_86 : i32
      %get3A = arith.index_cast %add3A_87 : i32 to index
      %get3A_88 = tpu.vector_load %arg9[%get3A] {strides = array<i32>} : memref<20000xi32, #tpu.memory_space<vmem>>, vector<16xi32>,
      tpu.vector_store_idx %arg8[%get3A_88], %broadcast_in_dim3A_1 {add = true} : memref<10240xf32, #tpu.memory_space<vmem>>[vector<16xi32>], vector<16xf32>,
      %mul3A_89 = arith.constant 64 : i32
      %mul3A_90 = arith.muli %scan3A_83, %mul3A_89 : i32
      %add3A_91 = arith.constant 16 : i32
      %add3A_92 = arith.addi %mul3A_90, %add3A_91 : i32
      %get3A_93 = arith.index_cast %add3A_92 : i32 to index
      %get3A_94 = tpu.vector_load %arg9[%get3A_93] {strides = array<i32>} : memref<20000xi32, #tpu.memory_space<vmem>>, vector<16xi32>,
      tpu.vector_store_idx %arg8[%get3A_94], %broadcast_in_dim3A_1 {add = true} : memref<10240xf32, #tpu.memory_space<vmem>>[vector<16xi32>], vector<16xf32>,
      %mul3A_95 = arith.constant 64 : i32
      %mul3A_96 = arith.muli %scan3A_83, %mul3A_95 : i32
      %add3A_97 = arith.constant 32 : i32
      %add3A_98 = arith.addi %mul3A_96, %add3A_97 : i32
      %get3A_99 = arith.index_cast %add3A_98 : i32 to index
      %get3A_100 = tpu.vector_load %arg9[%get3A_99] {strides = array<i32>} : memref<20000xi32, #tpu.memory_space<vmem>>, vector<16xi32>,
      tpu.vector_store_idx %arg8[%get3A_100], %broadcast_in_dim3A_1 {add = true} : memref<10240xf32, #tpu.memory_space<vmem>>[vector<16xi32>], vector<16xf32>,
      %mul3A_101 = arith.constant 64 : i32
      %mul3A_102 = arith.muli %scan3A_83, %mul3A_101 : i32
      %add3A_103 = arith.constant 48 : i32
      %add3A_104 = arith.addi %mul3A_102, %add3A_103 : i32
      %get3A_105 = arith.index_cast %add3A_104 : i32 to index
      %get3A_106 = tpu.vector_load %arg9[%get3A_105] {strides = array<i32>} : memref<20000xi32, #tpu.memory_space<vmem>>, vector<16xi32>,
      tpu.vector_store_idx %arg8[%get3A_106], %broadcast_in_dim3A_1 {add = true} : memref<10240xf32, #tpu.memory_space<vmem>>[vector<16xi32>], vector<16xf32>,
    }
    %scan3A_14 = arith.constant 312 : i32
    "tpu.region"() ({
      %run_scoped3A_83 = tpu.sem_alloc : memref<!tpu.dma_semaphore, #tpu.memory_space<semaphore_mem>>
      %dma_start3A = arith.constant 0 : i32
      %dma_start3A_84 = tpu.memref_slice %arg7[%arg1, %dma_start3A] : memref<16x10240xf32, #tpu.memory_space<vmem_shared>> -> memref<1x10240xf32, #tpu.memory_space<vmem_shared>>
      %dma_start3A_85 = tpu.memref_squeeze %dma_start3A_84 : memref<1x10240xf32, #tpu.memory_space<vmem_shared>> -> memref<10240xf32, #tpu.memory_space<vmem_shared>>
      %dma_start3A_86 = arith.constant 0 : i32
      %dma_start3A_87 = tpu.memref_slice %arg7[%arg1, %dma_start3A_86] : memref<16x10240xf32, #tpu.memory_space<vmem_shared>> -> memref<1x10240xf32, #tpu.memory_space<vmem_shared>>
      %dma_start3A_88 = tpu.memref_squeeze %dma_start3A_87 : memref<1x10240xf32, #tpu.memory_space<vmem_shared>> -> memref<10240xf32, #tpu.memory_space<vmem_shared>>
      tpu.enqueue_dma source(%arg8 : memref<10240xf32, #tpu.memory_space<vmem>>) target(%dma_start3A_88 : memref<10240xf32, #tpu.memory_space<vmem_shared>>) target_semaphore(%run_scoped3A_83 : memref<!tpu.dma_semaphore, #tpu.memory_space<semaphore_mem>>)
      %dma_wait3A = arith.constant 0 : i32
      %dma_wait3A_89 = tpu.memref_slice %arg7[%arg1, %dma_wait3A] : memref<16x10240xf32, #tpu.memory_space<vmem_shared>> -> memref<1x10240xf32, #tpu.memory_space<vmem_shared>>
      %dma_wait3A_90 = tpu.memref_squeeze %dma_wait3A_89 : memref<1x10240xf32, #tpu.memory_space<vmem_shared>> -> memref<10240xf32, #tpu.memory_space<vmem_shared>>
      %dma_wait3A_91 = arith.constant 0 : i32
      %dma_wait3A_92 = tpu.memref_slice %arg7[%arg1, %dma_wait3A_91] : memref<16x10240xf32, #tpu.memory_space<vmem_shared>> -> memref<1x10240xf32, #tpu.memory_space<vmem_shared>>
      %dma_wait3A_93 = tpu.memref_squeeze %dma_wait3A_92 : memref<1x10240xf32, #tpu.memory_space<vmem_shared>> -> memref<10240xf32, #tpu.memory_space<vmem_shared>>
      tpu.wait_dma2 semaphore(%run_scoped3A_83 : memref<!tpu.dma_semaphore, #tpu.memory_space<semaphore_mem>>) src(%arg8 : memref<10240xf32, #tpu.memory_space<vmem>>) dst(%dma_wait3A_93 : memref<10240xf32, #tpu.memory_space<vmem_shared>>)
      tpu.yield
    }) : () -> ()
    %mul3A_15 = arith.constant 320 : i32
    %mul3A_16 = arith.muli %add3A, %mul3A_15 : i32
    "tpu.region"() ({
      %run_scoped3A_83 = tpu.sem_alloc : memref<!tpu.dma_semaphore, #tpu.memory_space<semaphore_mem>>
      %dma_start3A = tpu.memref_slice %arg2[%mul3A_16] : memref<10240xi32, #tpu.memory_space<hbm>> -> memref<320xi32, #tpu.memory_space<hbm>>
      %dma_start3A_84 = tpu.memref_slice %arg2[%mul3A_16] : memref<10240xi32, #tpu.memory_space<hbm>> -> memref<320xi32, #tpu.memory_space<hbm>>
      tpu.enqueue_dma source(%dma_start3A_84 : memref<320xi32, #tpu.memory_space<hbm>>) target(%arg12 : memref<320xi32, #tpu.memory_space<vmem>>) target_semaphore(%run_scoped3A_83 : memref<!tpu.dma_semaphore, #tpu.memory_space<semaphore_mem>>)
      %dma_wait3A = tpu.memref_slice %arg2[%mul3A_16] : memref<10240xi32, #tpu.memory_space<hbm>> -> memref<320xi32, #tpu.memory_space<hbm>>
      %dma_wait3A_85 = tpu.memref_slice %arg2[%mul3A_16] : memref<10240xi32, #tpu.memory_space<hbm>> -> memref<320xi32, #tpu.memory_space<hbm>>
      tpu.wait_dma2 semaphore(%run_scoped3A_83 : memref<!tpu.dma_semaphore, #tpu.memory_space<semaphore_mem>>) src(%dma_wait3A_85 : memref<320xi32, #tpu.memory_space<hbm>>) dst(%arg12 : memref<320xi32, #tpu.memory_space<vmem>>)
      tpu.yield
    }) : () -> ()
    "tpu.region"() ({
      %run_scoped3A_83 = tpu.sem_alloc : memref<!tpu.dma_semaphore, #tpu.memory_space<semaphore_mem>>
      tpu.enqueue_dma source(%arg4 : memref<1600xf32, #tpu.memory_space<hbm>>) target(%arg13 : memref<1600xf32, #tpu.memory_space<vmem>>) target_semaphore(%run_scoped3A_83 : memref<!tpu.dma_semaphore, #tpu.memory_space<semaphore_mem>>)
      tpu.wait_dma2 semaphore(%run_scoped3A_83 : memref<!tpu.dma_semaphore, #tpu.memory_space<semaphore_mem>>) src(%arg4 : memref<1600xf32, #tpu.memory_space<hbm>>) dst(%arg13 : memref<1600xf32, #tpu.memory_space<vmem>>)
      tpu.yield
    }) : () -> ()
    %barrier3A = arith.constant 0 : index
    tpu.barrier barrier_id(%barrier3A)
    %mul3A_17 = arith.constant 640 : i32
    %mul3A_18 = arith.muli %arg1, %mul3A_17 : i32
    %run_scoped3A_19 = arith.constant 0 : i32
    "tpu.region"() ({
      %run_scoped3A_83 = tpu.sem_alloc : memref<!tpu.dma_semaphore, #tpu.memory_space<semaphore_mem>>
      %dma_start3A = arith.constant 0 : i32
      %dma_start3A_84 = tpu.memref_slice %arg10[%dma_start3A] : memref<10240xf32, #tpu.memory_space<vmem>> -> memref<640xf32, #tpu.memory_space<vmem>>
      %dma_start3A_85 = tpu.memref_slice %arg7[%run_scoped3A_19, %mul3A_18] : memref<16x10240xf32, #tpu.memory_space<vmem_shared>> -> memref<1x640xf32, #tpu.memory_space<vmem_shared>>
      %dma_start3A_86 = tpu.memref_squeeze %dma_start3A_85 : memref<1x640xf32, #tpu.memory_space<vmem_shared>> -> memref<640xf32, #tpu.memory_space<vmem_shared>>
      %dma_start3A_87 = arith.constant 0 : i32
      %dma_start3A_88 = tpu.memref_slice %arg10[%dma_start3A_87] : memref<10240xf32, #tpu.memory_space<vmem>> -> memref<640xf32, #tpu.memory_space<vmem>>
      %dma_start3A_89 = tpu.memref_slice %arg7[%run_scoped3A_19, %mul3A_18] : memref<16x10240xf32, #tpu.memory_space<vmem_shared>> -> memref<1x640xf32, #tpu.memory_space<vmem_shared>>
      %dma_start3A_90 = tpu.memref_squeeze %dma_start3A_89 : memref<1x640xf32, #tpu.memory_space<vmem_shared>> -> memref<640xf32, #tpu.memory_space<vmem_shared>>
      tpu.enqueue_dma source(%dma_start3A_90 : memref<640xf32, #tpu.memory_space<vmem_shared>>) target(%dma_start3A_88 : memref<640xf32, #tpu.memory_space<vmem>>) target_semaphore(%run_scoped3A_83 : memref<!tpu.dma_semaphore, #tpu.memory_space<semaphore_mem>>)
      %dma_wait3A = arith.constant 0 : i32
      %dma_wait3A_91 = tpu.memref_slice %arg10[%dma_wait3A] : memref<10240xf32, #tpu.memory_space<vmem>> -> memref<640xf32, #tpu.memory_space<vmem>>
      %dma_wait3A_92 = tpu.memref_slice %arg7[%run_scoped3A_19, %mul3A_18] : memref<16x10240xf32, #tpu.memory_space<vmem_shared>> -> memref<1x640xf32, #tpu.memory_space<vmem_shared>>
      %dma_wait3A_93 = tpu.memref_squeeze %dma_wait3A_92 : memref<1x640xf32, #tpu.memory_space<vmem_shared>> -> memref<640xf32, #tpu.memory_space<vmem_shared>>
      %dma_wait3A_94 = arith.constant 0 : i32
      %dma_wait3A_95 = tpu.memref_slice %arg10[%dma_wait3A_94] : memref<10240xf32, #tpu.memory_space<vmem>> -> memref<640xf32, #tpu.memory_space<vmem>>
      %dma_wait3A_96 = tpu.memref_slice %arg7[%run_scoped3A_19, %mul3A_18] : memref<16x10240xf32, #tpu.memory_space<vmem_shared>> -> memref<1x640xf32, #tpu.memory_space<vmem_shared>>
      %dma_wait3A_97 = tpu.memref_squeeze %dma_wait3A_96 : memref<1x640xf32, #tpu.memory_space<vmem_shared>> -> memref<640xf32, #tpu.memory_space<vmem_shared>>
      tpu.wait_dma2 semaphore(%run_scoped3A_83 : memref<!tpu.dma_semaphore, #tpu.memory_space<semaphore_mem>>) src(%dma_wait3A_97 : memref<640xf32, #tpu.memory_space<vmem_shared>>) dst(%dma_wait3A_95 : memref<640xf32, #tpu.memory_space<vmem>>)
      tpu.yield
    }) : () -> ()
    %mul3A_20 = arith.constant 640 : i32
    %mul3A_21 = arith.muli %arg1, %mul3A_20 : i32
    %run_scoped3A_22 = arith.constant 1 : i32
    "tpu.region"() ({
      %run_scoped3A_83 = tpu.sem_alloc : memref<!tpu.dma_semaphore, #tpu.memory_space<semaphore_mem>>
      %dma_start3A = arith.constant 640 : i32
      %dma_start3A_84 = tpu.memref_slice %arg10[%dma_start3A] : memref<10240xf32, #tpu.memory_space<vmem>> -> memref<640xf32, #tpu.memory_space<vmem>>
      %dma_start3A_85 = tpu.memref_slice %arg7[%run_scoped3A_22, %mul3A_21] : memref<16x10240xf32, #tpu.memory_space<vmem_shared>> -> memref<1x640xf32, #tpu.memory_space<vmem_shared>>
      %dma_start3A_86 = tpu.memref_squeeze %dma_start3A_85 : memref<1x640xf32, #tpu.memory_space<vmem_shared>> -> memref<640xf32, #tpu.memory_space<vmem_shared>>
      %dma_start3A_87 = arith.constant 640 : i32
      %dma_start3A_88 = tpu.memref_slice %arg10[%dma_start3A_87] : memref<10240xf32, #tpu.memory_space<vmem>> -> memref<640xf32, #tpu.memory_space<vmem>>
      %dma_start3A_89 = tpu.memref_slice %arg7[%run_scoped3A_22, %mul3A_21] : memref<16x10240xf32, #tpu.memory_space<vmem_shared>> -> memref<1x640xf32, #tpu.memory_space<vmem_shared>>
      %dma_start3A_90 = tpu.memref_squeeze %dma_start3A_89 : memref<1x640xf32, #tpu.memory_space<vmem_shared>> -> memref<640xf32, #tpu.memory_space<vmem_shared>>
      tpu.enqueue_dma source(%dma_start3A_90 : memref<640xf32, #tpu.memory_space<vmem_shared>>) target(%dma_start3A_88 : memref<640xf32, #tpu.memory_space<vmem>>) target_semaphore(%run_scoped3A_83 : memref<!tpu.dma_semaphore, #tpu.memory_space<semaphore_mem>>)
      %dma_wait3A = arith.constant 640 : i32
      %dma_wait3A_91 = tpu.memref_slice %arg10[%dma_wait3A] : memref<10240xf32, #tpu.memory_space<vmem>> -> memref<640xf32, #tpu.memory_space<vmem>>
      %dma_wait3A_92 = tpu.memref_slice %arg7[%run_scoped3A_22, %mul3A_21] : memref<16x10240xf32, #tpu.memory_space<vmem_shared>> -> memref<1x640xf32, #tpu.memory_space<vmem_shared>>
      %dma_wait3A_93 = tpu.memref_squeeze %dma_wait3A_92 : memref<1x640xf32, #tpu.memory_space<vmem_shared>> -> memref<640xf32, #tpu.memory_space<vmem_shared>>
      %dma_wait3A_94 = arith.constant 640 : i32
      %dma_wait3A_95 = tpu.memref_slice %arg10[%dma_wait3A_94] : memref<10240xf32, #tpu.memory_space<vmem>> -> memref<640xf32, #tpu.memory_space<vmem>>
      %dma_wait3A_96 = tpu.memref_slice %arg7[%run_scoped3A_22, %mul3A_21] : memref<16x10240xf32, #tpu.memory_space<vmem_shared>> -> memref<1x640xf32, #tpu.memory_space<vmem_shared>>
      %dma_wait3A_97 = tpu.memref_squeeze %dma_wait3A_96 : memref<1x640xf32, #tpu.memory_space<vmem_shared>> -> memref<640xf32, #tpu.memory_space<vmem_shared>>
      tpu.wait_dma2 semaphore(%run_scoped3A_83 : memref<!tpu.dma_semaphore, #tpu.memory_space<semaphore_mem>>) src(%dma_wait3A_97 : memref<640xf32, #tpu.memory_space<vmem_shared>>) dst(%dma_wait3A_95 : memref<640xf32, #tpu.memory_space<vmem>>)
      tpu.yield
    }) : () -> ()
    %mul3A_23 = arith.constant 640 : i32
    %mul3A_24 = arith.muli %arg1, %mul3A_23 : i32
    %run_scoped3A_25 = arith.constant 2 : i32
    "tpu.region"() ({
      %run_scoped3A_83 = tpu.sem_alloc : memref<!tpu.dma_semaphore, #tpu.memory_space<semaphore_mem>>
      %dma_start3A = arith.constant 1280 : i32
      %dma_start3A_84 = tpu.memref_slice %arg10[%dma_start3A] : memref<10240xf32, #tpu.memory_space<vmem>> -> memref<640xf32, #tpu.memory_space<vmem>>
      %dma_start3A_85 = tpu.memref_slice %arg7[%run_scoped3A_25, %mul3A_24] : memref<16x10240xf32, #tpu.memory_space<vmem_shared>> -> memref<1x640xf32, #tpu.memory_space<vmem_shared>>
      %dma_start3A_86 = tpu.memref_squeeze %dma_start3A_85 : memref<1x640xf32, #tpu.memory_space<vmem_shared>> -> memref<640xf32, #tpu.memory_space<vmem_shared>>
      %dma_start3A_87 = arith.constant 1280 : i32
      %dma_start3A_88 = tpu.memref_slice %arg10[%dma_start3A_87] : memref<10240xf32, #tpu.memory_space<vmem>> -> memref<640xf32, #tpu.memory_space<vmem>>
      %dma_start3A_89 = tpu.memref_slice %arg7[%run_scoped3A_25, %mul3A_24] : memref<16x10240xf32, #tpu.memory_space<vmem_shared>> -> memref<1x640xf32, #tpu.memory_space<vmem_shared>>
      %dma_start3A_90 = tpu.memref_squeeze %dma_start3A_89 : memref<1x640xf32, #tpu.memory_space<vmem_shared>> -> memref<640xf32, #tpu.memory_space<vmem_shared>>
      tpu.enqueue_dma source(%dma_start3A_90 : memref<640xf32, #tpu.memory_space<vmem_shared>>) target(%dma_start3A_88 : memref<640xf32, #tpu.memory_space<vmem>>) target_semaphore(%run_scoped3A_83 : memref<!tpu.dma_semaphore, #tpu.memory_space<semaphore_mem>>)
      %dma_wait3A = arith.constant 1280 : i32
      %dma_wait3A_91 = tpu.memref_slice %arg10[%dma_wait3A] : memref<10240xf32, #tpu.memory_space<vmem>> -> memref<640xf32, #tpu.memory_space<vmem>>
      %dma_wait3A_92 = tpu.memref_slice %arg7[%run_scoped3A_25, %mul3A_24] : memref<16x10240xf32, #tpu.memory_space<vmem_shared>> -> memref<1x640xf32, #tpu.memory_space<vmem_shared>>
      %dma_wait3A_93 = tpu.memref_squeeze %dma_wait3A_92 : memref<1x640xf32, #tpu.memory_space<vmem_shared>> -> memref<640xf32, #tpu.memory_space<vmem_shared>>
      %dma_wait3A_94 = arith.constant 1280 : i32
      %dma_wait3A_95 = tpu.memref_slice %arg10[%dma_wait3A_94] : memref<10240xf32, #tpu.memory_space<vmem>> -> memref<640xf32, #tpu.memory_space<vmem>>
      %dma_wait3A_96 = tpu.memref_slice %arg7[%run_scoped3A_25, %mul3A_24] : memref<16x10240xf32, #tpu.memory_space<vmem_shared>> -> memref<1x640xf32, #tpu.memory_space<vmem_shared>>
      %dma_wait3A_97 = tpu.memref_squeeze %dma_wait3A_96 : memref<1x640xf32, #tpu.memory_space<vmem_shared>> -> memref<640xf32, #tpu.memory_space<vmem_shared>>
      tpu.wait_dma2 semaphore(%run_scoped3A_83 : memref<!tpu.dma_semaphore, #tpu.memory_space<semaphore_mem>>) src(%dma_wait3A_97 : memref<640xf32, #tpu.memory_space<vmem_shared>>) dst(%dma_wait3A_95 : memref<640xf32, #tpu.memory_space<vmem>>)
      tpu.yield
    }) : () -> ()
    %mul3A_26 = arith.constant 640 : i32
    %mul3A_27 = arith.muli %arg1, %mul3A_26 : i32
    %run_scoped3A_28 = arith.constant 3 : i32
    "tpu.region"() ({
      %run_scoped3A_83 = tpu.sem_alloc : memref<!tpu.dma_semaphore, #tpu.memory_space<semaphore_mem>>
      %dma_start3A = arith.constant 1920 : i32
      %dma_start3A_84 = tpu.memref_slice %arg10[%dma_start3A] : memref<10240xf32, #tpu.memory_space<vmem>> -> memref<640xf32, #tpu.memory_space<vmem>>
      %dma_start3A_85 = tpu.memref_slice %arg7[%run_scoped3A_28, %mul3A_27] : memref<16x10240xf32, #tpu.memory_space<vmem_shared>> -> memref<1x640xf32, #tpu.memory_space<vmem_shared>>
      %dma_start3A_86 = tpu.memref_squeeze %dma_start3A_85 : memref<1x640xf32, #tpu.memory_space<vmem_shared>> -> memref<640xf32, #tpu.memory_space<vmem_shared>>
      %dma_start3A_87 = arith.constant 1920 : i32
      %dma_start3A_88 = tpu.memref_slice %arg10[%dma_start3A_87] : memref<10240xf32, #tpu.memory_space<vmem>> -> memref<640xf32, #tpu.memory_space<vmem>>
      %dma_start3A_89 = tpu.memref_slice %arg7[%run_scoped3A_28, %mul3A_27] : memref<16x10240xf32, #tpu.memory_space<vmem_shared>> -> memref<1x640xf32, #tpu.memory_space<vmem_shared>>
      %dma_start3A_90 = tpu.memref_squeeze %dma_start3A_89 : memref<1x640xf32, #tpu.memory_space<vmem_shared>> -> memref<640xf32, #tpu.memory_space<vmem_shared>>
      tpu.enqueue_dma source(%dma_start3A_90 : memref<640xf32, #tpu.memory_space<vmem_shared>>) target(%dma_start3A_88 : memref<640xf32, #tpu.memory_space<vmem>>) target_semaphore(%run_scoped3A_83 : memref<!tpu.dma_semaphore, #tpu.memory_space<semaphore_mem>>)
      %dma_wait3A = arith.constant 1920 : i32
      %dma_wait3A_91 = tpu.memref_slice %arg10[%dma_wait3A] : memref<10240xf32, #tpu.memory_space<vmem>> -> memref<640xf32, #tpu.memory_space<vmem>>
      %dma_wait3A_92 = tpu.memref_slice %arg7[%run_scoped3A_28, %mul3A_27] : memref<16x10240xf32, #tpu.memory_space<vmem_shared>> -> memref<1x640xf32, #tpu.memory_space<vmem_shared>>
      %dma_wait3A_93 = tpu.memref_squeeze %dma_wait3A_92 : memref<1x640xf32, #tpu.memory_space<vmem_shared>> -> memref<640xf32, #tpu.memory_space<vmem_shared>>
      %dma_wait3A_94 = arith.constant 1920 : i32
      %dma_wait3A_95 = tpu.memref_slice %arg10[%dma_wait3A_94] : memref<10240xf32, #tpu.memory_space<vmem>> -> memref<640xf32, #tpu.memory_space<vmem>>
      %dma_wait3A_96 = tpu.memref_slice %arg7[%run_scoped3A_28, %mul3A_27] : memref<16x10240xf32, #tpu.memory_space<vmem_shared>> -> memref<1x640xf32, #tpu.memory_space<vmem_shared>>
      %dma_wait3A_97 = tpu.memref_squeeze %dma_wait3A_96 : memref<1x640xf32, #tpu.memory_space<vmem_shared>> -> memref<640xf32, #tpu.memory_space<vmem_shared>>
      tpu.wait_dma2 semaphore(%run_scoped3A_83 : memref<!tpu.dma_semaphore, #tpu.memory_space<semaphore_mem>>) src(%dma_wait3A_97 : memref<640xf32, #tpu.memory_space<vmem_shared>>) dst(%dma_wait3A_95 : memref<640xf32, #tpu.memory_space<vmem>>)
      tpu.yield
    }) : () -> ()
    %mul3A_29 = arith.constant 640 : i32
    %mul3A_30 = arith.muli %arg1, %mul3A_29 : i32
    %run_scoped3A_31 = arith.constant 4 : i32
    "tpu.region"() ({
      %run_scoped3A_83 = tpu.sem_alloc : memref<!tpu.dma_semaphore, #tpu.memory_space<semaphore_mem>>
      %dma_start3A = arith.constant 2560 : i32
      %dma_start3A_84 = tpu.memref_slice %arg10[%dma_start3A] : memref<10240xf32, #tpu.memory_space<vmem>> -> memref<640xf32, #tpu.memory_space<vmem>>
      %dma_start3A_85 = tpu.memref_slice %arg7[%run_scoped3A_31, %mul3A_30] : memref<16x10240xf32, #tpu.memory_space<vmem_shared>> -> memref<1x640xf32, #tpu.memory_space<vmem_shared>>
      %dma_start3A_86 = tpu.memref_squeeze %dma_start3A_85 : memref<1x640xf32, #tpu.memory_space<vmem_shared>> -> memref<640xf32, #tpu.memory_space<vmem_shared>>
      %dma_start3A_87 = arith.constant 2560 : i32
      %dma_start3A_88 = tpu.memref_slice %arg10[%dma_start3A_87] : memref<10240xf32, #tpu.memory_space<vmem>> -> memref<640xf32, #tpu.memory_space<vmem>>
      %dma_start3A_89 = tpu.memref_slice %arg7[%run_scoped3A_31, %mul3A_30] : memref<16x10240xf32, #tpu.memory_space<vmem_shared>> -> memref<1x640xf32, #tpu.memory_space<vmem_shared>>
      %dma_start3A_90 = tpu.memref_squeeze %dma_start3A_89 : memref<1x640xf32, #tpu.memory_space<vmem_shared>> -> memref<640xf32, #tpu.memory_space<vmem_shared>>
      tpu.enqueue_dma source(%dma_start3A_90 : memref<640xf32, #tpu.memory_space<vmem_shared>>) target(%dma_start3A_88 : memref<640xf32, #tpu.memory_space<vmem>>) target_semaphore(%run_scoped3A_83 : memref<!tpu.dma_semaphore, #tpu.memory_space<semaphore_mem>>)
      %dma_wait3A = arith.constant 2560 : i32
      %dma_wait3A_91 = tpu.memref_slice %arg10[%dma_wait3A] : memref<10240xf32, #tpu.memory_space<vmem>> -> memref<640xf32, #tpu.memory_space<vmem>>
      %dma_wait3A_92 = tpu.memref_slice %arg7[%run_scoped3A_31, %mul3A_30] : memref<16x10240xf32, #tpu.memory_space<vmem_shared>> -> memref<1x640xf32, #tpu.memory_space<vmem_shared>>
      %dma_wait3A_93 = tpu.memref_squeeze %dma_wait3A_92 : memref<1x640xf32, #tpu.memory_space<vmem_shared>> -> memref<640xf32, #tpu.memory_space<vmem_shared>>
      %dma_wait3A_94 = arith.constant 2560 : i32
      %dma_wait3A_95 = tpu.memref_slice %arg10[%dma_wait3A_94] : memref<10240xf32, #tpu.memory_space<vmem>> -> memref<640xf32, #tpu.memory_space<vmem>>
      %dma_wait3A_96 = tpu.memref_slice %arg7[%run_scoped3A_31, %mul3A_30] : memref<16x10240xf32, #tpu.memory_space<vmem_shared>> -> memref<1x640xf32, #tpu.memory_space<vmem_shared>>
      %dma_wait3A_97 = tpu.memref_squeeze %dma_wait3A_96 : memref<1x640xf32, #tpu.memory_space<vmem_shared>> -> memref<640xf32, #tpu.memory_space<vmem_shared>>
      tpu.wait_dma2 semaphore(%run_scoped3A_83 : memref<!tpu.dma_semaphore, #tpu.memory_space<semaphore_mem>>) src(%dma_wait3A_97 : memref<640xf32, #tpu.memory_space<vmem_shared>>) dst(%dma_wait3A_95 : memref<640xf32, #tpu.memory_space<vmem>>)
      tpu.yield
    }) : () -> ()
    %mul3A_32 = arith.constant 640 : i32
    %mul3A_33 = arith.muli %arg1, %mul3A_32 : i32
    %run_scoped3A_34 = arith.constant 5 : i32
    "tpu.region"() ({
      %run_scoped3A_83 = tpu.sem_alloc : memref<!tpu.dma_semaphore, #tpu.memory_space<semaphore_mem>>
      %dma_start3A = arith.constant 3200 : i32
      %dma_start3A_84 = tpu.memref_slice %arg10[%dma_start3A] : memref<10240xf32, #tpu.memory_space<vmem>> -> memref<640xf32, #tpu.memory_space<vmem>>
      %dma_start3A_85 = tpu.memref_slice %arg7[%run_scoped3A_34, %mul3A_33] : memref<16x10240xf32, #tpu.memory_space<vmem_shared>> -> memref<1x640xf32, #tpu.memory_space<vmem_shared>>
      %dma_start3A_86 = tpu.memref_squeeze %dma_start3A_85 : memref<1x640xf32, #tpu.memory_space<vmem_shared>> -> memref<640xf32, #tpu.memory_space<vmem_shared>>
      %dma_start3A_87 = arith.constant 3200 : i32
      %dma_start3A_88 = tpu.memref_slice %arg10[%dma_start3A_87] : memref<10240xf32, #tpu.memory_space<vmem>> -> memref<640xf32, #tpu.memory_space<vmem>>
      %dma_start3A_89 = tpu.memref_slice %arg7[%run_scoped3A_34, %mul3A_33] : memref<16x10240xf32, #tpu.memory_space<vmem_shared>> -> memref<1x640xf32, #tpu.memory_space<vmem_shared>>
      %dma_start3A_90 = tpu.memref_squeeze %dma_start3A_89 : memref<1x640xf32, #tpu.memory_space<vmem_shared>> -> memref<640xf32, #tpu.memory_space<vmem_shared>>
      tpu.enqueue_dma source(%dma_start3A_90 : memref<640xf32, #tpu.memory_space<vmem_shared>>) target(%dma_start3A_88 : memref<640xf32, #tpu.memory_space<vmem>>) target_semaphore(%run_scoped3A_83 : memref<!tpu.dma_semaphore, #tpu.memory_space<semaphore_mem>>)
      %dma_wait3A = arith.constant 3200 : i32
      %dma_wait3A_91 = tpu.memref_slice %arg10[%dma_wait3A] : memref<10240xf32, #tpu.memory_space<vmem>> -> memref<640xf32, #tpu.memory_space<vmem>>
      %dma_wait3A_92 = tpu.memref_slice %arg7[%run_scoped3A_34, %mul3A_33] : memref<16x10240xf32, #tpu.memory_space<vmem_shared>> -> memref<1x640xf32, #tpu.memory_space<vmem_shared>>
      %dma_wait3A_93 = tpu.memref_squeeze %dma_wait3A_92 : memref<1x640xf32, #tpu.memory_space<vmem_shared>> -> memref<640xf32, #tpu.memory_space<vmem_shared>>
      %dma_wait3A_94 = arith.constant 3200 : i32
      %dma_wait3A_95 = tpu.memref_slice %arg10[%dma_wait3A_94] : memref<10240xf32, #tpu.memory_space<vmem>> -> memref<640xf32, #tpu.memory_space<vmem>>
      %dma_wait3A_96 = tpu.memref_slice %arg7[%run_scoped3A_34, %mul3A_33] : memref<16x10240xf32, #tpu.memory_space<vmem_shared>> -> memref<1x640xf32, #tpu.memory_space<vmem_shared>>
      %dma_wait3A_97 = tpu.memref_squeeze %dma_wait3A_96 : memref<1x640xf32, #tpu.memory_space<vmem_shared>> -> memref<640xf32, #tpu.memory_space<vmem_shared>>
      tpu.wait_dma2 semaphore(%run_scoped3A_83 : memref<!tpu.dma_semaphore, #tpu.memory_space<semaphore_mem>>) src(%dma_wait3A_97 : memref<640xf32, #tpu.memory_space<vmem_shared>>) dst(%dma_wait3A_95 : memref<640xf32, #tpu.memory_space<vmem>>)
      tpu.yield
    }) : () -> ()
    %mul3A_35 = arith.constant 640 : i32
    %mul3A_36 = arith.muli %arg1, %mul3A_35 : i32
    %run_scoped3A_37 = arith.constant 6 : i32
    "tpu.region"() ({
      %run_scoped3A_83 = tpu.sem_alloc : memref<!tpu.dma_semaphore, #tpu.memory_space<semaphore_mem>>
      %dma_start3A = arith.constant 3840 : i32
      %dma_start3A_84 = tpu.memref_slice %arg10[%dma_start3A] : memref<10240xf32, #tpu.memory_space<vmem>> -> memref<640xf32, #tpu.memory_space<vmem>>
      %dma_start3A_85 = tpu.memref_slice %arg7[%run_scoped3A_37, %mul3A_36] : memref<16x10240xf32, #tpu.memory_space<vmem_shared>> -> memref<1x640xf32, #tpu.memory_space<vmem_shared>>
      %dma_start3A_86 = tpu.memref_squeeze %dma_start3A_85 : memref<1x640xf32, #tpu.memory_space<vmem_shared>> -> memref<640xf32, #tpu.memory_space<vmem_shared>>
      %dma_start3A_87 = arith.constant 3840 : i32
      %dma_start3A_88 = tpu.memref_slice %arg10[%dma_start3A_87] : memref<10240xf32, #tpu.memory_space<vmem>> -> memref<640xf32, #tpu.memory_space<vmem>>
      %dma_start3A_89 = tpu.memref_slice %arg7[%run_scoped3A_37, %mul3A_36] : memref<16x10240xf32, #tpu.memory_space<vmem_shared>> -> memref<1x640xf32, #tpu.memory_space<vmem_shared>>
      %dma_start3A_90 = tpu.memref_squeeze %dma_start3A_89 : memref<1x640xf32, #tpu.memory_space<vmem_shared>> -> memref<640xf32, #tpu.memory_space<vmem_shared>>
      tpu.enqueue_dma source(%dma_start3A_90 : memref<640xf32, #tpu.memory_space<vmem_shared>>) target(%dma_start3A_88 : memref<640xf32, #tpu.memory_space<vmem>>) target_semaphore(%run_scoped3A_83 : memref<!tpu.dma_semaphore, #tpu.memory_space<semaphore_mem>>)
      %dma_wait3A = arith.constant 3840 : i32
      %dma_wait3A_91 = tpu.memref_slice %arg10[%dma_wait3A] : memref<10240xf32, #tpu.memory_space<vmem>> -> memref<640xf32, #tpu.memory_space<vmem>>
      %dma_wait3A_92 = tpu.memref_slice %arg7[%run_scoped3A_37, %mul3A_36] : memref<16x10240xf32, #tpu.memory_space<vmem_shared>> -> memref<1x640xf32, #tpu.memory_space<vmem_shared>>
      %dma_wait3A_93 = tpu.memref_squeeze %dma_wait3A_92 : memref<1x640xf32, #tpu.memory_space<vmem_shared>> -> memref<640xf32, #tpu.memory_space<vmem_shared>>
      %dma_wait3A_94 = arith.constant 3840 : i32
      %dma_wait3A_95 = tpu.memref_slice %arg10[%dma_wait3A_94] : memref<10240xf32, #tpu.memory_space<vmem>> -> memref<640xf32, #tpu.memory_space<vmem>>
      %dma_wait3A_96 = tpu.memref_slice %arg7[%run_scoped3A_37, %mul3A_36] : memref<16x10240xf32, #tpu.memory_space<vmem_shared>> -> memref<1x640xf32, #tpu.memory_space<vmem_shared>>
      %dma_wait3A_97 = tpu.memref_squeeze %dma_wait3A_96 : memref<1x640xf32, #tpu.memory_space<vmem_shared>> -> memref<640xf32, #tpu.memory_space<vmem_shared>>
      tpu.wait_dma2 semaphore(%run_scoped3A_83 : memref<!tpu.dma_semaphore, #tpu.memory_space<semaphore_mem>>) src(%dma_wait3A_97 : memref<640xf32, #tpu.memory_space<vmem_shared>>) dst(%dma_wait3A_95 : memref<640xf32, #tpu.memory_space<vmem>>)
      tpu.yield
    }) : () -> ()
    %mul3A_38 = arith.constant 640 : i32
    %mul3A_39 = arith.muli %arg1, %mul3A_38 : i32
    %run_scoped3A_40 = arith.constant 7 : i32
    "tpu.region"() ({
      %run_scoped3A_83 = tpu.sem_alloc : memref<!tpu.dma_semaphore, #tpu.memory_space<semaphore_mem>>
      %dma_start3A = arith.constant 4480 : i32
      %dma_start3A_84 = tpu.memref_slice %arg10[%dma_start3A] : memref<10240xf32, #tpu.memory_space<vmem>> -> memref<640xf32, #tpu.memory_space<vmem>>
      %dma_start3A_85 = tpu.memref_slice %arg7[%run_scoped3A_40, %mul3A_39] : memref<16x10240xf32, #tpu.memory_space<vmem_shared>> -> memref<1x640xf32, #tpu.memory_space<vmem_shared>>
      %dma_start3A_86 = tpu.memref_squeeze %dma_start3A_85 : memref<1x640xf32, #tpu.memory_space<vmem_shared>> -> memref<640xf32, #tpu.memory_space<vmem_shared>>
      %dma_start3A_87 = arith.constant 4480 : i32
      %dma_start3A_88 = tpu.memref_slice %arg10[%dma_start3A_87] : memref<10240xf32, #tpu.memory_space<vmem>> -> memref<640xf32, #tpu.memory_space<vmem>>
      %dma_start3A_89 = tpu.memref_slice %arg7[%run_scoped3A_40, %mul3A_39] : memref<16x10240xf32, #tpu.memory_space<vmem_shared>> -> memref<1x640xf32, #tpu.memory_space<vmem_shared>>
      %dma_start3A_90 = tpu.memref_squeeze %dma_start3A_89 : memref<1x640xf32, #tpu.memory_space<vmem_shared>> -> memref<640xf32, #tpu.memory_space<vmem_shared>>
      tpu.enqueue_dma source(%dma_start3A_90 : memref<640xf32, #tpu.memory_space<vmem_shared>>) target(%dma_start3A_88 : memref<640xf32, #tpu.memory_space<vmem>>) target_semaphore(%run_scoped3A_83 : memref<!tpu.dma_semaphore, #tpu.memory_space<semaphore_mem>>)
      %dma_wait3A = arith.constant 4480 : i32
      %dma_wait3A_91 = tpu.memref_slice %arg10[%dma_wait3A] : memref<10240xf32, #tpu.memory_space<vmem>> -> memref<640xf32, #tpu.memory_space<vmem>>
      %dma_wait3A_92 = tpu.memref_slice %arg7[%run_scoped3A_40, %mul3A_39] : memref<16x10240xf32, #tpu.memory_space<vmem_shared>> -> memref<1x640xf32, #tpu.memory_space<vmem_shared>>
      %dma_wait3A_93 = tpu.memref_squeeze %dma_wait3A_92 : memref<1x640xf32, #tpu.memory_space<vmem_shared>> -> memref<640xf32, #tpu.memory_space<vmem_shared>>
      %dma_wait3A_94 = arith.constant 4480 : i32
      %dma_wait3A_95 = tpu.memref_slice %arg10[%dma_wait3A_94] : memref<10240xf32, #tpu.memory_space<vmem>> -> memref<640xf32, #tpu.memory_space<vmem>>
      %dma_wait3A_96 = tpu.memref_slice %arg7[%run_scoped3A_40, %mul3A_39] : memref<16x10240xf32, #tpu.memory_space<vmem_shared>> -> memref<1x640xf32, #tpu.memory_space<vmem_shared>>
      %dma_wait3A_97 = tpu.memref_squeeze %dma_wait3A_96 : memref<1x640xf32, #tpu.memory_space<vmem_shared>> -> memref<640xf32, #tpu.memory_space<vmem_shared>>
      tpu.wait_dma2 semaphore(%run_scoped3A_83 : memref<!tpu.dma_semaphore, #tpu.memory_space<semaphore_mem>>) src(%dma_wait3A_97 : memref<640xf32, #tpu.memory_space<vmem_shared>>) dst(%dma_wait3A_95 : memref<640xf32, #tpu.memory_space<vmem>>)
      tpu.yield
    }) : () -> ()
    %mul3A_41 = arith.constant 640 : i32
    %mul3A_42 = arith.muli %arg1, %mul3A_41 : i32
    %run_scoped3A_43 = arith.constant 8 : i32
    "tpu.region"() ({
      %run_scoped3A_83 = tpu.sem_alloc : memref<!tpu.dma_semaphore, #tpu.memory_space<semaphore_mem>>
      %dma_start3A = arith.constant 5120 : i32
      %dma_start3A_84 = tpu.memref_slice %arg10[%dma_start3A] : memref<10240xf32, #tpu.memory_space<vmem>> -> memref<640xf32, #tpu.memory_space<vmem>>
      %dma_start3A_85 = tpu.memref_slice %arg7[%run_scoped3A_43, %mul3A_42] : memref<16x10240xf32, #tpu.memory_space<vmem_shared>> -> memref<1x640xf32, #tpu.memory_space<vmem_shared>>
      %dma_start3A_86 = tpu.memref_squeeze %dma_start3A_85 : memref<1x640xf32, #tpu.memory_space<vmem_shared>> -> memref<640xf32, #tpu.memory_space<vmem_shared>>
      %dma_start3A_87 = arith.constant 5120 : i32
      %dma_start3A_88 = tpu.memref_slice %arg10[%dma_start3A_87] : memref<10240xf32, #tpu.memory_space<vmem>> -> memref<640xf32, #tpu.memory_space<vmem>>
      %dma_start3A_89 = tpu.memref_slice %arg7[%run_scoped3A_43, %mul3A_42] : memref<16x10240xf32, #tpu.memory_space<vmem_shared>> -> memref<1x640xf32, #tpu.memory_space<vmem_shared>>
      %dma_start3A_90 = tpu.memref_squeeze %dma_start3A_89 : memref<1x640xf32, #tpu.memory_space<vmem_shared>> -> memref<640xf32, #tpu.memory_space<vmem_shared>>
      tpu.enqueue_dma source(%dma_start3A_90 : memref<640xf32, #tpu.memory_space<vmem_shared>>) target(%dma_start3A_88 : memref<640xf32, #tpu.memory_space<vmem>>) target_semaphore(%run_scoped3A_83 : memref<!tpu.dma_semaphore, #tpu.memory_space<semaphore_mem>>)
      %dma_wait3A = arith.constant 5120 : i32
      %dma_wait3A_91 = tpu.memref_slice %arg10[%dma_wait3A] : memref<10240xf32, #tpu.memory_space<vmem>> -> memref<640xf32, #tpu.memory_space<vmem>>
      %dma_wait3A_92 = tpu.memref_slice %arg7[%run_scoped3A_43, %mul3A_42] : memref<16x10240xf32, #tpu.memory_space<vmem_shared>> -> memref<1x640xf32, #tpu.memory_space<vmem_shared>>
      %dma_wait3A_93 = tpu.memref_squeeze %dma_wait3A_92 : memref<1x640xf32, #tpu.memory_space<vmem_shared>> -> memref<640xf32, #tpu.memory_space<vmem_shared>>
      %dma_wait3A_94 = arith.constant 5120 : i32
      %dma_wait3A_95 = tpu.memref_slice %arg10[%dma_wait3A_94] : memref<10240xf32, #tpu.memory_space<vmem>> -> memref<640xf32, #tpu.memory_space<vmem>>
      %dma_wait3A_96 = tpu.memref_slice %arg7[%run_scoped3A_43, %mul3A_42] : memref<16x10240xf32, #tpu.memory_space<vmem_shared>> -> memref<1x640xf32, #tpu.memory_space<vmem_shared>>
      %dma_wait3A_97 = tpu.memref_squeeze %dma_wait3A_96 : memref<1x640xf32, #tpu.memory_space<vmem_shared>> -> memref<640xf32, #tpu.memory_space<vmem_shared>>
      tpu.wait_dma2 semaphore(%run_scoped3A_83 : memref<!tpu.dma_semaphore, #tpu.memory_space<semaphore_mem>>) src(%dma_wait3A_97 : memref<640xf32, #tpu.memory_space<vmem_shared>>) dst(%dma_wait3A_95 : memref<640xf32, #tpu.memory_space<vmem>>)
      tpu.yield
    }) : () -> ()
    %mul3A_44 = arith.constant 640 : i32
    %mul3A_45 = arith.muli %arg1, %mul3A_44 : i32
    %run_scoped3A_46 = arith.constant 9 : i32
    "tpu.region"() ({
      %run_scoped3A_83 = tpu.sem_alloc : memref<!tpu.dma_semaphore, #tpu.memory_space<semaphore_mem>>
      %dma_start3A = arith.constant 5760 : i32
      %dma_start3A_84 = tpu.memref_slice %arg10[%dma_start3A] : memref<10240xf32, #tpu.memory_space<vmem>> -> memref<640xf32, #tpu.memory_space<vmem>>
      %dma_start3A_85 = tpu.memref_slice %arg7[%run_scoped3A_46, %mul3A_45] : memref<16x10240xf32, #tpu.memory_space<vmem_shared>> -> memref<1x640xf32, #tpu.memory_space<vmem_shared>>
      %dma_start3A_86 = tpu.memref_squeeze %dma_start3A_85 : memref<1x640xf32, #tpu.memory_space<vmem_shared>> -> memref<640xf32, #tpu.memory_space<vmem_shared>>
      %dma_start3A_87 = arith.constant 5760 : i32
      %dma_start3A_88 = tpu.memref_slice %arg10[%dma_start3A_87] : memref<10240xf32, #tpu.memory_space<vmem>> -> memref<640xf32, #tpu.memory_space<vmem>>
      %dma_start3A_89 = tpu.memref_slice %arg7[%run_scoped3A_46, %mul3A_45] : memref<16x10240xf32, #tpu.memory_space<vmem_shared>> -> memref<1x640xf32, #tpu.memory_space<vmem_shared>>
      %dma_start3A_90 = tpu.memref_squeeze %dma_start3A_89 : memref<1x640xf32, #tpu.memory_space<vmem_shared>> -> memref<640xf32, #tpu.memory_space<vmem_shared>>
      tpu.enqueue_dma source(%dma_start3A_90 : memref<640xf32, #tpu.memory_space<vmem_shared>>) target(%dma_start3A_88 : memref<640xf32, #tpu.memory_space<vmem>>) target_semaphore(%run_scoped3A_83 : memref<!tpu.dma_semaphore, #tpu.memory_space<semaphore_mem>>)
      %dma_wait3A = arith.constant 5760 : i32
      %dma_wait3A_91 = tpu.memref_slice %arg10[%dma_wait3A] : memref<10240xf32, #tpu.memory_space<vmem>> -> memref<640xf32, #tpu.memory_space<vmem>>
      %dma_wait3A_92 = tpu.memref_slice %arg7[%run_scoped3A_46, %mul3A_45] : memref<16x10240xf32, #tpu.memory_space<vmem_shared>> -> memref<1x640xf32, #tpu.memory_space<vmem_shared>>
      %dma_wait3A_93 = tpu.memref_squeeze %dma_wait3A_92 : memref<1x640xf32, #tpu.memory_space<vmem_shared>> -> memref<640xf32, #tpu.memory_space<vmem_shared>>
      %dma_wait3A_94 = arith.constant 5760 : i32
      %dma_wait3A_95 = tpu.memref_slice %arg10[%dma_wait3A_94] : memref<10240xf32, #tpu.memory_space<vmem>> -> memref<640xf32, #tpu.memory_space<vmem>>
      %dma_wait3A_96 = tpu.memref_slice %arg7[%run_scoped3A_46, %mul3A_45] : memref<16x10240xf32, #tpu.memory_space<vmem_shared>> -> memref<1x640xf32, #tpu.memory_space<vmem_shared>>
      %dma_wait3A_97 = tpu.memref_squeeze %dma_wait3A_96 : memref<1x640xf32, #tpu.memory_space<vmem_shared>> -> memref<640xf32, #tpu.memory_space<vmem_shared>>
      tpu.wait_dma2 semaphore(%run_scoped3A_83 : memref<!tpu.dma_semaphore, #tpu.memory_space<semaphore_mem>>) src(%dma_wait3A_97 : memref<640xf32, #tpu.memory_space<vmem_shared>>) dst(%dma_wait3A_95 : memref<640xf32, #tpu.memory_space<vmem>>)
      tpu.yield
    }) : () -> ()
    %mul3A_47 = arith.constant 640 : i32
    %mul3A_48 = arith.muli %arg1, %mul3A_47 : i32
    %run_scoped3A_49 = arith.constant 10 : i32
    "tpu.region"() ({
      %run_scoped3A_83 = tpu.sem_alloc : memref<!tpu.dma_semaphore, #tpu.memory_space<semaphore_mem>>
      %dma_start3A = arith.constant 6400 : i32
      %dma_start3A_84 = tpu.memref_slice %arg10[%dma_start3A] : memref<10240xf32, #tpu.memory_space<vmem>> -> memref<640xf32, #tpu.memory_space<vmem>>
      %dma_start3A_85 = tpu.memref_slice %arg7[%run_scoped3A_49, %mul3A_48] : memref<16x10240xf32, #tpu.memory_space<vmem_shared>> -> memref<1x640xf32, #tpu.memory_space<vmem_shared>>
      %dma_start3A_86 = tpu.memref_squeeze %dma_start3A_85 : memref<1x640xf32, #tpu.memory_space<vmem_shared>> -> memref<640xf32, #tpu.memory_space<vmem_shared>>
      %dma_start3A_87 = arith.constant 6400 : i32
      %dma_start3A_88 = tpu.memref_slice %arg10[%dma_start3A_87] : memref<10240xf32, #tpu.memory_space<vmem>> -> memref<640xf32, #tpu.memory_space<vmem>>
      %dma_start3A_89 = tpu.memref_slice %arg7[%run_scoped3A_49, %mul3A_48] : memref<16x10240xf32, #tpu.memory_space<vmem_shared>> -> memref<1x640xf32, #tpu.memory_space<vmem_shared>>
      %dma_start3A_90 = tpu.memref_squeeze %dma_start3A_89 : memref<1x640xf32, #tpu.memory_space<vmem_shared>> -> memref<640xf32, #tpu.memory_space<vmem_shared>>
      tpu.enqueue_dma source(%dma_start3A_90 : memref<640xf32, #tpu.memory_space<vmem_shared>>) target(%dma_start3A_88 : memref<640xf32, #tpu.memory_space<vmem>>) target_semaphore(%run_scoped3A_83 : memref<!tpu.dma_semaphore, #tpu.memory_space<semaphore_mem>>)
      %dma_wait3A = arith.constant 6400 : i32
      %dma_wait3A_91 = tpu.memref_slice %arg10[%dma_wait3A] : memref<10240xf32, #tpu.memory_space<vmem>> -> memref<640xf32, #tpu.memory_space<vmem>>
      %dma_wait3A_92 = tpu.memref_slice %arg7[%run_scoped3A_49, %mul3A_48] : memref<16x10240xf32, #tpu.memory_space<vmem_shared>> -> memref<1x640xf32, #tpu.memory_space<vmem_shared>>
      %dma_wait3A_93 = tpu.memref_squeeze %dma_wait3A_92 : memref<1x640xf32, #tpu.memory_space<vmem_shared>> -> memref<640xf32, #tpu.memory_space<vmem_shared>>
      %dma_wait3A_94 = arith.constant 6400 : i32
      %dma_wait3A_95 = tpu.memref_slice %arg10[%dma_wait3A_94] : memref<10240xf32, #tpu.memory_space<vmem>> -> memref<640xf32, #tpu.memory_space<vmem>>
      %dma_wait3A_96 = tpu.memref_slice %arg7[%run_scoped3A_49, %mul3A_48] : memref<16x10240xf32, #tpu.memory_space<vmem_shared>> -> memref<1x640xf32, #tpu.memory_space<vmem_shared>>
      %dma_wait3A_97 = tpu.memref_squeeze %dma_wait3A_96 : memref<1x640xf32, #tpu.memory_space<vmem_shared>> -> memref<640xf32, #tpu.memory_space<vmem_shared>>
      tpu.wait_dma2 semaphore(%run_scoped3A_83 : memref<!tpu.dma_semaphore, #tpu.memory_space<semaphore_mem>>) src(%dma_wait3A_97 : memref<640xf32, #tpu.memory_space<vmem_shared>>) dst(%dma_wait3A_95 : memref<640xf32, #tpu.memory_space<vmem>>)
      tpu.yield
    }) : () -> ()
    %mul3A_50 = arith.constant 640 : i32
    %mul3A_51 = arith.muli %arg1, %mul3A_50 : i32
    %run_scoped3A_52 = arith.constant 11 : i32
    "tpu.region"() ({
      %run_scoped3A_83 = tpu.sem_alloc : memref<!tpu.dma_semaphore, #tpu.memory_space<semaphore_mem>>
      %dma_start3A = arith.constant 7040 : i32
      %dma_start3A_84 = tpu.memref_slice %arg10[%dma_start3A] : memref<10240xf32, #tpu.memory_space<vmem>> -> memref<640xf32, #tpu.memory_space<vmem>>
      %dma_start3A_85 = tpu.memref_slice %arg7[%run_scoped3A_52, %mul3A_51] : memref<16x10240xf32, #tpu.memory_space<vmem_shared>> -> memref<1x640xf32, #tpu.memory_space<vmem_shared>>
      %dma_start3A_86 = tpu.memref_squeeze %dma_start3A_85 : memref<1x640xf32, #tpu.memory_space<vmem_shared>> -> memref<640xf32, #tpu.memory_space<vmem_shared>>
      %dma_start3A_87 = arith.constant 7040 : i32
      %dma_start3A_88 = tpu.memref_slice %arg10[%dma_start3A_87] : memref<10240xf32, #tpu.memory_space<vmem>> -> memref<640xf32, #tpu.memory_space<vmem>>
      %dma_start3A_89 = tpu.memref_slice %arg7[%run_scoped3A_52, %mul3A_51] : memref<16x10240xf32, #tpu.memory_space<vmem_shared>> -> memref<1x640xf32, #tpu.memory_space<vmem_shared>>
      %dma_start3A_90 = tpu.memref_squeeze %dma_start3A_89 : memref<1x640xf32, #tpu.memory_space<vmem_shared>> -> memref<640xf32, #tpu.memory_space<vmem_shared>>
      tpu.enqueue_dma source(%dma_start3A_90 : memref<640xf32, #tpu.memory_space<vmem_shared>>) target(%dma_start3A_88 : memref<640xf32, #tpu.memory_space<vmem>>) target_semaphore(%run_scoped3A_83 : memref<!tpu.dma_semaphore, #tpu.memory_space<semaphore_mem>>)
      %dma_wait3A = arith.constant 7040 : i32
      %dma_wait3A_91 = tpu.memref_slice %arg10[%dma_wait3A] : memref<10240xf32, #tpu.memory_space<vmem>> -> memref<640xf32, #tpu.memory_space<vmem>>
      %dma_wait3A_92 = tpu.memref_slice %arg7[%run_scoped3A_52, %mul3A_51] : memref<16x10240xf32, #tpu.memory_space<vmem_shared>> -> memref<1x640xf32, #tpu.memory_space<vmem_shared>>
      %dma_wait3A_93 = tpu.memref_squeeze %dma_wait3A_92 : memref<1x640xf32, #tpu.memory_space<vmem_shared>> -> memref<640xf32, #tpu.memory_space<vmem_shared>>
      %dma_wait3A_94 = arith.constant 7040 : i32
      %dma_wait3A_95 = tpu.memref_slice %arg10[%dma_wait3A_94] : memref<10240xf32, #tpu.memory_space<vmem>> -> memref<640xf32, #tpu.memory_space<vmem>>
      %dma_wait3A_96 = tpu.memref_slice %arg7[%run_scoped3A_52, %mul3A_51] : memref<16x10240xf32, #tpu.memory_space<vmem_shared>> -> memref<1x640xf32, #tpu.memory_space<vmem_shared>>
      %dma_wait3A_97 = tpu.memref_squeeze %dma_wait3A_96 : memref<1x640xf32, #tpu.memory_space<vmem_shared>> -> memref<640xf32, #tpu.memory_space<vmem_shared>>
      tpu.wait_dma2 semaphore(%run_scoped3A_83 : memref<!tpu.dma_semaphore, #tpu.memory_space<semaphore_mem>>) src(%dma_wait3A_97 : memref<640xf32, #tpu.memory_space<vmem_shared>>) dst(%dma_wait3A_95 : memref<640xf32, #tpu.memory_space<vmem>>)
      tpu.yield
    }) : () -> ()
    %mul3A_53 = arith.constant 640 : i32
    %mul3A_54 = arith.muli %arg1, %mul3A_53 : i32
    %run_scoped3A_55 = arith.constant 12 : i32
    "tpu.region"() ({
      %run_scoped3A_83 = tpu.sem_alloc : memref<!tpu.dma_semaphore, #tpu.memory_space<semaphore_mem>>
      %dma_start3A = arith.constant 7680 : i32
      %dma_start3A_84 = tpu.memref_slice %arg10[%dma_start3A] : memref<10240xf32, #tpu.memory_space<vmem>> -> memref<640xf32, #tpu.memory_space<vmem>>
      %dma_start3A_85 = tpu.memref_slice %arg7[%run_scoped3A_55, %mul3A_54] : memref<16x10240xf32, #tpu.memory_space<vmem_shared>> -> memref<1x640xf32, #tpu.memory_space<vmem_shared>>
      %dma_start3A_86 = tpu.memref_squeeze %dma_start3A_85 : memref<1x640xf32, #tpu.memory_space<vmem_shared>> -> memref<640xf32, #tpu.memory_space<vmem_shared>>
      %dma_start3A_87 = arith.constant 7680 : i32
      %dma_start3A_88 = tpu.memref_slice %arg10[%dma_start3A_87] : memref<10240xf32, #tpu.memory_space<vmem>> -> memref<640xf32, #tpu.memory_space<vmem>>
      %dma_start3A_89 = tpu.memref_slice %arg7[%run_scoped3A_55, %mul3A_54] : memref<16x10240xf32, #tpu.memory_space<vmem_shared>> -> memref<1x640xf32, #tpu.memory_space<vmem_shared>>
      %dma_start3A_90 = tpu.memref_squeeze %dma_start3A_89 : memref<1x640xf32, #tpu.memory_space<vmem_shared>> -> memref<640xf32, #tpu.memory_space<vmem_shared>>
      tpu.enqueue_dma source(%dma_start3A_90 : memref<640xf32, #tpu.memory_space<vmem_shared>>) target(%dma_start3A_88 : memref<640xf32, #tpu.memory_space<vmem>>) target_semaphore(%run_scoped3A_83 : memref<!tpu.dma_semaphore, #tpu.memory_space<semaphore_mem>>)
      %dma_wait3A = arith.constant 7680 : i32
      %dma_wait3A_91 = tpu.memref_slice %arg10[%dma_wait3A] : memref<10240xf32, #tpu.memory_space<vmem>> -> memref<640xf32, #tpu.memory_space<vmem>>
      %dma_wait3A_92 = tpu.memref_slice %arg7[%run_scoped3A_55, %mul3A_54] : memref<16x10240xf32, #tpu.memory_space<vmem_shared>> -> memref<1x640xf32, #tpu.memory_space<vmem_shared>>
      %dma_wait3A_93 = tpu.memref_squeeze %dma_wait3A_92 : memref<1x640xf32, #tpu.memory_space<vmem_shared>> -> memref<640xf32, #tpu.memory_space<vmem_shared>>
      %dma_wait3A_94 = arith.constant 7680 : i32
      %dma_wait3A_95 = tpu.memref_slice %arg10[%dma_wait3A_94] : memref<10240xf32, #tpu.memory_space<vmem>> -> memref<640xf32, #tpu.memory_space<vmem>>
      %dma_wait3A_96 = tpu.memref_slice %arg7[%run_scoped3A_55, %mul3A_54] : memref<16x10240xf32, #tpu.memory_space<vmem_shared>> -> memref<1x640xf32, #tpu.memory_space<vmem_shared>>
      %dma_wait3A_97 = tpu.memref_squeeze %dma_wait3A_96 : memref<1x640xf32, #tpu.memory_space<vmem_shared>> -> memref<640xf32, #tpu.memory_space<vmem_shared>>
      tpu.wait_dma2 semaphore(%run_scoped3A_83 : memref<!tpu.dma_semaphore, #tpu.memory_space<semaphore_mem>>) src(%dma_wait3A_97 : memref<640xf32, #tpu.memory_space<vmem_shared>>) dst(%dma_wait3A_95 : memref<640xf32, #tpu.memory_space<vmem>>)
      tpu.yield
    }) : () -> ()
    %mul3A_56 = arith.constant 640 : i32
    %mul3A_57 = arith.muli %arg1, %mul3A_56 : i32
    %run_scoped3A_58 = arith.constant 13 : i32
    "tpu.region"() ({
      %run_scoped3A_83 = tpu.sem_alloc : memref<!tpu.dma_semaphore, #tpu.memory_space<semaphore_mem>>
      %dma_start3A = arith.constant 8320 : i32
      %dma_start3A_84 = tpu.memref_slice %arg10[%dma_start3A] : memref<10240xf32, #tpu.memory_space<vmem>> -> memref<640xf32, #tpu.memory_space<vmem>>
      %dma_start3A_85 = tpu.memref_slice %arg7[%run_scoped3A_58, %mul3A_57] : memref<16x10240xf32, #tpu.memory_space<vmem_shared>> -> memref<1x640xf32, #tpu.memory_space<vmem_shared>>
      %dma_start3A_86 = tpu.memref_squeeze %dma_start3A_85 : memref<1x640xf32, #tpu.memory_space<vmem_shared>> -> memref<640xf32, #tpu.memory_space<vmem_shared>>
      %dma_start3A_87 = arith.constant 8320 : i32
      %dma_start3A_88 = tpu.memref_slice %arg10[%dma_start3A_87] : memref<10240xf32, #tpu.memory_space<vmem>> -> memref<640xf32, #tpu.memory_space<vmem>>
      %dma_start3A_89 = tpu.memref_slice %arg7[%run_scoped3A_58, %mul3A_57] : memref<16x10240xf32, #tpu.memory_space<vmem_shared>> -> memref<1x640xf32, #tpu.memory_space<vmem_shared>>
      %dma_start3A_90 = tpu.memref_squeeze %dma_start3A_89 : memref<1x640xf32, #tpu.memory_space<vmem_shared>> -> memref<640xf32, #tpu.memory_space<vmem_shared>>
      tpu.enqueue_dma source(%dma_start3A_90 : memref<640xf32, #tpu.memory_space<vmem_shared>>) target(%dma_start3A_88 : memref<640xf32, #tpu.memory_space<vmem>>) target_semaphore(%run_scoped3A_83 : memref<!tpu.dma_semaphore, #tpu.memory_space<semaphore_mem>>)
      %dma_wait3A = arith.constant 8320 : i32
      %dma_wait3A_91 = tpu.memref_slice %arg10[%dma_wait3A] : memref<10240xf32, #tpu.memory_space<vmem>> -> memref<640xf32, #tpu.memory_space<vmem>>
      %dma_wait3A_92 = tpu.memref_slice %arg7[%run_scoped3A_58, %mul3A_57] : memref<16x10240xf32, #tpu.memory_space<vmem_shared>> -> memref<1x640xf32, #tpu.memory_space<vmem_shared>>
      %dma_wait3A_93 = tpu.memref_squeeze %dma_wait3A_92 : memref<1x640xf32, #tpu.memory_space<vmem_shared>> -> memref<640xf32, #tpu.memory_space<vmem_shared>>
      %dma_wait3A_94 = arith.constant 8320 : i32
      %dma_wait3A_95 = tpu.memref_slice %arg10[%dma_wait3A_94] : memref<10240xf32, #tpu.memory_space<vmem>> -> memref<640xf32, #tpu.memory_space<vmem>>
      %dma_wait3A_96 = tpu.memref_slice %arg7[%run_scoped3A_58, %mul3A_57] : memref<16x10240xf32, #tpu.memory_space<vmem_shared>> -> memref<1x640xf32, #tpu.memory_space<vmem_shared>>
      %dma_wait3A_97 = tpu.memref_squeeze %dma_wait3A_96 : memref<1x640xf32, #tpu.memory_space<vmem_shared>> -> memref<640xf32, #tpu.memory_space<vmem_shared>>
      tpu.wait_dma2 semaphore(%run_scoped3A_83 : memref<!tpu.dma_semaphore, #tpu.memory_space<semaphore_mem>>) src(%dma_wait3A_97 : memref<640xf32, #tpu.memory_space<vmem_shared>>) dst(%dma_wait3A_95 : memref<640xf32, #tpu.memory_space<vmem>>)
      tpu.yield
    }) : () -> ()
    %mul3A_59 = arith.constant 640 : i32
    %mul3A_60 = arith.muli %arg1, %mul3A_59 : i32
    %run_scoped3A_61 = arith.constant 14 : i32
    "tpu.region"() ({
      %run_scoped3A_83 = tpu.sem_alloc : memref<!tpu.dma_semaphore, #tpu.memory_space<semaphore_mem>>
      %dma_start3A = arith.constant 8960 : i32
      %dma_start3A_84 = tpu.memref_slice %arg10[%dma_start3A] : memref<10240xf32, #tpu.memory_space<vmem>> -> memref<640xf32, #tpu.memory_space<vmem>>
      %dma_start3A_85 = tpu.memref_slice %arg7[%run_scoped3A_61, %mul3A_60] : memref<16x10240xf32, #tpu.memory_space<vmem_shared>> -> memref<1x640xf32, #tpu.memory_space<vmem_shared>>
      %dma_start3A_86 = tpu.memref_squeeze %dma_start3A_85 : memref<1x640xf32, #tpu.memory_space<vmem_shared>> -> memref<640xf32, #tpu.memory_space<vmem_shared>>
      %dma_start3A_87 = arith.constant 8960 : i32
      %dma_start3A_88 = tpu.memref_slice %arg10[%dma_start3A_87] : memref<10240xf32, #tpu.memory_space<vmem>> -> memref<640xf32, #tpu.memory_space<vmem>>
      %dma_start3A_89 = tpu.memref_slice %arg7[%run_scoped3A_61, %mul3A_60] : memref<16x10240xf32, #tpu.memory_space<vmem_shared>> -> memref<1x640xf32, #tpu.memory_space<vmem_shared>>
      %dma_start3A_90 = tpu.memref_squeeze %dma_start3A_89 : memref<1x640xf32, #tpu.memory_space<vmem_shared>> -> memref<640xf32, #tpu.memory_space<vmem_shared>>
      tpu.enqueue_dma source(%dma_start3A_90 : memref<640xf32, #tpu.memory_space<vmem_shared>>) target(%dma_start3A_88 : memref<640xf32, #tpu.memory_space<vmem>>) target_semaphore(%run_scoped3A_83 : memref<!tpu.dma_semaphore, #tpu.memory_space<semaphore_mem>>)
      %dma_wait3A = arith.constant 8960 : i32
      %dma_wait3A_91 = tpu.memref_slice %arg10[%dma_wait3A] : memref<10240xf32, #tpu.memory_space<vmem>> -> memref<640xf32, #tpu.memory_space<vmem>>
      %dma_wait3A_92 = tpu.memref_slice %arg7[%run_scoped3A_61, %mul3A_60] : memref<16x10240xf32, #tpu.memory_space<vmem_shared>> -> memref<1x640xf32, #tpu.memory_space<vmem_shared>>
      %dma_wait3A_93 = tpu.memref_squeeze %dma_wait3A_92 : memref<1x640xf32, #tpu.memory_space<vmem_shared>> -> memref<640xf32, #tpu.memory_space<vmem_shared>>
      %dma_wait3A_94 = arith.constant 8960 : i32
      %dma_wait3A_95 = tpu.memref_slice %arg10[%dma_wait3A_94] : memref<10240xf32, #tpu.memory_space<vmem>> -> memref<640xf32, #tpu.memory_space<vmem>>
      %dma_wait3A_96 = tpu.memref_slice %arg7[%run_scoped3A_61, %mul3A_60] : memref<16x10240xf32, #tpu.memory_space<vmem_shared>> -> memref<1x640xf32, #tpu.memory_space<vmem_shared>>
      %dma_wait3A_97 = tpu.memref_squeeze %dma_wait3A_96 : memref<1x640xf32, #tpu.memory_space<vmem_shared>> -> memref<640xf32, #tpu.memory_space<vmem_shared>>
      tpu.wait_dma2 semaphore(%run_scoped3A_83 : memref<!tpu.dma_semaphore, #tpu.memory_space<semaphore_mem>>) src(%dma_wait3A_97 : memref<640xf32, #tpu.memory_space<vmem_shared>>) dst(%dma_wait3A_95 : memref<640xf32, #tpu.memory_space<vmem>>)
      tpu.yield
    }) : () -> ()
    %mul3A_62 = arith.constant 640 : i32
    %mul3A_63 = arith.muli %arg1, %mul3A_62 : i32
    %run_scoped3A_64 = arith.constant 15 : i32
    "tpu.region"() ({
      %run_scoped3A_83 = tpu.sem_alloc : memref<!tpu.dma_semaphore, #tpu.memory_space<semaphore_mem>>
      %dma_start3A = arith.constant 9600 : i32
      %dma_start3A_84 = tpu.memref_slice %arg10[%dma_start3A] : memref<10240xf32, #tpu.memory_space<vmem>> -> memref<640xf32, #tpu.memory_space<vmem>>
      %dma_start3A_85 = tpu.memref_slice %arg7[%run_scoped3A_64, %mul3A_63] : memref<16x10240xf32, #tpu.memory_space<vmem_shared>> -> memref<1x640xf32, #tpu.memory_space<vmem_shared>>
      %dma_start3A_86 = tpu.memref_squeeze %dma_start3A_85 : memref<1x640xf32, #tpu.memory_space<vmem_shared>> -> memref<640xf32, #tpu.memory_space<vmem_shared>>
      %dma_start3A_87 = arith.constant 9600 : i32
      %dma_start3A_88 = tpu.memref_slice %arg10[%dma_start3A_87] : memref<10240xf32, #tpu.memory_space<vmem>> -> memref<640xf32, #tpu.memory_space<vmem>>
      %dma_start3A_89 = tpu.memref_slice %arg7[%run_scoped3A_64, %mul3A_63] : memref<16x10240xf32, #tpu.memory_space<vmem_shared>> -> memref<1x640xf32, #tpu.memory_space<vmem_shared>>
      %dma_start3A_90 = tpu.memref_squeeze %dma_start3A_89 : memref<1x640xf32, #tpu.memory_space<vmem_shared>> -> memref<640xf32, #tpu.memory_space<vmem_shared>>
      tpu.enqueue_dma source(%dma_start3A_90 : memref<640xf32, #tpu.memory_space<vmem_shared>>) target(%dma_start3A_88 : memref<640xf32, #tpu.memory_space<vmem>>) target_semaphore(%run_scoped3A_83 : memref<!tpu.dma_semaphore, #tpu.memory_space<semaphore_mem>>)
      %dma_wait3A = arith.constant 9600 : i32
      %dma_wait3A_91 = tpu.memref_slice %arg10[%dma_wait3A] : memref<10240xf32, #tpu.memory_space<vmem>> -> memref<640xf32, #tpu.memory_space<vmem>>
      %dma_wait3A_92 = tpu.memref_slice %arg7[%run_scoped3A_64, %mul3A_63] : memref<16x10240xf32, #tpu.memory_space<vmem_shared>> -> memref<1x640xf32, #tpu.memory_space<vmem_shared>>
      %dma_wait3A_93 = tpu.memref_squeeze %dma_wait3A_92 : memref<1x640xf32, #tpu.memory_space<vmem_shared>> -> memref<640xf32, #tpu.memory_space<vmem_shared>>
      %dma_wait3A_94 = arith.constant 9600 : i32
      %dma_wait3A_95 = tpu.memref_slice %arg10[%dma_wait3A_94] : memref<10240xf32, #tpu.memory_space<vmem>> -> memref<640xf32, #tpu.memory_space<vmem>>
      %dma_wait3A_96 = tpu.memref_slice %arg7[%run_scoped3A_64, %mul3A_63] : memref<16x10240xf32, #tpu.memory_space<vmem_shared>> -> memref<1x640xf32, #tpu.memory_space<vmem_shared>>
      %dma_wait3A_97 = tpu.memref_squeeze %dma_wait3A_96 : memref<1x640xf32, #tpu.memory_space<vmem_shared>> -> memref<640xf32, #tpu.memory_space<vmem_shared>>
      tpu.wait_dma2 semaphore(%run_scoped3A_83 : memref<!tpu.dma_semaphore, #tpu.memory_space<semaphore_mem>>) src(%dma_wait3A_97 : memref<640xf32, #tpu.memory_space<vmem_shared>>) dst(%dma_wait3A_95 : memref<640xf32, #tpu.memory_space<vmem>>)
      tpu.yield
    }) : () -> ()
    %scan3A_65 = arith.constant 0 : i32
    %scan3A_66 = arith.constant 0 : i32
    %scan3A_67 = arith.constant 40 : i32
    %scan3A_68 = arith.addi %scan3A_66, %scan3A_67 : i32
    %scan3A_69 = arith.constant 1 : i32
    scf.for %scan3A_83 = %scan3A_66 to %scan3A_68 step %scan3A_69  : i32 {
      %mul3A_84 = arith.constant 16 : i32
      %mul3A_85 = arith.muli %scan3A_83, %mul3A_84 : i32
      %get3A = arith.index_cast %mul3A_85 : i32 to index
      %get3A_86 = tpu.vector_load %arg10[%get3A] {strides = array<i32>} : memref<10240xf32, #tpu.memory_space<vmem>>, vector<16xf32>,
      %mul3A_87 = arith.constant 16 : i32
      %mul3A_88 = arith.muli %scan3A_83, %mul3A_87 : i32
      %add3A_89 = arith.constant 640 : i32
      %add3A_90 = arith.addi %add3A_89, %mul3A_88 : i32
      %get3A_91 = arith.index_cast %add3A_90 : i32 to index
      %get3A_92 = tpu.vector_load %arg10[%get3A_91] {strides = array<i32>} : memref<10240xf32, #tpu.memory_space<vmem>>, vector<16xf32>,
      %add3A_93 = arith.addf %get3A_86, %get3A_92 : vector<16xf32>
      %mul3A_94 = arith.constant 16 : i32
      %mul3A_95 = arith.muli %scan3A_83, %mul3A_94 : i32
      %add3A_96 = arith.constant 1280 : i32
      %add3A_97 = arith.addi %add3A_96, %mul3A_95 : i32
      %get3A_98 = arith.index_cast %add3A_97 : i32 to index
      %get3A_99 = tpu.vector_load %arg10[%get3A_98] {strides = array<i32>} : memref<10240xf32, #tpu.memory_space<vmem>>, vector<16xf32>,
      %add3A_100 = arith.addf %add3A_93, %get3A_99 : vector<16xf32>
      %mul3A_101 = arith.constant 16 : i32
      %mul3A_102 = arith.muli %scan3A_83, %mul3A_101 : i32
      %add3A_103 = arith.constant 1920 : i32
      %add3A_104 = arith.addi %add3A_103, %mul3A_102 : i32
      %get3A_105 = arith.index_cast %add3A_104 : i32 to index
      %get3A_106 = tpu.vector_load %arg10[%get3A_105] {strides = array<i32>} : memref<10240xf32, #tpu.memory_space<vmem>>, vector<16xf32>,
      %add3A_107 = arith.addf %add3A_100, %get3A_106 : vector<16xf32>
      %mul3A_108 = arith.constant 16 : i32
      %mul3A_109 = arith.muli %scan3A_83, %mul3A_108 : i32
      %add3A_110 = arith.constant 2560 : i32
      %add3A_111 = arith.addi %add3A_110, %mul3A_109 : i32
      %get3A_112 = arith.index_cast %add3A_111 : i32 to index
      %get3A_113 = tpu.vector_load %arg10[%get3A_112] {strides = array<i32>} : memref<10240xf32, #tpu.memory_space<vmem>>, vector<16xf32>,
      %add3A_114 = arith.addf %add3A_107, %get3A_113 : vector<16xf32>
      %mul3A_115 = arith.constant 16 : i32
      %mul3A_116 = arith.muli %scan3A_83, %mul3A_115 : i32
      %add3A_117 = arith.constant 3200 : i32
      %add3A_118 = arith.addi %add3A_117, %mul3A_116 : i32
      %get3A_119 = arith.index_cast %add3A_118 : i32 to index
      %get3A_120 = tpu.vector_load %arg10[%get3A_119] {strides = array<i32>} : memref<10240xf32, #tpu.memory_space<vmem>>, vector<16xf32>,
      %add3A_121 = arith.addf %add3A_114, %get3A_120 : vector<16xf32>
      %mul3A_122 = arith.constant 16 : i32
      %mul3A_123 = arith.muli %scan3A_83, %mul3A_122 : i32
      %add3A_124 = arith.constant 3840 : i32
      %add3A_125 = arith.addi %add3A_124, %mul3A_123 : i32
      %get3A_126 = arith.index_cast %add3A_125 : i32 to index
      %get3A_127 = tpu.vector_load %arg10[%get3A_126] {strides = array<i32>} : memref<10240xf32, #tpu.memory_space<vmem>>, vector<16xf32>,
      %add3A_128 = arith.addf %add3A_121, %get3A_127 : vector<16xf32>
      %mul3A_129 = arith.constant 16 : i32
      %mul3A_130 = arith.muli %scan3A_83, %mul3A_129 : i32
      %add3A_131 = arith.constant 4480 : i32
      %add3A_132 = arith.addi %add3A_131, %mul3A_130 : i32
      %get3A_133 = arith.index_cast %add3A_132 : i32 to index
      %get3A_134 = tpu.vector_load %arg10[%get3A_133] {strides = array<i32>} : memref<10240xf32, #tpu.memory_space<vmem>>, vector<16xf32>,
      %add3A_135 = arith.addf %add3A_128, %get3A_134 : vector<16xf32>
      %mul3A_136 = arith.constant 16 : i32
      %mul3A_137 = arith.muli %scan3A_83, %mul3A_136 : i32
      %add3A_138 = arith.constant 5120 : i32
      %add3A_139 = arith.addi %add3A_138, %mul3A_137 : i32
      %get3A_140 = arith.index_cast %add3A_139 : i32 to index
      %get3A_141 = tpu.vector_load %arg10[%get3A_140] {strides = array<i32>} : memref<10240xf32, #tpu.memory_space<vmem>>, vector<16xf32>,
      %add3A_142 = arith.addf %add3A_135, %get3A_141 : vector<16xf32>
      %mul3A_143 = arith.constant 16 : i32
      %mul3A_144 = arith.muli %scan3A_83, %mul3A_143 : i32
      %add3A_145 = arith.constant 5760 : i32
      %add3A_146 = arith.addi %add3A_145, %mul3A_144 : i32
      %get3A_147 = arith.index_cast %add3A_146 : i32 to index
      %get3A_148 = tpu.vector_load %arg10[%get3A_147] {strides = array<i32>} : memref<10240xf32, #tpu.memory_space<vmem>>, vector<16xf32>,
      %add3A_149 = arith.addf %add3A_142, %get3A_148 : vector<16xf32>
      %mul3A_150 = arith.constant 16 : i32
      %mul3A_151 = arith.muli %scan3A_83, %mul3A_150 : i32
      %add3A_152 = arith.constant 6400 : i32
      %add3A_153 = arith.addi %add3A_152, %mul3A_151 : i32
      %get3A_154 = arith.index_cast %add3A_153 : i32 to index
      %get3A_155 = tpu.vector_load %arg10[%get3A_154] {strides = array<i32>} : memref<10240xf32, #tpu.memory_space<vmem>>, vector<16xf32>,
      %add3A_156 = arith.addf %add3A_149, %get3A_155 : vector<16xf32>
      %mul3A_157 = arith.constant 16 : i32
      %mul3A_158 = arith.muli %scan3A_83, %mul3A_157 : i32
      %add3A_159 = arith.constant 7040 : i32
      %add3A_160 = arith.addi %add3A_159, %mul3A_158 : i32
      %get3A_161 = arith.index_cast %add3A_160 : i32 to index
      %get3A_162 = tpu.vector_load %arg10[%get3A_161] {strides = array<i32>} : memref<10240xf32, #tpu.memory_space<vmem>>, vector<16xf32>,
      %add3A_163 = arith.addf %add3A_156, %get3A_162 : vector<16xf32>
      %mul3A_164 = arith.constant 16 : i32
      %mul3A_165 = arith.muli %scan3A_83, %mul3A_164 : i32
      %add3A_166 = arith.constant 7680 : i32
      %add3A_167 = arith.addi %add3A_166, %mul3A_165 : i32
      %get3A_168 = arith.index_cast %add3A_167 : i32 to index
      %get3A_169 = tpu.vector_load %arg10[%get3A_168] {strides = array<i32>} : memref<10240xf32, #tpu.memory_space<vmem>>, vector<16xf32>,
      %add3A_170 = arith.addf %add3A_163, %get3A_169 : vector<16xf32>
      %mul3A_171 = arith.constant 16 : i32
      %mul3A_172 = arith.muli %scan3A_83, %mul3A_171 : i32
      %add3A_173 = arith.constant 8320 : i32
      %add3A_174 = arith.addi %add3A_173, %mul3A_172 : i32
      %get3A_175 = arith.index_cast %add3A_174 : i32 to index
      %get3A_176 = tpu.vector_load %arg10[%get3A_175] {strides = array<i32>} : memref<10240xf32, #tpu.memory_space<vmem>>, vector<16xf32>,
      %add3A_177 = arith.addf %add3A_170, %get3A_176 : vector<16xf32>
      %mul3A_178 = arith.constant 16 : i32
      %mul3A_179 = arith.muli %scan3A_83, %mul3A_178 : i32
      %add3A_180 = arith.constant 8960 : i32
      %add3A_181 = arith.addi %add3A_180, %mul3A_179 : i32
      %get3A_182 = arith.index_cast %add3A_181 : i32 to index
      %get3A_183 = tpu.vector_load %arg10[%get3A_182] {strides = array<i32>} : memref<10240xf32, #tpu.memory_space<vmem>>, vector<16xf32>,
      %add3A_184 = arith.addf %add3A_177, %get3A_183 : vector<16xf32>
      %mul3A_185 = arith.constant 16 : i32
      %mul3A_186 = arith.muli %scan3A_83, %mul3A_185 : i32
      %add3A_187 = arith.constant 9600 : i32
      %add3A_188 = arith.addi %add3A_187, %mul3A_186 : i32
      %get3A_189 = arith.index_cast %add3A_188 : i32 to index
      %get3A_190 = tpu.vector_load %arg10[%get3A_189] {strides = array<i32>} : memref<10240xf32, #tpu.memory_space<vmem>>, vector<16xf32>,
      %add3A_191 = arith.addf %add3A_184, %get3A_190 : vector<16xf32>
      %add3A_192 = arith.constant 1.000000e+00 : f32
      %add3A_193 = vector.broadcast %add3A_192 : f32 to vector<16xf32>
      %add3A_194 = arith.addf %add3A_191, %add3A_193 : vector<16xf32>
      %bitcast3A = vector.bitcast %add3A_194 : vector<16xf32> to vector<16xi32>
      %shift_right_arithmetic3A = arith.constant 1 : i32
      %shift_right_arithmetic3A_195 = vector.broadcast %shift_right_arithmetic3A : i32 to vector<16xi32>
      %shift_right_arithmetic3A_196 = arith.shrsi %bitcast3A, %shift_right_arithmetic3A_195 : vector<16xi32>
      %sub3A = arith.constant 1597463007 : i32
      %sub3A_197 = vector.broadcast %sub3A : i32 to vector<16xi32>
      %sub3A_198 = arith.subi %sub3A_197, %shift_right_arithmetic3A_196 : vector<16xi32>
      %bitcast3A_199 = vector.bitcast %sub3A_198 : vector<16xi32> to vector<16xf32>
      %mul3A_200 = arith.constant 5.000000e-01 : f32
      %mul3A_201 = vector.broadcast %mul3A_200 : f32 to vector<16xf32>
      %mul3A_202 = arith.mulf %add3A_194, %mul3A_201 : vector<16xf32>
      %mul3A_203 = arith.mulf %mul3A_202, %bitcast3A_199 : vector<16xf32>
      %mul3A_204 = arith.mulf %mul3A_203, %bitcast3A_199 : vector<16xf32>
      %sub3A_205 = arith.constant 1.500000e+00 : f32
      %sub3A_206 = vector.broadcast %sub3A_205 : f32 to vector<16xf32>
      %sub3A_207 = arith.subf %sub3A_206, %mul3A_204 : vector<16xf32>
      %mul3A_208 = arith.mulf %bitcast3A_199, %sub3A_207 : vector<16xf32>
      %mul3A_209 = arith.mulf %mul3A_202, %mul3A_208 : vector<16xf32>
      %mul3A_210 = arith.mulf %mul3A_209, %mul3A_208 : vector<16xf32>
      %sub3A_211 = arith.constant 1.500000e+00 : f32
      %sub3A_212 = vector.broadcast %sub3A_211 : f32 to vector<16xf32>
      %sub3A_213 = arith.subf %sub3A_212, %mul3A_210 : vector<16xf32>
      %mul3A_214 = arith.mulf %mul3A_208, %sub3A_213 : vector<16xf32>
      %mul3A_215 = arith.mulf %mul3A_202, %mul3A_214 : vector<16xf32>
      %mul3A_216 = arith.mulf %mul3A_215, %mul3A_214 : vector<16xf32>
      %sub3A_217 = arith.constant 1.500000e+00 : f32
      %sub3A_218 = vector.broadcast %sub3A_217 : f32 to vector<16xf32>
      %sub3A_219 = arith.subf %sub3A_218, %mul3A_216 : vector<16xf32>
      %mul3A_220 = arith.mulf %mul3A_214, %sub3A_219 : vector<16xf32>
      %mul3A_221 = arith.constant 16 : i32
      %mul3A_222 = arith.muli %scan3A_83, %mul3A_221 : i32
      %swap3A = arith.index_cast %mul3A_222 : i32 to index
      %swap3A_223 = tpu.vector_load %arg11[%swap3A] {strides = array<i32>} : memref<640xf32, #tpu.memory_space<vmem>>, vector<16xf32>,
      tpu.vector_store %arg11[%swap3A], %mul3A_220 {strides = array<i32>} : memref<640xf32, #tpu.memory_space<vmem>>, vector<16xf32>,
    }
    %scan3A_70 = arith.constant 40 : i32
    %eq3A = arith.constant 0 : i32
    %eq3A_71 = arith.cmpi eq, %arg0, %eq3A : i32
    %convert_element_type3A = arith.extui %eq3A_71 : i1 to i32
    %cond3A = arith.constant 0 : i32
    %cond3A_72 = arith.cmpi ne, %convert_element_type3A, %cond3A : i32
    scf.if %cond3A_72 {
      %mul3A_83 = arith.constant 640 : i32
      %mul3A_84 = arith.muli %arg1, %mul3A_83 : i32
      "tpu.region"() ({
        %run_scoped3A_85 = tpu.sem_alloc : memref<!tpu.dma_semaphore, #tpu.memory_space<semaphore_mem>>
        %dma_start3A = tpu.memref_slice %arg5[%mul3A_84] : memref<10240xf32, #tpu.memory_space<hbm>> -> memref<640xf32, #tpu.memory_space<hbm>>
        %dma_start3A_86 = tpu.memref_slice %arg5[%mul3A_84] : memref<10240xf32, #tpu.memory_space<hbm>> -> memref<640xf32, #tpu.memory_space<hbm>>
        tpu.enqueue_dma source(%arg11 : memref<640xf32, #tpu.memory_space<vmem>>) target(%dma_start3A_86 : memref<640xf32, #tpu.memory_space<hbm>>) target_semaphore(%run_scoped3A_85 : memref<!tpu.dma_semaphore, #tpu.memory_space<semaphore_mem>>)
        %dma_wait3A = tpu.memref_slice %arg5[%mul3A_84] : memref<10240xf32, #tpu.memory_space<hbm>> -> memref<640xf32, #tpu.memory_space<hbm>>
        %dma_wait3A_87 = tpu.memref_slice %arg5[%mul3A_84] : memref<10240xf32, #tpu.memory_space<hbm>> -> memref<640xf32, #tpu.memory_space<hbm>>
        tpu.wait_dma2 semaphore(%run_scoped3A_85 : memref<!tpu.dma_semaphore, #tpu.memory_space<semaphore_mem>>) src(%arg11 : memref<640xf32, #tpu.memory_space<vmem>>) dst(%dma_wait3A_87 : memref<640xf32, #tpu.memory_space<hbm>>)
        tpu.yield
      }) : () -> ()
    } else {
    }
    %scan3A_73 = arith.constant 0 : i32
    %scan3A_74 = arith.constant 0 : i32
    %scan3A_75 = arith.constant 20 : i32
    %scan3A_76 = arith.addi %scan3A_74, %scan3A_75 : i32
    %scan3A_77 = arith.constant 1 : i32
    scf.for %scan3A_83 = %scan3A_74 to %scan3A_76 step %scan3A_77  : i32 {
      %mul3A_84 = arith.constant 16 : i32
      %mul3A_85 = arith.muli %scan3A_83, %mul3A_84 : i32
      %get3A = arith.index_cast %mul3A_85 : i32 to index
      %get3A_86 = tpu.vector_load %arg12[%get3A] {strides = array<i32>} : memref<320xi32, #tpu.memory_space<vmem>>, vector<16xi32>,
      %mul3A_87 = arith.constant 320 : i32
      %mul3A_88 = arith.muli %arg0, %mul3A_87 : i32
      %mul3A_89 = arith.constant 16 : i32
      %mul3A_90 = arith.muli %scan3A_83, %mul3A_89 : i32
      %add3A_91 = arith.addi %mul3A_88, %mul3A_90 : i32
      %get3A_92 = arith.index_cast %add3A_91 : i32 to index
      %get3A_93 = tpu.vector_load %arg11[%get3A_92] {strides = array<i32>} : memref<640xf32, #tpu.memory_space<vmem>>, vector<16xf32>,
      %mul3A_94 = arith.constant 16 : i32
      %mul3A_95 = vector.broadcast %mul3A_94 : i32 to vector<16xi32>
      %mul3A_96 = arith.muli %get3A_86, %mul3A_95 : vector<16xi32>
      %mul3A_97 = arith.constant 16 : i32
      %mul3A_98 = arith.muli %scan3A_83, %mul3A_97 : i32
      %add3A_99 = vector.broadcast %mul3A_98 : i32 to vector<16xi32>
      %add3A_100 = arith.addi %add3A_99, %iota3A : vector<16xi32>
      %mul3A_101 = arith.constant 16 : i32
      %mul3A_102 = vector.broadcast %mul3A_101 : i32 to vector<16xi32>
      %mul3A_103 = arith.muli %add3A_100, %mul3A_102 : vector<16xi32>
      %add3A_104 = arith.constant 0 : i32
      %add3A_105 = vector.broadcast %add3A_104 : i32 to vector<16xi32>
      %add3A_106 = arith.addi %mul3A_96, %add3A_105 : vector<16xi32>
      %gather3A = tpu.vector_load_idx %arg13[%add3A_106] : memref<1600xf32, #tpu.memory_space<vmem>>[vector<16xi32>], vector<16xf32>,
      %add3A_107 = arith.constant 0 : i32
      %add3A_108 = vector.broadcast %add3A_107 : i32 to vector<16xi32>
      %add3A_109 = arith.addi %mul3A_103, %add3A_108 : vector<16xi32>
      %mul3A_110 = arith.mulf %gather3A, %get3A_93 : vector<16xf32>
      tpu.vector_store_idx %arg14[%add3A_109], %mul3A_110 : memref<5120xf32, #tpu.memory_space<vmem>>[vector<16xi32>], vector<16xf32>,
      %add3A_111 = arith.constant 1 : i32
      %add3A_112 = vector.broadcast %add3A_111 : i32 to vector<16xi32>
      %add3A_113 = arith.addi %mul3A_96, %add3A_112 : vector<16xi32>
      %gather3A_114 = tpu.vector_load_idx %arg13[%add3A_113] : memref<1600xf32, #tpu.memory_space<vmem>>[vector<16xi32>], vector<16xf32>,
      %add3A_115 = arith.constant 1 : i32
      %add3A_116 = vector.broadcast %add3A_115 : i32 to vector<16xi32>
      %add3A_117 = arith.addi %mul3A_103, %add3A_116 : vector<16xi32>
      %mul3A_118 = arith.mulf %gather3A_114, %get3A_93 : vector<16xf32>
      tpu.vector_store_idx %arg14[%add3A_117], %mul3A_118 : memref<5120xf32, #tpu.memory_space<vmem>>[vector<16xi32>], vector<16xf32>,
      %add3A_119 = arith.constant 2 : i32
      %add3A_120 = vector.broadcast %add3A_119 : i32 to vector<16xi32>
      %add3A_121 = arith.addi %mul3A_96, %add3A_120 : vector<16xi32>
      %gather3A_122 = tpu.vector_load_idx %arg13[%add3A_121] : memref<1600xf32, #tpu.memory_space<vmem>>[vector<16xi32>], vector<16xf32>,
      %add3A_123 = arith.constant 2 : i32
      %add3A_124 = vector.broadcast %add3A_123 : i32 to vector<16xi32>
      %add3A_125 = arith.addi %mul3A_103, %add3A_124 : vector<16xi32>
      %mul3A_126 = arith.mulf %gather3A_122, %get3A_93 : vector<16xf32>
      tpu.vector_store_idx %arg14[%add3A_125], %mul3A_126 : memref<5120xf32, #tpu.memory_space<vmem>>[vector<16xi32>], vector<16xf32>,
      %add3A_127 = arith.constant 3 : i32
      %add3A_128 = vector.broadcast %add3A_127 : i32 to vector<16xi32>
      %add3A_129 = arith.addi %mul3A_96, %add3A_128 : vector<16xi32>
      %gather3A_130 = tpu.vector_load_idx %arg13[%add3A_129] : memref<1600xf32, #tpu.memory_space<vmem>>[vector<16xi32>], vector<16xf32>,
      %add3A_131 = arith.constant 3 : i32
      %add3A_132 = vector.broadcast %add3A_131 : i32 to vector<16xi32>
      %add3A_133 = arith.addi %mul3A_103, %add3A_132 : vector<16xi32>
      %mul3A_134 = arith.mulf %gather3A_130, %get3A_93 : vector<16xf32>
      tpu.vector_store_idx %arg14[%add3A_133], %mul3A_134 : memref<5120xf32, #tpu.memory_space<vmem>>[vector<16xi32>], vector<16xf32>,
      %add3A_135 = arith.constant 4 : i32
      %add3A_136 = vector.broadcast %add3A_135 : i32 to vector<16xi32>
      %add3A_137 = arith.addi %mul3A_96, %add3A_136 : vector<16xi32>
      %gather3A_138 = tpu.vector_load_idx %arg13[%add3A_137] : memref<1600xf32, #tpu.memory_space<vmem>>[vector<16xi32>], vector<16xf32>,
      %add3A_139 = arith.constant 4 : i32
      %add3A_140 = vector.broadcast %add3A_139 : i32 to vector<16xi32>
      %add3A_141 = arith.addi %mul3A_103, %add3A_140 : vector<16xi32>
      %mul3A_142 = arith.mulf %gather3A_138, %get3A_93 : vector<16xf32>
      tpu.vector_store_idx %arg14[%add3A_141], %mul3A_142 : memref<5120xf32, #tpu.memory_space<vmem>>[vector<16xi32>], vector<16xf32>,
      %add3A_143 = arith.constant 5 : i32
      %add3A_144 = vector.broadcast %add3A_143 : i32 to vector<16xi32>
      %add3A_145 = arith.addi %mul3A_96, %add3A_144 : vector<16xi32>
      %gather3A_146 = tpu.vector_load_idx %arg13[%add3A_145] : memref<1600xf32, #tpu.memory_space<vmem>>[vector<16xi32>], vector<16xf32>,
      %add3A_147 = arith.constant 5 : i32
      %add3A_148 = vector.broadcast %add3A_147 : i32 to vector<16xi32>
      %add3A_149 = arith.addi %mul3A_103, %add3A_148 : vector<16xi32>
      %mul3A_150 = arith.mulf %gather3A_146, %get3A_93 : vector<16xf32>
      tpu.vector_store_idx %arg14[%add3A_149], %mul3A_150 : memref<5120xf32, #tpu.memory_space<vmem>>[vector<16xi32>], vector<16xf32>,
      %add3A_151 = arith.constant 6 : i32
      %add3A_152 = vector.broadcast %add3A_151 : i32 to vector<16xi32>
      %add3A_153 = arith.addi %mul3A_96, %add3A_152 : vector<16xi32>
      %gather3A_154 = tpu.vector_load_idx %arg13[%add3A_153] : memref<1600xf32, #tpu.memory_space<vmem>>[vector<16xi32>], vector<16xf32>,
      %add3A_155 = arith.constant 6 : i32
      %add3A_156 = vector.broadcast %add3A_155 : i32 to vector<16xi32>
      %add3A_157 = arith.addi %mul3A_103, %add3A_156 : vector<16xi32>
      %mul3A_158 = arith.mulf %gather3A_154, %get3A_93 : vector<16xf32>
      tpu.vector_store_idx %arg14[%add3A_157], %mul3A_158 : memref<5120xf32, #tpu.memory_space<vmem>>[vector<16xi32>], vector<16xf32>,
      %add3A_159 = arith.constant 7 : i32
      %add3A_160 = vector.broadcast %add3A_159 : i32 to vector<16xi32>
      %add3A_161 = arith.addi %mul3A_96, %add3A_160 : vector<16xi32>
      %gather3A_162 = tpu.vector_load_idx %arg13[%add3A_161] : memref<1600xf32, #tpu.memory_space<vmem>>[vector<16xi32>], vector<16xf32>,
      %add3A_163 = arith.constant 7 : i32
      %add3A_164 = vector.broadcast %add3A_163 : i32 to vector<16xi32>
      %add3A_165 = arith.addi %mul3A_103, %add3A_164 : vector<16xi32>
      %mul3A_166 = arith.mulf %gather3A_162, %get3A_93 : vector<16xf32>
      tpu.vector_store_idx %arg14[%add3A_165], %mul3A_166 : memref<5120xf32, #tpu.memory_space<vmem>>[vector<16xi32>], vector<16xf32>,
      %add3A_167 = arith.constant 8 : i32
      %add3A_168 = vector.broadcast %add3A_167 : i32 to vector<16xi32>
      %add3A_169 = arith.addi %mul3A_96, %add3A_168 : vector<16xi32>
      %gather3A_170 = tpu.vector_load_idx %arg13[%add3A_169] : memref<1600xf32, #tpu.memory_space<vmem>>[vector<16xi32>], vector<16xf32>,
      %add3A_171 = arith.constant 8 : i32
      %add3A_172 = vector.broadcast %add3A_171 : i32 to vector<16xi32>
      %add3A_173 = arith.addi %mul3A_103, %add3A_172 : vector<16xi32>
      %mul3A_174 = arith.mulf %gather3A_170, %get3A_93 : vector<16xf32>
      tpu.vector_store_idx %arg14[%add3A_173], %mul3A_174 : memref<5120xf32, #tpu.memory_space<vmem>>[vector<16xi32>], vector<16xf32>,
      %add3A_175 = arith.constant 9 : i32
      %add3A_176 = vector.broadcast %add3A_175 : i32 to vector<16xi32>
      %add3A_177 = arith.addi %mul3A_96, %add3A_176 : vector<16xi32>
      %gather3A_178 = tpu.vector_load_idx %arg13[%add3A_177] : memref<1600xf32, #tpu.memory_space<vmem>>[vector<16xi32>], vector<16xf32>,
      %add3A_179 = arith.constant 9 : i32
      %add3A_180 = vector.broadcast %add3A_179 : i32 to vector<16xi32>
      %add3A_181 = arith.addi %mul3A_103, %add3A_180 : vector<16xi32>
      %mul3A_182 = arith.mulf %gather3A_178, %get3A_93 : vector<16xf32>
      tpu.vector_store_idx %arg14[%add3A_181], %mul3A_182 : memref<5120xf32, #tpu.memory_space<vmem>>[vector<16xi32>], vector<16xf32>,
      %add3A_183 = arith.constant 10 : i32
      %add3A_184 = vector.broadcast %add3A_183 : i32 to vector<16xi32>
      %add3A_185 = arith.addi %mul3A_96, %add3A_184 : vector<16xi32>
      %gather3A_186 = tpu.vector_load_idx %arg13[%add3A_185] : memref<1600xf32, #tpu.memory_space<vmem>>[vector<16xi32>], vector<16xf32>,
      %add3A_187 = arith.constant 10 : i32
      %add3A_188 = vector.broadcast %add3A_187 : i32 to vector<16xi32>
      %add3A_189 = arith.addi %mul3A_103, %add3A_188 : vector<16xi32>
      %mul3A_190 = arith.mulf %gather3A_186, %get3A_93 : vector<16xf32>
      tpu.vector_store_idx %arg14[%add3A_189], %mul3A_190 : memref<5120xf32, #tpu.memory_space<vmem>>[vector<16xi32>], vector<16xf32>,
      %add3A_191 = arith.constant 11 : i32
      %add3A_192 = vector.broadcast %add3A_191 : i32 to vector<16xi32>
      %add3A_193 = arith.addi %mul3A_96, %add3A_192 : vector<16xi32>
      %gather3A_194 = tpu.vector_load_idx %arg13[%add3A_193] : memref<1600xf32, #tpu.memory_space<vmem>>[vector<16xi32>], vector<16xf32>,
      %add3A_195 = arith.constant 11 : i32
      %add3A_196 = vector.broadcast %add3A_195 : i32 to vector<16xi32>
      %add3A_197 = arith.addi %mul3A_103, %add3A_196 : vector<16xi32>
      %mul3A_198 = arith.mulf %gather3A_194, %get3A_93 : vector<16xf32>
      tpu.vector_store_idx %arg14[%add3A_197], %mul3A_198 : memref<5120xf32, #tpu.memory_space<vmem>>[vector<16xi32>], vector<16xf32>,
      %add3A_199 = arith.constant 12 : i32
      %add3A_200 = vector.broadcast %add3A_199 : i32 to vector<16xi32>
      %add3A_201 = arith.addi %mul3A_96, %add3A_200 : vector<16xi32>
      %gather3A_202 = tpu.vector_load_idx %arg13[%add3A_201] : memref<1600xf32, #tpu.memory_space<vmem>>[vector<16xi32>], vector<16xf32>,
      %add3A_203 = arith.constant 12 : i32
      %add3A_204 = vector.broadcast %add3A_203 : i32 to vector<16xi32>
      %add3A_205 = arith.addi %mul3A_103, %add3A_204 : vector<16xi32>
      %mul3A_206 = arith.mulf %gather3A_202, %get3A_93 : vector<16xf32>
      tpu.vector_store_idx %arg14[%add3A_205], %mul3A_206 : memref<5120xf32, #tpu.memory_space<vmem>>[vector<16xi32>], vector<16xf32>,
      %add3A_207 = arith.constant 13 : i32
      %add3A_208 = vector.broadcast %add3A_207 : i32 to vector<16xi32>
      %add3A_209 = arith.addi %mul3A_96, %add3A_208 : vector<16xi32>
      %gather3A_210 = tpu.vector_load_idx %arg13[%add3A_209] : memref<1600xf32, #tpu.memory_space<vmem>>[vector<16xi32>], vector<16xf32>,
      %add3A_211 = arith.constant 13 : i32
      %add3A_212 = vector.broadcast %add3A_211 : i32 to vector<16xi32>
      %add3A_213 = arith.addi %mul3A_103, %add3A_212 : vector<16xi32>
      %mul3A_214 = arith.mulf %gather3A_210, %get3A_93 : vector<16xf32>
      tpu.vector_store_idx %arg14[%add3A_213], %mul3A_214 : memref<5120xf32, #tpu.memory_space<vmem>>[vector<16xi32>], vector<16xf32>,
      %add3A_215 = arith.constant 14 : i32
      %add3A_216 = vector.broadcast %add3A_215 : i32 to vector<16xi32>
      %add3A_217 = arith.addi %mul3A_96, %add3A_216 : vector<16xi32>
      %gather3A_218 = tpu.vector_load_idx %arg13[%add3A_217] : memref<1600xf32, #tpu.memory_space<vmem>>[vector<16xi32>], vector<16xf32>,
      %add3A_219 = arith.constant 14 : i32
      %add3A_220 = vector.broadcast %add3A_219 : i32 to vector<16xi32>
      %add3A_221 = arith.addi %mul3A_103, %add3A_220 : vector<16xi32>
      %mul3A_222 = arith.mulf %gather3A_218, %get3A_93 : vector<16xf32>
      tpu.vector_store_idx %arg14[%add3A_221], %mul3A_222 : memref<5120xf32, #tpu.memory_space<vmem>>[vector<16xi32>], vector<16xf32>,
      %add3A_223 = arith.constant 15 : i32
      %add3A_224 = vector.broadcast %add3A_223 : i32 to vector<16xi32>
      %add3A_225 = arith.addi %mul3A_96, %add3A_224 : vector<16xi32>
      %gather3A_226 = tpu.vector_load_idx %arg13[%add3A_225] : memref<1600xf32, #tpu.memory_space<vmem>>[vector<16xi32>], vector<16xf32>,
      %add3A_227 = arith.constant 15 : i32
      %add3A_228 = vector.broadcast %add3A_227 : i32 to vector<16xi32>
      %add3A_229 = arith.addi %mul3A_103, %add3A_228 : vector<16xi32>
      %mul3A_230 = arith.mulf %gather3A_226, %get3A_93 : vector<16xf32>
      tpu.vector_store_idx %arg14[%add3A_229], %mul3A_230 : memref<5120xf32, #tpu.memory_space<vmem>>[vector<16xi32>], vector<16xf32>,
    }
    %scan3A_78 = arith.constant 20 : i32
    %mul3A_79 = arith.constant 320 : i32
    %mul3A_80 = arith.muli %add3A, %mul3A_79 : i32
    %mul3A_81 = arith.constant 16 : i32
    %mul3A_82 = arith.muli %mul3A_80, %mul3A_81 : i32
    "tpu.region"() ({
      %run_scoped3A_83 = tpu.sem_alloc : memref<!tpu.dma_semaphore, #tpu.memory_space<semaphore_mem>>
      %dma_start3A = tpu.memref_slice %arg6[%mul3A_82] : memref<163840xf32, #tpu.memory_space<hbm>> -> memref<5120xf32, #tpu.memory_space<hbm>>
      %dma_start3A_84 = tpu.memref_slice %arg6[%mul3A_82] : memref<163840xf32, #tpu.memory_space<hbm>> -> memref<5120xf32, #tpu.memory_space<hbm>>
      tpu.enqueue_dma source(%arg14 : memref<5120xf32, #tpu.memory_space<vmem>>) target(%dma_start3A_84 : memref<5120xf32, #tpu.memory_space<hbm>>) target_semaphore(%run_scoped3A_83 : memref<!tpu.dma_semaphore, #tpu.memory_space<semaphore_mem>>)
      %dma_wait3A = tpu.memref_slice %arg6[%mul3A_82] : memref<163840xf32, #tpu.memory_space<hbm>> -> memref<5120xf32, #tpu.memory_space<hbm>>
      %dma_wait3A_85 = tpu.memref_slice %arg6[%mul3A_82] : memref<163840xf32, #tpu.memory_space<hbm>> -> memref<5120xf32, #tpu.memory_space<hbm>>
      tpu.wait_dma2 semaphore(%run_scoped3A_83 : memref<!tpu.dma_semaphore, #tpu.memory_space<semaphore_mem>>) src(%arg14 : memref<5120xf32, #tpu.memory_space<vmem>>) dst(%dma_wait3A_85 : memref<5120xf32, #tpu.memory_space<hbm>>)
      tpu.yield
    }) : () -> ()
    return
  }
}

#map = affine_map<(d0, d1) -> (0, 0, 0)>
#map1 = affine_map<(d0, d1) -> (0, 0)>
module attributes {stable_mosaic.version = 14 : i64} {
  func.func @body(%arg0: i32, %arg1: i32, %arg2: memref<2x4000x80xi32, #tpu.memory_space<hbm>>, %arg3: memref<10240x16xf32, #tpu.memory_space<hbm>>, %arg4: memref<20480x16xf32, #tpu.memory_space<hbm>>, %arg5: memref<10240x16xf32, #tpu.memory_space<vmem_shared>>, %arg6: memref<125x80xi32, #tpu.memory_space<vmem>>, %arg7: memref<125x80xi32, #tpu.memory_space<vmem>>, %arg8: memref<10x80x16xf32, #tpu.memory_space<vmem>>, %arg9: memref<640x16xf32, #tpu.memory_space<vmem>>, %arg10: memref<!tpu.dma_semaphore, #tpu.memory_space<semaphore_mem>>, %arg11: memref<!tpu.dma_semaphore, #tpu.memory_space<semaphore_mem>>, %arg12: memref<!tpu.dma_semaphore, #tpu.memory_space<semaphore_mem>>, %arg13: memref<!tpu.dma_semaphore, #tpu.memory_space<semaphore_mem>>, %arg14: memref<!tpu.dma_semaphore, #tpu.memory_space<semaphore_mem>>, %arg15: memref<!tpu.dma_semaphore, #tpu.memory_space<semaphore_mem>>, %arg16: memref<!tpu.dma_semaphore, #tpu.memory_space<semaphore_mem>>, %arg17: memref<!tpu.dma_semaphore, #tpu.memory_space<semaphore_mem>>, %arg18: memref<!tpu.dma_semaphore, #tpu.memory_space<semaphore_mem>>, %arg19: memref<!tpu.dma_semaphore, #tpu.memory_space<semaphore_mem>>) attributes {dimension_semantics = [#tpu.dimension_semantics<core_parallel>, #tpu.dimension_semantics<subcore_parallel>], iteration_bounds = array<i64: 2, 16>, scalar_prefetch = 0 : i64, scratch_operands = 15 : i64, tpu.core_type = #tpu.core_type<sc_vector_subcore>, window_params = [{transform_indices = #map}, {transform_indices = #map1}, {transform_indices = #map1}]} {
    %mul3A = arith.constant 2 : i32
    %mul3A_0 = arith.muli %arg1, %mul3A : i32
    %add3A = arith.addi %mul3A_0, %arg0 : i32
    %mul3A_1 = arith.constant 125 : i32
    %mul3A_2 = arith.muli %add3A, %mul3A_1 : i32
    %run_scoped3A = arith.constant 0 : i32
    "tpu.region"() ({
      %run_scoped3A_417 = tpu.sem_alloc : memref<!tpu.dma_semaphore, #tpu.memory_space<semaphore_mem>>
      %dma_start3A_418 = arith.constant 0 : i32
      %dma_start3A_419 = tpu.memref_slice %arg2[%run_scoped3A, %mul3A_2, %dma_start3A_418] : memref<2x4000x80xi32, #tpu.memory_space<hbm>> -> memref<1x125x80xi32, #tpu.memory_space<hbm>>
      %dma_start3A_420 = tpu.memref_squeeze %dma_start3A_419 : memref<1x125x80xi32, #tpu.memory_space<hbm>> -> memref<125x80xi32, #tpu.memory_space<hbm>>
      %dma_start3A_421 = arith.constant 0 : i32
      %dma_start3A_422 = tpu.memref_slice %arg2[%run_scoped3A, %mul3A_2, %dma_start3A_421] : memref<2x4000x80xi32, #tpu.memory_space<hbm>> -> memref<1x125x80xi32, #tpu.memory_space<hbm>>
      %dma_start3A_423 = tpu.memref_squeeze %dma_start3A_422 : memref<1x125x80xi32, #tpu.memory_space<hbm>> -> memref<125x80xi32, #tpu.memory_space<hbm>>
      tpu.enqueue_dma source(%dma_start3A_423 : memref<125x80xi32, #tpu.memory_space<hbm>>) target(%arg6 : memref<125x80xi32, #tpu.memory_space<vmem>>) target_semaphore(%run_scoped3A_417 : memref<!tpu.dma_semaphore, #tpu.memory_space<semaphore_mem>>)
      %dma_wait3A_424 = arith.constant 0 : i32
      %dma_wait3A_425 = tpu.memref_slice %arg2[%run_scoped3A, %mul3A_2, %dma_wait3A_424] : memref<2x4000x80xi32, #tpu.memory_space<hbm>> -> memref<1x125x80xi32, #tpu.memory_space<hbm>>
      %dma_wait3A_426 = tpu.memref_squeeze %dma_wait3A_425 : memref<1x125x80xi32, #tpu.memory_space<hbm>> -> memref<125x80xi32, #tpu.memory_space<hbm>>
      %dma_wait3A_427 = arith.constant 0 : i32
      %dma_wait3A_428 = tpu.memref_slice %arg2[%run_scoped3A, %mul3A_2, %dma_wait3A_427] : memref<2x4000x80xi32, #tpu.memory_space<hbm>> -> memref<1x125x80xi32, #tpu.memory_space<hbm>>
      %dma_wait3A_429 = tpu.memref_squeeze %dma_wait3A_428 : memref<1x125x80xi32, #tpu.memory_space<hbm>> -> memref<125x80xi32, #tpu.memory_space<hbm>>
      tpu.wait_dma2 semaphore(%run_scoped3A_417 : memref<!tpu.dma_semaphore, #tpu.memory_space<semaphore_mem>>) src(%dma_wait3A_429 : memref<125x80xi32, #tpu.memory_space<hbm>>) dst(%arg6 : memref<125x80xi32, #tpu.memory_space<vmem>>)
      tpu.yield
    }) : () -> ()
    %mul3A_3 = arith.constant 125 : i32
    %mul3A_4 = arith.muli %add3A, %mul3A_3 : i32
    %run_scoped3A_5 = arith.constant 1 : i32
    "tpu.region"() ({
      %run_scoped3A_417 = tpu.sem_alloc : memref<!tpu.dma_semaphore, #tpu.memory_space<semaphore_mem>>
      %dma_start3A_418 = arith.constant 0 : i32
      %dma_start3A_419 = tpu.memref_slice %arg2[%run_scoped3A_5, %mul3A_4, %dma_start3A_418] : memref<2x4000x80xi32, #tpu.memory_space<hbm>> -> memref<1x125x80xi32, #tpu.memory_space<hbm>>
      %dma_start3A_420 = tpu.memref_squeeze %dma_start3A_419 : memref<1x125x80xi32, #tpu.memory_space<hbm>> -> memref<125x80xi32, #tpu.memory_space<hbm>>
      %dma_start3A_421 = arith.constant 0 : i32
      %dma_start3A_422 = tpu.memref_slice %arg2[%run_scoped3A_5, %mul3A_4, %dma_start3A_421] : memref<2x4000x80xi32, #tpu.memory_space<hbm>> -> memref<1x125x80xi32, #tpu.memory_space<hbm>>
      %dma_start3A_423 = tpu.memref_squeeze %dma_start3A_422 : memref<1x125x80xi32, #tpu.memory_space<hbm>> -> memref<125x80xi32, #tpu.memory_space<hbm>>
      tpu.enqueue_dma source(%dma_start3A_423 : memref<125x80xi32, #tpu.memory_space<hbm>>) target(%arg7 : memref<125x80xi32, #tpu.memory_space<vmem>>) target_semaphore(%run_scoped3A_417 : memref<!tpu.dma_semaphore, #tpu.memory_space<semaphore_mem>>)
      %dma_wait3A_424 = arith.constant 0 : i32
      %dma_wait3A_425 = tpu.memref_slice %arg2[%run_scoped3A_5, %mul3A_4, %dma_wait3A_424] : memref<2x4000x80xi32, #tpu.memory_space<hbm>> -> memref<1x125x80xi32, #tpu.memory_space<hbm>>
      %dma_wait3A_426 = tpu.memref_squeeze %dma_wait3A_425 : memref<1x125x80xi32, #tpu.memory_space<hbm>> -> memref<125x80xi32, #tpu.memory_space<hbm>>
      %dma_wait3A_427 = arith.constant 0 : i32
      %dma_wait3A_428 = tpu.memref_slice %arg2[%run_scoped3A_5, %mul3A_4, %dma_wait3A_427] : memref<2x4000x80xi32, #tpu.memory_space<hbm>> -> memref<1x125x80xi32, #tpu.memory_space<hbm>>
      %dma_wait3A_429 = tpu.memref_squeeze %dma_wait3A_428 : memref<1x125x80xi32, #tpu.memory_space<hbm>> -> memref<125x80xi32, #tpu.memory_space<hbm>>
      tpu.wait_dma2 semaphore(%run_scoped3A_417 : memref<!tpu.dma_semaphore, #tpu.memory_space<semaphore_mem>>) src(%dma_wait3A_429 : memref<125x80xi32, #tpu.memory_space<hbm>>) dst(%arg7 : memref<125x80xi32, #tpu.memory_space<vmem>>)
      tpu.yield
    }) : () -> ()
    %scan3A = arith.constant 0 : i32
    %scan3A_6 = arith.constant 0 : i32
    %scan3A_7 = arith.constant 640 : i32
    %scan3A_8 = arith.addi %scan3A_6, %scan3A_7 : i32
    %scan3A_9 = arith.constant 1 : i32
    scf.for %scan3A_417 = %scan3A_6 to %scan3A_8 step %scan3A_9  : i32 {
      %broadcast_in_dim3A = arith.constant 0.000000e+00 : f32
      %broadcast_in_dim3A_418 = vector.broadcast %broadcast_in_dim3A : f32 to vector<16xf32>
      %swap3A = arith.index_cast %scan3A_417 : i32 to index
      %swap3A_419 = arith.constant 0 : index
      %swap3A_420 = tpu.vector_load %arg9[%swap3A, %swap3A_419] {strides = array<i32>} : memref<640x16xf32, #tpu.memory_space<vmem>>, vector<1x16xf32>,
      %swap3A_421 = vector.shape_cast %swap3A_420 : vector<1x16xf32> to vector<16xf32>
      %swap3A_422 = vector.shape_cast %broadcast_in_dim3A_418 : vector<16xf32> to vector<1x16xf32>
      tpu.vector_store %arg9[%swap3A, %swap3A_419], %swap3A_422 {strides = array<i32>} : memref<640x16xf32, #tpu.memory_space<vmem>>, vector<1x16xf32>,
    }
    %scan3A_10 = arith.constant 640 : i32
    %mul3A_11 = arith.constant 640 : i32
    %mul3A_12 = arith.muli %arg1, %mul3A_11 : i32
    %add3A_13 = arith.constant 0 : i32
    %add3A_14 = arith.addi %mul3A_12, %add3A_13 : i32
    "tpu.region"() ({
      %run_scoped3A_417 = tpu.sem_alloc : memref<!tpu.dma_semaphore, #tpu.memory_space<semaphore_mem>>
      %dma_start3A_418 = arith.constant 0 : i32
      %dma_start3A_419 = tpu.memref_slice %arg5[%add3A_14, %dma_start3A_418] : memref<10240x16xf32, #tpu.memory_space<vmem_shared>> -> memref<640x16xf32, #tpu.memory_space<vmem_shared>>
      %dma_start3A_420 = arith.constant 0 : i32
      %dma_start3A_421 = tpu.memref_slice %arg5[%add3A_14, %dma_start3A_420] : memref<10240x16xf32, #tpu.memory_space<vmem_shared>> -> memref<640x16xf32, #tpu.memory_space<vmem_shared>>
      tpu.enqueue_dma source(%arg9 : memref<640x16xf32, #tpu.memory_space<vmem>>) target(%dma_start3A_421 : memref<640x16xf32, #tpu.memory_space<vmem_shared>>) target_semaphore(%run_scoped3A_417 : memref<!tpu.dma_semaphore, #tpu.memory_space<semaphore_mem>>)
      %dma_wait3A_422 = arith.constant 0 : i32
      %dma_wait3A_423 = tpu.memref_slice %arg5[%add3A_14, %dma_wait3A_422] : memref<10240x16xf32, #tpu.memory_space<vmem_shared>> -> memref<640x16xf32, #tpu.memory_space<vmem_shared>>
      %dma_wait3A_424 = arith.constant 0 : i32
      %dma_wait3A_425 = tpu.memref_slice %arg5[%add3A_14, %dma_wait3A_424] : memref<10240x16xf32, #tpu.memory_space<vmem_shared>> -> memref<640x16xf32, #tpu.memory_space<vmem_shared>>
      tpu.wait_dma2 semaphore(%run_scoped3A_417 : memref<!tpu.dma_semaphore, #tpu.memory_space<semaphore_mem>>) src(%arg9 : memref<640x16xf32, #tpu.memory_space<vmem>>) dst(%dma_wait3A_425 : memref<640x16xf32, #tpu.memory_space<vmem_shared>>)
      tpu.yield
    }) : () -> ()
    %barrier3A = arith.constant 0 : index
    tpu.barrier barrier_id(%barrier3A)
    %dma_start3A = arith.constant 0 : i32
    %dma_start3A_15 = arith.constant 0 : i32
    %dma_start3A_16 = arith.constant 0 : i32
    %dma_start3A_17 = arith.constant 0 : i32
    %dma_start3A_18 = tpu.memref_slice %arg8[%dma_start3A_15, %dma_start3A_16, %dma_start3A_17] : memref<10x80x16xf32, #tpu.memory_space<vmem>> -> memref<1x80x16xf32, #tpu.memory_space<vmem>>
    %dma_start3A_19 = tpu.memref_squeeze %dma_start3A_18 : memref<1x80x16xf32, #tpu.memory_space<vmem>> -> memref<80x16xf32, #tpu.memory_space<vmem>>
    %dma_start3A_20 = arith.constant 0 : i32
    %dma_start3A_21 = tpu.memref_slice %arg6[%dma_start3A, %dma_start3A_20] : memref<125x80xi32, #tpu.memory_space<vmem>> -> memref<1x80xi32, #tpu.memory_space<vmem>>
    %dma_start3A_22 = tpu.memref_squeeze %dma_start3A_21 : memref<1x80xi32, #tpu.memory_space<vmem>> -> memref<80xi32, #tpu.memory_space<vmem>>
    %dma_start3A_23 = arith.constant 0 : i32
    %dma_start3A_24 = arith.constant 0 : i32
    %dma_start3A_25 = tpu.memref_slice %arg3[%dma_start3A_23, %dma_start3A_24] : memref<10240x16xf32, #tpu.memory_space<hbm>> -> memref<10240x16xf32, #tpu.memory_space<hbm>>
    tpu.enqueue_indirect_dma source(%dma_start3A_25 : memref<10240x16xf32, #tpu.memory_space<hbm>>) target(%dma_start3A_19 : memref<80x16xf32, #tpu.memory_space<vmem>>) offsets(%dma_start3A_22 : memref<80xi32, #tpu.memory_space<vmem>>) semaphore(%arg10 : memref<!tpu.dma_semaphore, #tpu.memory_space<semaphore_mem>>)
    %dma_start3A_26 = arith.constant 1 : i32
    %dma_start3A_27 = arith.constant 1 : i32
    %dma_start3A_28 = arith.constant 0 : i32
    %dma_start3A_29 = arith.constant 0 : i32
    %dma_start3A_30 = tpu.memref_slice %arg8[%dma_start3A_27, %dma_start3A_28, %dma_start3A_29] : memref<10x80x16xf32, #tpu.memory_space<vmem>> -> memref<1x80x16xf32, #tpu.memory_space<vmem>>
    %dma_start3A_31 = tpu.memref_squeeze %dma_start3A_30 : memref<1x80x16xf32, #tpu.memory_space<vmem>> -> memref<80x16xf32, #tpu.memory_space<vmem>>
    %dma_start3A_32 = arith.constant 0 : i32
    %dma_start3A_33 = tpu.memref_slice %arg6[%dma_start3A_26, %dma_start3A_32] : memref<125x80xi32, #tpu.memory_space<vmem>> -> memref<1x80xi32, #tpu.memory_space<vmem>>
    %dma_start3A_34 = tpu.memref_squeeze %dma_start3A_33 : memref<1x80xi32, #tpu.memory_space<vmem>> -> memref<80xi32, #tpu.memory_space<vmem>>
    %dma_start3A_35 = arith.constant 0 : i32
    %dma_start3A_36 = arith.constant 0 : i32
    %dma_start3A_37 = tpu.memref_slice %arg3[%dma_start3A_35, %dma_start3A_36] : memref<10240x16xf32, #tpu.memory_space<hbm>> -> memref<10240x16xf32, #tpu.memory_space<hbm>>
    tpu.enqueue_indirect_dma source(%dma_start3A_37 : memref<10240x16xf32, #tpu.memory_space<hbm>>) target(%dma_start3A_31 : memref<80x16xf32, #tpu.memory_space<vmem>>) offsets(%dma_start3A_34 : memref<80xi32, #tpu.memory_space<vmem>>) semaphore(%arg11 : memref<!tpu.dma_semaphore, #tpu.memory_space<semaphore_mem>>)
    %dma_start3A_38 = arith.constant 2 : i32
    %dma_start3A_39 = arith.constant 2 : i32
    %dma_start3A_40 = arith.constant 0 : i32
    %dma_start3A_41 = arith.constant 0 : i32
    %dma_start3A_42 = tpu.memref_slice %arg8[%dma_start3A_39, %dma_start3A_40, %dma_start3A_41] : memref<10x80x16xf32, #tpu.memory_space<vmem>> -> memref<1x80x16xf32, #tpu.memory_space<vmem>>
    %dma_start3A_43 = tpu.memref_squeeze %dma_start3A_42 : memref<1x80x16xf32, #tpu.memory_space<vmem>> -> memref<80x16xf32, #tpu.memory_space<vmem>>
    %dma_start3A_44 = arith.constant 0 : i32
    %dma_start3A_45 = tpu.memref_slice %arg6[%dma_start3A_38, %dma_start3A_44] : memref<125x80xi32, #tpu.memory_space<vmem>> -> memref<1x80xi32, #tpu.memory_space<vmem>>
    %dma_start3A_46 = tpu.memref_squeeze %dma_start3A_45 : memref<1x80xi32, #tpu.memory_space<vmem>> -> memref<80xi32, #tpu.memory_space<vmem>>
    %dma_start3A_47 = arith.constant 0 : i32
    %dma_start3A_48 = arith.constant 0 : i32
    %dma_start3A_49 = tpu.memref_slice %arg3[%dma_start3A_47, %dma_start3A_48] : memref<10240x16xf32, #tpu.memory_space<hbm>> -> memref<10240x16xf32, #tpu.memory_space<hbm>>
    tpu.enqueue_indirect_dma source(%dma_start3A_49 : memref<10240x16xf32, #tpu.memory_space<hbm>>) target(%dma_start3A_43 : memref<80x16xf32, #tpu.memory_space<vmem>>) offsets(%dma_start3A_46 : memref<80xi32, #tpu.memory_space<vmem>>) semaphore(%arg12 : memref<!tpu.dma_semaphore, #tpu.memory_space<semaphore_mem>>)
    %dma_start3A_50 = arith.constant 3 : i32
    %dma_start3A_51 = arith.constant 3 : i32
    %dma_start3A_52 = arith.constant 0 : i32
    %dma_start3A_53 = arith.constant 0 : i32
    %dma_start3A_54 = tpu.memref_slice %arg8[%dma_start3A_51, %dma_start3A_52, %dma_start3A_53] : memref<10x80x16xf32, #tpu.memory_space<vmem>> -> memref<1x80x16xf32, #tpu.memory_space<vmem>>
    %dma_start3A_55 = tpu.memref_squeeze %dma_start3A_54 : memref<1x80x16xf32, #tpu.memory_space<vmem>> -> memref<80x16xf32, #tpu.memory_space<vmem>>
    %dma_start3A_56 = arith.constant 0 : i32
    %dma_start3A_57 = tpu.memref_slice %arg6[%dma_start3A_50, %dma_start3A_56] : memref<125x80xi32, #tpu.memory_space<vmem>> -> memref<1x80xi32, #tpu.memory_space<vmem>>
    %dma_start3A_58 = tpu.memref_squeeze %dma_start3A_57 : memref<1x80xi32, #tpu.memory_space<vmem>> -> memref<80xi32, #tpu.memory_space<vmem>>
    %dma_start3A_59 = arith.constant 0 : i32
    %dma_start3A_60 = arith.constant 0 : i32
    %dma_start3A_61 = tpu.memref_slice %arg3[%dma_start3A_59, %dma_start3A_60] : memref<10240x16xf32, #tpu.memory_space<hbm>> -> memref<10240x16xf32, #tpu.memory_space<hbm>>
    tpu.enqueue_indirect_dma source(%dma_start3A_61 : memref<10240x16xf32, #tpu.memory_space<hbm>>) target(%dma_start3A_55 : memref<80x16xf32, #tpu.memory_space<vmem>>) offsets(%dma_start3A_58 : memref<80xi32, #tpu.memory_space<vmem>>) semaphore(%arg13 : memref<!tpu.dma_semaphore, #tpu.memory_space<semaphore_mem>>)
    %dma_start3A_62 = arith.constant 4 : i32
    %dma_start3A_63 = arith.constant 4 : i32
    %dma_start3A_64 = arith.constant 0 : i32
    %dma_start3A_65 = arith.constant 0 : i32
    %dma_start3A_66 = tpu.memref_slice %arg8[%dma_start3A_63, %dma_start3A_64, %dma_start3A_65] : memref<10x80x16xf32, #tpu.memory_space<vmem>> -> memref<1x80x16xf32, #tpu.memory_space<vmem>>
    %dma_start3A_67 = tpu.memref_squeeze %dma_start3A_66 : memref<1x80x16xf32, #tpu.memory_space<vmem>> -> memref<80x16xf32, #tpu.memory_space<vmem>>
    %dma_start3A_68 = arith.constant 0 : i32
    %dma_start3A_69 = tpu.memref_slice %arg6[%dma_start3A_62, %dma_start3A_68] : memref<125x80xi32, #tpu.memory_space<vmem>> -> memref<1x80xi32, #tpu.memory_space<vmem>>
    %dma_start3A_70 = tpu.memref_squeeze %dma_start3A_69 : memref<1x80xi32, #tpu.memory_space<vmem>> -> memref<80xi32, #tpu.memory_space<vmem>>
    %dma_start3A_71 = arith.constant 0 : i32
    %dma_start3A_72 = arith.constant 0 : i32
    %dma_start3A_73 = tpu.memref_slice %arg3[%dma_start3A_71, %dma_start3A_72] : memref<10240x16xf32, #tpu.memory_space<hbm>> -> memref<10240x16xf32, #tpu.memory_space<hbm>>
    tpu.enqueue_indirect_dma source(%dma_start3A_73 : memref<10240x16xf32, #tpu.memory_space<hbm>>) target(%dma_start3A_67 : memref<80x16xf32, #tpu.memory_space<vmem>>) offsets(%dma_start3A_70 : memref<80xi32, #tpu.memory_space<vmem>>) semaphore(%arg14 : memref<!tpu.dma_semaphore, #tpu.memory_space<semaphore_mem>>)
    %dma_start3A_74 = arith.constant 5 : i32
    %dma_start3A_75 = arith.constant 5 : i32
    %dma_start3A_76 = arith.constant 0 : i32
    %dma_start3A_77 = arith.constant 0 : i32
    %dma_start3A_78 = tpu.memref_slice %arg8[%dma_start3A_75, %dma_start3A_76, %dma_start3A_77] : memref<10x80x16xf32, #tpu.memory_space<vmem>> -> memref<1x80x16xf32, #tpu.memory_space<vmem>>
    %dma_start3A_79 = tpu.memref_squeeze %dma_start3A_78 : memref<1x80x16xf32, #tpu.memory_space<vmem>> -> memref<80x16xf32, #tpu.memory_space<vmem>>
    %dma_start3A_80 = arith.constant 0 : i32
    %dma_start3A_81 = tpu.memref_slice %arg6[%dma_start3A_74, %dma_start3A_80] : memref<125x80xi32, #tpu.memory_space<vmem>> -> memref<1x80xi32, #tpu.memory_space<vmem>>
    %dma_start3A_82 = tpu.memref_squeeze %dma_start3A_81 : memref<1x80xi32, #tpu.memory_space<vmem>> -> memref<80xi32, #tpu.memory_space<vmem>>
    %dma_start3A_83 = arith.constant 0 : i32
    %dma_start3A_84 = arith.constant 0 : i32
    %dma_start3A_85 = tpu.memref_slice %arg3[%dma_start3A_83, %dma_start3A_84] : memref<10240x16xf32, #tpu.memory_space<hbm>> -> memref<10240x16xf32, #tpu.memory_space<hbm>>
    tpu.enqueue_indirect_dma source(%dma_start3A_85 : memref<10240x16xf32, #tpu.memory_space<hbm>>) target(%dma_start3A_79 : memref<80x16xf32, #tpu.memory_space<vmem>>) offsets(%dma_start3A_82 : memref<80xi32, #tpu.memory_space<vmem>>) semaphore(%arg15 : memref<!tpu.dma_semaphore, #tpu.memory_space<semaphore_mem>>)
    %dma_start3A_86 = arith.constant 6 : i32
    %dma_start3A_87 = arith.constant 6 : i32
    %dma_start3A_88 = arith.constant 0 : i32
    %dma_start3A_89 = arith.constant 0 : i32
    %dma_start3A_90 = tpu.memref_slice %arg8[%dma_start3A_87, %dma_start3A_88, %dma_start3A_89] : memref<10x80x16xf32, #tpu.memory_space<vmem>> -> memref<1x80x16xf32, #tpu.memory_space<vmem>>
    %dma_start3A_91 = tpu.memref_squeeze %dma_start3A_90 : memref<1x80x16xf32, #tpu.memory_space<vmem>> -> memref<80x16xf32, #tpu.memory_space<vmem>>
    %dma_start3A_92 = arith.constant 0 : i32
    %dma_start3A_93 = tpu.memref_slice %arg6[%dma_start3A_86, %dma_start3A_92] : memref<125x80xi32, #tpu.memory_space<vmem>> -> memref<1x80xi32, #tpu.memory_space<vmem>>
    %dma_start3A_94 = tpu.memref_squeeze %dma_start3A_93 : memref<1x80xi32, #tpu.memory_space<vmem>> -> memref<80xi32, #tpu.memory_space<vmem>>
    %dma_start3A_95 = arith.constant 0 : i32
    %dma_start3A_96 = arith.constant 0 : i32
    %dma_start3A_97 = tpu.memref_slice %arg3[%dma_start3A_95, %dma_start3A_96] : memref<10240x16xf32, #tpu.memory_space<hbm>> -> memref<10240x16xf32, #tpu.memory_space<hbm>>
    tpu.enqueue_indirect_dma source(%dma_start3A_97 : memref<10240x16xf32, #tpu.memory_space<hbm>>) target(%dma_start3A_91 : memref<80x16xf32, #tpu.memory_space<vmem>>) offsets(%dma_start3A_94 : memref<80xi32, #tpu.memory_space<vmem>>) semaphore(%arg16 : memref<!tpu.dma_semaphore, #tpu.memory_space<semaphore_mem>>)
    %dma_start3A_98 = arith.constant 7 : i32
    %dma_start3A_99 = arith.constant 7 : i32
    %dma_start3A_100 = arith.constant 0 : i32
    %dma_start3A_101 = arith.constant 0 : i32
    %dma_start3A_102 = tpu.memref_slice %arg8[%dma_start3A_99, %dma_start3A_100, %dma_start3A_101] : memref<10x80x16xf32, #tpu.memory_space<vmem>> -> memref<1x80x16xf32, #tpu.memory_space<vmem>>
    %dma_start3A_103 = tpu.memref_squeeze %dma_start3A_102 : memref<1x80x16xf32, #tpu.memory_space<vmem>> -> memref<80x16xf32, #tpu.memory_space<vmem>>
    %dma_start3A_104 = arith.constant 0 : i32
    %dma_start3A_105 = tpu.memref_slice %arg6[%dma_start3A_98, %dma_start3A_104] : memref<125x80xi32, #tpu.memory_space<vmem>> -> memref<1x80xi32, #tpu.memory_space<vmem>>
    %dma_start3A_106 = tpu.memref_squeeze %dma_start3A_105 : memref<1x80xi32, #tpu.memory_space<vmem>> -> memref<80xi32, #tpu.memory_space<vmem>>
    %dma_start3A_107 = arith.constant 0 : i32
    %dma_start3A_108 = arith.constant 0 : i32
    %dma_start3A_109 = tpu.memref_slice %arg3[%dma_start3A_107, %dma_start3A_108] : memref<10240x16xf32, #tpu.memory_space<hbm>> -> memref<10240x16xf32, #tpu.memory_space<hbm>>
    tpu.enqueue_indirect_dma source(%dma_start3A_109 : memref<10240x16xf32, #tpu.memory_space<hbm>>) target(%dma_start3A_103 : memref<80x16xf32, #tpu.memory_space<vmem>>) offsets(%dma_start3A_106 : memref<80xi32, #tpu.memory_space<vmem>>) semaphore(%arg17 : memref<!tpu.dma_semaphore, #tpu.memory_space<semaphore_mem>>)
    %dma_start3A_110 = arith.constant 8 : i32
    %dma_start3A_111 = arith.constant 8 : i32
    %dma_start3A_112 = arith.constant 0 : i32
    %dma_start3A_113 = arith.constant 0 : i32
    %dma_start3A_114 = tpu.memref_slice %arg8[%dma_start3A_111, %dma_start3A_112, %dma_start3A_113] : memref<10x80x16xf32, #tpu.memory_space<vmem>> -> memref<1x80x16xf32, #tpu.memory_space<vmem>>
    %dma_start3A_115 = tpu.memref_squeeze %dma_start3A_114 : memref<1x80x16xf32, #tpu.memory_space<vmem>> -> memref<80x16xf32, #tpu.memory_space<vmem>>
    %dma_start3A_116 = arith.constant 0 : i32
    %dma_start3A_117 = tpu.memref_slice %arg6[%dma_start3A_110, %dma_start3A_116] : memref<125x80xi32, #tpu.memory_space<vmem>> -> memref<1x80xi32, #tpu.memory_space<vmem>>
    %dma_start3A_118 = tpu.memref_squeeze %dma_start3A_117 : memref<1x80xi32, #tpu.memory_space<vmem>> -> memref<80xi32, #tpu.memory_space<vmem>>
    %dma_start3A_119 = arith.constant 0 : i32
    %dma_start3A_120 = arith.constant 0 : i32
    %dma_start3A_121 = tpu.memref_slice %arg3[%dma_start3A_119, %dma_start3A_120] : memref<10240x16xf32, #tpu.memory_space<hbm>> -> memref<10240x16xf32, #tpu.memory_space<hbm>>
    tpu.enqueue_indirect_dma source(%dma_start3A_121 : memref<10240x16xf32, #tpu.memory_space<hbm>>) target(%dma_start3A_115 : memref<80x16xf32, #tpu.memory_space<vmem>>) offsets(%dma_start3A_118 : memref<80xi32, #tpu.memory_space<vmem>>) semaphore(%arg18 : memref<!tpu.dma_semaphore, #tpu.memory_space<semaphore_mem>>)
    %dma_start3A_122 = arith.constant 9 : i32
    %dma_start3A_123 = arith.constant 9 : i32
    %dma_start3A_124 = arith.constant 0 : i32
    %dma_start3A_125 = arith.constant 0 : i32
    %dma_start3A_126 = tpu.memref_slice %arg8[%dma_start3A_123, %dma_start3A_124, %dma_start3A_125] : memref<10x80x16xf32, #tpu.memory_space<vmem>> -> memref<1x80x16xf32, #tpu.memory_space<vmem>>
    %dma_start3A_127 = tpu.memref_squeeze %dma_start3A_126 : memref<1x80x16xf32, #tpu.memory_space<vmem>> -> memref<80x16xf32, #tpu.memory_space<vmem>>
    %dma_start3A_128 = arith.constant 0 : i32
    %dma_start3A_129 = tpu.memref_slice %arg6[%dma_start3A_122, %dma_start3A_128] : memref<125x80xi32, #tpu.memory_space<vmem>> -> memref<1x80xi32, #tpu.memory_space<vmem>>
    %dma_start3A_130 = tpu.memref_squeeze %dma_start3A_129 : memref<1x80xi32, #tpu.memory_space<vmem>> -> memref<80xi32, #tpu.memory_space<vmem>>
    %dma_start3A_131 = arith.constant 0 : i32
    %dma_start3A_132 = arith.constant 0 : i32
    %dma_start3A_133 = tpu.memref_slice %arg3[%dma_start3A_131, %dma_start3A_132] : memref<10240x16xf32, #tpu.memory_space<hbm>> -> memref<10240x16xf32, #tpu.memory_space<hbm>>
    tpu.enqueue_indirect_dma source(%dma_start3A_133 : memref<10240x16xf32, #tpu.memory_space<hbm>>) target(%dma_start3A_127 : memref<80x16xf32, #tpu.memory_space<vmem>>) offsets(%dma_start3A_130 : memref<80xi32, #tpu.memory_space<vmem>>) semaphore(%arg19 : memref<!tpu.dma_semaphore, #tpu.memory_space<semaphore_mem>>)
    %scan3A_134 = arith.constant 0 : i32
    %scan3A_135 = arith.constant 0 : i32
    %scan3A_136 = arith.constant 11 : i32
    %scan3A_137 = arith.addi %scan3A_135, %scan3A_136 : i32
    %scan3A_138 = arith.constant 1 : i32
    scf.for %scan3A_417 = %scan3A_135 to %scan3A_137 step %scan3A_138  : i32 {
      %mul3A_418 = arith.constant 10 : i32
      %mul3A_419 = arith.muli %mul3A_418, %scan3A_417 : i32
      %add3A_420 = arith.constant 0 : i32
      %add3A_421 = arith.addi %mul3A_419, %add3A_420 : i32
      %dma_wait3A_422 = arith.constant 0 : i32
      %dma_wait3A_423 = arith.constant 0 : i32
      %dma_wait3A_424 = arith.constant 0 : i32
      %dma_wait3A_425 = tpu.memref_slice %arg8[%dma_wait3A_422, %dma_wait3A_423, %dma_wait3A_424] : memref<10x80x16xf32, #tpu.memory_space<vmem>> -> memref<1x80x16xf32, #tpu.memory_space<vmem>>
      %dma_wait3A_426 = tpu.memref_squeeze %dma_wait3A_425 : memref<1x80x16xf32, #tpu.memory_space<vmem>> -> memref<80x16xf32, #tpu.memory_space<vmem>>
      %dma_wait3A_427 = arith.constant 0 : i32
      %dma_wait3A_428 = tpu.memref_slice %arg6[%add3A_421, %dma_wait3A_427] : memref<125x80xi32, #tpu.memory_space<vmem>> -> memref<1x80xi32, #tpu.memory_space<vmem>>
      %dma_wait3A_429 = tpu.memref_squeeze %dma_wait3A_428 : memref<1x80xi32, #tpu.memory_space<vmem>> -> memref<80xi32, #tpu.memory_space<vmem>>
      %dma_wait3A_430 = arith.constant 0 : i32
      %dma_wait3A_431 = arith.constant 0 : i32
      %dma_wait3A_432 = tpu.memref_slice %arg3[%dma_wait3A_430, %dma_wait3A_431] : memref<10240x16xf32, #tpu.memory_space<hbm>> -> memref<10240x16xf32, #tpu.memory_space<hbm>>
      tpu.wait_indirect_dma semaphore(%arg10 : memref<!tpu.dma_semaphore, #tpu.memory_space<semaphore_mem>>) src(%dma_wait3A_432 : memref<10240x16xf32, #tpu.memory_space<hbm>>) dst(%dma_wait3A_426 : memref<80x16xf32, #tpu.memory_space<vmem>>)
      %run_scoped3A_433 = arith.constant 0 : i32
      "tpu.region"() ({
        %run_scoped3A_708 = tpu.sem_alloc : memref<!tpu.dma_semaphore, #tpu.memory_space<semaphore_mem>>
        %dma_start3A_709 = arith.constant 0 : i32
        %dma_start3A_710 = arith.constant 0 : i32
        %dma_start3A_711 = tpu.memref_slice %arg8[%run_scoped3A_433, %dma_start3A_709, %dma_start3A_710] : memref<10x80x16xf32, #tpu.memory_space<vmem>> -> memref<1x80x16xf32, #tpu.memory_space<vmem>>
        %dma_start3A_712 = tpu.memref_squeeze %dma_start3A_711 : memref<1x80x16xf32, #tpu.memory_space<vmem>> -> memref<80x16xf32, #tpu.memory_space<vmem>>
        %dma_start3A_713 = arith.constant 0 : i32
        %dma_start3A_714 = tpu.memref_slice %arg7[%add3A_421, %dma_start3A_713] : memref<125x80xi32, #tpu.memory_space<vmem>> -> memref<1x80xi32, #tpu.memory_space<vmem>>
        %dma_start3A_715 = tpu.memref_squeeze %dma_start3A_714 : memref<1x80xi32, #tpu.memory_space<vmem>> -> memref<80xi32, #tpu.memory_space<vmem>>
        %dma_start3A_716 = arith.constant 0 : i32
        %dma_start3A_717 = arith.constant 0 : i32
        %dma_start3A_718 = tpu.memref_slice %arg5[%dma_start3A_716, %dma_start3A_717] : memref<10240x16xf32, #tpu.memory_space<vmem_shared>> -> memref<10240x16xf32, #tpu.memory_space<vmem_shared>>
        tpu.enqueue_indirect_dma source(%dma_start3A_712 : memref<80x16xf32, #tpu.memory_space<vmem>>) target(%dma_start3A_718 : memref<10240x16xf32, #tpu.memory_space<vmem_shared>>) offsets(%dma_start3A_715 : memref<80xi32, #tpu.memory_space<vmem>>) semaphore(%run_scoped3A_708 : memref<!tpu.dma_semaphore, #tpu.memory_space<semaphore_mem>>) {add = true}
        %dma_wait3A_719 = arith.constant 0 : i32
        %dma_wait3A_720 = arith.constant 0 : i32
        %dma_wait3A_721 = tpu.memref_slice %arg8[%run_scoped3A_433, %dma_wait3A_719, %dma_wait3A_720] : memref<10x80x16xf32, #tpu.memory_space<vmem>> -> memref<1x80x16xf32, #tpu.memory_space<vmem>>
        %dma_wait3A_722 = tpu.memref_squeeze %dma_wait3A_721 : memref<1x80x16xf32, #tpu.memory_space<vmem>> -> memref<80x16xf32, #tpu.memory_space<vmem>>
        %dma_wait3A_723 = arith.constant 0 : i32
        %dma_wait3A_724 = tpu.memref_slice %arg7[%add3A_421, %dma_wait3A_723] : memref<125x80xi32, #tpu.memory_space<vmem>> -> memref<1x80xi32, #tpu.memory_space<vmem>>
        %dma_wait3A_725 = tpu.memref_squeeze %dma_wait3A_724 : memref<1x80xi32, #tpu.memory_space<vmem>> -> memref<80xi32, #tpu.memory_space<vmem>>
        %dma_wait3A_726 = arith.constant 0 : i32
        %dma_wait3A_727 = arith.constant 0 : i32
        %dma_wait3A_728 = tpu.memref_slice %arg5[%dma_wait3A_726, %dma_wait3A_727] : memref<10240x16xf32, #tpu.memory_space<vmem_shared>> -> memref<10240x16xf32, #tpu.memory_space<vmem_shared>>
        tpu.wait_indirect_dma semaphore(%run_scoped3A_708 : memref<!tpu.dma_semaphore, #tpu.memory_space<semaphore_mem>>) src(%dma_wait3A_722 : memref<80x16xf32, #tpu.memory_space<vmem>>) dst(%dma_wait3A_728 : memref<10240x16xf32, #tpu.memory_space<vmem_shared>>)
        tpu.yield
      }) : () -> ()
      %add3A_434 = arith.constant 10 : i32
      %add3A_435 = arith.addi %add3A_421, %add3A_434 : i32
      %dma_start3A_436 = arith.constant 0 : i32
      %dma_start3A_437 = arith.constant 0 : i32
      %dma_start3A_438 = arith.constant 0 : i32
      %dma_start3A_439 = tpu.memref_slice %arg8[%dma_start3A_436, %dma_start3A_437, %dma_start3A_438] : memref<10x80x16xf32, #tpu.memory_space<vmem>> -> memref<1x80x16xf32, #tpu.memory_space<vmem>>
      %dma_start3A_440 = tpu.memref_squeeze %dma_start3A_439 : memref<1x80x16xf32, #tpu.memory_space<vmem>> -> memref<80x16xf32, #tpu.memory_space<vmem>>
      %dma_start3A_441 = arith.constant 0 : i32
      %dma_start3A_442 = tpu.memref_slice %arg6[%add3A_435, %dma_start3A_441] : memref<125x80xi32, #tpu.memory_space<vmem>> -> memref<1x80xi32, #tpu.memory_space<vmem>>
      %dma_start3A_443 = tpu.memref_squeeze %dma_start3A_442 : memref<1x80xi32, #tpu.memory_space<vmem>> -> memref<80xi32, #tpu.memory_space<vmem>>
      %dma_start3A_444 = arith.constant 0 : i32
      %dma_start3A_445 = arith.constant 0 : i32
      %dma_start3A_446 = tpu.memref_slice %arg3[%dma_start3A_444, %dma_start3A_445] : memref<10240x16xf32, #tpu.memory_space<hbm>> -> memref<10240x16xf32, #tpu.memory_space<hbm>>
      tpu.enqueue_indirect_dma source(%dma_start3A_446 : memref<10240x16xf32, #tpu.memory_space<hbm>>) target(%dma_start3A_440 : memref<80x16xf32, #tpu.memory_space<vmem>>) offsets(%dma_start3A_443 : memref<80xi32, #tpu.memory_space<vmem>>) semaphore(%arg10 : memref<!tpu.dma_semaphore, #tpu.memory_space<semaphore_mem>>)
      %mul3A_447 = arith.constant 10 : i32
      %mul3A_448 = arith.muli %mul3A_447, %scan3A_417 : i32
      %add3A_449 = arith.constant 1 : i32
      %add3A_450 = arith.addi %mul3A_448, %add3A_449 : i32
      %dma_wait3A_451 = arith.constant 1 : i32
      %dma_wait3A_452 = arith.constant 0 : i32
      %dma_wait3A_453 = arith.constant 0 : i32
      %dma_wait3A_454 = tpu.memref_slice %arg8[%dma_wait3A_451, %dma_wait3A_452, %dma_wait3A_453] : memref<10x80x16xf32, #tpu.memory_space<vmem>> -> memref<1x80x16xf32, #tpu.memory_space<vmem>>
      %dma_wait3A_455 = tpu.memref_squeeze %dma_wait3A_454 : memref<1x80x16xf32, #tpu.memory_space<vmem>> -> memref<80x16xf32, #tpu.memory_space<vmem>>
      %dma_wait3A_456 = arith.constant 0 : i32
      %dma_wait3A_457 = tpu.memref_slice %arg6[%add3A_450, %dma_wait3A_456] : memref<125x80xi32, #tpu.memory_space<vmem>> -> memref<1x80xi32, #tpu.memory_space<vmem>>
      %dma_wait3A_458 = tpu.memref_squeeze %dma_wait3A_457 : memref<1x80xi32, #tpu.memory_space<vmem>> -> memref<80xi32, #tpu.memory_space<vmem>>
      %dma_wait3A_459 = arith.constant 0 : i32
      %dma_wait3A_460 = arith.constant 0 : i32
      %dma_wait3A_461 = tpu.memref_slice %arg3[%dma_wait3A_459, %dma_wait3A_460] : memref<10240x16xf32, #tpu.memory_space<hbm>> -> memref<10240x16xf32, #tpu.memory_space<hbm>>
      tpu.wait_indirect_dma semaphore(%arg11 : memref<!tpu.dma_semaphore, #tpu.memory_space<semaphore_mem>>) src(%dma_wait3A_461 : memref<10240x16xf32, #tpu.memory_space<hbm>>) dst(%dma_wait3A_455 : memref<80x16xf32, #tpu.memory_space<vmem>>)
      %run_scoped3A_462 = arith.constant 1 : i32
      "tpu.region"() ({
        %run_scoped3A_708 = tpu.sem_alloc : memref<!tpu.dma_semaphore, #tpu.memory_space<semaphore_mem>>
        %dma_start3A_709 = arith.constant 0 : i32
        %dma_start3A_710 = arith.constant 0 : i32
        %dma_start3A_711 = tpu.memref_slice %arg8[%run_scoped3A_462, %dma_start3A_709, %dma_start3A_710] : memref<10x80x16xf32, #tpu.memory_space<vmem>> -> memref<1x80x16xf32, #tpu.memory_space<vmem>>
        %dma_start3A_712 = tpu.memref_squeeze %dma_start3A_711 : memref<1x80x16xf32, #tpu.memory_space<vmem>> -> memref<80x16xf32, #tpu.memory_space<vmem>>
        %dma_start3A_713 = arith.constant 0 : i32
        %dma_start3A_714 = tpu.memref_slice %arg7[%add3A_450, %dma_start3A_713] : memref<125x80xi32, #tpu.memory_space<vmem>> -> memref<1x80xi32, #tpu.memory_space<vmem>>
        %dma_start3A_715 = tpu.memref_squeeze %dma_start3A_714 : memref<1x80xi32, #tpu.memory_space<vmem>> -> memref<80xi32, #tpu.memory_space<vmem>>
        %dma_start3A_716 = arith.constant 0 : i32
        %dma_start3A_717 = arith.constant 0 : i32
        %dma_start3A_718 = tpu.memref_slice %arg5[%dma_start3A_716, %dma_start3A_717] : memref<10240x16xf32, #tpu.memory_space<vmem_shared>> -> memref<10240x16xf32, #tpu.memory_space<vmem_shared>>
        tpu.enqueue_indirect_dma source(%dma_start3A_712 : memref<80x16xf32, #tpu.memory_space<vmem>>) target(%dma_start3A_718 : memref<10240x16xf32, #tpu.memory_space<vmem_shared>>) offsets(%dma_start3A_715 : memref<80xi32, #tpu.memory_space<vmem>>) semaphore(%run_scoped3A_708 : memref<!tpu.dma_semaphore, #tpu.memory_space<semaphore_mem>>) {add = true}
        %dma_wait3A_719 = arith.constant 0 : i32
        %dma_wait3A_720 = arith.constant 0 : i32
        %dma_wait3A_721 = tpu.memref_slice %arg8[%run_scoped3A_462, %dma_wait3A_719, %dma_wait3A_720] : memref<10x80x16xf32, #tpu.memory_space<vmem>> -> memref<1x80x16xf32, #tpu.memory_space<vmem>>
        %dma_wait3A_722 = tpu.memref_squeeze %dma_wait3A_721 : memref<1x80x16xf32, #tpu.memory_space<vmem>> -> memref<80x16xf32, #tpu.memory_space<vmem>>
        %dma_wait3A_723 = arith.constant 0 : i32
        %dma_wait3A_724 = tpu.memref_slice %arg7[%add3A_450, %dma_wait3A_723] : memref<125x80xi32, #tpu.memory_space<vmem>> -> memref<1x80xi32, #tpu.memory_space<vmem>>
        %dma_wait3A_725 = tpu.memref_squeeze %dma_wait3A_724 : memref<1x80xi32, #tpu.memory_space<vmem>> -> memref<80xi32, #tpu.memory_space<vmem>>
        %dma_wait3A_726 = arith.constant 0 : i32
        %dma_wait3A_727 = arith.constant 0 : i32
        %dma_wait3A_728 = tpu.memref_slice %arg5[%dma_wait3A_726, %dma_wait3A_727] : memref<10240x16xf32, #tpu.memory_space<vmem_shared>> -> memref<10240x16xf32, #tpu.memory_space<vmem_shared>>
        tpu.wait_indirect_dma semaphore(%run_scoped3A_708 : memref<!tpu.dma_semaphore, #tpu.memory_space<semaphore_mem>>) src(%dma_wait3A_722 : memref<80x16xf32, #tpu.memory_space<vmem>>) dst(%dma_wait3A_728 : memref<10240x16xf32, #tpu.memory_space<vmem_shared>>)
        tpu.yield
      }) : () -> ()
      %add3A_463 = arith.constant 10 : i32
      %add3A_464 = arith.addi %add3A_450, %add3A_463 : i32
      %dma_start3A_465 = arith.constant 1 : i32
      %dma_start3A_466 = arith.constant 0 : i32
      %dma_start3A_467 = arith.constant 0 : i32
      %dma_start3A_468 = tpu.memref_slice %arg8[%dma_start3A_465, %dma_start3A_466, %dma_start3A_467] : memref<10x80x16xf32, #tpu.memory_space<vmem>> -> memref<1x80x16xf32, #tpu.memory_space<vmem>>
      %dma_start3A_469 = tpu.memref_squeeze %dma_start3A_468 : memref<1x80x16xf32, #tpu.memory_space<vmem>> -> memref<80x16xf32, #tpu.memory_space<vmem>>
      %dma_start3A_470 = arith.constant 0 : i32
      %dma_start3A_471 = tpu.memref_slice %arg6[%add3A_464, %dma_start3A_470] : memref<125x80xi32, #tpu.memory_space<vmem>> -> memref<1x80xi32, #tpu.memory_space<vmem>>
      %dma_start3A_472 = tpu.memref_squeeze %dma_start3A_471 : memref<1x80xi32, #tpu.memory_space<vmem>> -> memref<80xi32, #tpu.memory_space<vmem>>
      %dma_start3A_473 = arith.constant 0 : i32
      %dma_start3A_474 = arith.constant 0 : i32
      %dma_start3A_475 = tpu.memref_slice %arg3[%dma_start3A_473, %dma_start3A_474] : memref<10240x16xf32, #tpu.memory_space<hbm>> -> memref<10240x16xf32, #tpu.memory_space<hbm>>
      tpu.enqueue_indirect_dma source(%dma_start3A_475 : memref<10240x16xf32, #tpu.memory_space<hbm>>) target(%dma_start3A_469 : memref<80x16xf32, #tpu.memory_space<vmem>>) offsets(%dma_start3A_472 : memref<80xi32, #tpu.memory_space<vmem>>) semaphore(%arg11 : memref<!tpu.dma_semaphore, #tpu.memory_space<semaphore_mem>>)
      %mul3A_476 = arith.constant 10 : i32
      %mul3A_477 = arith.muli %mul3A_476, %scan3A_417 : i32
      %add3A_478 = arith.constant 2 : i32
      %add3A_479 = arith.addi %mul3A_477, %add3A_478 : i32
      %dma_wait3A_480 = arith.constant 2 : i32
      %dma_wait3A_481 = arith.constant 0 : i32
      %dma_wait3A_482 = arith.constant 0 : i32
      %dma_wait3A_483 = tpu.memref_slice %arg8[%dma_wait3A_480, %dma_wait3A_481, %dma_wait3A_482] : memref<10x80x16xf32, #tpu.memory_space<vmem>> -> memref<1x80x16xf32, #tpu.memory_space<vmem>>
      %dma_wait3A_484 = tpu.memref_squeeze %dma_wait3A_483 : memref<1x80x16xf32, #tpu.memory_space<vmem>> -> memref<80x16xf32, #tpu.memory_space<vmem>>
      %dma_wait3A_485 = arith.constant 0 : i32
      %dma_wait3A_486 = tpu.memref_slice %arg6[%add3A_479, %dma_wait3A_485] : memref<125x80xi32, #tpu.memory_space<vmem>> -> memref<1x80xi32, #tpu.memory_space<vmem>>
      %dma_wait3A_487 = tpu.memref_squeeze %dma_wait3A_486 : memref<1x80xi32, #tpu.memory_space<vmem>> -> memref<80xi32, #tpu.memory_space<vmem>>
      %dma_wait3A_488 = arith.constant 0 : i32
      %dma_wait3A_489 = arith.constant 0 : i32
      %dma_wait3A_490 = tpu.memref_slice %arg3[%dma_wait3A_488, %dma_wait3A_489] : memref<10240x16xf32, #tpu.memory_space<hbm>> -> memref<10240x16xf32, #tpu.memory_space<hbm>>
      tpu.wait_indirect_dma semaphore(%arg12 : memref<!tpu.dma_semaphore, #tpu.memory_space<semaphore_mem>>) src(%dma_wait3A_490 : memref<10240x16xf32, #tpu.memory_space<hbm>>) dst(%dma_wait3A_484 : memref<80x16xf32, #tpu.memory_space<vmem>>)
      %run_scoped3A_491 = arith.constant 2 : i32
      "tpu.region"() ({
        %run_scoped3A_708 = tpu.sem_alloc : memref<!tpu.dma_semaphore, #tpu.memory_space<semaphore_mem>>
        %dma_start3A_709 = arith.constant 0 : i32
        %dma_start3A_710 = arith.constant 0 : i32
        %dma_start3A_711 = tpu.memref_slice %arg8[%run_scoped3A_491, %dma_start3A_709, %dma_start3A_710] : memref<10x80x16xf32, #tpu.memory_space<vmem>> -> memref<1x80x16xf32, #tpu.memory_space<vmem>>
        %dma_start3A_712 = tpu.memref_squeeze %dma_start3A_711 : memref<1x80x16xf32, #tpu.memory_space<vmem>> -> memref<80x16xf32, #tpu.memory_space<vmem>>
        %dma_start3A_713 = arith.constant 0 : i32
        %dma_start3A_714 = tpu.memref_slice %arg7[%add3A_479, %dma_start3A_713] : memref<125x80xi32, #tpu.memory_space<vmem>> -> memref<1x80xi32, #tpu.memory_space<vmem>>
        %dma_start3A_715 = tpu.memref_squeeze %dma_start3A_714 : memref<1x80xi32, #tpu.memory_space<vmem>> -> memref<80xi32, #tpu.memory_space<vmem>>
        %dma_start3A_716 = arith.constant 0 : i32
        %dma_start3A_717 = arith.constant 0 : i32
        %dma_start3A_718 = tpu.memref_slice %arg5[%dma_start3A_716, %dma_start3A_717] : memref<10240x16xf32, #tpu.memory_space<vmem_shared>> -> memref<10240x16xf32, #tpu.memory_space<vmem_shared>>
        tpu.enqueue_indirect_dma source(%dma_start3A_712 : memref<80x16xf32, #tpu.memory_space<vmem>>) target(%dma_start3A_718 : memref<10240x16xf32, #tpu.memory_space<vmem_shared>>) offsets(%dma_start3A_715 : memref<80xi32, #tpu.memory_space<vmem>>) semaphore(%run_scoped3A_708 : memref<!tpu.dma_semaphore, #tpu.memory_space<semaphore_mem>>) {add = true}
        %dma_wait3A_719 = arith.constant 0 : i32
        %dma_wait3A_720 = arith.constant 0 : i32
        %dma_wait3A_721 = tpu.memref_slice %arg8[%run_scoped3A_491, %dma_wait3A_719, %dma_wait3A_720] : memref<10x80x16xf32, #tpu.memory_space<vmem>> -> memref<1x80x16xf32, #tpu.memory_space<vmem>>
        %dma_wait3A_722 = tpu.memref_squeeze %dma_wait3A_721 : memref<1x80x16xf32, #tpu.memory_space<vmem>> -> memref<80x16xf32, #tpu.memory_space<vmem>>
        %dma_wait3A_723 = arith.constant 0 : i32
        %dma_wait3A_724 = tpu.memref_slice %arg7[%add3A_479, %dma_wait3A_723] : memref<125x80xi32, #tpu.memory_space<vmem>> -> memref<1x80xi32, #tpu.memory_space<vmem>>
        %dma_wait3A_725 = tpu.memref_squeeze %dma_wait3A_724 : memref<1x80xi32, #tpu.memory_space<vmem>> -> memref<80xi32, #tpu.memory_space<vmem>>
        %dma_wait3A_726 = arith.constant 0 : i32
        %dma_wait3A_727 = arith.constant 0 : i32
        %dma_wait3A_728 = tpu.memref_slice %arg5[%dma_wait3A_726, %dma_wait3A_727] : memref<10240x16xf32, #tpu.memory_space<vmem_shared>> -> memref<10240x16xf32, #tpu.memory_space<vmem_shared>>
        tpu.wait_indirect_dma semaphore(%run_scoped3A_708 : memref<!tpu.dma_semaphore, #tpu.memory_space<semaphore_mem>>) src(%dma_wait3A_722 : memref<80x16xf32, #tpu.memory_space<vmem>>) dst(%dma_wait3A_728 : memref<10240x16xf32, #tpu.memory_space<vmem_shared>>)
        tpu.yield
      }) : () -> ()
      %add3A_492 = arith.constant 10 : i32
      %add3A_493 = arith.addi %add3A_479, %add3A_492 : i32
      %dma_start3A_494 = arith.constant 2 : i32
      %dma_start3A_495 = arith.constant 0 : i32
      %dma_start3A_496 = arith.constant 0 : i32
      %dma_start3A_497 = tpu.memref_slice %arg8[%dma_start3A_494, %dma_start3A_495, %dma_start3A_496] : memref<10x80x16xf32, #tpu.memory_space<vmem>> -> memref<1x80x16xf32, #tpu.memory_space<vmem>>
      %dma_start3A_498 = tpu.memref_squeeze %dma_start3A_497 : memref<1x80x16xf32, #tpu.memory_space<vmem>> -> memref<80x16xf32, #tpu.memory_space<vmem>>
      %dma_start3A_499 = arith.constant 0 : i32
      %dma_start3A_500 = tpu.memref_slice %arg6[%add3A_493, %dma_start3A_499] : memref<125x80xi32, #tpu.memory_space<vmem>> -> memref<1x80xi32, #tpu.memory_space<vmem>>
      %dma_start3A_501 = tpu.memref_squeeze %dma_start3A_500 : memref<1x80xi32, #tpu.memory_space<vmem>> -> memref<80xi32, #tpu.memory_space<vmem>>
      %dma_start3A_502 = arith.constant 0 : i32
      %dma_start3A_503 = arith.constant 0 : i32
      %dma_start3A_504 = tpu.memref_slice %arg3[%dma_start3A_502, %dma_start3A_503] : memref<10240x16xf32, #tpu.memory_space<hbm>> -> memref<10240x16xf32, #tpu.memory_space<hbm>>
      tpu.enqueue_indirect_dma source(%dma_start3A_504 : memref<10240x16xf32, #tpu.memory_space<hbm>>) target(%dma_start3A_498 : memref<80x16xf32, #tpu.memory_space<vmem>>) offsets(%dma_start3A_501 : memref<80xi32, #tpu.memory_space<vmem>>) semaphore(%arg12 : memref<!tpu.dma_semaphore, #tpu.memory_space<semaphore_mem>>)
      %mul3A_505 = arith.constant 10 : i32
      %mul3A_506 = arith.muli %mul3A_505, %scan3A_417 : i32
      %add3A_507 = arith.constant 3 : i32
      %add3A_508 = arith.addi %mul3A_506, %add3A_507 : i32
      %dma_wait3A_509 = arith.constant 3 : i32
      %dma_wait3A_510 = arith.constant 0 : i32
      %dma_wait3A_511 = arith.constant 0 : i32
      %dma_wait3A_512 = tpu.memref_slice %arg8[%dma_wait3A_509, %dma_wait3A_510, %dma_wait3A_511] : memref<10x80x16xf32, #tpu.memory_space<vmem>> -> memref<1x80x16xf32, #tpu.memory_space<vmem>>
      %dma_wait3A_513 = tpu.memref_squeeze %dma_wait3A_512 : memref<1x80x16xf32, #tpu.memory_space<vmem>> -> memref<80x16xf32, #tpu.memory_space<vmem>>
      %dma_wait3A_514 = arith.constant 0 : i32
      %dma_wait3A_515 = tpu.memref_slice %arg6[%add3A_508, %dma_wait3A_514] : memref<125x80xi32, #tpu.memory_space<vmem>> -> memref<1x80xi32, #tpu.memory_space<vmem>>
      %dma_wait3A_516 = tpu.memref_squeeze %dma_wait3A_515 : memref<1x80xi32, #tpu.memory_space<vmem>> -> memref<80xi32, #tpu.memory_space<vmem>>
      %dma_wait3A_517 = arith.constant 0 : i32
      %dma_wait3A_518 = arith.constant 0 : i32
      %dma_wait3A_519 = tpu.memref_slice %arg3[%dma_wait3A_517, %dma_wait3A_518] : memref<10240x16xf32, #tpu.memory_space<hbm>> -> memref<10240x16xf32, #tpu.memory_space<hbm>>
      tpu.wait_indirect_dma semaphore(%arg13 : memref<!tpu.dma_semaphore, #tpu.memory_space<semaphore_mem>>) src(%dma_wait3A_519 : memref<10240x16xf32, #tpu.memory_space<hbm>>) dst(%dma_wait3A_513 : memref<80x16xf32, #tpu.memory_space<vmem>>)
      %run_scoped3A_520 = arith.constant 3 : i32
      "tpu.region"() ({
        %run_scoped3A_708 = tpu.sem_alloc : memref<!tpu.dma_semaphore, #tpu.memory_space<semaphore_mem>>
        %dma_start3A_709 = arith.constant 0 : i32
        %dma_start3A_710 = arith.constant 0 : i32
        %dma_start3A_711 = tpu.memref_slice %arg8[%run_scoped3A_520, %dma_start3A_709, %dma_start3A_710] : memref<10x80x16xf32, #tpu.memory_space<vmem>> -> memref<1x80x16xf32, #tpu.memory_space<vmem>>
        %dma_start3A_712 = tpu.memref_squeeze %dma_start3A_711 : memref<1x80x16xf32, #tpu.memory_space<vmem>> -> memref<80x16xf32, #tpu.memory_space<vmem>>
        %dma_start3A_713 = arith.constant 0 : i32
        %dma_start3A_714 = tpu.memref_slice %arg7[%add3A_508, %dma_start3A_713] : memref<125x80xi32, #tpu.memory_space<vmem>> -> memref<1x80xi32, #tpu.memory_space<vmem>>
        %dma_start3A_715 = tpu.memref_squeeze %dma_start3A_714 : memref<1x80xi32, #tpu.memory_space<vmem>> -> memref<80xi32, #tpu.memory_space<vmem>>
        %dma_start3A_716 = arith.constant 0 : i32
        %dma_start3A_717 = arith.constant 0 : i32
        %dma_start3A_718 = tpu.memref_slice %arg5[%dma_start3A_716, %dma_start3A_717] : memref<10240x16xf32, #tpu.memory_space<vmem_shared>> -> memref<10240x16xf32, #tpu.memory_space<vmem_shared>>
        tpu.enqueue_indirect_dma source(%dma_start3A_712 : memref<80x16xf32, #tpu.memory_space<vmem>>) target(%dma_start3A_718 : memref<10240x16xf32, #tpu.memory_space<vmem_shared>>) offsets(%dma_start3A_715 : memref<80xi32, #tpu.memory_space<vmem>>) semaphore(%run_scoped3A_708 : memref<!tpu.dma_semaphore, #tpu.memory_space<semaphore_mem>>) {add = true}
        %dma_wait3A_719 = arith.constant 0 : i32
        %dma_wait3A_720 = arith.constant 0 : i32
        %dma_wait3A_721 = tpu.memref_slice %arg8[%run_scoped3A_520, %dma_wait3A_719, %dma_wait3A_720] : memref<10x80x16xf32, #tpu.memory_space<vmem>> -> memref<1x80x16xf32, #tpu.memory_space<vmem>>
        %dma_wait3A_722 = tpu.memref_squeeze %dma_wait3A_721 : memref<1x80x16xf32, #tpu.memory_space<vmem>> -> memref<80x16xf32, #tpu.memory_space<vmem>>
        %dma_wait3A_723 = arith.constant 0 : i32
        %dma_wait3A_724 = tpu.memref_slice %arg7[%add3A_508, %dma_wait3A_723] : memref<125x80xi32, #tpu.memory_space<vmem>> -> memref<1x80xi32, #tpu.memory_space<vmem>>
        %dma_wait3A_725 = tpu.memref_squeeze %dma_wait3A_724 : memref<1x80xi32, #tpu.memory_space<vmem>> -> memref<80xi32, #tpu.memory_space<vmem>>
        %dma_wait3A_726 = arith.constant 0 : i32
        %dma_wait3A_727 = arith.constant 0 : i32
        %dma_wait3A_728 = tpu.memref_slice %arg5[%dma_wait3A_726, %dma_wait3A_727] : memref<10240x16xf32, #tpu.memory_space<vmem_shared>> -> memref<10240x16xf32, #tpu.memory_space<vmem_shared>>
        tpu.wait_indirect_dma semaphore(%run_scoped3A_708 : memref<!tpu.dma_semaphore, #tpu.memory_space<semaphore_mem>>) src(%dma_wait3A_722 : memref<80x16xf32, #tpu.memory_space<vmem>>) dst(%dma_wait3A_728 : memref<10240x16xf32, #tpu.memory_space<vmem_shared>>)
        tpu.yield
      }) : () -> ()
      %add3A_521 = arith.constant 10 : i32
      %add3A_522 = arith.addi %add3A_508, %add3A_521 : i32
      %dma_start3A_523 = arith.constant 3 : i32
      %dma_start3A_524 = arith.constant 0 : i32
      %dma_start3A_525 = arith.constant 0 : i32
      %dma_start3A_526 = tpu.memref_slice %arg8[%dma_start3A_523, %dma_start3A_524, %dma_start3A_525] : memref<10x80x16xf32, #tpu.memory_space<vmem>> -> memref<1x80x16xf32, #tpu.memory_space<vmem>>
      %dma_start3A_527 = tpu.memref_squeeze %dma_start3A_526 : memref<1x80x16xf32, #tpu.memory_space<vmem>> -> memref<80x16xf32, #tpu.memory_space<vmem>>
      %dma_start3A_528 = arith.constant 0 : i32
      %dma_start3A_529 = tpu.memref_slice %arg6[%add3A_522, %dma_start3A_528] : memref<125x80xi32, #tpu.memory_space<vmem>> -> memref<1x80xi32, #tpu.memory_space<vmem>>
      %dma_start3A_530 = tpu.memref_squeeze %dma_start3A_529 : memref<1x80xi32, #tpu.memory_space<vmem>> -> memref<80xi32, #tpu.memory_space<vmem>>
      %dma_start3A_531 = arith.constant 0 : i32
      %dma_start3A_532 = arith.constant 0 : i32
      %dma_start3A_533 = tpu.memref_slice %arg3[%dma_start3A_531, %dma_start3A_532] : memref<10240x16xf32, #tpu.memory_space<hbm>> -> memref<10240x16xf32, #tpu.memory_space<hbm>>
      tpu.enqueue_indirect_dma source(%dma_start3A_533 : memref<10240x16xf32, #tpu.memory_space<hbm>>) target(%dma_start3A_527 : memref<80x16xf32, #tpu.memory_space<vmem>>) offsets(%dma_start3A_530 : memref<80xi32, #tpu.memory_space<vmem>>) semaphore(%arg13 : memref<!tpu.dma_semaphore, #tpu.memory_space<semaphore_mem>>)
      %mul3A_534 = arith.constant 10 : i32
      %mul3A_535 = arith.muli %mul3A_534, %scan3A_417 : i32
      %add3A_536 = arith.constant 4 : i32
      %add3A_537 = arith.addi %mul3A_535, %add3A_536 : i32
      %dma_wait3A_538 = arith.constant 4 : i32
      %dma_wait3A_539 = arith.constant 0 : i32
      %dma_wait3A_540 = arith.constant 0 : i32
      %dma_wait3A_541 = tpu.memref_slice %arg8[%dma_wait3A_538, %dma_wait3A_539, %dma_wait3A_540] : memref<10x80x16xf32, #tpu.memory_space<vmem>> -> memref<1x80x16xf32, #tpu.memory_space<vmem>>
      %dma_wait3A_542 = tpu.memref_squeeze %dma_wait3A_541 : memref<1x80x16xf32, #tpu.memory_space<vmem>> -> memref<80x16xf32, #tpu.memory_space<vmem>>
      %dma_wait3A_543 = arith.constant 0 : i32
      %dma_wait3A_544 = tpu.memref_slice %arg6[%add3A_537, %dma_wait3A_543] : memref<125x80xi32, #tpu.memory_space<vmem>> -> memref<1x80xi32, #tpu.memory_space<vmem>>
      %dma_wait3A_545 = tpu.memref_squeeze %dma_wait3A_544 : memref<1x80xi32, #tpu.memory_space<vmem>> -> memref<80xi32, #tpu.memory_space<vmem>>
      %dma_wait3A_546 = arith.constant 0 : i32
      %dma_wait3A_547 = arith.constant 0 : i32
      %dma_wait3A_548 = tpu.memref_slice %arg3[%dma_wait3A_546, %dma_wait3A_547] : memref<10240x16xf32, #tpu.memory_space<hbm>> -> memref<10240x16xf32, #tpu.memory_space<hbm>>
      tpu.wait_indirect_dma semaphore(%arg14 : memref<!tpu.dma_semaphore, #tpu.memory_space<semaphore_mem>>) src(%dma_wait3A_548 : memref<10240x16xf32, #tpu.memory_space<hbm>>) dst(%dma_wait3A_542 : memref<80x16xf32, #tpu.memory_space<vmem>>)
      %run_scoped3A_549 = arith.constant 4 : i32
      "tpu.region"() ({
        %run_scoped3A_708 = tpu.sem_alloc : memref<!tpu.dma_semaphore, #tpu.memory_space<semaphore_mem>>
        %dma_start3A_709 = arith.constant 0 : i32
        %dma_start3A_710 = arith.constant 0 : i32
        %dma_start3A_711 = tpu.memref_slice %arg8[%run_scoped3A_549, %dma_start3A_709, %dma_start3A_710] : memref<10x80x16xf32, #tpu.memory_space<vmem>> -> memref<1x80x16xf32, #tpu.memory_space<vmem>>
        %dma_start3A_712 = tpu.memref_squeeze %dma_start3A_711 : memref<1x80x16xf32, #tpu.memory_space<vmem>> -> memref<80x16xf32, #tpu.memory_space<vmem>>
        %dma_start3A_713 = arith.constant 0 : i32
        %dma_start3A_714 = tpu.memref_slice %arg7[%add3A_537, %dma_start3A_713] : memref<125x80xi32, #tpu.memory_space<vmem>> -> memref<1x80xi32, #tpu.memory_space<vmem>>
        %dma_start3A_715 = tpu.memref_squeeze %dma_start3A_714 : memref<1x80xi32, #tpu.memory_space<vmem>> -> memref<80xi32, #tpu.memory_space<vmem>>
        %dma_start3A_716 = arith.constant 0 : i32
        %dma_start3A_717 = arith.constant 0 : i32
        %dma_start3A_718 = tpu.memref_slice %arg5[%dma_start3A_716, %dma_start3A_717] : memref<10240x16xf32, #tpu.memory_space<vmem_shared>> -> memref<10240x16xf32, #tpu.memory_space<vmem_shared>>
        tpu.enqueue_indirect_dma source(%dma_start3A_712 : memref<80x16xf32, #tpu.memory_space<vmem>>) target(%dma_start3A_718 : memref<10240x16xf32, #tpu.memory_space<vmem_shared>>) offsets(%dma_start3A_715 : memref<80xi32, #tpu.memory_space<vmem>>) semaphore(%run_scoped3A_708 : memref<!tpu.dma_semaphore, #tpu.memory_space<semaphore_mem>>) {add = true}
        %dma_wait3A_719 = arith.constant 0 : i32
        %dma_wait3A_720 = arith.constant 0 : i32
        %dma_wait3A_721 = tpu.memref_slice %arg8[%run_scoped3A_549, %dma_wait3A_719, %dma_wait3A_720] : memref<10x80x16xf32, #tpu.memory_space<vmem>> -> memref<1x80x16xf32, #tpu.memory_space<vmem>>
        %dma_wait3A_722 = tpu.memref_squeeze %dma_wait3A_721 : memref<1x80x16xf32, #tpu.memory_space<vmem>> -> memref<80x16xf32, #tpu.memory_space<vmem>>
        %dma_wait3A_723 = arith.constant 0 : i32
        %dma_wait3A_724 = tpu.memref_slice %arg7[%add3A_537, %dma_wait3A_723] : memref<125x80xi32, #tpu.memory_space<vmem>> -> memref<1x80xi32, #tpu.memory_space<vmem>>
        %dma_wait3A_725 = tpu.memref_squeeze %dma_wait3A_724 : memref<1x80xi32, #tpu.memory_space<vmem>> -> memref<80xi32, #tpu.memory_space<vmem>>
        %dma_wait3A_726 = arith.constant 0 : i32
        %dma_wait3A_727 = arith.constant 0 : i32
        %dma_wait3A_728 = tpu.memref_slice %arg5[%dma_wait3A_726, %dma_wait3A_727] : memref<10240x16xf32, #tpu.memory_space<vmem_shared>> -> memref<10240x16xf32, #tpu.memory_space<vmem_shared>>
        tpu.wait_indirect_dma semaphore(%run_scoped3A_708 : memref<!tpu.dma_semaphore, #tpu.memory_space<semaphore_mem>>) src(%dma_wait3A_722 : memref<80x16xf32, #tpu.memory_space<vmem>>) dst(%dma_wait3A_728 : memref<10240x16xf32, #tpu.memory_space<vmem_shared>>)
        tpu.yield
      }) : () -> ()
      %add3A_550 = arith.constant 10 : i32
      %add3A_551 = arith.addi %add3A_537, %add3A_550 : i32
      %dma_start3A_552 = arith.constant 4 : i32
      %dma_start3A_553 = arith.constant 0 : i32
      %dma_start3A_554 = arith.constant 0 : i32
      %dma_start3A_555 = tpu.memref_slice %arg8[%dma_start3A_552, %dma_start3A_553, %dma_start3A_554] : memref<10x80x16xf32, #tpu.memory_space<vmem>> -> memref<1x80x16xf32, #tpu.memory_space<vmem>>
      %dma_start3A_556 = tpu.memref_squeeze %dma_start3A_555 : memref<1x80x16xf32, #tpu.memory_space<vmem>> -> memref<80x16xf32, #tpu.memory_space<vmem>>
      %dma_start3A_557 = arith.constant 0 : i32
      %dma_start3A_558 = tpu.memref_slice %arg6[%add3A_551, %dma_start3A_557] : memref<125x80xi32, #tpu.memory_space<vmem>> -> memref<1x80xi32, #tpu.memory_space<vmem>>
      %dma_start3A_559 = tpu.memref_squeeze %dma_start3A_558 : memref<1x80xi32, #tpu.memory_space<vmem>> -> memref<80xi32, #tpu.memory_space<vmem>>
      %dma_start3A_560 = arith.constant 0 : i32
      %dma_start3A_561 = arith.constant 0 : i32
      %dma_start3A_562 = tpu.memref_slice %arg3[%dma_start3A_560, %dma_start3A_561] : memref<10240x16xf32, #tpu.memory_space<hbm>> -> memref<10240x16xf32, #tpu.memory_space<hbm>>
      tpu.enqueue_indirect_dma source(%dma_start3A_562 : memref<10240x16xf32, #tpu.memory_space<hbm>>) target(%dma_start3A_556 : memref<80x16xf32, #tpu.memory_space<vmem>>) offsets(%dma_start3A_559 : memref<80xi32, #tpu.memory_space<vmem>>) semaphore(%arg14 : memref<!tpu.dma_semaphore, #tpu.memory_space<semaphore_mem>>)
      %mul3A_563 = arith.constant 10 : i32
      %mul3A_564 = arith.muli %mul3A_563, %scan3A_417 : i32
      %add3A_565 = arith.constant 5 : i32
      %add3A_566 = arith.addi %mul3A_564, %add3A_565 : i32
      %dma_wait3A_567 = arith.constant 5 : i32
      %dma_wait3A_568 = arith.constant 0 : i32
      %dma_wait3A_569 = arith.constant 0 : i32
      %dma_wait3A_570 = tpu.memref_slice %arg8[%dma_wait3A_567, %dma_wait3A_568, %dma_wait3A_569] : memref<10x80x16xf32, #tpu.memory_space<vmem>> -> memref<1x80x16xf32, #tpu.memory_space<vmem>>
      %dma_wait3A_571 = tpu.memref_squeeze %dma_wait3A_570 : memref<1x80x16xf32, #tpu.memory_space<vmem>> -> memref<80x16xf32, #tpu.memory_space<vmem>>
      %dma_wait3A_572 = arith.constant 0 : i32
      %dma_wait3A_573 = tpu.memref_slice %arg6[%add3A_566, %dma_wait3A_572] : memref<125x80xi32, #tpu.memory_space<vmem>> -> memref<1x80xi32, #tpu.memory_space<vmem>>
      %dma_wait3A_574 = tpu.memref_squeeze %dma_wait3A_573 : memref<1x80xi32, #tpu.memory_space<vmem>> -> memref<80xi32, #tpu.memory_space<vmem>>
      %dma_wait3A_575 = arith.constant 0 : i32
      %dma_wait3A_576 = arith.constant 0 : i32
      %dma_wait3A_577 = tpu.memref_slice %arg3[%dma_wait3A_575, %dma_wait3A_576] : memref<10240x16xf32, #tpu.memory_space<hbm>> -> memref<10240x16xf32, #tpu.memory_space<hbm>>
      tpu.wait_indirect_dma semaphore(%arg15 : memref<!tpu.dma_semaphore, #tpu.memory_space<semaphore_mem>>) src(%dma_wait3A_577 : memref<10240x16xf32, #tpu.memory_space<hbm>>) dst(%dma_wait3A_571 : memref<80x16xf32, #tpu.memory_space<vmem>>)
      %run_scoped3A_578 = arith.constant 5 : i32
      "tpu.region"() ({
        %run_scoped3A_708 = tpu.sem_alloc : memref<!tpu.dma_semaphore, #tpu.memory_space<semaphore_mem>>
        %dma_start3A_709 = arith.constant 0 : i32
        %dma_start3A_710 = arith.constant 0 : i32
        %dma_start3A_711 = tpu.memref_slice %arg8[%run_scoped3A_578, %dma_start3A_709, %dma_start3A_710] : memref<10x80x16xf32, #tpu.memory_space<vmem>> -> memref<1x80x16xf32, #tpu.memory_space<vmem>>
        %dma_start3A_712 = tpu.memref_squeeze %dma_start3A_711 : memref<1x80x16xf32, #tpu.memory_space<vmem>> -> memref<80x16xf32, #tpu.memory_space<vmem>>
        %dma_start3A_713 = arith.constant 0 : i32
        %dma_start3A_714 = tpu.memref_slice %arg7[%add3A_566, %dma_start3A_713] : memref<125x80xi32, #tpu.memory_space<vmem>> -> memref<1x80xi32, #tpu.memory_space<vmem>>
        %dma_start3A_715 = tpu.memref_squeeze %dma_start3A_714 : memref<1x80xi32, #tpu.memory_space<vmem>> -> memref<80xi32, #tpu.memory_space<vmem>>
        %dma_start3A_716 = arith.constant 0 : i32
        %dma_start3A_717 = arith.constant 0 : i32
        %dma_start3A_718 = tpu.memref_slice %arg5[%dma_start3A_716, %dma_start3A_717] : memref<10240x16xf32, #tpu.memory_space<vmem_shared>> -> memref<10240x16xf32, #tpu.memory_space<vmem_shared>>
        tpu.enqueue_indirect_dma source(%dma_start3A_712 : memref<80x16xf32, #tpu.memory_space<vmem>>) target(%dma_start3A_718 : memref<10240x16xf32, #tpu.memory_space<vmem_shared>>) offsets(%dma_start3A_715 : memref<80xi32, #tpu.memory_space<vmem>>) semaphore(%run_scoped3A_708 : memref<!tpu.dma_semaphore, #tpu.memory_space<semaphore_mem>>) {add = true}
        %dma_wait3A_719 = arith.constant 0 : i32
        %dma_wait3A_720 = arith.constant 0 : i32
        %dma_wait3A_721 = tpu.memref_slice %arg8[%run_scoped3A_578, %dma_wait3A_719, %dma_wait3A_720] : memref<10x80x16xf32, #tpu.memory_space<vmem>> -> memref<1x80x16xf32, #tpu.memory_space<vmem>>
        %dma_wait3A_722 = tpu.memref_squeeze %dma_wait3A_721 : memref<1x80x16xf32, #tpu.memory_space<vmem>> -> memref<80x16xf32, #tpu.memory_space<vmem>>
        %dma_wait3A_723 = arith.constant 0 : i32
        %dma_wait3A_724 = tpu.memref_slice %arg7[%add3A_566, %dma_wait3A_723] : memref<125x80xi32, #tpu.memory_space<vmem>> -> memref<1x80xi32, #tpu.memory_space<vmem>>
        %dma_wait3A_725 = tpu.memref_squeeze %dma_wait3A_724 : memref<1x80xi32, #tpu.memory_space<vmem>> -> memref<80xi32, #tpu.memory_space<vmem>>
        %dma_wait3A_726 = arith.constant 0 : i32
        %dma_wait3A_727 = arith.constant 0 : i32
        %dma_wait3A_728 = tpu.memref_slice %arg5[%dma_wait3A_726, %dma_wait3A_727] : memref<10240x16xf32, #tpu.memory_space<vmem_shared>> -> memref<10240x16xf32, #tpu.memory_space<vmem_shared>>
        tpu.wait_indirect_dma semaphore(%run_scoped3A_708 : memref<!tpu.dma_semaphore, #tpu.memory_space<semaphore_mem>>) src(%dma_wait3A_722 : memref<80x16xf32, #tpu.memory_space<vmem>>) dst(%dma_wait3A_728 : memref<10240x16xf32, #tpu.memory_space<vmem_shared>>)
        tpu.yield
      }) : () -> ()
      %add3A_579 = arith.constant 10 : i32
      %add3A_580 = arith.addi %add3A_566, %add3A_579 : i32
      %dma_start3A_581 = arith.constant 5 : i32
      %dma_start3A_582 = arith.constant 0 : i32
      %dma_start3A_583 = arith.constant 0 : i32
      %dma_start3A_584 = tpu.memref_slice %arg8[%dma_start3A_581, %dma_start3A_582, %dma_start3A_583] : memref<10x80x16xf32, #tpu.memory_space<vmem>> -> memref<1x80x16xf32, #tpu.memory_space<vmem>>
      %dma_start3A_585 = tpu.memref_squeeze %dma_start3A_584 : memref<1x80x16xf32, #tpu.memory_space<vmem>> -> memref<80x16xf32, #tpu.memory_space<vmem>>
      %dma_start3A_586 = arith.constant 0 : i32
      %dma_start3A_587 = tpu.memref_slice %arg6[%add3A_580, %dma_start3A_586] : memref<125x80xi32, #tpu.memory_space<vmem>> -> memref<1x80xi32, #tpu.memory_space<vmem>>
      %dma_start3A_588 = tpu.memref_squeeze %dma_start3A_587 : memref<1x80xi32, #tpu.memory_space<vmem>> -> memref<80xi32, #tpu.memory_space<vmem>>
      %dma_start3A_589 = arith.constant 0 : i32
      %dma_start3A_590 = arith.constant 0 : i32
      %dma_start3A_591 = tpu.memref_slice %arg3[%dma_start3A_589, %dma_start3A_590] : memref<10240x16xf32, #tpu.memory_space<hbm>> -> memref<10240x16xf32, #tpu.memory_space<hbm>>
      tpu.enqueue_indirect_dma source(%dma_start3A_591 : memref<10240x16xf32, #tpu.memory_space<hbm>>) target(%dma_start3A_585 : memref<80x16xf32, #tpu.memory_space<vmem>>) offsets(%dma_start3A_588 : memref<80xi32, #tpu.memory_space<vmem>>) semaphore(%arg15 : memref<!tpu.dma_semaphore, #tpu.memory_space<semaphore_mem>>)
      %mul3A_592 = arith.constant 10 : i32
      %mul3A_593 = arith.muli %mul3A_592, %scan3A_417 : i32
      %add3A_594 = arith.constant 6 : i32
      %add3A_595 = arith.addi %mul3A_593, %add3A_594 : i32
      %dma_wait3A_596 = arith.constant 6 : i32
      %dma_wait3A_597 = arith.constant 0 : i32
      %dma_wait3A_598 = arith.constant 0 : i32
      %dma_wait3A_599 = tpu.memref_slice %arg8[%dma_wait3A_596, %dma_wait3A_597, %dma_wait3A_598] : memref<10x80x16xf32, #tpu.memory_space<vmem>> -> memref<1x80x16xf32, #tpu.memory_space<vmem>>
      %dma_wait3A_600 = tpu.memref_squeeze %dma_wait3A_599 : memref<1x80x16xf32, #tpu.memory_space<vmem>> -> memref<80x16xf32, #tpu.memory_space<vmem>>
      %dma_wait3A_601 = arith.constant 0 : i32
      %dma_wait3A_602 = tpu.memref_slice %arg6[%add3A_595, %dma_wait3A_601] : memref<125x80xi32, #tpu.memory_space<vmem>> -> memref<1x80xi32, #tpu.memory_space<vmem>>
      %dma_wait3A_603 = tpu.memref_squeeze %dma_wait3A_602 : memref<1x80xi32, #tpu.memory_space<vmem>> -> memref<80xi32, #tpu.memory_space<vmem>>
      %dma_wait3A_604 = arith.constant 0 : i32
      %dma_wait3A_605 = arith.constant 0 : i32
      %dma_wait3A_606 = tpu.memref_slice %arg3[%dma_wait3A_604, %dma_wait3A_605] : memref<10240x16xf32, #tpu.memory_space<hbm>> -> memref<10240x16xf32, #tpu.memory_space<hbm>>
      tpu.wait_indirect_dma semaphore(%arg16 : memref<!tpu.dma_semaphore, #tpu.memory_space<semaphore_mem>>) src(%dma_wait3A_606 : memref<10240x16xf32, #tpu.memory_space<hbm>>) dst(%dma_wait3A_600 : memref<80x16xf32, #tpu.memory_space<vmem>>)
      %run_scoped3A_607 = arith.constant 6 : i32
      "tpu.region"() ({
        %run_scoped3A_708 = tpu.sem_alloc : memref<!tpu.dma_semaphore, #tpu.memory_space<semaphore_mem>>
        %dma_start3A_709 = arith.constant 0 : i32
        %dma_start3A_710 = arith.constant 0 : i32
        %dma_start3A_711 = tpu.memref_slice %arg8[%run_scoped3A_607, %dma_start3A_709, %dma_start3A_710] : memref<10x80x16xf32, #tpu.memory_space<vmem>> -> memref<1x80x16xf32, #tpu.memory_space<vmem>>
        %dma_start3A_712 = tpu.memref_squeeze %dma_start3A_711 : memref<1x80x16xf32, #tpu.memory_space<vmem>> -> memref<80x16xf32, #tpu.memory_space<vmem>>
        %dma_start3A_713 = arith.constant 0 : i32
        %dma_start3A_714 = tpu.memref_slice %arg7[%add3A_595, %dma_start3A_713] : memref<125x80xi32, #tpu.memory_space<vmem>> -> memref<1x80xi32, #tpu.memory_space<vmem>>
        %dma_start3A_715 = tpu.memref_squeeze %dma_start3A_714 : memref<1x80xi32, #tpu.memory_space<vmem>> -> memref<80xi32, #tpu.memory_space<vmem>>
        %dma_start3A_716 = arith.constant 0 : i32
        %dma_start3A_717 = arith.constant 0 : i32
        %dma_start3A_718 = tpu.memref_slice %arg5[%dma_start3A_716, %dma_start3A_717] : memref<10240x16xf32, #tpu.memory_space<vmem_shared>> -> memref<10240x16xf32, #tpu.memory_space<vmem_shared>>
        tpu.enqueue_indirect_dma source(%dma_start3A_712 : memref<80x16xf32, #tpu.memory_space<vmem>>) target(%dma_start3A_718 : memref<10240x16xf32, #tpu.memory_space<vmem_shared>>) offsets(%dma_start3A_715 : memref<80xi32, #tpu.memory_space<vmem>>) semaphore(%run_scoped3A_708 : memref<!tpu.dma_semaphore, #tpu.memory_space<semaphore_mem>>) {add = true}
        %dma_wait3A_719 = arith.constant 0 : i32
        %dma_wait3A_720 = arith.constant 0 : i32
        %dma_wait3A_721 = tpu.memref_slice %arg8[%run_scoped3A_607, %dma_wait3A_719, %dma_wait3A_720] : memref<10x80x16xf32, #tpu.memory_space<vmem>> -> memref<1x80x16xf32, #tpu.memory_space<vmem>>
        %dma_wait3A_722 = tpu.memref_squeeze %dma_wait3A_721 : memref<1x80x16xf32, #tpu.memory_space<vmem>> -> memref<80x16xf32, #tpu.memory_space<vmem>>
        %dma_wait3A_723 = arith.constant 0 : i32
        %dma_wait3A_724 = tpu.memref_slice %arg7[%add3A_595, %dma_wait3A_723] : memref<125x80xi32, #tpu.memory_space<vmem>> -> memref<1x80xi32, #tpu.memory_space<vmem>>
        %dma_wait3A_725 = tpu.memref_squeeze %dma_wait3A_724 : memref<1x80xi32, #tpu.memory_space<vmem>> -> memref<80xi32, #tpu.memory_space<vmem>>
        %dma_wait3A_726 = arith.constant 0 : i32
        %dma_wait3A_727 = arith.constant 0 : i32
        %dma_wait3A_728 = tpu.memref_slice %arg5[%dma_wait3A_726, %dma_wait3A_727] : memref<10240x16xf32, #tpu.memory_space<vmem_shared>> -> memref<10240x16xf32, #tpu.memory_space<vmem_shared>>
        tpu.wait_indirect_dma semaphore(%run_scoped3A_708 : memref<!tpu.dma_semaphore, #tpu.memory_space<semaphore_mem>>) src(%dma_wait3A_722 : memref<80x16xf32, #tpu.memory_space<vmem>>) dst(%dma_wait3A_728 : memref<10240x16xf32, #tpu.memory_space<vmem_shared>>)
        tpu.yield
      }) : () -> ()
      %add3A_608 = arith.constant 10 : i32
      %add3A_609 = arith.addi %add3A_595, %add3A_608 : i32
      %dma_start3A_610 = arith.constant 6 : i32
      %dma_start3A_611 = arith.constant 0 : i32
      %dma_start3A_612 = arith.constant 0 : i32
      %dma_start3A_613 = tpu.memref_slice %arg8[%dma_start3A_610, %dma_start3A_611, %dma_start3A_612] : memref<10x80x16xf32, #tpu.memory_space<vmem>> -> memref<1x80x16xf32, #tpu.memory_space<vmem>>
      %dma_start3A_614 = tpu.memref_squeeze %dma_start3A_613 : memref<1x80x16xf32, #tpu.memory_space<vmem>> -> memref<80x16xf32, #tpu.memory_space<vmem>>
      %dma_start3A_615 = arith.constant 0 : i32
      %dma_start3A_616 = tpu.memref_slice %arg6[%add3A_609, %dma_start3A_615] : memref<125x80xi32, #tpu.memory_space<vmem>> -> memref<1x80xi32, #tpu.memory_space<vmem>>
      %dma_start3A_617 = tpu.memref_squeeze %dma_start3A_616 : memref<1x80xi32, #tpu.memory_space<vmem>> -> memref<80xi32, #tpu.memory_space<vmem>>
      %dma_start3A_618 = arith.constant 0 : i32
      %dma_start3A_619 = arith.constant 0 : i32
      %dma_start3A_620 = tpu.memref_slice %arg3[%dma_start3A_618, %dma_start3A_619] : memref<10240x16xf32, #tpu.memory_space<hbm>> -> memref<10240x16xf32, #tpu.memory_space<hbm>>
      tpu.enqueue_indirect_dma source(%dma_start3A_620 : memref<10240x16xf32, #tpu.memory_space<hbm>>) target(%dma_start3A_614 : memref<80x16xf32, #tpu.memory_space<vmem>>) offsets(%dma_start3A_617 : memref<80xi32, #tpu.memory_space<vmem>>) semaphore(%arg16 : memref<!tpu.dma_semaphore, #tpu.memory_space<semaphore_mem>>)
      %mul3A_621 = arith.constant 10 : i32
      %mul3A_622 = arith.muli %mul3A_621, %scan3A_417 : i32
      %add3A_623 = arith.constant 7 : i32
      %add3A_624 = arith.addi %mul3A_622, %add3A_623 : i32
      %dma_wait3A_625 = arith.constant 7 : i32
      %dma_wait3A_626 = arith.constant 0 : i32
      %dma_wait3A_627 = arith.constant 0 : i32
      %dma_wait3A_628 = tpu.memref_slice %arg8[%dma_wait3A_625, %dma_wait3A_626, %dma_wait3A_627] : memref<10x80x16xf32, #tpu.memory_space<vmem>> -> memref<1x80x16xf32, #tpu.memory_space<vmem>>
      %dma_wait3A_629 = tpu.memref_squeeze %dma_wait3A_628 : memref<1x80x16xf32, #tpu.memory_space<vmem>> -> memref<80x16xf32, #tpu.memory_space<vmem>>
      %dma_wait3A_630 = arith.constant 0 : i32
      %dma_wait3A_631 = tpu.memref_slice %arg6[%add3A_624, %dma_wait3A_630] : memref<125x80xi32, #tpu.memory_space<vmem>> -> memref<1x80xi32, #tpu.memory_space<vmem>>
      %dma_wait3A_632 = tpu.memref_squeeze %dma_wait3A_631 : memref<1x80xi32, #tpu.memory_space<vmem>> -> memref<80xi32, #tpu.memory_space<vmem>>
      %dma_wait3A_633 = arith.constant 0 : i32
      %dma_wait3A_634 = arith.constant 0 : i32
      %dma_wait3A_635 = tpu.memref_slice %arg3[%dma_wait3A_633, %dma_wait3A_634] : memref<10240x16xf32, #tpu.memory_space<hbm>> -> memref<10240x16xf32, #tpu.memory_space<hbm>>
      tpu.wait_indirect_dma semaphore(%arg17 : memref<!tpu.dma_semaphore, #tpu.memory_space<semaphore_mem>>) src(%dma_wait3A_635 : memref<10240x16xf32, #tpu.memory_space<hbm>>) dst(%dma_wait3A_629 : memref<80x16xf32, #tpu.memory_space<vmem>>)
      %run_scoped3A_636 = arith.constant 7 : i32
      "tpu.region"() ({
        %run_scoped3A_708 = tpu.sem_alloc : memref<!tpu.dma_semaphore, #tpu.memory_space<semaphore_mem>>
        %dma_start3A_709 = arith.constant 0 : i32
        %dma_start3A_710 = arith.constant 0 : i32
        %dma_start3A_711 = tpu.memref_slice %arg8[%run_scoped3A_636, %dma_start3A_709, %dma_start3A_710] : memref<10x80x16xf32, #tpu.memory_space<vmem>> -> memref<1x80x16xf32, #tpu.memory_space<vmem>>
        %dma_start3A_712 = tpu.memref_squeeze %dma_start3A_711 : memref<1x80x16xf32, #tpu.memory_space<vmem>> -> memref<80x16xf32, #tpu.memory_space<vmem>>
        %dma_start3A_713 = arith.constant 0 : i32
        %dma_start3A_714 = tpu.memref_slice %arg7[%add3A_624, %dma_start3A_713] : memref<125x80xi32, #tpu.memory_space<vmem>> -> memref<1x80xi32, #tpu.memory_space<vmem>>
        %dma_start3A_715 = tpu.memref_squeeze %dma_start3A_714 : memref<1x80xi32, #tpu.memory_space<vmem>> -> memref<80xi32, #tpu.memory_space<vmem>>
        %dma_start3A_716 = arith.constant 0 : i32
        %dma_start3A_717 = arith.constant 0 : i32
        %dma_start3A_718 = tpu.memref_slice %arg5[%dma_start3A_716, %dma_start3A_717] : memref<10240x16xf32, #tpu.memory_space<vmem_shared>> -> memref<10240x16xf32, #tpu.memory_space<vmem_shared>>
        tpu.enqueue_indirect_dma source(%dma_start3A_712 : memref<80x16xf32, #tpu.memory_space<vmem>>) target(%dma_start3A_718 : memref<10240x16xf32, #tpu.memory_space<vmem_shared>>) offsets(%dma_start3A_715 : memref<80xi32, #tpu.memory_space<vmem>>) semaphore(%run_scoped3A_708 : memref<!tpu.dma_semaphore, #tpu.memory_space<semaphore_mem>>) {add = true}
        %dma_wait3A_719 = arith.constant 0 : i32
        %dma_wait3A_720 = arith.constant 0 : i32
        %dma_wait3A_721 = tpu.memref_slice %arg8[%run_scoped3A_636, %dma_wait3A_719, %dma_wait3A_720] : memref<10x80x16xf32, #tpu.memory_space<vmem>> -> memref<1x80x16xf32, #tpu.memory_space<vmem>>
        %dma_wait3A_722 = tpu.memref_squeeze %dma_wait3A_721 : memref<1x80x16xf32, #tpu.memory_space<vmem>> -> memref<80x16xf32, #tpu.memory_space<vmem>>
        %dma_wait3A_723 = arith.constant 0 : i32
        %dma_wait3A_724 = tpu.memref_slice %arg7[%add3A_624, %dma_wait3A_723] : memref<125x80xi32, #tpu.memory_space<vmem>> -> memref<1x80xi32, #tpu.memory_space<vmem>>
        %dma_wait3A_725 = tpu.memref_squeeze %dma_wait3A_724 : memref<1x80xi32, #tpu.memory_space<vmem>> -> memref<80xi32, #tpu.memory_space<vmem>>
        %dma_wait3A_726 = arith.constant 0 : i32
        %dma_wait3A_727 = arith.constant 0 : i32
        %dma_wait3A_728 = tpu.memref_slice %arg5[%dma_wait3A_726, %dma_wait3A_727] : memref<10240x16xf32, #tpu.memory_space<vmem_shared>> -> memref<10240x16xf32, #tpu.memory_space<vmem_shared>>
        tpu.wait_indirect_dma semaphore(%run_scoped3A_708 : memref<!tpu.dma_semaphore, #tpu.memory_space<semaphore_mem>>) src(%dma_wait3A_722 : memref<80x16xf32, #tpu.memory_space<vmem>>) dst(%dma_wait3A_728 : memref<10240x16xf32, #tpu.memory_space<vmem_shared>>)
        tpu.yield
      }) : () -> ()
      %add3A_637 = arith.constant 10 : i32
      %add3A_638 = arith.addi %add3A_624, %add3A_637 : i32
      %dma_start3A_639 = arith.constant 7 : i32
      %dma_start3A_640 = arith.constant 0 : i32
      %dma_start3A_641 = arith.constant 0 : i32
      %dma_start3A_642 = tpu.memref_slice %arg8[%dma_start3A_639, %dma_start3A_640, %dma_start3A_641] : memref<10x80x16xf32, #tpu.memory_space<vmem>> -> memref<1x80x16xf32, #tpu.memory_space<vmem>>
      %dma_start3A_643 = tpu.memref_squeeze %dma_start3A_642 : memref<1x80x16xf32, #tpu.memory_space<vmem>> -> memref<80x16xf32, #tpu.memory_space<vmem>>
      %dma_start3A_644 = arith.constant 0 : i32
      %dma_start3A_645 = tpu.memref_slice %arg6[%add3A_638, %dma_start3A_644] : memref<125x80xi32, #tpu.memory_space<vmem>> -> memref<1x80xi32, #tpu.memory_space<vmem>>
      %dma_start3A_646 = tpu.memref_squeeze %dma_start3A_645 : memref<1x80xi32, #tpu.memory_space<vmem>> -> memref<80xi32, #tpu.memory_space<vmem>>
      %dma_start3A_647 = arith.constant 0 : i32
      %dma_start3A_648 = arith.constant 0 : i32
      %dma_start3A_649 = tpu.memref_slice %arg3[%dma_start3A_647, %dma_start3A_648] : memref<10240x16xf32, #tpu.memory_space<hbm>> -> memref<10240x16xf32, #tpu.memory_space<hbm>>
      tpu.enqueue_indirect_dma source(%dma_start3A_649 : memref<10240x16xf32, #tpu.memory_space<hbm>>) target(%dma_start3A_643 : memref<80x16xf32, #tpu.memory_space<vmem>>) offsets(%dma_start3A_646 : memref<80xi32, #tpu.memory_space<vmem>>) semaphore(%arg17 : memref<!tpu.dma_semaphore, #tpu.memory_space<semaphore_mem>>)
      %mul3A_650 = arith.constant 10 : i32
      %mul3A_651 = arith.muli %mul3A_650, %scan3A_417 : i32
      %add3A_652 = arith.constant 8 : i32
      %add3A_653 = arith.addi %mul3A_651, %add3A_652 : i32
      %dma_wait3A_654 = arith.constant 8 : i32
      %dma_wait3A_655 = arith.constant 0 : i32
      %dma_wait3A_656 = arith.constant 0 : i32
      %dma_wait3A_657 = tpu.memref_slice %arg8[%dma_wait3A_654, %dma_wait3A_655, %dma_wait3A_656] : memref<10x80x16xf32, #tpu.memory_space<vmem>> -> memref<1x80x16xf32, #tpu.memory_space<vmem>>
      %dma_wait3A_658 = tpu.memref_squeeze %dma_wait3A_657 : memref<1x80x16xf32, #tpu.memory_space<vmem>> -> memref<80x16xf32, #tpu.memory_space<vmem>>
      %dma_wait3A_659 = arith.constant 0 : i32
      %dma_wait3A_660 = tpu.memref_slice %arg6[%add3A_653, %dma_wait3A_659] : memref<125x80xi32, #tpu.memory_space<vmem>> -> memref<1x80xi32, #tpu.memory_space<vmem>>
      %dma_wait3A_661 = tpu.memref_squeeze %dma_wait3A_660 : memref<1x80xi32, #tpu.memory_space<vmem>> -> memref<80xi32, #tpu.memory_space<vmem>>
      %dma_wait3A_662 = arith.constant 0 : i32
      %dma_wait3A_663 = arith.constant 0 : i32
      %dma_wait3A_664 = tpu.memref_slice %arg3[%dma_wait3A_662, %dma_wait3A_663] : memref<10240x16xf32, #tpu.memory_space<hbm>> -> memref<10240x16xf32, #tpu.memory_space<hbm>>
      tpu.wait_indirect_dma semaphore(%arg18 : memref<!tpu.dma_semaphore, #tpu.memory_space<semaphore_mem>>) src(%dma_wait3A_664 : memref<10240x16xf32, #tpu.memory_space<hbm>>) dst(%dma_wait3A_658 : memref<80x16xf32, #tpu.memory_space<vmem>>)
      %run_scoped3A_665 = arith.constant 8 : i32
      "tpu.region"() ({
        %run_scoped3A_708 = tpu.sem_alloc : memref<!tpu.dma_semaphore, #tpu.memory_space<semaphore_mem>>
        %dma_start3A_709 = arith.constant 0 : i32
        %dma_start3A_710 = arith.constant 0 : i32
        %dma_start3A_711 = tpu.memref_slice %arg8[%run_scoped3A_665, %dma_start3A_709, %dma_start3A_710] : memref<10x80x16xf32, #tpu.memory_space<vmem>> -> memref<1x80x16xf32, #tpu.memory_space<vmem>>
        %dma_start3A_712 = tpu.memref_squeeze %dma_start3A_711 : memref<1x80x16xf32, #tpu.memory_space<vmem>> -> memref<80x16xf32, #tpu.memory_space<vmem>>
        %dma_start3A_713 = arith.constant 0 : i32
        %dma_start3A_714 = tpu.memref_slice %arg7[%add3A_653, %dma_start3A_713] : memref<125x80xi32, #tpu.memory_space<vmem>> -> memref<1x80xi32, #tpu.memory_space<vmem>>
        %dma_start3A_715 = tpu.memref_squeeze %dma_start3A_714 : memref<1x80xi32, #tpu.memory_space<vmem>> -> memref<80xi32, #tpu.memory_space<vmem>>
        %dma_start3A_716 = arith.constant 0 : i32
        %dma_start3A_717 = arith.constant 0 : i32
        %dma_start3A_718 = tpu.memref_slice %arg5[%dma_start3A_716, %dma_start3A_717] : memref<10240x16xf32, #tpu.memory_space<vmem_shared>> -> memref<10240x16xf32, #tpu.memory_space<vmem_shared>>
        tpu.enqueue_indirect_dma source(%dma_start3A_712 : memref<80x16xf32, #tpu.memory_space<vmem>>) target(%dma_start3A_718 : memref<10240x16xf32, #tpu.memory_space<vmem_shared>>) offsets(%dma_start3A_715 : memref<80xi32, #tpu.memory_space<vmem>>) semaphore(%run_scoped3A_708 : memref<!tpu.dma_semaphore, #tpu.memory_space<semaphore_mem>>) {add = true}
        %dma_wait3A_719 = arith.constant 0 : i32
        %dma_wait3A_720 = arith.constant 0 : i32
        %dma_wait3A_721 = tpu.memref_slice %arg8[%run_scoped3A_665, %dma_wait3A_719, %dma_wait3A_720] : memref<10x80x16xf32, #tpu.memory_space<vmem>> -> memref<1x80x16xf32, #tpu.memory_space<vmem>>
        %dma_wait3A_722 = tpu.memref_squeeze %dma_wait3A_721 : memref<1x80x16xf32, #tpu.memory_space<vmem>> -> memref<80x16xf32, #tpu.memory_space<vmem>>
        %dma_wait3A_723 = arith.constant 0 : i32
        %dma_wait3A_724 = tpu.memref_slice %arg7[%add3A_653, %dma_wait3A_723] : memref<125x80xi32, #tpu.memory_space<vmem>> -> memref<1x80xi32, #tpu.memory_space<vmem>>
        %dma_wait3A_725 = tpu.memref_squeeze %dma_wait3A_724 : memref<1x80xi32, #tpu.memory_space<vmem>> -> memref<80xi32, #tpu.memory_space<vmem>>
        %dma_wait3A_726 = arith.constant 0 : i32
        %dma_wait3A_727 = arith.constant 0 : i32
        %dma_wait3A_728 = tpu.memref_slice %arg5[%dma_wait3A_726, %dma_wait3A_727] : memref<10240x16xf32, #tpu.memory_space<vmem_shared>> -> memref<10240x16xf32, #tpu.memory_space<vmem_shared>>
        tpu.wait_indirect_dma semaphore(%run_scoped3A_708 : memref<!tpu.dma_semaphore, #tpu.memory_space<semaphore_mem>>) src(%dma_wait3A_722 : memref<80x16xf32, #tpu.memory_space<vmem>>) dst(%dma_wait3A_728 : memref<10240x16xf32, #tpu.memory_space<vmem_shared>>)
        tpu.yield
      }) : () -> ()
      %add3A_666 = arith.constant 10 : i32
      %add3A_667 = arith.addi %add3A_653, %add3A_666 : i32
      %dma_start3A_668 = arith.constant 8 : i32
      %dma_start3A_669 = arith.constant 0 : i32
      %dma_start3A_670 = arith.constant 0 : i32
      %dma_start3A_671 = tpu.memref_slice %arg8[%dma_start3A_668, %dma_start3A_669, %dma_start3A_670] : memref<10x80x16xf32, #tpu.memory_space<vmem>> -> memref<1x80x16xf32, #tpu.memory_space<vmem>>
      %dma_start3A_672 = tpu.memref_squeeze %dma_start3A_671 : memref<1x80x16xf32, #tpu.memory_space<vmem>> -> memref<80x16xf32, #tpu.memory_space<vmem>>
      %dma_start3A_673 = arith.constant 0 : i32
      %dma_start3A_674 = tpu.memref_slice %arg6[%add3A_667, %dma_start3A_673] : memref<125x80xi32, #tpu.memory_space<vmem>> -> memref<1x80xi32, #tpu.memory_space<vmem>>
      %dma_start3A_675 = tpu.memref_squeeze %dma_start3A_674 : memref<1x80xi32, #tpu.memory_space<vmem>> -> memref<80xi32, #tpu.memory_space<vmem>>
      %dma_start3A_676 = arith.constant 0 : i32
      %dma_start3A_677 = arith.constant 0 : i32
      %dma_start3A_678 = tpu.memref_slice %arg3[%dma_start3A_676, %dma_start3A_677] : memref<10240x16xf32, #tpu.memory_space<hbm>> -> memref<10240x16xf32, #tpu.memory_space<hbm>>
      tpu.enqueue_indirect_dma source(%dma_start3A_678 : memref<10240x16xf32, #tpu.memory_space<hbm>>) target(%dma_start3A_672 : memref<80x16xf32, #tpu.memory_space<vmem>>) offsets(%dma_start3A_675 : memref<80xi32, #tpu.memory_space<vmem>>) semaphore(%arg18 : memref<!tpu.dma_semaphore, #tpu.memory_space<semaphore_mem>>)
      %mul3A_679 = arith.constant 10 : i32
      %mul3A_680 = arith.muli %mul3A_679, %scan3A_417 : i32
      %add3A_681 = arith.constant 9 : i32
      %add3A_682 = arith.addi %mul3A_680, %add3A_681 : i32
      %dma_wait3A_683 = arith.constant 9 : i32
      %dma_wait3A_684 = arith.constant 0 : i32
      %dma_wait3A_685 = arith.constant 0 : i32
      %dma_wait3A_686 = tpu.memref_slice %arg8[%dma_wait3A_683, %dma_wait3A_684, %dma_wait3A_685] : memref<10x80x16xf32, #tpu.memory_space<vmem>> -> memref<1x80x16xf32, #tpu.memory_space<vmem>>
      %dma_wait3A_687 = tpu.memref_squeeze %dma_wait3A_686 : memref<1x80x16xf32, #tpu.memory_space<vmem>> -> memref<80x16xf32, #tpu.memory_space<vmem>>
      %dma_wait3A_688 = arith.constant 0 : i32
      %dma_wait3A_689 = tpu.memref_slice %arg6[%add3A_682, %dma_wait3A_688] : memref<125x80xi32, #tpu.memory_space<vmem>> -> memref<1x80xi32, #tpu.memory_space<vmem>>
      %dma_wait3A_690 = tpu.memref_squeeze %dma_wait3A_689 : memref<1x80xi32, #tpu.memory_space<vmem>> -> memref<80xi32, #tpu.memory_space<vmem>>
      %dma_wait3A_691 = arith.constant 0 : i32
      %dma_wait3A_692 = arith.constant 0 : i32
      %dma_wait3A_693 = tpu.memref_slice %arg3[%dma_wait3A_691, %dma_wait3A_692] : memref<10240x16xf32, #tpu.memory_space<hbm>> -> memref<10240x16xf32, #tpu.memory_space<hbm>>
      tpu.wait_indirect_dma semaphore(%arg19 : memref<!tpu.dma_semaphore, #tpu.memory_space<semaphore_mem>>) src(%dma_wait3A_693 : memref<10240x16xf32, #tpu.memory_space<hbm>>) dst(%dma_wait3A_687 : memref<80x16xf32, #tpu.memory_space<vmem>>)
      %run_scoped3A_694 = arith.constant 9 : i32
      "tpu.region"() ({
        %run_scoped3A_708 = tpu.sem_alloc : memref<!tpu.dma_semaphore, #tpu.memory_space<semaphore_mem>>
        %dma_start3A_709 = arith.constant 0 : i32
        %dma_start3A_710 = arith.constant 0 : i32
        %dma_start3A_711 = tpu.memref_slice %arg8[%run_scoped3A_694, %dma_start3A_709, %dma_start3A_710] : memref<10x80x16xf32, #tpu.memory_space<vmem>> -> memref<1x80x16xf32, #tpu.memory_space<vmem>>
        %dma_start3A_712 = tpu.memref_squeeze %dma_start3A_711 : memref<1x80x16xf32, #tpu.memory_space<vmem>> -> memref<80x16xf32, #tpu.memory_space<vmem>>
        %dma_start3A_713 = arith.constant 0 : i32
        %dma_start3A_714 = tpu.memref_slice %arg7[%add3A_682, %dma_start3A_713] : memref<125x80xi32, #tpu.memory_space<vmem>> -> memref<1x80xi32, #tpu.memory_space<vmem>>
        %dma_start3A_715 = tpu.memref_squeeze %dma_start3A_714 : memref<1x80xi32, #tpu.memory_space<vmem>> -> memref<80xi32, #tpu.memory_space<vmem>>
        %dma_start3A_716 = arith.constant 0 : i32
        %dma_start3A_717 = arith.constant 0 : i32
        %dma_start3A_718 = tpu.memref_slice %arg5[%dma_start3A_716, %dma_start3A_717] : memref<10240x16xf32, #tpu.memory_space<vmem_shared>> -> memref<10240x16xf32, #tpu.memory_space<vmem_shared>>
        tpu.enqueue_indirect_dma source(%dma_start3A_712 : memref<80x16xf32, #tpu.memory_space<vmem>>) target(%dma_start3A_718 : memref<10240x16xf32, #tpu.memory_space<vmem_shared>>) offsets(%dma_start3A_715 : memref<80xi32, #tpu.memory_space<vmem>>) semaphore(%run_scoped3A_708 : memref<!tpu.dma_semaphore, #tpu.memory_space<semaphore_mem>>) {add = true}
        %dma_wait3A_719 = arith.constant 0 : i32
        %dma_wait3A_720 = arith.constant 0 : i32
        %dma_wait3A_721 = tpu.memref_slice %arg8[%run_scoped3A_694, %dma_wait3A_719, %dma_wait3A_720] : memref<10x80x16xf32, #tpu.memory_space<vmem>> -> memref<1x80x16xf32, #tpu.memory_space<vmem>>
        %dma_wait3A_722 = tpu.memref_squeeze %dma_wait3A_721 : memref<1x80x16xf32, #tpu.memory_space<vmem>> -> memref<80x16xf32, #tpu.memory_space<vmem>>
        %dma_wait3A_723 = arith.constant 0 : i32
        %dma_wait3A_724 = tpu.memref_slice %arg7[%add3A_682, %dma_wait3A_723] : memref<125x80xi32, #tpu.memory_space<vmem>> -> memref<1x80xi32, #tpu.memory_space<vmem>>
        %dma_wait3A_725 = tpu.memref_squeeze %dma_wait3A_724 : memref<1x80xi32, #tpu.memory_space<vmem>> -> memref<80xi32, #tpu.memory_space<vmem>>
        %dma_wait3A_726 = arith.constant 0 : i32
        %dma_wait3A_727 = arith.constant 0 : i32
        %dma_wait3A_728 = tpu.memref_slice %arg5[%dma_wait3A_726, %dma_wait3A_727] : memref<10240x16xf32, #tpu.memory_space<vmem_shared>> -> memref<10240x16xf32, #tpu.memory_space<vmem_shared>>
        tpu.wait_indirect_dma semaphore(%run_scoped3A_708 : memref<!tpu.dma_semaphore, #tpu.memory_space<semaphore_mem>>) src(%dma_wait3A_722 : memref<80x16xf32, #tpu.memory_space<vmem>>) dst(%dma_wait3A_728 : memref<10240x16xf32, #tpu.memory_space<vmem_shared>>)
        tpu.yield
      }) : () -> ()
      %add3A_695 = arith.constant 10 : i32
      %add3A_696 = arith.addi %add3A_682, %add3A_695 : i32
      %dma_start3A_697 = arith.constant 9 : i32
      %dma_start3A_698 = arith.constant 0 : i32
      %dma_start3A_699 = arith.constant 0 : i32
      %dma_start3A_700 = tpu.memref_slice %arg8[%dma_start3A_697, %dma_start3A_698, %dma_start3A_699] : memref<10x80x16xf32, #tpu.memory_space<vmem>> -> memref<1x80x16xf32, #tpu.memory_space<vmem>>
      %dma_start3A_701 = tpu.memref_squeeze %dma_start3A_700 : memref<1x80x16xf32, #tpu.memory_space<vmem>> -> memref<80x16xf32, #tpu.memory_space<vmem>>
      %dma_start3A_702 = arith.constant 0 : i32
      %dma_start3A_703 = tpu.memref_slice %arg6[%add3A_696, %dma_start3A_702] : memref<125x80xi32, #tpu.memory_space<vmem>> -> memref<1x80xi32, #tpu.memory_space<vmem>>
      %dma_start3A_704 = tpu.memref_squeeze %dma_start3A_703 : memref<1x80xi32, #tpu.memory_space<vmem>> -> memref<80xi32, #tpu.memory_space<vmem>>
      %dma_start3A_705 = arith.constant 0 : i32
      %dma_start3A_706 = arith.constant 0 : i32
      %dma_start3A_707 = tpu.memref_slice %arg3[%dma_start3A_705, %dma_start3A_706] : memref<10240x16xf32, #tpu.memory_space<hbm>> -> memref<10240x16xf32, #tpu.memory_space<hbm>>
      tpu.enqueue_indirect_dma source(%dma_start3A_707 : memref<10240x16xf32, #tpu.memory_space<hbm>>) target(%dma_start3A_701 : memref<80x16xf32, #tpu.memory_space<vmem>>) offsets(%dma_start3A_704 : memref<80xi32, #tpu.memory_space<vmem>>) semaphore(%arg19 : memref<!tpu.dma_semaphore, #tpu.memory_space<semaphore_mem>>)
    }
    %scan3A_139 = arith.constant 11 : i32
    %dma_wait3A = arith.constant 110 : i32
    %dma_wait3A_140 = arith.constant 0 : i32
    %dma_wait3A_141 = arith.constant 0 : i32
    %dma_wait3A_142 = arith.constant 0 : i32
    %dma_wait3A_143 = tpu.memref_slice %arg8[%dma_wait3A_140, %dma_wait3A_141, %dma_wait3A_142] : memref<10x80x16xf32, #tpu.memory_space<vmem>> -> memref<1x80x16xf32, #tpu.memory_space<vmem>>
    %dma_wait3A_144 = tpu.memref_squeeze %dma_wait3A_143 : memref<1x80x16xf32, #tpu.memory_space<vmem>> -> memref<80x16xf32, #tpu.memory_space<vmem>>
    %dma_wait3A_145 = arith.constant 0 : i32
    %dma_wait3A_146 = tpu.memref_slice %arg6[%dma_wait3A, %dma_wait3A_145] : memref<125x80xi32, #tpu.memory_space<vmem>> -> memref<1x80xi32, #tpu.memory_space<vmem>>
    %dma_wait3A_147 = tpu.memref_squeeze %dma_wait3A_146 : memref<1x80xi32, #tpu.memory_space<vmem>> -> memref<80xi32, #tpu.memory_space<vmem>>
    %dma_wait3A_148 = arith.constant 0 : i32
    %dma_wait3A_149 = arith.constant 0 : i32
    %dma_wait3A_150 = tpu.memref_slice %arg3[%dma_wait3A_148, %dma_wait3A_149] : memref<10240x16xf32, #tpu.memory_space<hbm>> -> memref<10240x16xf32, #tpu.memory_space<hbm>>
    tpu.wait_indirect_dma semaphore(%arg10 : memref<!tpu.dma_semaphore, #tpu.memory_space<semaphore_mem>>) src(%dma_wait3A_150 : memref<10240x16xf32, #tpu.memory_space<hbm>>) dst(%dma_wait3A_144 : memref<80x16xf32, #tpu.memory_space<vmem>>)
    %run_scoped3A_151 = arith.constant 0 : i32
    %run_scoped3A_152 = arith.constant 110 : i32
    "tpu.region"() ({
      %run_scoped3A_417 = tpu.sem_alloc : memref<!tpu.dma_semaphore, #tpu.memory_space<semaphore_mem>>
      %dma_start3A_418 = arith.constant 0 : i32
      %dma_start3A_419 = arith.constant 0 : i32
      %dma_start3A_420 = tpu.memref_slice %arg8[%run_scoped3A_151, %dma_start3A_418, %dma_start3A_419] : memref<10x80x16xf32, #tpu.memory_space<vmem>> -> memref<1x80x16xf32, #tpu.memory_space<vmem>>
      %dma_start3A_421 = tpu.memref_squeeze %dma_start3A_420 : memref<1x80x16xf32, #tpu.memory_space<vmem>> -> memref<80x16xf32, #tpu.memory_space<vmem>>
      %dma_start3A_422 = arith.constant 0 : i32
      %dma_start3A_423 = tpu.memref_slice %arg7[%run_scoped3A_152, %dma_start3A_422] : memref<125x80xi32, #tpu.memory_space<vmem>> -> memref<1x80xi32, #tpu.memory_space<vmem>>
      %dma_start3A_424 = tpu.memref_squeeze %dma_start3A_423 : memref<1x80xi32, #tpu.memory_space<vmem>> -> memref<80xi32, #tpu.memory_space<vmem>>
      %dma_start3A_425 = arith.constant 0 : i32
      %dma_start3A_426 = arith.constant 0 : i32
      %dma_start3A_427 = tpu.memref_slice %arg5[%dma_start3A_425, %dma_start3A_426] : memref<10240x16xf32, #tpu.memory_space<vmem_shared>> -> memref<10240x16xf32, #tpu.memory_space<vmem_shared>>
      tpu.enqueue_indirect_dma source(%dma_start3A_421 : memref<80x16xf32, #tpu.memory_space<vmem>>) target(%dma_start3A_427 : memref<10240x16xf32, #tpu.memory_space<vmem_shared>>) offsets(%dma_start3A_424 : memref<80xi32, #tpu.memory_space<vmem>>) semaphore(%run_scoped3A_417 : memref<!tpu.dma_semaphore, #tpu.memory_space<semaphore_mem>>) {add = true}
      %dma_wait3A_428 = arith.constant 0 : i32
      %dma_wait3A_429 = arith.constant 0 : i32
      %dma_wait3A_430 = tpu.memref_slice %arg8[%run_scoped3A_151, %dma_wait3A_428, %dma_wait3A_429] : memref<10x80x16xf32, #tpu.memory_space<vmem>> -> memref<1x80x16xf32, #tpu.memory_space<vmem>>
      %dma_wait3A_431 = tpu.memref_squeeze %dma_wait3A_430 : memref<1x80x16xf32, #tpu.memory_space<vmem>> -> memref<80x16xf32, #tpu.memory_space<vmem>>
      %dma_wait3A_432 = arith.constant 0 : i32
      %dma_wait3A_433 = tpu.memref_slice %arg7[%run_scoped3A_152, %dma_wait3A_432] : memref<125x80xi32, #tpu.memory_space<vmem>> -> memref<1x80xi32, #tpu.memory_space<vmem>>
      %dma_wait3A_434 = tpu.memref_squeeze %dma_wait3A_433 : memref<1x80xi32, #tpu.memory_space<vmem>> -> memref<80xi32, #tpu.memory_space<vmem>>
      %dma_wait3A_435 = arith.constant 0 : i32
      %dma_wait3A_436 = arith.constant 0 : i32
      %dma_wait3A_437 = tpu.memref_slice %arg5[%dma_wait3A_435, %dma_wait3A_436] : memref<10240x16xf32, #tpu.memory_space<vmem_shared>> -> memref<10240x16xf32, #tpu.memory_space<vmem_shared>>
      tpu.wait_indirect_dma semaphore(%run_scoped3A_417 : memref<!tpu.dma_semaphore, #tpu.memory_space<semaphore_mem>>) src(%dma_wait3A_431 : memref<80x16xf32, #tpu.memory_space<vmem>>) dst(%dma_wait3A_437 : memref<10240x16xf32, #tpu.memory_space<vmem_shared>>)
      tpu.yield
    }) : () -> ()
    %dma_start3A_153 = arith.constant 120 : i32
    %dma_start3A_154 = arith.constant 0 : i32
    %dma_start3A_155 = arith.constant 0 : i32
    %dma_start3A_156 = arith.constant 0 : i32
    %dma_start3A_157 = tpu.memref_slice %arg8[%dma_start3A_154, %dma_start3A_155, %dma_start3A_156] : memref<10x80x16xf32, #tpu.memory_space<vmem>> -> memref<1x80x16xf32, #tpu.memory_space<vmem>>
    %dma_start3A_158 = tpu.memref_squeeze %dma_start3A_157 : memref<1x80x16xf32, #tpu.memory_space<vmem>> -> memref<80x16xf32, #tpu.memory_space<vmem>>
    %dma_start3A_159 = arith.constant 0 : i32
    %dma_start3A_160 = tpu.memref_slice %arg6[%dma_start3A_153, %dma_start3A_159] : memref<125x80xi32, #tpu.memory_space<vmem>> -> memref<1x80xi32, #tpu.memory_space<vmem>>
    %dma_start3A_161 = tpu.memref_squeeze %dma_start3A_160 : memref<1x80xi32, #tpu.memory_space<vmem>> -> memref<80xi32, #tpu.memory_space<vmem>>
    %dma_start3A_162 = arith.constant 0 : i32
    %dma_start3A_163 = arith.constant 0 : i32
    %dma_start3A_164 = tpu.memref_slice %arg3[%dma_start3A_162, %dma_start3A_163] : memref<10240x16xf32, #tpu.memory_space<hbm>> -> memref<10240x16xf32, #tpu.memory_space<hbm>>
    tpu.enqueue_indirect_dma source(%dma_start3A_164 : memref<10240x16xf32, #tpu.memory_space<hbm>>) target(%dma_start3A_158 : memref<80x16xf32, #tpu.memory_space<vmem>>) offsets(%dma_start3A_161 : memref<80xi32, #tpu.memory_space<vmem>>) semaphore(%arg10 : memref<!tpu.dma_semaphore, #tpu.memory_space<semaphore_mem>>)
    %dma_wait3A_165 = arith.constant 111 : i32
    %dma_wait3A_166 = arith.constant 1 : i32
    %dma_wait3A_167 = arith.constant 0 : i32
    %dma_wait3A_168 = arith.constant 0 : i32
    %dma_wait3A_169 = tpu.memref_slice %arg8[%dma_wait3A_166, %dma_wait3A_167, %dma_wait3A_168] : memref<10x80x16xf32, #tpu.memory_space<vmem>> -> memref<1x80x16xf32, #tpu.memory_space<vmem>>
    %dma_wait3A_170 = tpu.memref_squeeze %dma_wait3A_169 : memref<1x80x16xf32, #tpu.memory_space<vmem>> -> memref<80x16xf32, #tpu.memory_space<vmem>>
    %dma_wait3A_171 = arith.constant 0 : i32
    %dma_wait3A_172 = tpu.memref_slice %arg6[%dma_wait3A_165, %dma_wait3A_171] : memref<125x80xi32, #tpu.memory_space<vmem>> -> memref<1x80xi32, #tpu.memory_space<vmem>>
    %dma_wait3A_173 = tpu.memref_squeeze %dma_wait3A_172 : memref<1x80xi32, #tpu.memory_space<vmem>> -> memref<80xi32, #tpu.memory_space<vmem>>
    %dma_wait3A_174 = arith.constant 0 : i32
    %dma_wait3A_175 = arith.constant 0 : i32
    %dma_wait3A_176 = tpu.memref_slice %arg3[%dma_wait3A_174, %dma_wait3A_175] : memref<10240x16xf32, #tpu.memory_space<hbm>> -> memref<10240x16xf32, #tpu.memory_space<hbm>>
    tpu.wait_indirect_dma semaphore(%arg11 : memref<!tpu.dma_semaphore, #tpu.memory_space<semaphore_mem>>) src(%dma_wait3A_176 : memref<10240x16xf32, #tpu.memory_space<hbm>>) dst(%dma_wait3A_170 : memref<80x16xf32, #tpu.memory_space<vmem>>)
    %run_scoped3A_177 = arith.constant 1 : i32
    %run_scoped3A_178 = arith.constant 111 : i32
    "tpu.region"() ({
      %run_scoped3A_417 = tpu.sem_alloc : memref<!tpu.dma_semaphore, #tpu.memory_space<semaphore_mem>>
      %dma_start3A_418 = arith.constant 0 : i32
      %dma_start3A_419 = arith.constant 0 : i32
      %dma_start3A_420 = tpu.memref_slice %arg8[%run_scoped3A_177, %dma_start3A_418, %dma_start3A_419] : memref<10x80x16xf32, #tpu.memory_space<vmem>> -> memref<1x80x16xf32, #tpu.memory_space<vmem>>
      %dma_start3A_421 = tpu.memref_squeeze %dma_start3A_420 : memref<1x80x16xf32, #tpu.memory_space<vmem>> -> memref<80x16xf32, #tpu.memory_space<vmem>>
      %dma_start3A_422 = arith.constant 0 : i32
      %dma_start3A_423 = tpu.memref_slice %arg7[%run_scoped3A_178, %dma_start3A_422] : memref<125x80xi32, #tpu.memory_space<vmem>> -> memref<1x80xi32, #tpu.memory_space<vmem>>
      %dma_start3A_424 = tpu.memref_squeeze %dma_start3A_423 : memref<1x80xi32, #tpu.memory_space<vmem>> -> memref<80xi32, #tpu.memory_space<vmem>>
      %dma_start3A_425 = arith.constant 0 : i32
      %dma_start3A_426 = arith.constant 0 : i32
      %dma_start3A_427 = tpu.memref_slice %arg5[%dma_start3A_425, %dma_start3A_426] : memref<10240x16xf32, #tpu.memory_space<vmem_shared>> -> memref<10240x16xf32, #tpu.memory_space<vmem_shared>>
      tpu.enqueue_indirect_dma source(%dma_start3A_421 : memref<80x16xf32, #tpu.memory_space<vmem>>) target(%dma_start3A_427 : memref<10240x16xf32, #tpu.memory_space<vmem_shared>>) offsets(%dma_start3A_424 : memref<80xi32, #tpu.memory_space<vmem>>) semaphore(%run_scoped3A_417 : memref<!tpu.dma_semaphore, #tpu.memory_space<semaphore_mem>>) {add = true}
      %dma_wait3A_428 = arith.constant 0 : i32
      %dma_wait3A_429 = arith.constant 0 : i32
      %dma_wait3A_430 = tpu.memref_slice %arg8[%run_scoped3A_177, %dma_wait3A_428, %dma_wait3A_429] : memref<10x80x16xf32, #tpu.memory_space<vmem>> -> memref<1x80x16xf32, #tpu.memory_space<vmem>>
      %dma_wait3A_431 = tpu.memref_squeeze %dma_wait3A_430 : memref<1x80x16xf32, #tpu.memory_space<vmem>> -> memref<80x16xf32, #tpu.memory_space<vmem>>
      %dma_wait3A_432 = arith.constant 0 : i32
      %dma_wait3A_433 = tpu.memref_slice %arg7[%run_scoped3A_178, %dma_wait3A_432] : memref<125x80xi32, #tpu.memory_space<vmem>> -> memref<1x80xi32, #tpu.memory_space<vmem>>
      %dma_wait3A_434 = tpu.memref_squeeze %dma_wait3A_433 : memref<1x80xi32, #tpu.memory_space<vmem>> -> memref<80xi32, #tpu.memory_space<vmem>>
      %dma_wait3A_435 = arith.constant 0 : i32
      %dma_wait3A_436 = arith.constant 0 : i32
      %dma_wait3A_437 = tpu.memref_slice %arg5[%dma_wait3A_435, %dma_wait3A_436] : memref<10240x16xf32, #tpu.memory_space<vmem_shared>> -> memref<10240x16xf32, #tpu.memory_space<vmem_shared>>
      tpu.wait_indirect_dma semaphore(%run_scoped3A_417 : memref<!tpu.dma_semaphore, #tpu.memory_space<semaphore_mem>>) src(%dma_wait3A_431 : memref<80x16xf32, #tpu.memory_space<vmem>>) dst(%dma_wait3A_437 : memref<10240x16xf32, #tpu.memory_space<vmem_shared>>)
      tpu.yield
    }) : () -> ()
    %dma_start3A_179 = arith.constant 121 : i32
    %dma_start3A_180 = arith.constant 1 : i32
    %dma_start3A_181 = arith.constant 0 : i32
    %dma_start3A_182 = arith.constant 0 : i32
    %dma_start3A_183 = tpu.memref_slice %arg8[%dma_start3A_180, %dma_start3A_181, %dma_start3A_182] : memref<10x80x16xf32, #tpu.memory_space<vmem>> -> memref<1x80x16xf32, #tpu.memory_space<vmem>>
    %dma_start3A_184 = tpu.memref_squeeze %dma_start3A_183 : memref<1x80x16xf32, #tpu.memory_space<vmem>> -> memref<80x16xf32, #tpu.memory_space<vmem>>
    %dma_start3A_185 = arith.constant 0 : i32
    %dma_start3A_186 = tpu.memref_slice %arg6[%dma_start3A_179, %dma_start3A_185] : memref<125x80xi32, #tpu.memory_space<vmem>> -> memref<1x80xi32, #tpu.memory_space<vmem>>
    %dma_start3A_187 = tpu.memref_squeeze %dma_start3A_186 : memref<1x80xi32, #tpu.memory_space<vmem>> -> memref<80xi32, #tpu.memory_space<vmem>>
    %dma_start3A_188 = arith.constant 0 : i32
    %dma_start3A_189 = arith.constant 0 : i32
    %dma_start3A_190 = tpu.memref_slice %arg3[%dma_start3A_188, %dma_start3A_189] : memref<10240x16xf32, #tpu.memory_space<hbm>> -> memref<10240x16xf32, #tpu.memory_space<hbm>>
    tpu.enqueue_indirect_dma source(%dma_start3A_190 : memref<10240x16xf32, #tpu.memory_space<hbm>>) target(%dma_start3A_184 : memref<80x16xf32, #tpu.memory_space<vmem>>) offsets(%dma_start3A_187 : memref<80xi32, #tpu.memory_space<vmem>>) semaphore(%arg11 : memref<!tpu.dma_semaphore, #tpu.memory_space<semaphore_mem>>)
    %dma_wait3A_191 = arith.constant 112 : i32
    %dma_wait3A_192 = arith.constant 2 : i32
    %dma_wait3A_193 = arith.constant 0 : i32
    %dma_wait3A_194 = arith.constant 0 : i32
    %dma_wait3A_195 = tpu.memref_slice %arg8[%dma_wait3A_192, %dma_wait3A_193, %dma_wait3A_194] : memref<10x80x16xf32, #tpu.memory_space<vmem>> -> memref<1x80x16xf32, #tpu.memory_space<vmem>>
    %dma_wait3A_196 = tpu.memref_squeeze %dma_wait3A_195 : memref<1x80x16xf32, #tpu.memory_space<vmem>> -> memref<80x16xf32, #tpu.memory_space<vmem>>
    %dma_wait3A_197 = arith.constant 0 : i32
    %dma_wait3A_198 = tpu.memref_slice %arg6[%dma_wait3A_191, %dma_wait3A_197] : memref<125x80xi32, #tpu.memory_space<vmem>> -> memref<1x80xi32, #tpu.memory_space<vmem>>
    %dma_wait3A_199 = tpu.memref_squeeze %dma_wait3A_198 : memref<1x80xi32, #tpu.memory_space<vmem>> -> memref<80xi32, #tpu.memory_space<vmem>>
    %dma_wait3A_200 = arith.constant 0 : i32
    %dma_wait3A_201 = arith.constant 0 : i32
    %dma_wait3A_202 = tpu.memref_slice %arg3[%dma_wait3A_200, %dma_wait3A_201] : memref<10240x16xf32, #tpu.memory_space<hbm>> -> memref<10240x16xf32, #tpu.memory_space<hbm>>
    tpu.wait_indirect_dma semaphore(%arg12 : memref<!tpu.dma_semaphore, #tpu.memory_space<semaphore_mem>>) src(%dma_wait3A_202 : memref<10240x16xf32, #tpu.memory_space<hbm>>) dst(%dma_wait3A_196 : memref<80x16xf32, #tpu.memory_space<vmem>>)
    %run_scoped3A_203 = arith.constant 2 : i32
    %run_scoped3A_204 = arith.constant 112 : i32
    "tpu.region"() ({
      %run_scoped3A_417 = tpu.sem_alloc : memref<!tpu.dma_semaphore, #tpu.memory_space<semaphore_mem>>
      %dma_start3A_418 = arith.constant 0 : i32
      %dma_start3A_419 = arith.constant 0 : i32
      %dma_start3A_420 = tpu.memref_slice %arg8[%run_scoped3A_203, %dma_start3A_418, %dma_start3A_419] : memref<10x80x16xf32, #tpu.memory_space<vmem>> -> memref<1x80x16xf32, #tpu.memory_space<vmem>>
      %dma_start3A_421 = tpu.memref_squeeze %dma_start3A_420 : memref<1x80x16xf32, #tpu.memory_space<vmem>> -> memref<80x16xf32, #tpu.memory_space<vmem>>
      %dma_start3A_422 = arith.constant 0 : i32
      %dma_start3A_423 = tpu.memref_slice %arg7[%run_scoped3A_204, %dma_start3A_422] : memref<125x80xi32, #tpu.memory_space<vmem>> -> memref<1x80xi32, #tpu.memory_space<vmem>>
      %dma_start3A_424 = tpu.memref_squeeze %dma_start3A_423 : memref<1x80xi32, #tpu.memory_space<vmem>> -> memref<80xi32, #tpu.memory_space<vmem>>
      %dma_start3A_425 = arith.constant 0 : i32
      %dma_start3A_426 = arith.constant 0 : i32
      %dma_start3A_427 = tpu.memref_slice %arg5[%dma_start3A_425, %dma_start3A_426] : memref<10240x16xf32, #tpu.memory_space<vmem_shared>> -> memref<10240x16xf32, #tpu.memory_space<vmem_shared>>
      tpu.enqueue_indirect_dma source(%dma_start3A_421 : memref<80x16xf32, #tpu.memory_space<vmem>>) target(%dma_start3A_427 : memref<10240x16xf32, #tpu.memory_space<vmem_shared>>) offsets(%dma_start3A_424 : memref<80xi32, #tpu.memory_space<vmem>>) semaphore(%run_scoped3A_417 : memref<!tpu.dma_semaphore, #tpu.memory_space<semaphore_mem>>) {add = true}
      %dma_wait3A_428 = arith.constant 0 : i32
      %dma_wait3A_429 = arith.constant 0 : i32
      %dma_wait3A_430 = tpu.memref_slice %arg8[%run_scoped3A_203, %dma_wait3A_428, %dma_wait3A_429] : memref<10x80x16xf32, #tpu.memory_space<vmem>> -> memref<1x80x16xf32, #tpu.memory_space<vmem>>
      %dma_wait3A_431 = tpu.memref_squeeze %dma_wait3A_430 : memref<1x80x16xf32, #tpu.memory_space<vmem>> -> memref<80x16xf32, #tpu.memory_space<vmem>>
      %dma_wait3A_432 = arith.constant 0 : i32
      %dma_wait3A_433 = tpu.memref_slice %arg7[%run_scoped3A_204, %dma_wait3A_432] : memref<125x80xi32, #tpu.memory_space<vmem>> -> memref<1x80xi32, #tpu.memory_space<vmem>>
      %dma_wait3A_434 = tpu.memref_squeeze %dma_wait3A_433 : memref<1x80xi32, #tpu.memory_space<vmem>> -> memref<80xi32, #tpu.memory_space<vmem>>
      %dma_wait3A_435 = arith.constant 0 : i32
      %dma_wait3A_436 = arith.constant 0 : i32
      %dma_wait3A_437 = tpu.memref_slice %arg5[%dma_wait3A_435, %dma_wait3A_436] : memref<10240x16xf32, #tpu.memory_space<vmem_shared>> -> memref<10240x16xf32, #tpu.memory_space<vmem_shared>>
      tpu.wait_indirect_dma semaphore(%run_scoped3A_417 : memref<!tpu.dma_semaphore, #tpu.memory_space<semaphore_mem>>) src(%dma_wait3A_431 : memref<80x16xf32, #tpu.memory_space<vmem>>) dst(%dma_wait3A_437 : memref<10240x16xf32, #tpu.memory_space<vmem_shared>>)
      tpu.yield
    }) : () -> ()
    %dma_start3A_205 = arith.constant 122 : i32
    %dma_start3A_206 = arith.constant 2 : i32
    %dma_start3A_207 = arith.constant 0 : i32
    %dma_start3A_208 = arith.constant 0 : i32
    %dma_start3A_209 = tpu.memref_slice %arg8[%dma_start3A_206, %dma_start3A_207, %dma_start3A_208] : memref<10x80x16xf32, #tpu.memory_space<vmem>> -> memref<1x80x16xf32, #tpu.memory_space<vmem>>
    %dma_start3A_210 = tpu.memref_squeeze %dma_start3A_209 : memref<1x80x16xf32, #tpu.memory_space<vmem>> -> memref<80x16xf32, #tpu.memory_space<vmem>>
    %dma_start3A_211 = arith.constant 0 : i32
    %dma_start3A_212 = tpu.memref_slice %arg6[%dma_start3A_205, %dma_start3A_211] : memref<125x80xi32, #tpu.memory_space<vmem>> -> memref<1x80xi32, #tpu.memory_space<vmem>>
    %dma_start3A_213 = tpu.memref_squeeze %dma_start3A_212 : memref<1x80xi32, #tpu.memory_space<vmem>> -> memref<80xi32, #tpu.memory_space<vmem>>
    %dma_start3A_214 = arith.constant 0 : i32
    %dma_start3A_215 = arith.constant 0 : i32
    %dma_start3A_216 = tpu.memref_slice %arg3[%dma_start3A_214, %dma_start3A_215] : memref<10240x16xf32, #tpu.memory_space<hbm>> -> memref<10240x16xf32, #tpu.memory_space<hbm>>
    tpu.enqueue_indirect_dma source(%dma_start3A_216 : memref<10240x16xf32, #tpu.memory_space<hbm>>) target(%dma_start3A_210 : memref<80x16xf32, #tpu.memory_space<vmem>>) offsets(%dma_start3A_213 : memref<80xi32, #tpu.memory_space<vmem>>) semaphore(%arg12 : memref<!tpu.dma_semaphore, #tpu.memory_space<semaphore_mem>>)
    %dma_wait3A_217 = arith.constant 113 : i32
    %dma_wait3A_218 = arith.constant 3 : i32
    %dma_wait3A_219 = arith.constant 0 : i32
    %dma_wait3A_220 = arith.constant 0 : i32
    %dma_wait3A_221 = tpu.memref_slice %arg8[%dma_wait3A_218, %dma_wait3A_219, %dma_wait3A_220] : memref<10x80x16xf32, #tpu.memory_space<vmem>> -> memref<1x80x16xf32, #tpu.memory_space<vmem>>
    %dma_wait3A_222 = tpu.memref_squeeze %dma_wait3A_221 : memref<1x80x16xf32, #tpu.memory_space<vmem>> -> memref<80x16xf32, #tpu.memory_space<vmem>>
    %dma_wait3A_223 = arith.constant 0 : i32
    %dma_wait3A_224 = tpu.memref_slice %arg6[%dma_wait3A_217, %dma_wait3A_223] : memref<125x80xi32, #tpu.memory_space<vmem>> -> memref<1x80xi32, #tpu.memory_space<vmem>>
    %dma_wait3A_225 = tpu.memref_squeeze %dma_wait3A_224 : memref<1x80xi32, #tpu.memory_space<vmem>> -> memref<80xi32, #tpu.memory_space<vmem>>
    %dma_wait3A_226 = arith.constant 0 : i32
    %dma_wait3A_227 = arith.constant 0 : i32
    %dma_wait3A_228 = tpu.memref_slice %arg3[%dma_wait3A_226, %dma_wait3A_227] : memref<10240x16xf32, #tpu.memory_space<hbm>> -> memref<10240x16xf32, #tpu.memory_space<hbm>>
    tpu.wait_indirect_dma semaphore(%arg13 : memref<!tpu.dma_semaphore, #tpu.memory_space<semaphore_mem>>) src(%dma_wait3A_228 : memref<10240x16xf32, #tpu.memory_space<hbm>>) dst(%dma_wait3A_222 : memref<80x16xf32, #tpu.memory_space<vmem>>)
    %run_scoped3A_229 = arith.constant 3 : i32
    %run_scoped3A_230 = arith.constant 113 : i32
    "tpu.region"() ({
      %run_scoped3A_417 = tpu.sem_alloc : memref<!tpu.dma_semaphore, #tpu.memory_space<semaphore_mem>>
      %dma_start3A_418 = arith.constant 0 : i32
      %dma_start3A_419 = arith.constant 0 : i32
      %dma_start3A_420 = tpu.memref_slice %arg8[%run_scoped3A_229, %dma_start3A_418, %dma_start3A_419] : memref<10x80x16xf32, #tpu.memory_space<vmem>> -> memref<1x80x16xf32, #tpu.memory_space<vmem>>
      %dma_start3A_421 = tpu.memref_squeeze %dma_start3A_420 : memref<1x80x16xf32, #tpu.memory_space<vmem>> -> memref<80x16xf32, #tpu.memory_space<vmem>>
      %dma_start3A_422 = arith.constant 0 : i32
      %dma_start3A_423 = tpu.memref_slice %arg7[%run_scoped3A_230, %dma_start3A_422] : memref<125x80xi32, #tpu.memory_space<vmem>> -> memref<1x80xi32, #tpu.memory_space<vmem>>
      %dma_start3A_424 = tpu.memref_squeeze %dma_start3A_423 : memref<1x80xi32, #tpu.memory_space<vmem>> -> memref<80xi32, #tpu.memory_space<vmem>>
      %dma_start3A_425 = arith.constant 0 : i32
      %dma_start3A_426 = arith.constant 0 : i32
      %dma_start3A_427 = tpu.memref_slice %arg5[%dma_start3A_425, %dma_start3A_426] : memref<10240x16xf32, #tpu.memory_space<vmem_shared>> -> memref<10240x16xf32, #tpu.memory_space<vmem_shared>>
      tpu.enqueue_indirect_dma source(%dma_start3A_421 : memref<80x16xf32, #tpu.memory_space<vmem>>) target(%dma_start3A_427 : memref<10240x16xf32, #tpu.memory_space<vmem_shared>>) offsets(%dma_start3A_424 : memref<80xi32, #tpu.memory_space<vmem>>) semaphore(%run_scoped3A_417 : memref<!tpu.dma_semaphore, #tpu.memory_space<semaphore_mem>>) {add = true}
      %dma_wait3A_428 = arith.constant 0 : i32
      %dma_wait3A_429 = arith.constant 0 : i32
      %dma_wait3A_430 = tpu.memref_slice %arg8[%run_scoped3A_229, %dma_wait3A_428, %dma_wait3A_429] : memref<10x80x16xf32, #tpu.memory_space<vmem>> -> memref<1x80x16xf32, #tpu.memory_space<vmem>>
      %dma_wait3A_431 = tpu.memref_squeeze %dma_wait3A_430 : memref<1x80x16xf32, #tpu.memory_space<vmem>> -> memref<80x16xf32, #tpu.memory_space<vmem>>
      %dma_wait3A_432 = arith.constant 0 : i32
      %dma_wait3A_433 = tpu.memref_slice %arg7[%run_scoped3A_230, %dma_wait3A_432] : memref<125x80xi32, #tpu.memory_space<vmem>> -> memref<1x80xi32, #tpu.memory_space<vmem>>
      %dma_wait3A_434 = tpu.memref_squeeze %dma_wait3A_433 : memref<1x80xi32, #tpu.memory_space<vmem>> -> memref<80xi32, #tpu.memory_space<vmem>>
      %dma_wait3A_435 = arith.constant 0 : i32
      %dma_wait3A_436 = arith.constant 0 : i32
      %dma_wait3A_437 = tpu.memref_slice %arg5[%dma_wait3A_435, %dma_wait3A_436] : memref<10240x16xf32, #tpu.memory_space<vmem_shared>> -> memref<10240x16xf32, #tpu.memory_space<vmem_shared>>
      tpu.wait_indirect_dma semaphore(%run_scoped3A_417 : memref<!tpu.dma_semaphore, #tpu.memory_space<semaphore_mem>>) src(%dma_wait3A_431 : memref<80x16xf32, #tpu.memory_space<vmem>>) dst(%dma_wait3A_437 : memref<10240x16xf32, #tpu.memory_space<vmem_shared>>)
      tpu.yield
    }) : () -> ()
    %dma_start3A_231 = arith.constant 123 : i32
    %dma_start3A_232 = arith.constant 3 : i32
    %dma_start3A_233 = arith.constant 0 : i32
    %dma_start3A_234 = arith.constant 0 : i32
    %dma_start3A_235 = tpu.memref_slice %arg8[%dma_start3A_232, %dma_start3A_233, %dma_start3A_234] : memref<10x80x16xf32, #tpu.memory_space<vmem>> -> memref<1x80x16xf32, #tpu.memory_space<vmem>>
    %dma_start3A_236 = tpu.memref_squeeze %dma_start3A_235 : memref<1x80x16xf32, #tpu.memory_space<vmem>> -> memref<80x16xf32, #tpu.memory_space<vmem>>
    %dma_start3A_237 = arith.constant 0 : i32
    %dma_start3A_238 = tpu.memref_slice %arg6[%dma_start3A_231, %dma_start3A_237] : memref<125x80xi32, #tpu.memory_space<vmem>> -> memref<1x80xi32, #tpu.memory_space<vmem>>
    %dma_start3A_239 = tpu.memref_squeeze %dma_start3A_238 : memref<1x80xi32, #tpu.memory_space<vmem>> -> memref<80xi32, #tpu.memory_space<vmem>>
    %dma_start3A_240 = arith.constant 0 : i32
    %dma_start3A_241 = arith.constant 0 : i32
    %dma_start3A_242 = tpu.memref_slice %arg3[%dma_start3A_240, %dma_start3A_241] : memref<10240x16xf32, #tpu.memory_space<hbm>> -> memref<10240x16xf32, #tpu.memory_space<hbm>>
    tpu.enqueue_indirect_dma source(%dma_start3A_242 : memref<10240x16xf32, #tpu.memory_space<hbm>>) target(%dma_start3A_236 : memref<80x16xf32, #tpu.memory_space<vmem>>) offsets(%dma_start3A_239 : memref<80xi32, #tpu.memory_space<vmem>>) semaphore(%arg13 : memref<!tpu.dma_semaphore, #tpu.memory_space<semaphore_mem>>)
    %dma_wait3A_243 = arith.constant 114 : i32
    %dma_wait3A_244 = arith.constant 4 : i32
    %dma_wait3A_245 = arith.constant 0 : i32
    %dma_wait3A_246 = arith.constant 0 : i32
    %dma_wait3A_247 = tpu.memref_slice %arg8[%dma_wait3A_244, %dma_wait3A_245, %dma_wait3A_246] : memref<10x80x16xf32, #tpu.memory_space<vmem>> -> memref<1x80x16xf32, #tpu.memory_space<vmem>>
    %dma_wait3A_248 = tpu.memref_squeeze %dma_wait3A_247 : memref<1x80x16xf32, #tpu.memory_space<vmem>> -> memref<80x16xf32, #tpu.memory_space<vmem>>
    %dma_wait3A_249 = arith.constant 0 : i32
    %dma_wait3A_250 = tpu.memref_slice %arg6[%dma_wait3A_243, %dma_wait3A_249] : memref<125x80xi32, #tpu.memory_space<vmem>> -> memref<1x80xi32, #tpu.memory_space<vmem>>
    %dma_wait3A_251 = tpu.memref_squeeze %dma_wait3A_250 : memref<1x80xi32, #tpu.memory_space<vmem>> -> memref<80xi32, #tpu.memory_space<vmem>>
    %dma_wait3A_252 = arith.constant 0 : i32
    %dma_wait3A_253 = arith.constant 0 : i32
    %dma_wait3A_254 = tpu.memref_slice %arg3[%dma_wait3A_252, %dma_wait3A_253] : memref<10240x16xf32, #tpu.memory_space<hbm>> -> memref<10240x16xf32, #tpu.memory_space<hbm>>
    tpu.wait_indirect_dma semaphore(%arg14 : memref<!tpu.dma_semaphore, #tpu.memory_space<semaphore_mem>>) src(%dma_wait3A_254 : memref<10240x16xf32, #tpu.memory_space<hbm>>) dst(%dma_wait3A_248 : memref<80x16xf32, #tpu.memory_space<vmem>>)
    %run_scoped3A_255 = arith.constant 4 : i32
    %run_scoped3A_256 = arith.constant 114 : i32
    "tpu.region"() ({
      %run_scoped3A_417 = tpu.sem_alloc : memref<!tpu.dma_semaphore, #tpu.memory_space<semaphore_mem>>
      %dma_start3A_418 = arith.constant 0 : i32
      %dma_start3A_419 = arith.constant 0 : i32
      %dma_start3A_420 = tpu.memref_slice %arg8[%run_scoped3A_255, %dma_start3A_418, %dma_start3A_419] : memref<10x80x16xf32, #tpu.memory_space<vmem>> -> memref<1x80x16xf32, #tpu.memory_space<vmem>>
      %dma_start3A_421 = tpu.memref_squeeze %dma_start3A_420 : memref<1x80x16xf32, #tpu.memory_space<vmem>> -> memref<80x16xf32, #tpu.memory_space<vmem>>
      %dma_start3A_422 = arith.constant 0 : i32
      %dma_start3A_423 = tpu.memref_slice %arg7[%run_scoped3A_256, %dma_start3A_422] : memref<125x80xi32, #tpu.memory_space<vmem>> -> memref<1x80xi32, #tpu.memory_space<vmem>>
      %dma_start3A_424 = tpu.memref_squeeze %dma_start3A_423 : memref<1x80xi32, #tpu.memory_space<vmem>> -> memref<80xi32, #tpu.memory_space<vmem>>
      %dma_start3A_425 = arith.constant 0 : i32
      %dma_start3A_426 = arith.constant 0 : i32
      %dma_start3A_427 = tpu.memref_slice %arg5[%dma_start3A_425, %dma_start3A_426] : memref<10240x16xf32, #tpu.memory_space<vmem_shared>> -> memref<10240x16xf32, #tpu.memory_space<vmem_shared>>
      tpu.enqueue_indirect_dma source(%dma_start3A_421 : memref<80x16xf32, #tpu.memory_space<vmem>>) target(%dma_start3A_427 : memref<10240x16xf32, #tpu.memory_space<vmem_shared>>) offsets(%dma_start3A_424 : memref<80xi32, #tpu.memory_space<vmem>>) semaphore(%run_scoped3A_417 : memref<!tpu.dma_semaphore, #tpu.memory_space<semaphore_mem>>) {add = true}
      %dma_wait3A_428 = arith.constant 0 : i32
      %dma_wait3A_429 = arith.constant 0 : i32
      %dma_wait3A_430 = tpu.memref_slice %arg8[%run_scoped3A_255, %dma_wait3A_428, %dma_wait3A_429] : memref<10x80x16xf32, #tpu.memory_space<vmem>> -> memref<1x80x16xf32, #tpu.memory_space<vmem>>
      %dma_wait3A_431 = tpu.memref_squeeze %dma_wait3A_430 : memref<1x80x16xf32, #tpu.memory_space<vmem>> -> memref<80x16xf32, #tpu.memory_space<vmem>>
      %dma_wait3A_432 = arith.constant 0 : i32
      %dma_wait3A_433 = tpu.memref_slice %arg7[%run_scoped3A_256, %dma_wait3A_432] : memref<125x80xi32, #tpu.memory_space<vmem>> -> memref<1x80xi32, #tpu.memory_space<vmem>>
      %dma_wait3A_434 = tpu.memref_squeeze %dma_wait3A_433 : memref<1x80xi32, #tpu.memory_space<vmem>> -> memref<80xi32, #tpu.memory_space<vmem>>
      %dma_wait3A_435 = arith.constant 0 : i32
      %dma_wait3A_436 = arith.constant 0 : i32
      %dma_wait3A_437 = tpu.memref_slice %arg5[%dma_wait3A_435, %dma_wait3A_436] : memref<10240x16xf32, #tpu.memory_space<vmem_shared>> -> memref<10240x16xf32, #tpu.memory_space<vmem_shared>>
      tpu.wait_indirect_dma semaphore(%run_scoped3A_417 : memref<!tpu.dma_semaphore, #tpu.memory_space<semaphore_mem>>) src(%dma_wait3A_431 : memref<80x16xf32, #tpu.memory_space<vmem>>) dst(%dma_wait3A_437 : memref<10240x16xf32, #tpu.memory_space<vmem_shared>>)
      tpu.yield
    }) : () -> ()
    %dma_start3A_257 = arith.constant 124 : i32
    %dma_start3A_258 = arith.constant 4 : i32
    %dma_start3A_259 = arith.constant 0 : i32
    %dma_start3A_260 = arith.constant 0 : i32
    %dma_start3A_261 = tpu.memref_slice %arg8[%dma_start3A_258, %dma_start3A_259, %dma_start3A_260] : memref<10x80x16xf32, #tpu.memory_space<vmem>> -> memref<1x80x16xf32, #tpu.memory_space<vmem>>
    %dma_start3A_262 = tpu.memref_squeeze %dma_start3A_261 : memref<1x80x16xf32, #tpu.memory_space<vmem>> -> memref<80x16xf32, #tpu.memory_space<vmem>>
    %dma_start3A_263 = arith.constant 0 : i32
    %dma_start3A_264 = tpu.memref_slice %arg6[%dma_start3A_257, %dma_start3A_263] : memref<125x80xi32, #tpu.memory_space<vmem>> -> memref<1x80xi32, #tpu.memory_space<vmem>>
    %dma_start3A_265 = tpu.memref_squeeze %dma_start3A_264 : memref<1x80xi32, #tpu.memory_space<vmem>> -> memref<80xi32, #tpu.memory_space<vmem>>
    %dma_start3A_266 = arith.constant 0 : i32
    %dma_start3A_267 = arith.constant 0 : i32
    %dma_start3A_268 = tpu.memref_slice %arg3[%dma_start3A_266, %dma_start3A_267] : memref<10240x16xf32, #tpu.memory_space<hbm>> -> memref<10240x16xf32, #tpu.memory_space<hbm>>
    tpu.enqueue_indirect_dma source(%dma_start3A_268 : memref<10240x16xf32, #tpu.memory_space<hbm>>) target(%dma_start3A_262 : memref<80x16xf32, #tpu.memory_space<vmem>>) offsets(%dma_start3A_265 : memref<80xi32, #tpu.memory_space<vmem>>) semaphore(%arg14 : memref<!tpu.dma_semaphore, #tpu.memory_space<semaphore_mem>>)
    %dma_wait3A_269 = arith.constant 115 : i32
    %dma_wait3A_270 = arith.constant 5 : i32
    %dma_wait3A_271 = arith.constant 0 : i32
    %dma_wait3A_272 = arith.constant 0 : i32
    %dma_wait3A_273 = tpu.memref_slice %arg8[%dma_wait3A_270, %dma_wait3A_271, %dma_wait3A_272] : memref<10x80x16xf32, #tpu.memory_space<vmem>> -> memref<1x80x16xf32, #tpu.memory_space<vmem>>
    %dma_wait3A_274 = tpu.memref_squeeze %dma_wait3A_273 : memref<1x80x16xf32, #tpu.memory_space<vmem>> -> memref<80x16xf32, #tpu.memory_space<vmem>>
    %dma_wait3A_275 = arith.constant 0 : i32
    %dma_wait3A_276 = tpu.memref_slice %arg6[%dma_wait3A_269, %dma_wait3A_275] : memref<125x80xi32, #tpu.memory_space<vmem>> -> memref<1x80xi32, #tpu.memory_space<vmem>>
    %dma_wait3A_277 = tpu.memref_squeeze %dma_wait3A_276 : memref<1x80xi32, #tpu.memory_space<vmem>> -> memref<80xi32, #tpu.memory_space<vmem>>
    %dma_wait3A_278 = arith.constant 0 : i32
    %dma_wait3A_279 = arith.constant 0 : i32
    %dma_wait3A_280 = tpu.memref_slice %arg3[%dma_wait3A_278, %dma_wait3A_279] : memref<10240x16xf32, #tpu.memory_space<hbm>> -> memref<10240x16xf32, #tpu.memory_space<hbm>>
    tpu.wait_indirect_dma semaphore(%arg15 : memref<!tpu.dma_semaphore, #tpu.memory_space<semaphore_mem>>) src(%dma_wait3A_280 : memref<10240x16xf32, #tpu.memory_space<hbm>>) dst(%dma_wait3A_274 : memref<80x16xf32, #tpu.memory_space<vmem>>)
    %run_scoped3A_281 = arith.constant 5 : i32
    %run_scoped3A_282 = arith.constant 115 : i32
    "tpu.region"() ({
      %run_scoped3A_417 = tpu.sem_alloc : memref<!tpu.dma_semaphore, #tpu.memory_space<semaphore_mem>>
      %dma_start3A_418 = arith.constant 0 : i32
      %dma_start3A_419 = arith.constant 0 : i32
      %dma_start3A_420 = tpu.memref_slice %arg8[%run_scoped3A_281, %dma_start3A_418, %dma_start3A_419] : memref<10x80x16xf32, #tpu.memory_space<vmem>> -> memref<1x80x16xf32, #tpu.memory_space<vmem>>
      %dma_start3A_421 = tpu.memref_squeeze %dma_start3A_420 : memref<1x80x16xf32, #tpu.memory_space<vmem>> -> memref<80x16xf32, #tpu.memory_space<vmem>>
      %dma_start3A_422 = arith.constant 0 : i32
      %dma_start3A_423 = tpu.memref_slice %arg7[%run_scoped3A_282, %dma_start3A_422] : memref<125x80xi32, #tpu.memory_space<vmem>> -> memref<1x80xi32, #tpu.memory_space<vmem>>
      %dma_start3A_424 = tpu.memref_squeeze %dma_start3A_423 : memref<1x80xi32, #tpu.memory_space<vmem>> -> memref<80xi32, #tpu.memory_space<vmem>>
      %dma_start3A_425 = arith.constant 0 : i32
      %dma_start3A_426 = arith.constant 0 : i32
      %dma_start3A_427 = tpu.memref_slice %arg5[%dma_start3A_425, %dma_start3A_426] : memref<10240x16xf32, #tpu.memory_space<vmem_shared>> -> memref<10240x16xf32, #tpu.memory_space<vmem_shared>>
      tpu.enqueue_indirect_dma source(%dma_start3A_421 : memref<80x16xf32, #tpu.memory_space<vmem>>) target(%dma_start3A_427 : memref<10240x16xf32, #tpu.memory_space<vmem_shared>>) offsets(%dma_start3A_424 : memref<80xi32, #tpu.memory_space<vmem>>) semaphore(%run_scoped3A_417 : memref<!tpu.dma_semaphore, #tpu.memory_space<semaphore_mem>>) {add = true}
      %dma_wait3A_428 = arith.constant 0 : i32
      %dma_wait3A_429 = arith.constant 0 : i32
      %dma_wait3A_430 = tpu.memref_slice %arg8[%run_scoped3A_281, %dma_wait3A_428, %dma_wait3A_429] : memref<10x80x16xf32, #tpu.memory_space<vmem>> -> memref<1x80x16xf32, #tpu.memory_space<vmem>>
      %dma_wait3A_431 = tpu.memref_squeeze %dma_wait3A_430 : memref<1x80x16xf32, #tpu.memory_space<vmem>> -> memref<80x16xf32, #tpu.memory_space<vmem>>
      %dma_wait3A_432 = arith.constant 0 : i32
      %dma_wait3A_433 = tpu.memref_slice %arg7[%run_scoped3A_282, %dma_wait3A_432] : memref<125x80xi32, #tpu.memory_space<vmem>> -> memref<1x80xi32, #tpu.memory_space<vmem>>
      %dma_wait3A_434 = tpu.memref_squeeze %dma_wait3A_433 : memref<1x80xi32, #tpu.memory_space<vmem>> -> memref<80xi32, #tpu.memory_space<vmem>>
      %dma_wait3A_435 = arith.constant 0 : i32
      %dma_wait3A_436 = arith.constant 0 : i32
      %dma_wait3A_437 = tpu.memref_slice %arg5[%dma_wait3A_435, %dma_wait3A_436] : memref<10240x16xf32, #tpu.memory_space<vmem_shared>> -> memref<10240x16xf32, #tpu.memory_space<vmem_shared>>
      tpu.wait_indirect_dma semaphore(%run_scoped3A_417 : memref<!tpu.dma_semaphore, #tpu.memory_space<semaphore_mem>>) src(%dma_wait3A_431 : memref<80x16xf32, #tpu.memory_space<vmem>>) dst(%dma_wait3A_437 : memref<10240x16xf32, #tpu.memory_space<vmem_shared>>)
      tpu.yield
    }) : () -> ()
    %dma_wait3A_283 = arith.constant 116 : i32
    %dma_wait3A_284 = arith.constant 6 : i32
    %dma_wait3A_285 = arith.constant 0 : i32
    %dma_wait3A_286 = arith.constant 0 : i32
    %dma_wait3A_287 = tpu.memref_slice %arg8[%dma_wait3A_284, %dma_wait3A_285, %dma_wait3A_286] : memref<10x80x16xf32, #tpu.memory_space<vmem>> -> memref<1x80x16xf32, #tpu.memory_space<vmem>>
    %dma_wait3A_288 = tpu.memref_squeeze %dma_wait3A_287 : memref<1x80x16xf32, #tpu.memory_space<vmem>> -> memref<80x16xf32, #tpu.memory_space<vmem>>
    %dma_wait3A_289 = arith.constant 0 : i32
    %dma_wait3A_290 = tpu.memref_slice %arg6[%dma_wait3A_283, %dma_wait3A_289] : memref<125x80xi32, #tpu.memory_space<vmem>> -> memref<1x80xi32, #tpu.memory_space<vmem>>
    %dma_wait3A_291 = tpu.memref_squeeze %dma_wait3A_290 : memref<1x80xi32, #tpu.memory_space<vmem>> -> memref<80xi32, #tpu.memory_space<vmem>>
    %dma_wait3A_292 = arith.constant 0 : i32
    %dma_wait3A_293 = arith.constant 0 : i32
    %dma_wait3A_294 = tpu.memref_slice %arg3[%dma_wait3A_292, %dma_wait3A_293] : memref<10240x16xf32, #tpu.memory_space<hbm>> -> memref<10240x16xf32, #tpu.memory_space<hbm>>
    tpu.wait_indirect_dma semaphore(%arg16 : memref<!tpu.dma_semaphore, #tpu.memory_space<semaphore_mem>>) src(%dma_wait3A_294 : memref<10240x16xf32, #tpu.memory_space<hbm>>) dst(%dma_wait3A_288 : memref<80x16xf32, #tpu.memory_space<vmem>>)
    %run_scoped3A_295 = arith.constant 6 : i32
    %run_scoped3A_296 = arith.constant 116 : i32
    "tpu.region"() ({
      %run_scoped3A_417 = tpu.sem_alloc : memref<!tpu.dma_semaphore, #tpu.memory_space<semaphore_mem>>
      %dma_start3A_418 = arith.constant 0 : i32
      %dma_start3A_419 = arith.constant 0 : i32
      %dma_start3A_420 = tpu.memref_slice %arg8[%run_scoped3A_295, %dma_start3A_418, %dma_start3A_419] : memref<10x80x16xf32, #tpu.memory_space<vmem>> -> memref<1x80x16xf32, #tpu.memory_space<vmem>>
      %dma_start3A_421 = tpu.memref_squeeze %dma_start3A_420 : memref<1x80x16xf32, #tpu.memory_space<vmem>> -> memref<80x16xf32, #tpu.memory_space<vmem>>
      %dma_start3A_422 = arith.constant 0 : i32
      %dma_start3A_423 = tpu.memref_slice %arg7[%run_scoped3A_296, %dma_start3A_422] : memref<125x80xi32, #tpu.memory_space<vmem>> -> memref<1x80xi32, #tpu.memory_space<vmem>>
      %dma_start3A_424 = tpu.memref_squeeze %dma_start3A_423 : memref<1x80xi32, #tpu.memory_space<vmem>> -> memref<80xi32, #tpu.memory_space<vmem>>
      %dma_start3A_425 = arith.constant 0 : i32
      %dma_start3A_426 = arith.constant 0 : i32
      %dma_start3A_427 = tpu.memref_slice %arg5[%dma_start3A_425, %dma_start3A_426] : memref<10240x16xf32, #tpu.memory_space<vmem_shared>> -> memref<10240x16xf32, #tpu.memory_space<vmem_shared>>
      tpu.enqueue_indirect_dma source(%dma_start3A_421 : memref<80x16xf32, #tpu.memory_space<vmem>>) target(%dma_start3A_427 : memref<10240x16xf32, #tpu.memory_space<vmem_shared>>) offsets(%dma_start3A_424 : memref<80xi32, #tpu.memory_space<vmem>>) semaphore(%run_scoped3A_417 : memref<!tpu.dma_semaphore, #tpu.memory_space<semaphore_mem>>) {add = true}
      %dma_wait3A_428 = arith.constant 0 : i32
      %dma_wait3A_429 = arith.constant 0 : i32
      %dma_wait3A_430 = tpu.memref_slice %arg8[%run_scoped3A_295, %dma_wait3A_428, %dma_wait3A_429] : memref<10x80x16xf32, #tpu.memory_space<vmem>> -> memref<1x80x16xf32, #tpu.memory_space<vmem>>
      %dma_wait3A_431 = tpu.memref_squeeze %dma_wait3A_430 : memref<1x80x16xf32, #tpu.memory_space<vmem>> -> memref<80x16xf32, #tpu.memory_space<vmem>>
      %dma_wait3A_432 = arith.constant 0 : i32
      %dma_wait3A_433 = tpu.memref_slice %arg7[%run_scoped3A_296, %dma_wait3A_432] : memref<125x80xi32, #tpu.memory_space<vmem>> -> memref<1x80xi32, #tpu.memory_space<vmem>>
      %dma_wait3A_434 = tpu.memref_squeeze %dma_wait3A_433 : memref<1x80xi32, #tpu.memory_space<vmem>> -> memref<80xi32, #tpu.memory_space<vmem>>
      %dma_wait3A_435 = arith.constant 0 : i32
      %dma_wait3A_436 = arith.constant 0 : i32
      %dma_wait3A_437 = tpu.memref_slice %arg5[%dma_wait3A_435, %dma_wait3A_436] : memref<10240x16xf32, #tpu.memory_space<vmem_shared>> -> memref<10240x16xf32, #tpu.memory_space<vmem_shared>>
      tpu.wait_indirect_dma semaphore(%run_scoped3A_417 : memref<!tpu.dma_semaphore, #tpu.memory_space<semaphore_mem>>) src(%dma_wait3A_431 : memref<80x16xf32, #tpu.memory_space<vmem>>) dst(%dma_wait3A_437 : memref<10240x16xf32, #tpu.memory_space<vmem_shared>>)
      tpu.yield
    }) : () -> ()
    %dma_wait3A_297 = arith.constant 117 : i32
    %dma_wait3A_298 = arith.constant 7 : i32
    %dma_wait3A_299 = arith.constant 0 : i32
    %dma_wait3A_300 = arith.constant 0 : i32
    %dma_wait3A_301 = tpu.memref_slice %arg8[%dma_wait3A_298, %dma_wait3A_299, %dma_wait3A_300] : memref<10x80x16xf32, #tpu.memory_space<vmem>> -> memref<1x80x16xf32, #tpu.memory_space<vmem>>
    %dma_wait3A_302 = tpu.memref_squeeze %dma_wait3A_301 : memref<1x80x16xf32, #tpu.memory_space<vmem>> -> memref<80x16xf32, #tpu.memory_space<vmem>>
    %dma_wait3A_303 = arith.constant 0 : i32
    %dma_wait3A_304 = tpu.memref_slice %arg6[%dma_wait3A_297, %dma_wait3A_303] : memref<125x80xi32, #tpu.memory_space<vmem>> -> memref<1x80xi32, #tpu.memory_space<vmem>>
    %dma_wait3A_305 = tpu.memref_squeeze %dma_wait3A_304 : memref<1x80xi32, #tpu.memory_space<vmem>> -> memref<80xi32, #tpu.memory_space<vmem>>
    %dma_wait3A_306 = arith.constant 0 : i32
    %dma_wait3A_307 = arith.constant 0 : i32
    %dma_wait3A_308 = tpu.memref_slice %arg3[%dma_wait3A_306, %dma_wait3A_307] : memref<10240x16xf32, #tpu.memory_space<hbm>> -> memref<10240x16xf32, #tpu.memory_space<hbm>>
    tpu.wait_indirect_dma semaphore(%arg17 : memref<!tpu.dma_semaphore, #tpu.memory_space<semaphore_mem>>) src(%dma_wait3A_308 : memref<10240x16xf32, #tpu.memory_space<hbm>>) dst(%dma_wait3A_302 : memref<80x16xf32, #tpu.memory_space<vmem>>)
    %run_scoped3A_309 = arith.constant 7 : i32
    %run_scoped3A_310 = arith.constant 117 : i32
    "tpu.region"() ({
      %run_scoped3A_417 = tpu.sem_alloc : memref<!tpu.dma_semaphore, #tpu.memory_space<semaphore_mem>>
      %dma_start3A_418 = arith.constant 0 : i32
      %dma_start3A_419 = arith.constant 0 : i32
      %dma_start3A_420 = tpu.memref_slice %arg8[%run_scoped3A_309, %dma_start3A_418, %dma_start3A_419] : memref<10x80x16xf32, #tpu.memory_space<vmem>> -> memref<1x80x16xf32, #tpu.memory_space<vmem>>
      %dma_start3A_421 = tpu.memref_squeeze %dma_start3A_420 : memref<1x80x16xf32, #tpu.memory_space<vmem>> -> memref<80x16xf32, #tpu.memory_space<vmem>>
      %dma_start3A_422 = arith.constant 0 : i32
      %dma_start3A_423 = tpu.memref_slice %arg7[%run_scoped3A_310, %dma_start3A_422] : memref<125x80xi32, #tpu.memory_space<vmem>> -> memref<1x80xi32, #tpu.memory_space<vmem>>
      %dma_start3A_424 = tpu.memref_squeeze %dma_start3A_423 : memref<1x80xi32, #tpu.memory_space<vmem>> -> memref<80xi32, #tpu.memory_space<vmem>>
      %dma_start3A_425 = arith.constant 0 : i32
      %dma_start3A_426 = arith.constant 0 : i32
      %dma_start3A_427 = tpu.memref_slice %arg5[%dma_start3A_425, %dma_start3A_426] : memref<10240x16xf32, #tpu.memory_space<vmem_shared>> -> memref<10240x16xf32, #tpu.memory_space<vmem_shared>>
      tpu.enqueue_indirect_dma source(%dma_start3A_421 : memref<80x16xf32, #tpu.memory_space<vmem>>) target(%dma_start3A_427 : memref<10240x16xf32, #tpu.memory_space<vmem_shared>>) offsets(%dma_start3A_424 : memref<80xi32, #tpu.memory_space<vmem>>) semaphore(%run_scoped3A_417 : memref<!tpu.dma_semaphore, #tpu.memory_space<semaphore_mem>>) {add = true}
      %dma_wait3A_428 = arith.constant 0 : i32
      %dma_wait3A_429 = arith.constant 0 : i32
      %dma_wait3A_430 = tpu.memref_slice %arg8[%run_scoped3A_309, %dma_wait3A_428, %dma_wait3A_429] : memref<10x80x16xf32, #tpu.memory_space<vmem>> -> memref<1x80x16xf32, #tpu.memory_space<vmem>>
      %dma_wait3A_431 = tpu.memref_squeeze %dma_wait3A_430 : memref<1x80x16xf32, #tpu.memory_space<vmem>> -> memref<80x16xf32, #tpu.memory_space<vmem>>
      %dma_wait3A_432 = arith.constant 0 : i32
      %dma_wait3A_433 = tpu.memref_slice %arg7[%run_scoped3A_310, %dma_wait3A_432] : memref<125x80xi32, #tpu.memory_space<vmem>> -> memref<1x80xi32, #tpu.memory_space<vmem>>
      %dma_wait3A_434 = tpu.memref_squeeze %dma_wait3A_433 : memref<1x80xi32, #tpu.memory_space<vmem>> -> memref<80xi32, #tpu.memory_space<vmem>>
      %dma_wait3A_435 = arith.constant 0 : i32
      %dma_wait3A_436 = arith.constant 0 : i32
      %dma_wait3A_437 = tpu.memref_slice %arg5[%dma_wait3A_435, %dma_wait3A_436] : memref<10240x16xf32, #tpu.memory_space<vmem_shared>> -> memref<10240x16xf32, #tpu.memory_space<vmem_shared>>
      tpu.wait_indirect_dma semaphore(%run_scoped3A_417 : memref<!tpu.dma_semaphore, #tpu.memory_space<semaphore_mem>>) src(%dma_wait3A_431 : memref<80x16xf32, #tpu.memory_space<vmem>>) dst(%dma_wait3A_437 : memref<10240x16xf32, #tpu.memory_space<vmem_shared>>)
      tpu.yield
    }) : () -> ()
    %dma_wait3A_311 = arith.constant 118 : i32
    %dma_wait3A_312 = arith.constant 8 : i32
    %dma_wait3A_313 = arith.constant 0 : i32
    %dma_wait3A_314 = arith.constant 0 : i32
    %dma_wait3A_315 = tpu.memref_slice %arg8[%dma_wait3A_312, %dma_wait3A_313, %dma_wait3A_314] : memref<10x80x16xf32, #tpu.memory_space<vmem>> -> memref<1x80x16xf32, #tpu.memory_space<vmem>>
    %dma_wait3A_316 = tpu.memref_squeeze %dma_wait3A_315 : memref<1x80x16xf32, #tpu.memory_space<vmem>> -> memref<80x16xf32, #tpu.memory_space<vmem>>
    %dma_wait3A_317 = arith.constant 0 : i32
    %dma_wait3A_318 = tpu.memref_slice %arg6[%dma_wait3A_311, %dma_wait3A_317] : memref<125x80xi32, #tpu.memory_space<vmem>> -> memref<1x80xi32, #tpu.memory_space<vmem>>
    %dma_wait3A_319 = tpu.memref_squeeze %dma_wait3A_318 : memref<1x80xi32, #tpu.memory_space<vmem>> -> memref<80xi32, #tpu.memory_space<vmem>>
    %dma_wait3A_320 = arith.constant 0 : i32
    %dma_wait3A_321 = arith.constant 0 : i32
    %dma_wait3A_322 = tpu.memref_slice %arg3[%dma_wait3A_320, %dma_wait3A_321] : memref<10240x16xf32, #tpu.memory_space<hbm>> -> memref<10240x16xf32, #tpu.memory_space<hbm>>
    tpu.wait_indirect_dma semaphore(%arg18 : memref<!tpu.dma_semaphore, #tpu.memory_space<semaphore_mem>>) src(%dma_wait3A_322 : memref<10240x16xf32, #tpu.memory_space<hbm>>) dst(%dma_wait3A_316 : memref<80x16xf32, #tpu.memory_space<vmem>>)
    %run_scoped3A_323 = arith.constant 8 : i32
    %run_scoped3A_324 = arith.constant 118 : i32
    "tpu.region"() ({
      %run_scoped3A_417 = tpu.sem_alloc : memref<!tpu.dma_semaphore, #tpu.memory_space<semaphore_mem>>
      %dma_start3A_418 = arith.constant 0 : i32
      %dma_start3A_419 = arith.constant 0 : i32
      %dma_start3A_420 = tpu.memref_slice %arg8[%run_scoped3A_323, %dma_start3A_418, %dma_start3A_419] : memref<10x80x16xf32, #tpu.memory_space<vmem>> -> memref<1x80x16xf32, #tpu.memory_space<vmem>>
      %dma_start3A_421 = tpu.memref_squeeze %dma_start3A_420 : memref<1x80x16xf32, #tpu.memory_space<vmem>> -> memref<80x16xf32, #tpu.memory_space<vmem>>
      %dma_start3A_422 = arith.constant 0 : i32
      %dma_start3A_423 = tpu.memref_slice %arg7[%run_scoped3A_324, %dma_start3A_422] : memref<125x80xi32, #tpu.memory_space<vmem>> -> memref<1x80xi32, #tpu.memory_space<vmem>>
      %dma_start3A_424 = tpu.memref_squeeze %dma_start3A_423 : memref<1x80xi32, #tpu.memory_space<vmem>> -> memref<80xi32, #tpu.memory_space<vmem>>
      %dma_start3A_425 = arith.constant 0 : i32
      %dma_start3A_426 = arith.constant 0 : i32
      %dma_start3A_427 = tpu.memref_slice %arg5[%dma_start3A_425, %dma_start3A_426] : memref<10240x16xf32, #tpu.memory_space<vmem_shared>> -> memref<10240x16xf32, #tpu.memory_space<vmem_shared>>
      tpu.enqueue_indirect_dma source(%dma_start3A_421 : memref<80x16xf32, #tpu.memory_space<vmem>>) target(%dma_start3A_427 : memref<10240x16xf32, #tpu.memory_space<vmem_shared>>) offsets(%dma_start3A_424 : memref<80xi32, #tpu.memory_space<vmem>>) semaphore(%run_scoped3A_417 : memref<!tpu.dma_semaphore, #tpu.memory_space<semaphore_mem>>) {add = true}
      %dma_wait3A_428 = arith.constant 0 : i32
      %dma_wait3A_429 = arith.constant 0 : i32
      %dma_wait3A_430 = tpu.memref_slice %arg8[%run_scoped3A_323, %dma_wait3A_428, %dma_wait3A_429] : memref<10x80x16xf32, #tpu.memory_space<vmem>> -> memref<1x80x16xf32, #tpu.memory_space<vmem>>
      %dma_wait3A_431 = tpu.memref_squeeze %dma_wait3A_430 : memref<1x80x16xf32, #tpu.memory_space<vmem>> -> memref<80x16xf32, #tpu.memory_space<vmem>>
      %dma_wait3A_432 = arith.constant 0 : i32
      %dma_wait3A_433 = tpu.memref_slice %arg7[%run_scoped3A_324, %dma_wait3A_432] : memref<125x80xi32, #tpu.memory_space<vmem>> -> memref<1x80xi32, #tpu.memory_space<vmem>>
      %dma_wait3A_434 = tpu.memref_squeeze %dma_wait3A_433 : memref<1x80xi32, #tpu.memory_space<vmem>> -> memref<80xi32, #tpu.memory_space<vmem>>
      %dma_wait3A_435 = arith.constant 0 : i32
      %dma_wait3A_436 = arith.constant 0 : i32
      %dma_wait3A_437 = tpu.memref_slice %arg5[%dma_wait3A_435, %dma_wait3A_436] : memref<10240x16xf32, #tpu.memory_space<vmem_shared>> -> memref<10240x16xf32, #tpu.memory_space<vmem_shared>>
      tpu.wait_indirect_dma semaphore(%run_scoped3A_417 : memref<!tpu.dma_semaphore, #tpu.memory_space<semaphore_mem>>) src(%dma_wait3A_431 : memref<80x16xf32, #tpu.memory_space<vmem>>) dst(%dma_wait3A_437 : memref<10240x16xf32, #tpu.memory_space<vmem_shared>>)
      tpu.yield
    }) : () -> ()
    %dma_wait3A_325 = arith.constant 119 : i32
    %dma_wait3A_326 = arith.constant 9 : i32
    %dma_wait3A_327 = arith.constant 0 : i32
    %dma_wait3A_328 = arith.constant 0 : i32
    %dma_wait3A_329 = tpu.memref_slice %arg8[%dma_wait3A_326, %dma_wait3A_327, %dma_wait3A_328] : memref<10x80x16xf32, #tpu.memory_space<vmem>> -> memref<1x80x16xf32, #tpu.memory_space<vmem>>
    %dma_wait3A_330 = tpu.memref_squeeze %dma_wait3A_329 : memref<1x80x16xf32, #tpu.memory_space<vmem>> -> memref<80x16xf32, #tpu.memory_space<vmem>>
    %dma_wait3A_331 = arith.constant 0 : i32
    %dma_wait3A_332 = tpu.memref_slice %arg6[%dma_wait3A_325, %dma_wait3A_331] : memref<125x80xi32, #tpu.memory_space<vmem>> -> memref<1x80xi32, #tpu.memory_space<vmem>>
    %dma_wait3A_333 = tpu.memref_squeeze %dma_wait3A_332 : memref<1x80xi32, #tpu.memory_space<vmem>> -> memref<80xi32, #tpu.memory_space<vmem>>
    %dma_wait3A_334 = arith.constant 0 : i32
    %dma_wait3A_335 = arith.constant 0 : i32
    %dma_wait3A_336 = tpu.memref_slice %arg3[%dma_wait3A_334, %dma_wait3A_335] : memref<10240x16xf32, #tpu.memory_space<hbm>> -> memref<10240x16xf32, #tpu.memory_space<hbm>>
    tpu.wait_indirect_dma semaphore(%arg19 : memref<!tpu.dma_semaphore, #tpu.memory_space<semaphore_mem>>) src(%dma_wait3A_336 : memref<10240x16xf32, #tpu.memory_space<hbm>>) dst(%dma_wait3A_330 : memref<80x16xf32, #tpu.memory_space<vmem>>)
    %run_scoped3A_337 = arith.constant 9 : i32
    %run_scoped3A_338 = arith.constant 119 : i32
    "tpu.region"() ({
      %run_scoped3A_417 = tpu.sem_alloc : memref<!tpu.dma_semaphore, #tpu.memory_space<semaphore_mem>>
      %dma_start3A_418 = arith.constant 0 : i32
      %dma_start3A_419 = arith.constant 0 : i32
      %dma_start3A_420 = tpu.memref_slice %arg8[%run_scoped3A_337, %dma_start3A_418, %dma_start3A_419] : memref<10x80x16xf32, #tpu.memory_space<vmem>> -> memref<1x80x16xf32, #tpu.memory_space<vmem>>
      %dma_start3A_421 = tpu.memref_squeeze %dma_start3A_420 : memref<1x80x16xf32, #tpu.memory_space<vmem>> -> memref<80x16xf32, #tpu.memory_space<vmem>>
      %dma_start3A_422 = arith.constant 0 : i32
      %dma_start3A_423 = tpu.memref_slice %arg7[%run_scoped3A_338, %dma_start3A_422] : memref<125x80xi32, #tpu.memory_space<vmem>> -> memref<1x80xi32, #tpu.memory_space<vmem>>
      %dma_start3A_424 = tpu.memref_squeeze %dma_start3A_423 : memref<1x80xi32, #tpu.memory_space<vmem>> -> memref<80xi32, #tpu.memory_space<vmem>>
      %dma_start3A_425 = arith.constant 0 : i32
      %dma_start3A_426 = arith.constant 0 : i32
      %dma_start3A_427 = tpu.memref_slice %arg5[%dma_start3A_425, %dma_start3A_426] : memref<10240x16xf32, #tpu.memory_space<vmem_shared>> -> memref<10240x16xf32, #tpu.memory_space<vmem_shared>>
      tpu.enqueue_indirect_dma source(%dma_start3A_421 : memref<80x16xf32, #tpu.memory_space<vmem>>) target(%dma_start3A_427 : memref<10240x16xf32, #tpu.memory_space<vmem_shared>>) offsets(%dma_start3A_424 : memref<80xi32, #tpu.memory_space<vmem>>) semaphore(%run_scoped3A_417 : memref<!tpu.dma_semaphore, #tpu.memory_space<semaphore_mem>>) {add = true}
      %dma_wait3A_428 = arith.constant 0 : i32
      %dma_wait3A_429 = arith.constant 0 : i32
      %dma_wait3A_430 = tpu.memref_slice %arg8[%run_scoped3A_337, %dma_wait3A_428, %dma_wait3A_429] : memref<10x80x16xf32, #tpu.memory_space<vmem>> -> memref<1x80x16xf32, #tpu.memory_space<vmem>>
      %dma_wait3A_431 = tpu.memref_squeeze %dma_wait3A_430 : memref<1x80x16xf32, #tpu.memory_space<vmem>> -> memref<80x16xf32, #tpu.memory_space<vmem>>
      %dma_wait3A_432 = arith.constant 0 : i32
      %dma_wait3A_433 = tpu.memref_slice %arg7[%run_scoped3A_338, %dma_wait3A_432] : memref<125x80xi32, #tpu.memory_space<vmem>> -> memref<1x80xi32, #tpu.memory_space<vmem>>
      %dma_wait3A_434 = tpu.memref_squeeze %dma_wait3A_433 : memref<1x80xi32, #tpu.memory_space<vmem>> -> memref<80xi32, #tpu.memory_space<vmem>>
      %dma_wait3A_435 = arith.constant 0 : i32
      %dma_wait3A_436 = arith.constant 0 : i32
      %dma_wait3A_437 = tpu.memref_slice %arg5[%dma_wait3A_435, %dma_wait3A_436] : memref<10240x16xf32, #tpu.memory_space<vmem_shared>> -> memref<10240x16xf32, #tpu.memory_space<vmem_shared>>
      tpu.wait_indirect_dma semaphore(%run_scoped3A_417 : memref<!tpu.dma_semaphore, #tpu.memory_space<semaphore_mem>>) src(%dma_wait3A_431 : memref<80x16xf32, #tpu.memory_space<vmem>>) dst(%dma_wait3A_437 : memref<10240x16xf32, #tpu.memory_space<vmem_shared>>)
      tpu.yield
    }) : () -> ()
    %dma_wait3A_339 = arith.constant 120 : i32
    %dma_wait3A_340 = arith.constant 0 : i32
    %dma_wait3A_341 = arith.constant 0 : i32
    %dma_wait3A_342 = arith.constant 0 : i32
    %dma_wait3A_343 = tpu.memref_slice %arg8[%dma_wait3A_340, %dma_wait3A_341, %dma_wait3A_342] : memref<10x80x16xf32, #tpu.memory_space<vmem>> -> memref<1x80x16xf32, #tpu.memory_space<vmem>>
    %dma_wait3A_344 = tpu.memref_squeeze %dma_wait3A_343 : memref<1x80x16xf32, #tpu.memory_space<vmem>> -> memref<80x16xf32, #tpu.memory_space<vmem>>
    %dma_wait3A_345 = arith.constant 0 : i32
    %dma_wait3A_346 = tpu.memref_slice %arg6[%dma_wait3A_339, %dma_wait3A_345] : memref<125x80xi32, #tpu.memory_space<vmem>> -> memref<1x80xi32, #tpu.memory_space<vmem>>
    %dma_wait3A_347 = tpu.memref_squeeze %dma_wait3A_346 : memref<1x80xi32, #tpu.memory_space<vmem>> -> memref<80xi32, #tpu.memory_space<vmem>>
    %dma_wait3A_348 = arith.constant 0 : i32
    %dma_wait3A_349 = arith.constant 0 : i32
    %dma_wait3A_350 = tpu.memref_slice %arg3[%dma_wait3A_348, %dma_wait3A_349] : memref<10240x16xf32, #tpu.memory_space<hbm>> -> memref<10240x16xf32, #tpu.memory_space<hbm>>
    tpu.wait_indirect_dma semaphore(%arg10 : memref<!tpu.dma_semaphore, #tpu.memory_space<semaphore_mem>>) src(%dma_wait3A_350 : memref<10240x16xf32, #tpu.memory_space<hbm>>) dst(%dma_wait3A_344 : memref<80x16xf32, #tpu.memory_space<vmem>>)
    %run_scoped3A_351 = arith.constant 0 : i32
    %run_scoped3A_352 = arith.constant 120 : i32
    "tpu.region"() ({
      %run_scoped3A_417 = tpu.sem_alloc : memref<!tpu.dma_semaphore, #tpu.memory_space<semaphore_mem>>
      %dma_start3A_418 = arith.constant 0 : i32
      %dma_start3A_419 = arith.constant 0 : i32
      %dma_start3A_420 = tpu.memref_slice %arg8[%run_scoped3A_351, %dma_start3A_418, %dma_start3A_419] : memref<10x80x16xf32, #tpu.memory_space<vmem>> -> memref<1x80x16xf32, #tpu.memory_space<vmem>>
      %dma_start3A_421 = tpu.memref_squeeze %dma_start3A_420 : memref<1x80x16xf32, #tpu.memory_space<vmem>> -> memref<80x16xf32, #tpu.memory_space<vmem>>
      %dma_start3A_422 = arith.constant 0 : i32
      %dma_start3A_423 = tpu.memref_slice %arg7[%run_scoped3A_352, %dma_start3A_422] : memref<125x80xi32, #tpu.memory_space<vmem>> -> memref<1x80xi32, #tpu.memory_space<vmem>>
      %dma_start3A_424 = tpu.memref_squeeze %dma_start3A_423 : memref<1x80xi32, #tpu.memory_space<vmem>> -> memref<80xi32, #tpu.memory_space<vmem>>
      %dma_start3A_425 = arith.constant 0 : i32
      %dma_start3A_426 = arith.constant 0 : i32
      %dma_start3A_427 = tpu.memref_slice %arg5[%dma_start3A_425, %dma_start3A_426] : memref<10240x16xf32, #tpu.memory_space<vmem_shared>> -> memref<10240x16xf32, #tpu.memory_space<vmem_shared>>
      tpu.enqueue_indirect_dma source(%dma_start3A_421 : memref<80x16xf32, #tpu.memory_space<vmem>>) target(%dma_start3A_427 : memref<10240x16xf32, #tpu.memory_space<vmem_shared>>) offsets(%dma_start3A_424 : memref<80xi32, #tpu.memory_space<vmem>>) semaphore(%run_scoped3A_417 : memref<!tpu.dma_semaphore, #tpu.memory_space<semaphore_mem>>) {add = true}
      %dma_wait3A_428 = arith.constant 0 : i32
      %dma_wait3A_429 = arith.constant 0 : i32
      %dma_wait3A_430 = tpu.memref_slice %arg8[%run_scoped3A_351, %dma_wait3A_428, %dma_wait3A_429] : memref<10x80x16xf32, #tpu.memory_space<vmem>> -> memref<1x80x16xf32, #tpu.memory_space<vmem>>
      %dma_wait3A_431 = tpu.memref_squeeze %dma_wait3A_430 : memref<1x80x16xf32, #tpu.memory_space<vmem>> -> memref<80x16xf32, #tpu.memory_space<vmem>>
      %dma_wait3A_432 = arith.constant 0 : i32
      %dma_wait3A_433 = tpu.memref_slice %arg7[%run_scoped3A_352, %dma_wait3A_432] : memref<125x80xi32, #tpu.memory_space<vmem>> -> memref<1x80xi32, #tpu.memory_space<vmem>>
      %dma_wait3A_434 = tpu.memref_squeeze %dma_wait3A_433 : memref<1x80xi32, #tpu.memory_space<vmem>> -> memref<80xi32, #tpu.memory_space<vmem>>
      %dma_wait3A_435 = arith.constant 0 : i32
      %dma_wait3A_436 = arith.constant 0 : i32
      %dma_wait3A_437 = tpu.memref_slice %arg5[%dma_wait3A_435, %dma_wait3A_436] : memref<10240x16xf32, #tpu.memory_space<vmem_shared>> -> memref<10240x16xf32, #tpu.memory_space<vmem_shared>>
      tpu.wait_indirect_dma semaphore(%run_scoped3A_417 : memref<!tpu.dma_semaphore, #tpu.memory_space<semaphore_mem>>) src(%dma_wait3A_431 : memref<80x16xf32, #tpu.memory_space<vmem>>) dst(%dma_wait3A_437 : memref<10240x16xf32, #tpu.memory_space<vmem_shared>>)
      tpu.yield
    }) : () -> ()
    %dma_wait3A_353 = arith.constant 121 : i32
    %dma_wait3A_354 = arith.constant 1 : i32
    %dma_wait3A_355 = arith.constant 0 : i32
    %dma_wait3A_356 = arith.constant 0 : i32
    %dma_wait3A_357 = tpu.memref_slice %arg8[%dma_wait3A_354, %dma_wait3A_355, %dma_wait3A_356] : memref<10x80x16xf32, #tpu.memory_space<vmem>> -> memref<1x80x16xf32, #tpu.memory_space<vmem>>
    %dma_wait3A_358 = tpu.memref_squeeze %dma_wait3A_357 : memref<1x80x16xf32, #tpu.memory_space<vmem>> -> memref<80x16xf32, #tpu.memory_space<vmem>>
    %dma_wait3A_359 = arith.constant 0 : i32
    %dma_wait3A_360 = tpu.memref_slice %arg6[%dma_wait3A_353, %dma_wait3A_359] : memref<125x80xi32, #tpu.memory_space<vmem>> -> memref<1x80xi32, #tpu.memory_space<vmem>>
    %dma_wait3A_361 = tpu.memref_squeeze %dma_wait3A_360 : memref<1x80xi32, #tpu.memory_space<vmem>> -> memref<80xi32, #tpu.memory_space<vmem>>
    %dma_wait3A_362 = arith.constant 0 : i32
    %dma_wait3A_363 = arith.constant 0 : i32
    %dma_wait3A_364 = tpu.memref_slice %arg3[%dma_wait3A_362, %dma_wait3A_363] : memref<10240x16xf32, #tpu.memory_space<hbm>> -> memref<10240x16xf32, #tpu.memory_space<hbm>>
    tpu.wait_indirect_dma semaphore(%arg11 : memref<!tpu.dma_semaphore, #tpu.memory_space<semaphore_mem>>) src(%dma_wait3A_364 : memref<10240x16xf32, #tpu.memory_space<hbm>>) dst(%dma_wait3A_358 : memref<80x16xf32, #tpu.memory_space<vmem>>)
    %run_scoped3A_365 = arith.constant 1 : i32
    %run_scoped3A_366 = arith.constant 121 : i32
    "tpu.region"() ({
      %run_scoped3A_417 = tpu.sem_alloc : memref<!tpu.dma_semaphore, #tpu.memory_space<semaphore_mem>>
      %dma_start3A_418 = arith.constant 0 : i32
      %dma_start3A_419 = arith.constant 0 : i32
      %dma_start3A_420 = tpu.memref_slice %arg8[%run_scoped3A_365, %dma_start3A_418, %dma_start3A_419] : memref<10x80x16xf32, #tpu.memory_space<vmem>> -> memref<1x80x16xf32, #tpu.memory_space<vmem>>
      %dma_start3A_421 = tpu.memref_squeeze %dma_start3A_420 : memref<1x80x16xf32, #tpu.memory_space<vmem>> -> memref<80x16xf32, #tpu.memory_space<vmem>>
      %dma_start3A_422 = arith.constant 0 : i32
      %dma_start3A_423 = tpu.memref_slice %arg7[%run_scoped3A_366, %dma_start3A_422] : memref<125x80xi32, #tpu.memory_space<vmem>> -> memref<1x80xi32, #tpu.memory_space<vmem>>
      %dma_start3A_424 = tpu.memref_squeeze %dma_start3A_423 : memref<1x80xi32, #tpu.memory_space<vmem>> -> memref<80xi32, #tpu.memory_space<vmem>>
      %dma_start3A_425 = arith.constant 0 : i32
      %dma_start3A_426 = arith.constant 0 : i32
      %dma_start3A_427 = tpu.memref_slice %arg5[%dma_start3A_425, %dma_start3A_426] : memref<10240x16xf32, #tpu.memory_space<vmem_shared>> -> memref<10240x16xf32, #tpu.memory_space<vmem_shared>>
      tpu.enqueue_indirect_dma source(%dma_start3A_421 : memref<80x16xf32, #tpu.memory_space<vmem>>) target(%dma_start3A_427 : memref<10240x16xf32, #tpu.memory_space<vmem_shared>>) offsets(%dma_start3A_424 : memref<80xi32, #tpu.memory_space<vmem>>) semaphore(%run_scoped3A_417 : memref<!tpu.dma_semaphore, #tpu.memory_space<semaphore_mem>>) {add = true}
      %dma_wait3A_428 = arith.constant 0 : i32
      %dma_wait3A_429 = arith.constant 0 : i32
      %dma_wait3A_430 = tpu.memref_slice %arg8[%run_scoped3A_365, %dma_wait3A_428, %dma_wait3A_429] : memref<10x80x16xf32, #tpu.memory_space<vmem>> -> memref<1x80x16xf32, #tpu.memory_space<vmem>>
      %dma_wait3A_431 = tpu.memref_squeeze %dma_wait3A_430 : memref<1x80x16xf32, #tpu.memory_space<vmem>> -> memref<80x16xf32, #tpu.memory_space<vmem>>
      %dma_wait3A_432 = arith.constant 0 : i32
      %dma_wait3A_433 = tpu.memref_slice %arg7[%run_scoped3A_366, %dma_wait3A_432] : memref<125x80xi32, #tpu.memory_space<vmem>> -> memref<1x80xi32, #tpu.memory_space<vmem>>
      %dma_wait3A_434 = tpu.memref_squeeze %dma_wait3A_433 : memref<1x80xi32, #tpu.memory_space<vmem>> -> memref<80xi32, #tpu.memory_space<vmem>>
      %dma_wait3A_435 = arith.constant 0 : i32
      %dma_wait3A_436 = arith.constant 0 : i32
      %dma_wait3A_437 = tpu.memref_slice %arg5[%dma_wait3A_435, %dma_wait3A_436] : memref<10240x16xf32, #tpu.memory_space<vmem_shared>> -> memref<10240x16xf32, #tpu.memory_space<vmem_shared>>
      tpu.wait_indirect_dma semaphore(%run_scoped3A_417 : memref<!tpu.dma_semaphore, #tpu.memory_space<semaphore_mem>>) src(%dma_wait3A_431 : memref<80x16xf32, #tpu.memory_space<vmem>>) dst(%dma_wait3A_437 : memref<10240x16xf32, #tpu.memory_space<vmem_shared>>)
      tpu.yield
    }) : () -> ()
    %dma_wait3A_367 = arith.constant 122 : i32
    %dma_wait3A_368 = arith.constant 2 : i32
    %dma_wait3A_369 = arith.constant 0 : i32
    %dma_wait3A_370 = arith.constant 0 : i32
    %dma_wait3A_371 = tpu.memref_slice %arg8[%dma_wait3A_368, %dma_wait3A_369, %dma_wait3A_370] : memref<10x80x16xf32, #tpu.memory_space<vmem>> -> memref<1x80x16xf32, #tpu.memory_space<vmem>>
    %dma_wait3A_372 = tpu.memref_squeeze %dma_wait3A_371 : memref<1x80x16xf32, #tpu.memory_space<vmem>> -> memref<80x16xf32, #tpu.memory_space<vmem>>
    %dma_wait3A_373 = arith.constant 0 : i32
    %dma_wait3A_374 = tpu.memref_slice %arg6[%dma_wait3A_367, %dma_wait3A_373] : memref<125x80xi32, #tpu.memory_space<vmem>> -> memref<1x80xi32, #tpu.memory_space<vmem>>
    %dma_wait3A_375 = tpu.memref_squeeze %dma_wait3A_374 : memref<1x80xi32, #tpu.memory_space<vmem>> -> memref<80xi32, #tpu.memory_space<vmem>>
    %dma_wait3A_376 = arith.constant 0 : i32
    %dma_wait3A_377 = arith.constant 0 : i32
    %dma_wait3A_378 = tpu.memref_slice %arg3[%dma_wait3A_376, %dma_wait3A_377] : memref<10240x16xf32, #tpu.memory_space<hbm>> -> memref<10240x16xf32, #tpu.memory_space<hbm>>
    tpu.wait_indirect_dma semaphore(%arg12 : memref<!tpu.dma_semaphore, #tpu.memory_space<semaphore_mem>>) src(%dma_wait3A_378 : memref<10240x16xf32, #tpu.memory_space<hbm>>) dst(%dma_wait3A_372 : memref<80x16xf32, #tpu.memory_space<vmem>>)
    %run_scoped3A_379 = arith.constant 2 : i32
    %run_scoped3A_380 = arith.constant 122 : i32
    "tpu.region"() ({
      %run_scoped3A_417 = tpu.sem_alloc : memref<!tpu.dma_semaphore, #tpu.memory_space<semaphore_mem>>
      %dma_start3A_418 = arith.constant 0 : i32
      %dma_start3A_419 = arith.constant 0 : i32
      %dma_start3A_420 = tpu.memref_slice %arg8[%run_scoped3A_379, %dma_start3A_418, %dma_start3A_419] : memref<10x80x16xf32, #tpu.memory_space<vmem>> -> memref<1x80x16xf32, #tpu.memory_space<vmem>>
      %dma_start3A_421 = tpu.memref_squeeze %dma_start3A_420 : memref<1x80x16xf32, #tpu.memory_space<vmem>> -> memref<80x16xf32, #tpu.memory_space<vmem>>
      %dma_start3A_422 = arith.constant 0 : i32
      %dma_start3A_423 = tpu.memref_slice %arg7[%run_scoped3A_380, %dma_start3A_422] : memref<125x80xi32, #tpu.memory_space<vmem>> -> memref<1x80xi32, #tpu.memory_space<vmem>>
      %dma_start3A_424 = tpu.memref_squeeze %dma_start3A_423 : memref<1x80xi32, #tpu.memory_space<vmem>> -> memref<80xi32, #tpu.memory_space<vmem>>
      %dma_start3A_425 = arith.constant 0 : i32
      %dma_start3A_426 = arith.constant 0 : i32
      %dma_start3A_427 = tpu.memref_slice %arg5[%dma_start3A_425, %dma_start3A_426] : memref<10240x16xf32, #tpu.memory_space<vmem_shared>> -> memref<10240x16xf32, #tpu.memory_space<vmem_shared>>
      tpu.enqueue_indirect_dma source(%dma_start3A_421 : memref<80x16xf32, #tpu.memory_space<vmem>>) target(%dma_start3A_427 : memref<10240x16xf32, #tpu.memory_space<vmem_shared>>) offsets(%dma_start3A_424 : memref<80xi32, #tpu.memory_space<vmem>>) semaphore(%run_scoped3A_417 : memref<!tpu.dma_semaphore, #tpu.memory_space<semaphore_mem>>) {add = true}
      %dma_wait3A_428 = arith.constant 0 : i32
      %dma_wait3A_429 = arith.constant 0 : i32
      %dma_wait3A_430 = tpu.memref_slice %arg8[%run_scoped3A_379, %dma_wait3A_428, %dma_wait3A_429] : memref<10x80x16xf32, #tpu.memory_space<vmem>> -> memref<1x80x16xf32, #tpu.memory_space<vmem>>
      %dma_wait3A_431 = tpu.memref_squeeze %dma_wait3A_430 : memref<1x80x16xf32, #tpu.memory_space<vmem>> -> memref<80x16xf32, #tpu.memory_space<vmem>>
      %dma_wait3A_432 = arith.constant 0 : i32
      %dma_wait3A_433 = tpu.memref_slice %arg7[%run_scoped3A_380, %dma_wait3A_432] : memref<125x80xi32, #tpu.memory_space<vmem>> -> memref<1x80xi32, #tpu.memory_space<vmem>>
      %dma_wait3A_434 = tpu.memref_squeeze %dma_wait3A_433 : memref<1x80xi32, #tpu.memory_space<vmem>> -> memref<80xi32, #tpu.memory_space<vmem>>
      %dma_wait3A_435 = arith.constant 0 : i32
      %dma_wait3A_436 = arith.constant 0 : i32
      %dma_wait3A_437 = tpu.memref_slice %arg5[%dma_wait3A_435, %dma_wait3A_436] : memref<10240x16xf32, #tpu.memory_space<vmem_shared>> -> memref<10240x16xf32, #tpu.memory_space<vmem_shared>>
      tpu.wait_indirect_dma semaphore(%run_scoped3A_417 : memref<!tpu.dma_semaphore, #tpu.memory_space<semaphore_mem>>) src(%dma_wait3A_431 : memref<80x16xf32, #tpu.memory_space<vmem>>) dst(%dma_wait3A_437 : memref<10240x16xf32, #tpu.memory_space<vmem_shared>>)
      tpu.yield
    }) : () -> ()
    %dma_wait3A_381 = arith.constant 123 : i32
    %dma_wait3A_382 = arith.constant 3 : i32
    %dma_wait3A_383 = arith.constant 0 : i32
    %dma_wait3A_384 = arith.constant 0 : i32
    %dma_wait3A_385 = tpu.memref_slice %arg8[%dma_wait3A_382, %dma_wait3A_383, %dma_wait3A_384] : memref<10x80x16xf32, #tpu.memory_space<vmem>> -> memref<1x80x16xf32, #tpu.memory_space<vmem>>
    %dma_wait3A_386 = tpu.memref_squeeze %dma_wait3A_385 : memref<1x80x16xf32, #tpu.memory_space<vmem>> -> memref<80x16xf32, #tpu.memory_space<vmem>>
    %dma_wait3A_387 = arith.constant 0 : i32
    %dma_wait3A_388 = tpu.memref_slice %arg6[%dma_wait3A_381, %dma_wait3A_387] : memref<125x80xi32, #tpu.memory_space<vmem>> -> memref<1x80xi32, #tpu.memory_space<vmem>>
    %dma_wait3A_389 = tpu.memref_squeeze %dma_wait3A_388 : memref<1x80xi32, #tpu.memory_space<vmem>> -> memref<80xi32, #tpu.memory_space<vmem>>
    %dma_wait3A_390 = arith.constant 0 : i32
    %dma_wait3A_391 = arith.constant 0 : i32
    %dma_wait3A_392 = tpu.memref_slice %arg3[%dma_wait3A_390, %dma_wait3A_391] : memref<10240x16xf32, #tpu.memory_space<hbm>> -> memref<10240x16xf32, #tpu.memory_space<hbm>>
    tpu.wait_indirect_dma semaphore(%arg13 : memref<!tpu.dma_semaphore, #tpu.memory_space<semaphore_mem>>) src(%dma_wait3A_392 : memref<10240x16xf32, #tpu.memory_space<hbm>>) dst(%dma_wait3A_386 : memref<80x16xf32, #tpu.memory_space<vmem>>)
    %run_scoped3A_393 = arith.constant 3 : i32
    %run_scoped3A_394 = arith.constant 123 : i32
    "tpu.region"() ({
      %run_scoped3A_417 = tpu.sem_alloc : memref<!tpu.dma_semaphore, #tpu.memory_space<semaphore_mem>>
      %dma_start3A_418 = arith.constant 0 : i32
      %dma_start3A_419 = arith.constant 0 : i32
      %dma_start3A_420 = tpu.memref_slice %arg8[%run_scoped3A_393, %dma_start3A_418, %dma_start3A_419] : memref<10x80x16xf32, #tpu.memory_space<vmem>> -> memref<1x80x16xf32, #tpu.memory_space<vmem>>
      %dma_start3A_421 = tpu.memref_squeeze %dma_start3A_420 : memref<1x80x16xf32, #tpu.memory_space<vmem>> -> memref<80x16xf32, #tpu.memory_space<vmem>>
      %dma_start3A_422 = arith.constant 0 : i32
      %dma_start3A_423 = tpu.memref_slice %arg7[%run_scoped3A_394, %dma_start3A_422] : memref<125x80xi32, #tpu.memory_space<vmem>> -> memref<1x80xi32, #tpu.memory_space<vmem>>
      %dma_start3A_424 = tpu.memref_squeeze %dma_start3A_423 : memref<1x80xi32, #tpu.memory_space<vmem>> -> memref<80xi32, #tpu.memory_space<vmem>>
      %dma_start3A_425 = arith.constant 0 : i32
      %dma_start3A_426 = arith.constant 0 : i32
      %dma_start3A_427 = tpu.memref_slice %arg5[%dma_start3A_425, %dma_start3A_426] : memref<10240x16xf32, #tpu.memory_space<vmem_shared>> -> memref<10240x16xf32, #tpu.memory_space<vmem_shared>>
      tpu.enqueue_indirect_dma source(%dma_start3A_421 : memref<80x16xf32, #tpu.memory_space<vmem>>) target(%dma_start3A_427 : memref<10240x16xf32, #tpu.memory_space<vmem_shared>>) offsets(%dma_start3A_424 : memref<80xi32, #tpu.memory_space<vmem>>) semaphore(%run_scoped3A_417 : memref<!tpu.dma_semaphore, #tpu.memory_space<semaphore_mem>>) {add = true}
      %dma_wait3A_428 = arith.constant 0 : i32
      %dma_wait3A_429 = arith.constant 0 : i32
      %dma_wait3A_430 = tpu.memref_slice %arg8[%run_scoped3A_393, %dma_wait3A_428, %dma_wait3A_429] : memref<10x80x16xf32, #tpu.memory_space<vmem>> -> memref<1x80x16xf32, #tpu.memory_space<vmem>>
      %dma_wait3A_431 = tpu.memref_squeeze %dma_wait3A_430 : memref<1x80x16xf32, #tpu.memory_space<vmem>> -> memref<80x16xf32, #tpu.memory_space<vmem>>
      %dma_wait3A_432 = arith.constant 0 : i32
      %dma_wait3A_433 = tpu.memref_slice %arg7[%run_scoped3A_394, %dma_wait3A_432] : memref<125x80xi32, #tpu.memory_space<vmem>> -> memref<1x80xi32, #tpu.memory_space<vmem>>
      %dma_wait3A_434 = tpu.memref_squeeze %dma_wait3A_433 : memref<1x80xi32, #tpu.memory_space<vmem>> -> memref<80xi32, #tpu.memory_space<vmem>>
      %dma_wait3A_435 = arith.constant 0 : i32
      %dma_wait3A_436 = arith.constant 0 : i32
      %dma_wait3A_437 = tpu.memref_slice %arg5[%dma_wait3A_435, %dma_wait3A_436] : memref<10240x16xf32, #tpu.memory_space<vmem_shared>> -> memref<10240x16xf32, #tpu.memory_space<vmem_shared>>
      tpu.wait_indirect_dma semaphore(%run_scoped3A_417 : memref<!tpu.dma_semaphore, #tpu.memory_space<semaphore_mem>>) src(%dma_wait3A_431 : memref<80x16xf32, #tpu.memory_space<vmem>>) dst(%dma_wait3A_437 : memref<10240x16xf32, #tpu.memory_space<vmem_shared>>)
      tpu.yield
    }) : () -> ()
    %dma_wait3A_395 = arith.constant 124 : i32
    %dma_wait3A_396 = arith.constant 4 : i32
    %dma_wait3A_397 = arith.constant 0 : i32
    %dma_wait3A_398 = arith.constant 0 : i32
    %dma_wait3A_399 = tpu.memref_slice %arg8[%dma_wait3A_396, %dma_wait3A_397, %dma_wait3A_398] : memref<10x80x16xf32, #tpu.memory_space<vmem>> -> memref<1x80x16xf32, #tpu.memory_space<vmem>>
    %dma_wait3A_400 = tpu.memref_squeeze %dma_wait3A_399 : memref<1x80x16xf32, #tpu.memory_space<vmem>> -> memref<80x16xf32, #tpu.memory_space<vmem>>
    %dma_wait3A_401 = arith.constant 0 : i32
    %dma_wait3A_402 = tpu.memref_slice %arg6[%dma_wait3A_395, %dma_wait3A_401] : memref<125x80xi32, #tpu.memory_space<vmem>> -> memref<1x80xi32, #tpu.memory_space<vmem>>
    %dma_wait3A_403 = tpu.memref_squeeze %dma_wait3A_402 : memref<1x80xi32, #tpu.memory_space<vmem>> -> memref<80xi32, #tpu.memory_space<vmem>>
    %dma_wait3A_404 = arith.constant 0 : i32
    %dma_wait3A_405 = arith.constant 0 : i32
    %dma_wait3A_406 = tpu.memref_slice %arg3[%dma_wait3A_404, %dma_wait3A_405] : memref<10240x16xf32, #tpu.memory_space<hbm>> -> memref<10240x16xf32, #tpu.memory_space<hbm>>
    tpu.wait_indirect_dma semaphore(%arg14 : memref<!tpu.dma_semaphore, #tpu.memory_space<semaphore_mem>>) src(%dma_wait3A_406 : memref<10240x16xf32, #tpu.memory_space<hbm>>) dst(%dma_wait3A_400 : memref<80x16xf32, #tpu.memory_space<vmem>>)
    %run_scoped3A_407 = arith.constant 4 : i32
    %run_scoped3A_408 = arith.constant 124 : i32
    "tpu.region"() ({
      %run_scoped3A_417 = tpu.sem_alloc : memref<!tpu.dma_semaphore, #tpu.memory_space<semaphore_mem>>
      %dma_start3A_418 = arith.constant 0 : i32
      %dma_start3A_419 = arith.constant 0 : i32
      %dma_start3A_420 = tpu.memref_slice %arg8[%run_scoped3A_407, %dma_start3A_418, %dma_start3A_419] : memref<10x80x16xf32, #tpu.memory_space<vmem>> -> memref<1x80x16xf32, #tpu.memory_space<vmem>>
      %dma_start3A_421 = tpu.memref_squeeze %dma_start3A_420 : memref<1x80x16xf32, #tpu.memory_space<vmem>> -> memref<80x16xf32, #tpu.memory_space<vmem>>
      %dma_start3A_422 = arith.constant 0 : i32
      %dma_start3A_423 = tpu.memref_slice %arg7[%run_scoped3A_408, %dma_start3A_422] : memref<125x80xi32, #tpu.memory_space<vmem>> -> memref<1x80xi32, #tpu.memory_space<vmem>>
      %dma_start3A_424 = tpu.memref_squeeze %dma_start3A_423 : memref<1x80xi32, #tpu.memory_space<vmem>> -> memref<80xi32, #tpu.memory_space<vmem>>
      %dma_start3A_425 = arith.constant 0 : i32
      %dma_start3A_426 = arith.constant 0 : i32
      %dma_start3A_427 = tpu.memref_slice %arg5[%dma_start3A_425, %dma_start3A_426] : memref<10240x16xf32, #tpu.memory_space<vmem_shared>> -> memref<10240x16xf32, #tpu.memory_space<vmem_shared>>
      tpu.enqueue_indirect_dma source(%dma_start3A_421 : memref<80x16xf32, #tpu.memory_space<vmem>>) target(%dma_start3A_427 : memref<10240x16xf32, #tpu.memory_space<vmem_shared>>) offsets(%dma_start3A_424 : memref<80xi32, #tpu.memory_space<vmem>>) semaphore(%run_scoped3A_417 : memref<!tpu.dma_semaphore, #tpu.memory_space<semaphore_mem>>) {add = true}
      %dma_wait3A_428 = arith.constant 0 : i32
      %dma_wait3A_429 = arith.constant 0 : i32
      %dma_wait3A_430 = tpu.memref_slice %arg8[%run_scoped3A_407, %dma_wait3A_428, %dma_wait3A_429] : memref<10x80x16xf32, #tpu.memory_space<vmem>> -> memref<1x80x16xf32, #tpu.memory_space<vmem>>
      %dma_wait3A_431 = tpu.memref_squeeze %dma_wait3A_430 : memref<1x80x16xf32, #tpu.memory_space<vmem>> -> memref<80x16xf32, #tpu.memory_space<vmem>>
      %dma_wait3A_432 = arith.constant 0 : i32
      %dma_wait3A_433 = tpu.memref_slice %arg7[%run_scoped3A_408, %dma_wait3A_432] : memref<125x80xi32, #tpu.memory_space<vmem>> -> memref<1x80xi32, #tpu.memory_space<vmem>>
      %dma_wait3A_434 = tpu.memref_squeeze %dma_wait3A_433 : memref<1x80xi32, #tpu.memory_space<vmem>> -> memref<80xi32, #tpu.memory_space<vmem>>
      %dma_wait3A_435 = arith.constant 0 : i32
      %dma_wait3A_436 = arith.constant 0 : i32
      %dma_wait3A_437 = tpu.memref_slice %arg5[%dma_wait3A_435, %dma_wait3A_436] : memref<10240x16xf32, #tpu.memory_space<vmem_shared>> -> memref<10240x16xf32, #tpu.memory_space<vmem_shared>>
      tpu.wait_indirect_dma semaphore(%run_scoped3A_417 : memref<!tpu.dma_semaphore, #tpu.memory_space<semaphore_mem>>) src(%dma_wait3A_431 : memref<80x16xf32, #tpu.memory_space<vmem>>) dst(%dma_wait3A_437 : memref<10240x16xf32, #tpu.memory_space<vmem_shared>>)
      tpu.yield
    }) : () -> ()
    %barrier3A_409 = arith.constant 0 : index
    tpu.barrier barrier_id(%barrier3A_409)
    %mul3A_410 = arith.constant 640 : i32
    %mul3A_411 = arith.muli %arg1, %mul3A_410 : i32
    %mul3A_412 = arith.constant 10240 : i32
    %mul3A_413 = arith.muli %arg0, %mul3A_412 : i32
    %mul3A_414 = arith.constant 640 : i32
    %mul3A_415 = arith.muli %arg1, %mul3A_414 : i32
    %add3A_416 = arith.addi %mul3A_413, %mul3A_415 : i32
    "tpu.region"() ({
      %run_scoped3A_417 = tpu.sem_alloc : memref<!tpu.dma_semaphore, #tpu.memory_space<semaphore_mem>>
      %dma_start3A_418 = arith.constant 0 : i32
      %dma_start3A_419 = tpu.memref_slice %arg4[%add3A_416, %dma_start3A_418] : memref<20480x16xf32, #tpu.memory_space<hbm>> -> memref<640x16xf32, #tpu.memory_space<hbm>>
      %dma_start3A_420 = arith.constant 0 : i32
      %dma_start3A_421 = tpu.memref_slice %arg5[%mul3A_411, %dma_start3A_420] : memref<10240x16xf32, #tpu.memory_space<vmem_shared>> -> memref<640x16xf32, #tpu.memory_space<vmem_shared>>
      tpu.enqueue_dma source(%dma_start3A_421 : memref<640x16xf32, #tpu.memory_space<vmem_shared>>) target(%dma_start3A_419 : memref<640x16xf32, #tpu.memory_space<hbm>>) target_semaphore(%run_scoped3A_417 : memref<!tpu.dma_semaphore, #tpu.memory_space<semaphore_mem>>)
      %dma_wait3A_422 = arith.constant 0 : i32
      %dma_wait3A_423 = tpu.memref_slice %arg4[%add3A_416, %dma_wait3A_422] : memref<20480x16xf32, #tpu.memory_space<hbm>> -> memref<640x16xf32, #tpu.memory_space<hbm>>
      %dma_wait3A_424 = arith.constant 0 : i32
      %dma_wait3A_425 = tpu.memref_slice %arg5[%mul3A_411, %dma_wait3A_424] : memref<10240x16xf32, #tpu.memory_space<vmem_shared>> -> memref<640x16xf32, #tpu.memory_space<vmem_shared>>
      tpu.wait_dma2 semaphore(%run_scoped3A_417 : memref<!tpu.dma_semaphore, #tpu.memory_space<semaphore_mem>>) src(%dma_wait3A_425 : memref<640x16xf32, #tpu.memory_space<vmem_shared>>) dst(%dma_wait3A_423 : memref<640x16xf32, #tpu.memory_space<hbm>>)
      tpu.yield
    }) : () -> ()
    return
  }
}

module attributes {stable_mosaic.version = 14 : i64} {
  func.func @body(%arg0: i32, %arg1: memref<1280x16xf32, #tpu.memory_space<vmem>>, %arg2: memref<16x128xf32, #tpu.memory_space<vmem>>, %arg3: memref<1x128xf32, #tpu.memory_space<vmem>>, %arg4: memref<1280x128xf32, #tpu.memory_space<vmem>>) attributes {dimension_semantics = [#tpu.dimension_semantics<arbitrary>], iteration_bounds = array<i64: 8>, scalar_prefetch = 0 : i64, scratch_operands = 0 : i64, tpu.core_type = #tpu.core_type<tc>, window_params = [{transform_indices = @transform_0, window_bounds = array<i64: 1280, 16>}, {pipeline_mode = #tpu.pipeline_mode<synchronous>, transform_indices = @transform_1, window_bounds = array<i64: 16, 128>}, {pipeline_mode = #tpu.pipeline_mode<synchronous>, transform_indices = @transform_2, window_bounds = array<i64: 1, 128>}, {transform_indices = @transform_3, window_bounds = array<i64: 1280, 128>}]} {
    %get3A = arith.constant 0 : index
    %get3A_0 = arith.constant 0 : index
    %get3A_1 = vector.load %arg1[%get3A, %get3A_0] : memref<1280x16xf32, #tpu.memory_space<vmem>>, vector<1280x16xf32>
    %get3A_2 = arith.constant 0 : index
    %get3A_3 = arith.constant 0 : index
    %get3A_4 = vector.load %arg2[%get3A_2, %get3A_3] : memref<16x128xf32, #tpu.memory_space<vmem>>, vector<16x128xf32>
    %dot_general3A = arith.constant dense<0.000000e+00> : vector<1280x128xf32>
    %dot_general3A_5 = tpu.matmul %get3A_1, %get3A_4, %dot_general3A {dimension_numbers = #tpu.dot_dimension_numbers<[1], [0], [0], [1], [0, 0, 1, 1], [], []>, transpose_lhs_hint = false} : vector<1280x16xf32>, vector<16x128xf32>, vector<1280x128xf32> -> vector<1280x128xf32>
    %get3A_6 = arith.constant 0 : index
    %get3A_7 = arith.constant 0 : index
    %get3A_8 = vector.load %arg3[%get3A_6, %get3A_7] : memref<1x128xf32, #tpu.memory_space<vmem>>, vector<1x128xf32>
    %add3A = vector.broadcast %get3A_8 : vector<1x128xf32> to vector<1280x128xf32>
    %add3A_9 = arith.addf %dot_general3A_5, %add3A : vector<1280x128xf32>
    %max3A = arith.constant 0.000000e+00 : f32
    %max3A_10 = vector.broadcast %max3A : f32 to vector<1280x128xf32>
    %max3A_11 = arith.maximumf %add3A_9, %max3A_10 : vector<1280x128xf32>
    %swap3A = arith.constant 0 : index
    %swap3A_12 = arith.constant 0 : index
    %swap3A_13 = vector.load %arg4[%swap3A, %swap3A_12] : memref<1280x128xf32, #tpu.memory_space<vmem>>, vector<1280x128xf32>
    tpu.vector_store %arg4[%swap3A, %swap3A_12], %max3A_11 {strides = array<i32>} : memref<1280x128xf32, #tpu.memory_space<vmem>>, vector<1280x128xf32>,
    return
  }
  func.func @transform_0(%arg0: i32) -> (i32, i32) {
    %c0_i32 = arith.constant 0 : i32
    %c0_i32_0 = arith.constant 0 : i32
    return %arg0, %c0_i32 : i32, i32
  }
  func.func @transform_1(%arg0: i32) -> (i32, i32) {
    %c0_i32 = arith.constant 0 : i32
    %c0_i32_0 = arith.constant 0 : i32
    %c0_i32_1 = arith.constant 0 : i32
    return %c0_i32, %c0_i32_0 : i32, i32
  }
  func.func @transform_2(%arg0: i32) -> (i32, i32) {
    %c0_i32 = arith.constant 0 : i32
    %c0_i32_0 = arith.constant 0 : i32
    %c0_i32_1 = arith.constant 0 : i32
    return %c0_i32, %c0_i32_0 : i32, i32
  }
  func.func @transform_3(%arg0: i32) -> (i32, i32) {
    %c0_i32 = arith.constant 0 : i32
    %c0_i32_0 = arith.constant 0 : i32
    return %arg0, %c0_i32 : i32, i32
  }
}

module attributes {stable_mosaic.version = 14 : i64} {
  func.func @body(%arg0: i32, %arg1: memref<2000x128xf32, #tpu.memory_space<vmem>>, %arg2: memref<128x128xf32, #tpu.memory_space<vmem>>, %arg3: memref<1x128xf32, #tpu.memory_space<vmem>>, %arg4: memref<1x128xf32, #tpu.memory_space<vmem>>, %arg5: memref<1x1xf32, #tpu.memory_space<vmem>>, %arg6: memref<2000x1xf32, #tpu.memory_space<vmem>>) attributes {dimension_semantics = [#tpu.dimension_semantics<arbitrary>], iteration_bounds = array<i64: 5>, scalar_prefetch = 0 : i64, scratch_operands = 0 : i64, tpu.core_type = #tpu.core_type<tc>, window_params = [{transform_indices = @transform_0, window_bounds = array<i64: 2000, 128>}, {pipeline_mode = #tpu.pipeline_mode<synchronous>, transform_indices = @transform_1, window_bounds = array<i64: 128, 128>}, {pipeline_mode = #tpu.pipeline_mode<synchronous>, transform_indices = @transform_2, window_bounds = array<i64: 1, 128>}, {pipeline_mode = #tpu.pipeline_mode<synchronous>, transform_indices = @transform_3, window_bounds = array<i64: 1, 128>}, {pipeline_mode = #tpu.pipeline_mode<synchronous>, transform_indices = @transform_4, window_bounds = array<i64: 1, 1>}, {transform_indices = @transform_5, window_bounds = array<i64: 2000, 1>}]} {
    %get3A = arith.constant 0 : index
    %get3A_0 = arith.constant 0 : index
    %get3A_1 = vector.load %arg1[%get3A, %get3A_0] : memref<2000x128xf32, #tpu.memory_space<vmem>>, vector<2000x128xf32>
    %get3A_2 = arith.constant 0 : index
    %get3A_3 = arith.constant 0 : index
    %get3A_4 = vector.load %arg2[%get3A_2, %get3A_3] : memref<128x128xf32, #tpu.memory_space<vmem>>, vector<128x128xf32>
    %dot_general3A = arith.constant dense<0.000000e+00> : vector<2000x128xf32>
    %dot_general3A_5 = tpu.matmul %get3A_1, %get3A_4, %dot_general3A {dimension_numbers = #tpu.dot_dimension_numbers<[1], [0], [0], [1], [0, 0, 1, 1], [], []>, transpose_lhs_hint = false} : vector<2000x128xf32>, vector<128x128xf32>, vector<2000x128xf32> -> vector<2000x128xf32>
    %get3A_6 = arith.constant 0 : index
    %get3A_7 = arith.constant 0 : index
    %get3A_8 = vector.load %arg3[%get3A_6, %get3A_7] : memref<1x128xf32, #tpu.memory_space<vmem>>, vector<1x128xf32>
    %add3A = vector.broadcast %get3A_8 : vector<1x128xf32> to vector<2000x128xf32>
    %add3A_9 = arith.addf %dot_general3A_5, %add3A : vector<2000x128xf32>
    %max3A = arith.constant 0.000000e+00 : f32
    %max3A_10 = vector.broadcast %max3A : f32 to vector<2000x128xf32>
    %max3A_11 = arith.maximumf %add3A_9, %max3A_10 : vector<2000x128xf32>
    %get3A_12 = arith.constant 0 : index
    %get3A_13 = arith.constant 0 : index
    %get3A_14 = vector.load %arg4[%get3A_12, %get3A_13] : memref<1x128xf32, #tpu.memory_space<vmem>>, vector<1x128xf32>
    %mul3A = vector.broadcast %get3A_14 : vector<1x128xf32> to vector<2000x128xf32>
    %mul3A_15 = arith.mulf %max3A_11, %mul3A : vector<2000x128xf32>
    %reduce_sum3A = arith.constant dense<0.000000e+00> : vector<2000xf32>
    %reduce_sum3A_16 = vector.multi_reduction <add>, %mul3A_15, %reduce_sum3A [1] : vector<2000x128xf32> to vector<2000xf32>
    %broadcast_in_dim3A = vector.shape_cast %reduce_sum3A_16 : vector<2000xf32> to vector<2000x1xf32>
    %get3A_17 = arith.constant 0 : index
    %get3A_18 = arith.constant 0 : index
    %get3A_19 = vector.load %arg5[%get3A_17, %get3A_18] : memref<1x1xf32, #tpu.memory_space<vmem>>, vector<1x1xf32>
    %add3A_20 = vector.broadcast %get3A_19 : vector<1x1xf32> to vector<2000x1xf32>
    %add3A_21 = arith.addf %broadcast_in_dim3A, %add3A_20 : vector<2000x1xf32>
    %logistic3A = arith.negf %add3A_21 : vector<2000x1xf32>
    %logistic3A_22 = math.exp %logistic3A : vector<2000x1xf32>
    %logistic3A_23 = arith.constant 1.000000e+00 : f32
    %logistic3A_24 = vector.broadcast %logistic3A_23 : f32 to vector<2000x1xf32>
    %logistic3A_25 = arith.addf %logistic3A_24, %logistic3A_22 : vector<2000x1xf32>
    %logistic3A_26 = arith.divf %logistic3A_24, %logistic3A_25 : vector<2000x1xf32>
    %swap3A = arith.constant 0 : index
    %swap3A_27 = arith.constant 0 : index
    %swap3A_28 = vector.load %arg6[%swap3A, %swap3A_27] : memref<2000x1xf32, #tpu.memory_space<vmem>>, vector<2000x1xf32>
    tpu.vector_store %arg6[%swap3A, %swap3A_27], %logistic3A_26 {strides = array<i32>} : memref<2000x1xf32, #tpu.memory_space<vmem>>, vector<2000x1xf32>,
    return
  }
  func.func @transform_0(%arg0: i32) -> (i32, i32) {
    %c0_i32 = arith.constant 0 : i32
    %c0_i32_0 = arith.constant 0 : i32
    return %arg0, %c0_i32 : i32, i32
  }
  func.func @transform_1(%arg0: i32) -> (i32, i32) {
    %c0_i32 = arith.constant 0 : i32
    %c0_i32_0 = arith.constant 0 : i32
    %c0_i32_1 = arith.constant 0 : i32
    return %c0_i32, %c0_i32_0 : i32, i32
  }
  func.func @transform_2(%arg0: i32) -> (i32, i32) {
    %c0_i32 = arith.constant 0 : i32
    %c0_i32_0 = arith.constant 0 : i32
    %c0_i32_1 = arith.constant 0 : i32
    return %c0_i32, %c0_i32_0 : i32, i32
  }
  func.func @transform_3(%arg0: i32) -> (i32, i32) {
    %c0_i32 = arith.constant 0 : i32
    %c0_i32_0 = arith.constant 0 : i32
    %c0_i32_1 = arith.constant 0 : i32
    return %c0_i32, %c0_i32_0 : i32, i32
  }
  func.func @transform_4(%arg0: i32) -> (i32, i32) {
    %c0_i32 = arith.constant 0 : i32
    %c0_i32_0 = arith.constant 0 : i32
    %c0_i32_1 = arith.constant 0 : i32
    return %c0_i32, %c0_i32_0 : i32, i32
  }
  func.func @transform_5(%arg0: i32) -> (i32, i32) {
    %c0_i32 = arith.constant 0 : i32
    %c0_i32_0 = arith.constant 0 : i32
    return %arg0, %c0_i32 : i32, i32
  }
}

</mosaic_0001>

<sc_bundles>
// kernel: kernel.10.cloned.1.call-start
scs
__scs_entry_jumppad:
0x0: {  	(pc) =	sbr.rel $0x88, $3  }
0x1: {  	(tag) =	ssettag $0x0;
	lr =	simm.s32 $0x1  }
0x2: {  	[smem:$0x3F98] =	sst lr;
	_ =	strace $0xD0000000  }
0x3: {  	_ = 	snop  }
0x4: {  	_ = 	snop  }
0x5: {  	_ = 	snop  }
0x6: {  	_ = 	snop  }
0x7: {  	_ = 	snop  }
__scs_overlays_trampoline_lowered:
0x8: {  	[smem:$0x3FA7] =	sst s0  }
0x9: {  	[smem:$0x3FA8] =	sst s1  }
0xa: {  	[smem:$0x3FA9] =	sst s2  }
0xb: {  	[smem:$0x3FAA] =	sst s3  }
0xc: {  	[smem:$0x3FAB] =	sst s4  }
0xd: {  	[smem:$0x3FAC] =	sst s5  }
0xe: {  	[smem:$0x3FAD] =	sst s6  }
0xf: {  	[smem:$0x3FAE] =	sst s7  }
0x10: {  	[smem:$0x3FAF] =	sst s8  }
0x11: {  	[smem:$0x3FB0] =	sst s9;
	s0 =	simm.s32 @!p0 $0x0  }
0x12: {  	s1 =	sld [smem:$0x3F96];
	s0 =	simm.s32 @p0 $0x1  }
0x13: {  	[smem:$0x3FB1] =	sst s0;
	s0 =	simm.s32 @!p1 $0x0  }
0x14: {  	s2 =	sld [smem:$0x3F95];
	s0 =	simm.s32 @p1 $0x1  }
0x15: {  	[smem:$0x3FB2] =	sst s0;
	s0 =	simm.s32 @!p2 $0x0  }
0x16: {  	s3 =	sld [smem:$0x3FDB];
	s0 =	simm.s32 @p2 $0x1  }
0x17: {  	s4 =	simm.s32 $0x1BF5;
	[smem:$0x3FB4] =	sst s0  }
0x18: {  	s0 =	sld [smem:$0x3F97];
	_ =	swait.ge [sflag:s4], $0x0  }
0x19: {  	s7 =	sld [smem:$0x3F98]  }
0x1a: {  	s8 =	sadd.s32 $0xFFFFE003, lr  }
0x1b: {  	s9 =	sadd.s32 $0xFFFFFEF7, lr;
	s5 =	simm.s32 $0xFFFFFFFF;
	p2 =	slt.u32 s8, $0xFFFFF086  }
0x1c: {  	p1 =	slt.u32 s9, $0xF7A;
	s5 =	simm.s32 @!p2 $0x0  }
0x1d: {  	s5 =	simm.s32 @p1 $0x1;
	p0 =	seq.s32 s7, s2  }
0x1e: {  	s7 =	smul.u32 @!p0 $0xF7A, s2;
	p2 =	seq.s32 @!p0 s5, $0x0  }
0x1f: {  	s9 =	smul.u32 $0xF7A, s1;
	s8 =	simm.s32 @!p0 $0x1BF5;
	p2 =	por !p2, p0  }
0x20: {  	[sflag:s8] =	ssyncset.s32 @!p0 $0xFFFFF086;
	s6 =	sadd.s32 @!p0 s3, s7;
	s7 =	simm.s32 @!p0 $0x108  }
0x21: {  	s3 =	sadd.s32 s3, s9;
	s6 =	sadd.s32 @!p0 $0x88, s6;
	s7 =	simm.s32 @p2 $0x1082  }
0x22: {  	[simem:s7], [sflag:s8] =	dma.local @!p0 [hbm:s6], $0xF7A  }
0x23: {  	s9 =	sor.u32 $0xD0000000, s2;
	s6 =	simm.s32 $0x108;
	_ =	swait.ge @!p0 [sflag:s8], $0x0  }
0x24: {  	s3 =	sadd.s32 $0x88, s3;
	s6 =	simm.s32 @!p1 $0x1082;
	[sflag:s4] =	ssyncset.s32 $0xFFFFF086  }
0x25: {  	[simem:s6], [sflag:s4] =	dma.local [hbm:s3], $0xF7A  }
0x26: {  	[smem:$0x3F98] =	sst s1;
	(tag) =	ssettag s2;
	_ =	strace s9  }
0x27: {  	s1 =	sld [smem:$0x3FA8]  }
0x28: {  	s2 =	sld [smem:$0x3FA9]  }
0x29: {  	s4 =	sld [smem:$0x3FAB]  }
0x2a: {  	p0 =	seq.s32 s5, $0x0;
	s5 =	sld [smem:$0x3FAC]  }
0x2b: {  	s6 =	sld [smem:$0x3FAD]  }
0x2c: {  	s7 =	sld [smem:$0x3FAE]  }
0x2d: {  	s3 =	simm.s32 $0x108;
	s8 =	sld [smem:$0x3FAF]  }
0x2e: {  	s3 =	simm.s32 @!p0 $0x1082;
	s9 =	sld [smem:$0x3FB0]  }
0x2f: {  	lr =	sadd.s32 s0, s3;
	s0 =	sld [smem:$0x3FA7]  }
0x30: {  	s3 =	sld [smem:$0x3FAA]  }
0x31: {  	[smem:$0x3FB3] =	sst s10  }
0x32: {  	s10 =	sld [smem:$0x3FB1];
	_ =	sdelay $0x3  }
0x33: {  	p0 =	seq.s32 s10, $0x1;
	s10 =	sld [smem:$0x3FB3];
	_ =	sdelay $0x3  }
0x34: {  	[smem:$0x3FB3] =	sst s10  }
0x35: {  	s10 =	sld [smem:$0x3FB2];
	_ =	sdelay $0x3  }
0x36: {  	p1 =	seq.s32 s10, $0x1;
	s10 =	sld [smem:$0x3FB3];
	_ =	sdelay $0x3  }
0x37: {  	[smem:$0x3FB3] =	sst s10  }
0x38: {  	s10 =	sld [smem:$0x3FB4]  }
0x39: {  	_ = 	snop;
	(pc) =	sbr.ind lr, $3  }
0x3a: {  	_ = 	snop  }
0x3b: {  	_ = 	snop  }
0x3c: {  	p2 =	seq.s32 s10, $0x1;
	s10 =	sld [smem:$0x3FB3]  }
0x3d: {  	_ =	shalt  }
0x3e: {  	_ =	shalt  }
0x3f: {  	_ =	shalt  }
0x40: {  	_ =	shalt  }
0x41: {  	_ =	shalt  }
0x42: {  	_ =	shalt  }
0x43: {  	_ =	shalt  }
0x44: {  	_ =	shalt  }
0x45: {  	_ =	shalt  }
0x46: {  	_ =	shalt  }
0x47: {  	_ =	shalt  }
0x48: {  	_ =	shalt  }
0x49: {  	_ =	shalt  }
0x4a: {  	_ =	shalt  }
0x4b: {  	_ =	shalt  }
0x4c: {  	_ =	shalt  }
0x4d: {  	_ =	shalt  }
0x4e: {  	_ =	shalt  }
0x4f: {  	_ =	shalt  }
0x50: {  	_ =	shalt  }
0x51: {  	_ =	shalt  }
0x52: {  	_ =	shalt  }
0x53: {  	_ =	shalt  }
0x54: {  	_ =	shalt  }
0x55: {  	_ =	shalt  }
0x56: {  	_ =	shalt  }
0x57: {  	_ =	shalt  }
0x58: {  	_ =	shalt  }
0x59: {  	_ =	shalt  }
0x5a: {  	_ =	shalt  }
0x5b: {  	_ =	shalt  }
0x5c: {  	_ =	shalt  }
0x5d: {  	_ =	shalt  }
0x5e: {  	_ =	shalt  }
0x5f: {  	_ =	shalt  }
0x60: {  	_ =	shalt  }
0x61: {  	_ =	shalt  }
0x62: {  	_ =	shalt  }
0x63: {  	_ =	shalt  }
0x64: {  	_ =	shalt  }
0x65: {  	_ =	shalt  }
0x66: {  	_ =	shalt  }
0x67: {  	_ =	shalt  }
0x68: {  	_ =	shalt  }
0x69: {  	_ =	shalt  }
0x6a: {  	_ =	shalt  }
0x6b: {  	_ =	shalt  }
0x6c: {  	_ =	shalt  }
0x6d: {  	_ =	shalt  }
0x6e: {  	_ =	shalt  }
0x6f: {  	_ =	shalt  }
0x70: {  	_ =	shalt  }
0x71: {  	_ =	shalt  }
0x72: {  	_ =	shalt  }
0x73: {  	_ =	shalt  }
0x74: {  	_ =	shalt  }
0x75: {  	_ =	shalt  }
0x76: {  	_ =	shalt  }
0x77: {  	_ =	shalt  }
0x78: {  	_ =	shalt  }
0x79: {  	_ =	shalt  }
0x7a: {  	_ =	shalt  }
0x7b: {  	_ =	shalt  }
0x7c: {  	_ =	shalt  }
0x7d: {  	_ =	shalt  }
0x7e: {  	_ =	shalt  }
0x7f: {  	_ =	shalt  }
0x80: {  	_ =	shalt  }
0x81: {  	_ =	shalt  }
0x82: {  	_ =	shalt  }
0x83: {  	_ =	shalt  }
0x84: {  	_ =	shalt  }
0x85: {  	_ =	shalt  }
0x86: {  	_ =	shalt  }
0x87: {  	_ =	shalt  }
.Lfunc_end0:
.L_simem_size_0:
called_computation.1_lowered:
.L_overlay_start_0:
0x88: {  	s2 =	sld [smem:$0x3FD9]  }
0x89: {  	s3 =	sld [smem:$0x3FFE];
	_ =	sdelay $0x1  }
0x8a: {  	s1 =	srdreg.scid  }
0x8b: {  	s0 =	sand.u32 $0x1, s1  }
0x8c: {  	s16 =	sshll.u32 s0, $0xA;
	s2 =	sadd.s32 s3, s2  }
0x8d: {  	s2 =	sadd.s32 s2, s16  }
0x8e: {  	[smem:$0x3FBF] =	sst s2  }
0x8f: {  	_ = 	snop  }
0x90: {  	(tm) =	ssettm $0x1  }
0x91: {  	s17 =	sld [smem:$0x3FFB];
	_ =	sdelay $0x3  }
0x92: {  	_ =	strace s17  }
0x93: {  	s2 =	sld [smem:$0x3FFC];
	_ =	sdelay $0x3  }
0x94: {  	_ =	strace s2  }
0x95: {  	s2 =	sld [smem:$0x3FFD];
	_ =	sdelay $0x3  }
0x96: {  	_ =	strace s2  }
0x97: {  	_ =	strace $0x8FFFFFFF  }
0x98: {  	s18 =	sld [smem:$0x3FDB];
	_ =	sdelay $0x1  }
0x99: {  	s19 =	simm.s32 $_scs_section_size  }
0x9a: {  	s4 =	simm.s32 $_size__tile_overlayer_lowered;
	s5 =	simm.s32 $_tile_overlayer_lowered  }
0x9b: {  	s22 =	simm.s32 $0x1BFF;
	s21 =	sshll.u32 s5, $0x1;
	s2 =	sadd.s32 s19, s18  }
0x9c: {  	s6 =	simm.s32 $0x0;
	s20 =	sshll.u32 s4, $0x1;
	s4 =	sadd.s32 s21, s2  }
0x9d: {  	[timem:s6], [sflag:s22] =	dma.local [hbm:s4], s20  }
0x9e: {  	_ =	swait.ge [sflag:s22], s20  }
0x9f: {  	s3 =	ssub.s32 $0x0, s20;
	[sflag:s22] =	ssyncset.done $0x0  }
0xa0: {  	[sflag:s22] =	ssyncadd.s32 s3;
	_ =	sdelay $0x1  }
0xa1: {  	s23 =	simm.s32 $0x1B8B  }
0xa2: {  	_ =	swait.ge [sflag:s23], $0x1  }
0xa3: {  	[sflag:s23] =	ssyncset.done $0x0  }
0xa4: {  	s25 =	simm.s32 $0x1B8E;
	s24 =	sld [smem:$0x3FFE];
	[sflag:s23] =	ssyncadd.s32 $0xFFFFFFFF  }
0xa5: {  	s26 =	simm.s32 $execute0_lowered;
	[smem:$0x3FD2] =	sst s25  }
0xa6: {  	s4 =	sshll.u32 s26, $0x1;
	_ =	strace $0x80000049;
	[dreg:$0x1] =	wrdreg $0xFFFFFFFF  }
0xa7: {  	s28 =	simm.s32 $_size_execute0_lowered;
	s2 =	sadd.s32 s2, s4;
	[dreg:$0x0] =	wrdreg $0x0  }
0xa8: {  	s4 =	sshll.u32 s28, $0x1;
	[dreg:$0x2] =	wrdreg s2  }
0xa9: {  	[dreg:$0x3] =	wrdreg s4  }
0xaa: {  	[dreg:$0x4] =	wrdreg $0xC0  }
0xab: {  	_ =	task [dreg:s6], $0x5FFFF  }
0xac: {  	[dreg:$0x1] =	wrdreg $0xFFFFFFFF  }
0xad: {  	[dreg:$0x0] =	wrdreg $0x60  }
0xae: {  	[dreg:$0x2] =	wrdreg s24  }
0xaf: {  	[dreg:$0x3] =	wrdreg $0x0  }
0xb0: {  	[dreg:$0x4] =	wrdreg $0x9  }
0xb1: {  	_ =	task.clear_ibuf [dreg:s6], $0x5FFFF;
	_ =	strace $0x90000049  }
0xb2: {  	s29 =	simm.s32 $0x9;
	_ =	strace $0x8000004B  }
0xb3: {  	_ =	swait.ge [sflag:s29], $0x1  }
0xb4: {  	[sflag:s29] =	ssyncadd.s32 $0xFFFFFFFF  }
0xb5: {  	_ =	strace $0x9000004B  }
0xb6: {  	_ =	sfence  }
0xb7: {  	s30 =	sld [smem:$0x0];
	_ =	sdelay $0x2  }
0xb8: {  	s31 =	sshll.u32 s1, $0xD;
	s1 =	sshrl.u32 s1, $0x2  }
0xb9: {  	s3 =	sand.u32 $0x4000, s31;
	s1 =	sadd.s32 s1, s30  }
0xba: {  	s0 =	sor.u32 s3, s0;
	s1 =	sshll.u32 s1, $0x11  }
0xbb: {  	s0 =	sor.u32 s1, s0  }
0xbc: {  	s0 =	sadd.s32 $0x8F2B, s0  }
0xbd: {  	[sflag:s0] =	ssyncadd.remote.s32 $0x1  }
0xbe: {  	_ =	sfence.sel $0xFFFF  }
0xbf: {  	[dreg:$0x0] =	wrdreg $0xFFFFFFFF;
	(pc) =	sbr.abs _section_cstart, $3  }
0xc0: {  	[dreg:$0x1] =	wrdreg $0xFFFFFFFF  }
0xc1: {  	_ =	task.clear_ibuf [dreg:s6], $0x2FFFF;
	_ =	strace $0x9FFFFFFF  }
0xc2: {  	(tm) =	ssettm $0x7FFFFFFF  }
0xc3: {  	_ =	shalt  }
tec
execute0_lowered:
.L_overlay_start_1:
0x0: {  	(tag) =	ssettag $0x1  }
0x1: {  	s0 =	srdreg.scid;
	s1 =	rddreg [dreg:$0x0]  }
0x2: {  	s4 =	stileid.u32;
	s2 =	rddreg [dreg:$0x1];
	s5 =	simm.s32 $0x0  }
0x3: {  	s11 =	simm.s32 $0xB;
	s14 =	simm.s32 $0x50;
	s15 =	simm.s32 $0x7620  }
0x4: {  	s17 =	simm.s32 $0x7B20;
	s19 =	simm.s32 $0x8020;
	s21 =	simm.s32 $0x8520  }
0x5: {  	s28 =	simm.s32 $0x9420;
	s30 =	simm.s32 $0x9920;
	s13 =	simm.s32 $0xA320  }
0x6: {  	s16 =	simm.s32 $0x1;
	s18 =	simm.s32 $0x2;
	s20 =	simm.s32 $0x3  }
0x7: {  	s22 =	simm.s32 $0x4;
	s29 =	simm.s32 $0x7;
	s31 =	simm.s32 $0x8  }
0x8: {  	s12 =	simm.s32 $0x9;
	s0 =	sand.u32 $0x1, s0;
	s23 =	smul.u32 $0x500, s4  }
0x9: {  	s3 =	sshll.u32 s4, $0x1;
	[smem:$0x7FF] =	sst s5;
	s7 =	smul.u32 $0xA000, s4  }
0xa: {  	s4 =	sadd.s32 $0x15200, s1;
	s3 =	sor.u32 s0, s3;
	s6 =	smul.u32 $0x5000, s0  }
0xb: {  	_ =	strace $0x8000004A;
	s0 =	ssub.s32 $0x2, s0;
	s3 =	smul.u32 $0x2710, s3  }
0xc: {  	s24 =	sshrl.u32 s0, $0x1;
	s25 =	sshrl.u32 s7, $0x2;
	s5 =	sadd.s32 s23, s6  }
0xd: {  	s0 =	ssub.s32 s0, s24;
	s7 =	sadd.s32 s25, s2;
	s23 =	simm.s32 $0x8A20  }
0xe: {  	s25 =	simm.s32 $0x8F20;
	s24 =	simm.s32 $0x5;
	s3 =	sshrl.u32 s3, $0x3  }
0xf: {  	s9 =	smax.u32 s0, $0x1;
	s0 =	simm.s32 $0xA;
	s3 =	sadd.s32 s3, s1  }
0x10: {  	s1 =	sadd.s32 s5, s1;
	s26 =	sadd.s32 $0x1600, s3;
	s3 =	sadd.s32 $0xB240, s3  }
0x11: {  	s8 =	sadd.s32 $0x1A800, s1;
	s1 =	simm.s32 $0x9E20;
	[dreg:$0x3] =	wrdreg s26  }
0x12: {  	v0 =	vimm.f32 $0.0e+00;
	[dreg:$0x4] =	wrdreg s3;
	s26 =	simm.s32 $0x6;
	s3 =	simm.s32 $0x0  }
.LBB2_1:
0x13: {  	s5 =	simm.s32 $0x0;
	s6 =	rddreg [dreg:$0x3];
	s10 =	simm.s32 $0x2800  }
0x14: {  	[tilespmem:s10], [sflag:$0xB] =	stream.linear.gather [hbm4b:s6+s5], $0x2710, $0x38;
	[tilespmem:$0xD020] =	vst v63  }
0x15: {  	_ =	swait.ge [sflag:s11], $0x2710  }
0x16: {  	[sflag:s11] =	ssyncset.done $0x0  }
0x17: {  	s10 =	simm.s32 $0x4F10;
	s6 =	rddreg [dreg:$0x4];
	[sflag:s11] =	ssyncadd.s32 $0xFFFFD8F0  }
0x18: {  	[tilespmem:s10], [sflag:$0xB] =	stream.linear.gather [hbm4b:s6+s5], $0x2710, $0x38;
	[tilespmem:$0xD020] =	vst v63  }
0x19: {  	_ =	swait.ge [sflag:s11], $0x2710  }
0x1a: {  	[sflag:s11] =	ssyncset.done $0x0  }
0x1b: {  	s5 =	simm.s32 $0x40;
	s10 =	simm.s32 $0x0;
	[sflag:s11] =	ssyncadd.s32 $0xFFFFD8F0  }
.LBB2_2:
0x1c: {  	p0 =	sne.s32 s5, $0x9FC0;
	[tilespmem:s10+$0xA820] =	vst v0;
	s10 =	smov.u32 s5;
	s5 =	sadd.s32 $0x40, s5  }
.Ltmp0:
0x1d: {  	(pc) =	sbr.rel @p0 .LBB2_2-.Ltmp0, $2  }
0x1e: {  	_ =	sdelay $0x2  }
0x1f: {  	s10 =	sshra.s32 s10, $0x2  }
0x20: {  	[tilespmem:s10+$0xA820] =	vst v0;
	s5 =	simm.s32 $0xA820  }
0x21: {  	[spmem:s7] =	stream.linear.scatter [tilespmem:s5], [sflag:$0xB], $0x2800, $0x38;
	[tilespmem:$0xD020] =	vst v63  }
0x22: {  	_ =	swait.ge [sflag:s11], $0x2800  }
0x23: {  	[sflag:s11] =	ssyncset.done $0x0  }
0x24: {  	[sflag:s11] =	ssyncadd.s32 $0xFFFFD800  }
0x25: {  	s10 =	simm.s32 $0x2800;
	[bflag:$0x0] =	sbarrier.arrive $0xFFFF  }
0x26: {  	[tilespmem:s15], [sflag:$0x1] =	stream.indirect.gather [hbm4b:s4+s14], $0x10, s10, s14, $0xb8;
	[tilespmem:$0xD020] =	vst v63  }
0x27: {  	s6 =	simm.s32 $0x2850  }
0x28: {  	[tilespmem:s17], [sflag:$0x2] =	stream.indirect.gather [hbm4b:s4+s14], $0x10, s6, s14, $0xb8;
	[tilespmem:$0xD020] =	vst v63  }
0x29: {  	s10 =	simm.s32 $0x28A0  }
0x2a: {  	[tilespmem:s19], [sflag:$0x3] =	stream.indirect.gather [hbm4b:s4+s14], $0x10, s10, s14, $0xb8;
	[tilespmem:$0xD020] =	vst v63  }
0x2b: {  	s6 =	simm.s32 $0x28F0  }
0x2c: {  	[tilespmem:s21], [sflag:$0x4] =	stream.indirect.gather [hbm4b:s4+s14], $0x10, s6, s14, $0xb8;
	[tilespmem:$0xD020] =	vst v63  }
0x2d: {  	s10 =	simm.s32 $0x2940  }
0x2e: {  	[tilespmem:s23], [sflag:$0x5] =	stream.indirect.gather [hbm4b:s4+s14], $0x10, s10, s14, $0xb8;
	[tilespmem:$0xD020] =	vst v63  }
0x2f: {  	s6 =	simm.s32 $0x2990  }
0x30: {  	[tilespmem:s25], [sflag:$0x6] =	stream.indirect.gather [hbm4b:s4+s14], $0x10, s6, s14, $0xb8;
	[tilespmem:$0xD020] =	vst v63  }
0x31: {  	s10 =	simm.s32 $0x29E0  }
0x32: {  	[tilespmem:s28], [sflag:$0x7] =	stream.indirect.gather [hbm4b:s4+s14], $0x10, s10, s14, $0xb8;
	[tilespmem:$0xD020] =	vst v63  }
0x33: {  	s6 =	simm.s32 $0x2A30  }
0x34: {  	[tilespmem:s30], [sflag:$0x8] =	stream.indirect.gather [hbm4b:s4+s14], $0x10, s6, s14, $0xb8;
	[tilespmem:$0xD020] =	vst v63  }
0x35: {  	s10 =	simm.s32 $0x2A80  }
0x36: {  	[tilespmem:s1], [sflag:$0x9] =	stream.indirect.gather [hbm4b:s4+s14], $0x10, s10, s14, $0xb8;
	[tilespmem:$0xD020] =	vst v63  }
0x37: {  	s6 =	simm.s32 $0x2AD0  }
0x38: {  	[tilespmem:s13], [sflag:$0xA] =	stream.indirect.gather [hbm4b:s4+s14], $0x10, s6, s14, $0xb8;
	[tilespmem:$0xD020] =	vst v63  }
0x39: {  	_ =	swait.ge [sflag:s16], $0x500  }
0x3a: {  	[sflag:s16] =	ssyncset.done $0x0  }
0x3b: {  	s10 =	simm.s32 $0x4F10;
	[sflag:s16] =	ssyncadd.s32 $0xFFFFFB00  }
0x3c: {  	[spmem:s2] =	stream.indirect.scatter.add.f32 [tilespmem:s15], [sflag:$0xB], $0x10, s10, s14, $0xb8;
	[tilespmem:$0xD020] =	vst v63  }
0x3d: {  	_ =	swait.ge [sflag:s11], $0x500  }
0x3e: {  	[sflag:s11] =	ssyncset.done $0x0  }
0x3f: {  	s6 =	simm.s32 $0x2B20;
	[sflag:s11] =	ssyncadd.s32 $0xFFFFFB00  }
0x40: {  	[tilespmem:s15], [sflag:$0x1] =	stream.indirect.gather [hbm4b:s4+s14], $0x10, s6, s14, $0xb8;
	[tilespmem:$0xD020] =	vst v63  }
0x41: {  	_ =	swait.ge [sflag:s18], $0x500  }
0x42: {  	[sflag:s18] =	ssyncset.done $0x0  }
0x43: {  	s10 =	simm.s32 $0x4F60;
	[sflag:s18] =	ssyncadd.s32 $0xFFFFFB00  }
0x44: {  	[spmem:s2] =	stream.indirect.scatter.add.f32 [tilespmem:s17], [sflag:$0xB], $0x10, s10, s14, $0xb8;
	[tilespmem:$0xD020] =	vst v63  }
0x45: {  	_ =	swait.ge [sflag:s11], $0x500  }
0x46: {  	[sflag:s11] =	ssyncset.done $0x0  }
0x47: {  	s6 =	simm.s32 $0x2B70;
	[sflag:s11] =	ssyncadd.s32 $0xFFFFFB00  }
0x48: {  	[tilespmem:s17], [sflag:$0x2] =	stream.indirect.gather [hbm4b:s4+s14], $0x10, s6, s14, $0xb8;
	[tilespmem:$0xD020] =	vst v63  }
0x49: {  	_ =	swait.ge [sflag:s20], $0x500  }
0x4a: {  	[sflag:s20] =	ssyncset.done $0x0  }
0x4b: {  	s10 =	simm.s32 $0x4FB0;
	[sflag:s20] =	ssyncadd.s32 $0xFFFFFB00  }
0x4c: {  	[spmem:s2] =	stream.indirect.scatter.add.f32 [tilespmem:s19], [sflag:$0xB], $0x10, s10, s14, $0xb8;
	[tilespmem:$0xD020] =	vst v63  }
0x4d: {  	_ =	swait.ge [sflag:s11], $0x500  }
0x4e: {  	[sflag:s11] =	ssyncset.done $0x0  }
0x4f: {  	s6 =	simm.s32 $0x2BC0;
	[sflag:s11] =	ssyncadd.s32 $0xFFFFFB00  }
0x50: {  	[tilespmem:s19], [sflag:$0x3] =	stream.indirect.gather [hbm4b:s4+s14], $0x10, s6, s14, $0xb8;
	[tilespmem:$0xD020] =	vst v63  }
0x51: {  	_ =	swait.ge [sflag:s22], $0x500  }
0x52: {  	[sflag:s22] =	ssyncset.done $0x0  }
0x53: {  	s10 =	simm.s32 $0x5000;
	[sflag:s22] =	ssyncadd.s32 $0xFFFFFB00  }
0x54: {  	[spmem:s2] =	stream.indirect.scatter.add.f32 [tilespmem:s21], [sflag:$0xB], $0x10, s10, s14, $0xb8;
	[tilespmem:$0xD020] =	vst v63  }
0x55: {  	_ =	swait.ge [sflag:s11], $0x500  }
0x56: {  	[sflag:s11] =	ssyncset.done $0x0  }
0x57: {  	s6 =	simm.s32 $0x2C10;
	[sflag:s11] =	ssyncadd.s32 $0xFFFFFB00  }
0x58: {  	[tilespmem:s21], [sflag:$0x4] =	stream.indirect.gather [hbm4b:s4+s14], $0x10, s6, s14, $0xb8;
	[tilespmem:$0xD020] =	vst v63  }
0x59: {  	_ =	swait.ge [sflag:s24], $0x500  }
0x5a: {  	[sflag:s24] =	ssyncset.done $0x0  }
0x5b: {  	s10 =	simm.s32 $0x5050;
	[sflag:s24] =	ssyncadd.s32 $0xFFFFFB00  }
0x5c: {  	[spmem:s2] =	stream.indirect.scatter.add.f32 [tilespmem:s23], [sflag:$0xB], $0x10, s10, s14, $0xb8;
	[tilespmem:$0xD020] =	vst v63  }
0x5d: {  	_ =	swait.ge [sflag:s11], $0x500  }
0x5e: {  	[sflag:s11] =	ssyncset.done $0x0  }
0x5f: {  	s6 =	simm.s32 $0x2C60;
	[sflag:s11] =	ssyncadd.s32 $0xFFFFFB00  }
0x60: {  	[tilespmem:s23], [sflag:$0x5] =	stream.indirect.gather [hbm4b:s4+s14], $0x10, s6, s14, $0xb8;
	[tilespmem:$0xD020] =	vst v63  }
0x61: {  	_ =	swait.ge [sflag:s26], $0x500  }
0x62: {  	[sflag:s26] =	ssyncset.done $0x0  }
0x63: {  	s10 =	simm.s32 $0x50A0;
	[sflag:s26] =	ssyncadd.s32 $0xFFFFFB00  }
0x64: {  	[spmem:s2] =	stream.indirect.scatter.add.f32 [tilespmem:s25], [sflag:$0xB], $0x10, s10, s14, $0xb8;
	[tilespmem:$0xD020] =	vst v63  }
0x65: {  	_ =	swait.ge [sflag:s11], $0x500  }
0x66: {  	[sflag:s11] =	ssyncset.done $0x0  }
0x67: {  	s6 =	simm.s32 $0x2CB0;
	[sflag:s11] =	ssyncadd.s32 $0xFFFFFB00  }
0x68: {  	[tilespmem:s25], [sflag:$0x6] =	stream.indirect.gather [hbm4b:s4+s14], $0x10, s6, s14, $0xb8;
	[tilespmem:$0xD020] =	vst v63  }
0x69: {  	_ =	swait.ge [sflag:s29], $0x500  }
0x6a: {  	[sflag:s29] =	ssyncset.done $0x0  }
0x6b: {  	s10 =	simm.s32 $0x50F0;
	[sflag:s29] =	ssyncadd.s32 $0xFFFFFB00  }
0x6c: {  	[spmem:s2] =	stream.indirect.scatter.add.f32 [tilespmem:s28], [sflag:$0xB], $0x10, s10, s14, $0xb8;
	[tilespmem:$0xD020] =	vst v63  }
0x6d: {  	_ =	swait.ge [sflag:s11], $0x500  }
0x6e: {  	[sflag:s11] =	ssyncset.done $0x0  }
0x6f: {  	s6 =	simm.s32 $0x2D00;
	[sflag:s11] =	ssyncadd.s32 $0xFFFFFB00  }
0x70: {  	[tilespmem:s28], [sflag:$0x7] =	stream.indirect.gather [hbm4b:s4+s14], $0x10, s6, s14, $0xb8;
	[tilespmem:$0xD020] =	vst v63  }
0x71: {  	_ =	swait.ge [sflag:s31], $0x500  }
0x72: {  	[sflag:s31] =	ssyncset.done $0x0  }
0x73: {  	s10 =	simm.s32 $0x5140;
	[sflag:s31] =	ssyncadd.s32 $0xFFFFFB00  }
0x74: {  	[spmem:s2] =	stream.indirect.scatter.add.f32 [tilespmem:s30], [sflag:$0xB], $0x10, s10, s14, $0xb8;
	[tilespmem:$0xD020] =	vst v63  }
0x75: {  	_ =	swait.ge [sflag:s11], $0x500  }
0x76: {  	[sflag:s11] =	ssyncset.done $0x0  }
0x77: {  	s6 =	simm.s32 $0x2D50;
	[sflag:s11] =	ssyncadd.s32 $0xFFFFFB00  }
0x78: {  	[tilespmem:s30], [sflag:$0x8] =	stream.indirect.gather [hbm4b:s4+s14], $0x10, s6, s14, $0xb8;
	[tilespmem:$0xD020] =	vst v63  }
0x79: {  	_ =	swait.ge [sflag:s12], $0x500  }
0x7a: {  	[sflag:s12] =	ssyncset.done $0x0  }
0x7b: {  	s10 =	simm.s32 $0x5190;
	[sflag:s12] =	ssyncadd.s32 $0xFFFFFB00  }
0x7c: {  	[spmem:s2] =	stream.indirect.scatter.add.f32 [tilespmem:s1], [sflag:$0xB], $0x10, s10, s14, $0xb8;
	[tilespmem:$0xD020] =	vst v63  }
0x7d: {  	_ =	swait.ge [sflag:s11], $0x500  }
0x7e: {  	[sflag:s11] =	ssyncset.done $0x0  }
0x7f: {  	s6 =	simm.s32 $0x2DA0;
	[sflag:s11] =	ssyncadd.s32 $0xFFFFFB00  }
0x80: {  	[tilespmem:s1], [sflag:$0x9] =	stream.indirect.gather [hbm4b:s4+s14], $0x10, s6, s14, $0xb8;
	[tilespmem:$0xD020] =	vst v63  }
0x81: {  	_ =	swait.ge [sflag:s0], $0x500  }
0x82: {  	[sflag:s0] =	ssyncset.done $0x0  }
0x83: {  	s10 =	simm.s32 $0x51E0;
	[sflag:s0] =	ssyncadd.s32 $0xFFFFFB00  }
0x84: {  	[spmem:s2] =	stream.indirect.scatter.add.f32 [tilespmem:s13], [sflag:$0xB], $0x10, s10, s14, $0xb8;
	[tilespmem:$0xD020] =	vst v63  }
0x85: {  	_ =	swait.ge [sflag:s11], $0x500  }
0x86: {  	[sflag:s11] =	ssyncset.done $0x0  }
0x87: {  	s5 =	simm.s32 $0x2DF0;
	s10 =	simm.s32 $0xC80;
	[sflag:s11] =	ssyncadd.s32 $0xFFFFFB00  }
.LBB2_4:
0x88: {  	[tilespmem:s13], [sflag:$0xA] =	stream.indirect.gather [hbm4b:s4+s14], $0x10, s5, s14, $0xb8;
	[tilespmem:$0xD020] =	vst v63  }
0x89: {  	s5 =	smov.u32 s10  }
0x8a: {  	p0 =	sne.s32 s10, $0x7D00;
	s10 =	sadd.s32 $0xC80, s10;
	_ =	swait.ge [sflag:s16], $0x500  }
0x8b: {  	s5 =	sshra.s32 s5, $0x2;
	[sflag:s16] =	ssyncset.done $0x0  }
0x8c: {  	s6 =	sadd.s32 $0x4F10, s5;
	[sflag:s16] =	ssyncadd.s32 $0xFFFFFB00  }
0x8d: {  	[spmem:s2] =	stream.indirect.scatter.add.f32 [tilespmem:s15], [sflag:$0xB], $0x10, s6, s14, $0xb8;
	[tilespmem:$0xD020] =	vst v63  }
0x8e: {  	_ =	swait.ge [sflag:s11], $0x500  }
0x8f: {  	[sflag:s11] =	ssyncset.done $0x0  }
0x90: {  	s6 =	sadd.s32 $0x2B20, s5;
	[sflag:s11] =	ssyncadd.s32 $0xFFFFFB00  }
0x91: {  	[tilespmem:s15], [sflag:$0x1] =	stream.indirect.gather [hbm4b:s4+s14], $0x10, s6, s14, $0xb8;
	[tilespmem:$0xD020] =	vst v63  }
0x92: {  	_ =	swait.ge [sflag:s18], $0x500  }
0x93: {  	[sflag:s18] =	ssyncset.done $0x0  }
0x94: {  	s6 =	sadd.s32 $0x4F60, s5;
	[sflag:s18] =	ssyncadd.s32 $0xFFFFFB00  }
0x95: {  	[spmem:s2] =	stream.indirect.scatter.add.f32 [tilespmem:s17], [sflag:$0xB], $0x10, s6, s14, $0xb8;
	[tilespmem:$0xD020] =	vst v63  }
0x96: {  	_ =	swait.ge [sflag:s11], $0x500  }
0x97: {  	[sflag:s11] =	ssyncset.done $0x0  }
0x98: {  	s6 =	sadd.s32 $0x2B70, s5;
	[sflag:s11] =	ssyncadd.s32 $0xFFFFFB00  }
0x99: {  	[tilespmem:s17], [sflag:$0x2] =	stream.indirect.gather [hbm4b:s4+s14], $0x10, s6, s14, $0xb8;
	[tilespmem:$0xD020] =	vst v63  }
0x9a: {  	_ =	swait.ge [sflag:s20], $0x500  }
0x9b: {  	[sflag:s20] =	ssyncset.done $0x0  }
0x9c: {  	s6 =	sadd.s32 $0x4FB0, s5;
	[sflag:s20] =	ssyncadd.s32 $0xFFFFFB00  }
0x9d: {  	[spmem:s2] =	stream.indirect.scatter.add.f32 [tilespmem:s19], [sflag:$0xB], $0x10, s6, s14, $0xb8;
	[tilespmem:$0xD020] =	vst v63  }
0x9e: {  	_ =	swait.ge [sflag:s11], $0x500  }
0x9f: {  	[sflag:s11] =	ssyncset.done $0x0  }
0xa0: {  	s6 =	sadd.s32 $0x2BC0, s5;
	[sflag:s11] =	ssyncadd.s32 $0xFFFFFB00  }
0xa1: {  	[tilespmem:s19], [sflag:$0x3] =	stream.indirect.gather [hbm4b:s4+s14], $0x10, s6, s14, $0xb8;
	[tilespmem:$0xD020] =	vst v63  }
0xa2: {  	_ =	swait.ge [sflag:s22], $0x500  }
0xa3: {  	[sflag:s22] =	ssyncset.done $0x0  }
0xa4: {  	s6 =	sadd.s32 $0x5000, s5;
	[sflag:s22] =	ssyncadd.s32 $0xFFFFFB00  }
0xa5: {  	[spmem:s2] =	stream.indirect.scatter.add.f32 [tilespmem:s21], [sflag:$0xB], $0x10, s6, s14, $0xb8;
	[tilespmem:$0xD020] =	vst v63  }
0xa6: {  	_ =	swait.ge [sflag:s11], $0x500  }
0xa7: {  	[sflag:s11] =	ssyncset.done $0x0  }
0xa8: {  	s6 =	sadd.s32 $0x2C10, s5;
	[sflag:s11] =	ssyncadd.s32 $0xFFFFFB00  }
0xa9: {  	[tilespmem:s21], [sflag:$0x4] =	stream.indirect.gather [hbm4b:s4+s14], $0x10, s6, s14, $0xb8;
	[tilespmem:$0xD020] =	vst v63  }
0xaa: {  	_ =	swait.ge [sflag:s24], $0x500  }
0xab: {  	[sflag:s24] =	ssyncset.done $0x0  }
0xac: {  	s6 =	sadd.s32 $0x5050, s5;
	[sflag:s24] =	ssyncadd.s32 $0xFFFFFB00  }
0xad: {  	[spmem:s2] =	stream.indirect.scatter.add.f32 [tilespmem:s23], [sflag:$0xB], $0x10, s6, s14, $0xb8;
	[tilespmem:$0xD020] =	vst v63  }
0xae: {  	_ =	swait.ge [sflag:s11], $0x500  }
0xaf: {  	[sflag:s11] =	ssyncset.done $0x0  }
0xb0: {  	s6 =	sadd.s32 $0x2C60, s5;
	[sflag:s11] =	ssyncadd.s32 $0xFFFFFB00  }
0xb1: {  	[tilespmem:s23], [sflag:$0x5] =	stream.indirect.gather [hbm4b:s4+s14], $0x10, s6, s14, $0xb8;
	[tilespmem:$0xD020] =	vst v63  }
0xb2: {  	_ =	swait.ge [sflag:s26], $0x500  }
0xb3: {  	[sflag:s26] =	ssyncset.done $0x0  }
0xb4: {  	s6 =	sadd.s32 $0x50A0, s5;
	[sflag:s26] =	ssyncadd.s32 $0xFFFFFB00  }
0xb5: {  	[spmem:s2] =	stream.indirect.scatter.add.f32 [tilespmem:s25], [sflag:$0xB], $0x10, s6, s14, $0xb8;
	[tilespmem:$0xD020] =	vst v63  }
0xb6: {  	_ =	swait.ge [sflag:s11], $0x500  }
0xb7: {  	[sflag:s11] =	ssyncset.done $0x0  }
0xb8: {  	s6 =	sadd.s32 $0x2CB0, s5;
	[sflag:s11] =	ssyncadd.s32 $0xFFFFFB00  }
0xb9: {  	[tilespmem:s25], [sflag:$0x6] =	stream.indirect.gather [hbm4b:s4+s14], $0x10, s6, s14, $0xb8;
	[tilespmem:$0xD020] =	vst v63  }
0xba: {  	_ =	swait.ge [sflag:s29], $0x500  }
0xbb: {  	[sflag:s29] =	ssyncset.done $0x0  }
0xbc: {  	s6 =	sadd.s32 $0x50F0, s5;
	[sflag:s29] =	ssyncadd.s32 $0xFFFFFB00  }
0xbd: {  	[spmem:s2] =	stream.indirect.scatter.add.f32 [tilespmem:s28], [sflag:$0xB], $0x10, s6, s14, $0xb8;
	[tilespmem:$0xD020] =	vst v63  }
0xbe: {  	_ =	swait.ge [sflag:s11], $0x500  }
0xbf: {  	[sflag:s11] =	ssyncset.done $0x0  }
0xc0: {  	s6 =	sadd.s32 $0x2D00, s5;
	[sflag:s11] =	ssyncadd.s32 $0xFFFFFB00  }
0xc1: {  	[tilespmem:s28], [sflag:$0x7] =	stream.indirect.gather [hbm4b:s4+s14], $0x10, s6, s14, $0xb8;
	[tilespmem:$0xD020] =	vst v63  }
0xc2: {  	_ =	swait.ge [sflag:s31], $0x500  }
0xc3: {  	[sflag:s31] =	ssyncset.done $0x0  }
0xc4: {  	s6 =	sadd.s32 $0x5140, s5;
	[sflag:s31] =	ssyncadd.s32 $0xFFFFFB00  }
0xc5: {  	[spmem:s2] =	stream.indirect.scatter.add.f32 [tilespmem:s30], [sflag:$0xB], $0x10, s6, s14, $0xb8;
	[tilespmem:$0xD020] =	vst v63  }
0xc6: {  	_ =	swait.ge [sflag:s11], $0x500  }
0xc7: {  	[sflag:s11] =	ssyncset.done $0x0  }
0xc8: {  	s6 =	sadd.s32 $0x2D50, s5;
	[sflag:s11] =	ssyncadd.s32 $0xFFFFFB00  }
0xc9: {  	[tilespmem:s30], [sflag:$0x8] =	stream.indirect.gather [hbm4b:s4+s14], $0x10, s6, s14, $0xb8;
	[tilespmem:$0xD020] =	vst v63  }
0xca: {  	_ =	swait.ge [sflag:s12], $0x500  }
0xcb: {  	[sflag:s12] =	ssyncset.done $0x0  }
0xcc: {  	s6 =	sadd.s32 $0x5190, s5;
	[sflag:s12] =	ssyncadd.s32 $0xFFFFFB00  }
0xcd: {  	[spmem:s2] =	stream.indirect.scatter.add.f32 [tilespmem:s1], [sflag:$0xB], $0x10, s6, s14, $0xb8;
	[tilespmem:$0xD020] =	vst v63  }
0xce: {  	_ =	swait.ge [sflag:s11], $0x500  }
0xcf: {  	[sflag:s11] =	ssyncset.done $0x0  }
0xd0: {  	s6 =	sadd.s32 $0x2DA0, s5;
	[sflag:s11] =	ssyncadd.s32 $0xFFFFFB00  }
0xd1: {  	[tilespmem:s1], [sflag:$0x9] =	stream.indirect.gather [hbm4b:s4+s14], $0x10, s6, s14, $0xb8;
	[tilespmem:$0xD020] =	vst v63  }
0xd2: {  	_ =	swait.ge [sflag:s0], $0x500  }
0xd3: {  	[sflag:s0] =	ssyncset.done $0x0  }
.Ltmp1:
0xd4: {  	s6 =	sadd.s32 $0x51E0, s5;
	[sflag:s0] =	ssyncadd.s32 $0xFFFFFB00;
	(pc) =	sbr.rel @p0 .LBB2_4-.Ltmp1, $4  }
0xd5: {  	[spmem:s2] =	stream.indirect.scatter.add.f32 [tilespmem:s13], [sflag:$0xB], $0x10, s6, s14, $0xb8;
	[tilespmem:$0xD020] =	vst v63  }
0xd6: {  	_ =	swait.ge [sflag:s11], $0x500  }
0xd7: {  	[sflag:s11] =	ssyncset.done $0x0  }
0xd8: {  	s5 =	sadd.s32 $0x2DF0, s5;
	[sflag:s11] =	ssyncadd.s32 $0xFFFFFB00  }
0xd9: {  	[tilespmem:s13], [sflag:$0xA] =	stream.indirect.gather [hbm4b:s4+s14], $0x10, s5, s14, $0xb8;
	[tilespmem:$0xD020] =	vst v63  }
0xda: {  	_ =	swait.ge [sflag:s16], $0x500  }
0xdb: {  	[sflag:s16] =	ssyncset.done $0x0  }
0xdc: {  	s10 =	simm.s32 $0x7170;
	[sflag:s16] =	ssyncadd.s32 $0xFFFFFB00  }
0xdd: {  	[spmem:s2] =	stream.indirect.scatter.add.f32 [tilespmem:s15], [sflag:$0xB], $0x10, s10, s14, $0xb8;
	[tilespmem:$0xD020] =	vst v63  }
0xde: {  	_ =	swait.ge [sflag:s11], $0x500  }
0xdf: {  	[sflag:s11] =	ssyncset.done $0x0  }
0xe0: {  	s6 =	simm.s32 $0x4D80;
	[sflag:s11] =	ssyncadd.s32 $0xFFFFFB00  }
0xe1: {  	[tilespmem:s15], [sflag:$0x1] =	stream.indirect.gather [hbm4b:s4+s14], $0x10, s6, s14, $0xb8;
	[tilespmem:$0xD020] =	vst v63  }
0xe2: {  	_ =	swait.ge [sflag:s18], $0x500  }
0xe3: {  	[sflag:s18] =	ssyncset.done $0x0  }
0xe4: {  	s10 =	simm.s32 $0x71C0;
	[sflag:s18] =	ssyncadd.s32 $0xFFFFFB00  }
0xe5: {  	[spmem:s2] =	stream.indirect.scatter.add.f32 [tilespmem:s17], [sflag:$0xB], $0x10, s10, s14, $0xb8;
	[tilespmem:$0xD020] =	vst v63  }
0xe6: {  	_ =	swait.ge [sflag:s11], $0x500  }
0xe7: {  	[sflag:s11] =	ssyncset.done $0x0  }
0xe8: {  	s6 =	simm.s32 $0x4DD0;
	[sflag:s11] =	ssyncadd.s32 $0xFFFFFB00  }
0xe9: {  	[tilespmem:s17], [sflag:$0x2] =	stream.indirect.gather [hbm4b:s4+s14], $0x10, s6, s14, $0xb8;
	[tilespmem:$0xD020] =	vst v63  }
0xea: {  	_ =	swait.ge [sflag:s20], $0x500  }
0xeb: {  	[sflag:s20] =	ssyncset.done $0x0  }
0xec: {  	s10 =	simm.s32 $0x7210;
	[sflag:s20] =	ssyncadd.s32 $0xFFFFFB00  }
0xed: {  	[spmem:s2] =	stream.indirect.scatter.add.f32 [tilespmem:s19], [sflag:$0xB], $0x10, s10, s14, $0xb8;
	[tilespmem:$0xD020] =	vst v63  }
0xee: {  	_ =	swait.ge [sflag:s11], $0x500  }
0xef: {  	[sflag:s11] =	ssyncset.done $0x0  }
0xf0: {  	s6 =	simm.s32 $0x4E20;
	[sflag:s11] =	ssyncadd.s32 $0xFFFFFB00  }
0xf1: {  	[tilespmem:s19], [sflag:$0x3] =	stream.indirect.gather [hbm4b:s4+s14], $0x10, s6, s14, $0xb8;
	[tilespmem:$0xD020] =	vst v63  }
0xf2: {  	_ =	swait.ge [sflag:s22], $0x500  }
0xf3: {  	[sflag:s22] =	ssyncset.done $0x0  }
0xf4: {  	s10 =	simm.s32 $0x7260;
	[sflag:s22] =	ssyncadd.s32 $0xFFFFFB00  }
0xf5: {  	[spmem:s2] =	stream.indirect.scatter.add.f32 [tilespmem:s21], [sflag:$0xB], $0x10, s10, s14, $0xb8;
	[tilespmem:$0xD020] =	vst v63  }
0xf6: {  	_ =	swait.ge [sflag:s11], $0x500  }
0xf7: {  	[sflag:s11] =	ssyncset.done $0x0  }
0xf8: {  	s6 =	simm.s32 $0x4E70;
	[sflag:s11] =	ssyncadd.s32 $0xFFFFFB00  }
0xf9: {  	[tilespmem:s21], [sflag:$0x4] =	stream.indirect.gather [hbm4b:s4+s14], $0x10, s6, s14, $0xb8;
	[tilespmem:$0xD020] =	vst v63  }
0xfa: {  	_ =	swait.ge [sflag:s24], $0x500  }
0xfb: {  	[sflag:s24] =	ssyncset.done $0x0  }
0xfc: {  	s10 =	simm.s32 $0x72B0;
	[sflag:s24] =	ssyncadd.s32 $0xFFFFFB00  }
0xfd: {  	[spmem:s2] =	stream.indirect.scatter.add.f32 [tilespmem:s23], [sflag:$0xB], $0x10, s10, s14, $0xb8;
	[tilespmem:$0xD020] =	vst v63  }
0xfe: {  	_ =	swait.ge [sflag:s11], $0x500  }
0xff: {  	[sflag:s11] =	ssyncset.done $0x0  }
0x100: {  	s6 =	simm.s32 $0x4EC0;
	[sflag:s11] =	ssyncadd.s32 $0xFFFFFB00  }
0x101: {  	[tilespmem:s23], [sflag:$0x5] =	stream.indirect.gather [hbm4b:s4+s14], $0x10, s6, s14, $0xb8;
	[tilespmem:$0xD020] =	vst v63  }
0x102: {  	_ =	swait.ge [sflag:s26], $0x500  }
0x103: {  	[sflag:s26] =	ssyncset.done $0x0  }
0x104: {  	s10 =	simm.s32 $0x7300;
	[sflag:s26] =	ssyncadd.s32 $0xFFFFFB00  }
0x105: {  	[spmem:s2] =	stream.indirect.scatter.add.f32 [tilespmem:s25], [sflag:$0xB], $0x10, s10, s14, $0xb8;
	[tilespmem:$0xD020] =	vst v63  }
0x106: {  	_ =	swait.ge [sflag:s11], $0x500  }
0x107: {  	[sflag:s11] =	ssyncset.done $0x0  }
0x108: {  	[sflag:s11] =	ssyncadd.s32 $0xFFFFFB00  }
0x109: {  	_ =	swait.ge [sflag:s29], $0x500  }
0x10a: {  	[sflag:s29] =	ssyncset.done $0x0  }
0x10b: {  	s6 =	simm.s32 $0x7350;
	[sflag:s29] =	ssyncadd.s32 $0xFFFFFB00  }
0x10c: {  	[spmem:s2] =	stream.indirect.scatter.add.f32 [tilespmem:s28], [sflag:$0xB], $0x10, s6, s14, $0xb8;
	[tilespmem:$0xD020] =	vst v63  }
0x10d: {  	_ =	swait.ge [sflag:s11], $0x500  }
0x10e: {  	[sflag:s11] =	ssyncset.done $0x0  }
0x10f: {  	[sflag:s11] =	ssyncadd.s32 $0xFFFFFB00  }
0x110: {  	_ =	swait.ge [sflag:s31], $0x500  }
0x111: {  	[sflag:s31] =	ssyncset.done $0x0  }
0x112: {  	s10 =	simm.s32 $0x73A0;
	[sflag:s31] =	ssyncadd.s32 $0xFFFFFB00  }
0x113: {  	[spmem:s2] =	stream.indirect.scatter.add.f32 [tilespmem:s30], [sflag:$0xB], $0x10, s10, s14, $0xb8;
	[tilespmem:$0xD020] =	vst v63  }
0x114: {  	_ =	swait.ge [sflag:s11], $0x500  }
0x115: {  	[sflag:s11] =	ssyncset.done $0x0  }
0x116: {  	[sflag:s11] =	ssyncadd.s32 $0xFFFFFB00  }
0x117: {  	_ =	swait.ge [sflag:s12], $0x500  }
0x118: {  	[sflag:s12] =	ssyncset.done $0x0  }
0x119: {  	s6 =	simm.s32 $0x73F0;
	[sflag:s12] =	ssyncadd.s32 $0xFFFFFB00  }
0x11a: {  	[spmem:s2] =	stream.indirect.scatter.add.f32 [tilespmem:s1], [sflag:$0xB], $0x10, s6, s14, $0xb8;
	[tilespmem:$0xD020] =	vst v63  }
0x11b: {  	_ =	swait.ge [sflag:s11], $0x500  }
0x11c: {  	[sflag:s11] =	ssyncset.done $0x0  }
0x11d: {  	[sflag:s11] =	ssyncadd.s32 $0xFFFFFB00  }
0x11e: {  	_ =	swait.ge [sflag:s0], $0x500  }
0x11f: {  	[sflag:s0] =	ssyncset.done $0x0  }
0x120: {  	s10 =	simm.s32 $0x7440;
	[sflag:s0] =	ssyncadd.s32 $0xFFFFFB00  }
0x121: {  	[spmem:s2] =	stream.indirect.scatter.add.f32 [tilespmem:s13], [sflag:$0xB], $0x10, s10, s14, $0xb8;
	[tilespmem:$0xD020] =	vst v63  }
0x122: {  	_ =	swait.ge [sflag:s11], $0x500  }
0x123: {  	[sflag:s11] =	ssyncset.done $0x0  }
0x124: {  	[sflag:s11] =	ssyncadd.s32 $0xFFFFFB00  }
0x125: {  	_ =	swait.ge [sflag:s16], $0x500  }
0x126: {  	[sflag:s16] =	ssyncset.done $0x0  }
0x127: {  	s6 =	simm.s32 $0x7490;
	[sflag:s16] =	ssyncadd.s32 $0xFFFFFB00  }
0x128: {  	[spmem:s2] =	stream.indirect.scatter.add.f32 [tilespmem:s15], [sflag:$0xB], $0x10, s6, s14, $0xb8;
	[tilespmem:$0xD020] =	vst v63  }
0x129: {  	_ =	swait.ge [sflag:s11], $0x500  }
0x12a: {  	[sflag:s11] =	ssyncset.done $0x0  }
0x12b: {  	[sflag:s11] =	ssyncadd.s32 $0xFFFFFB00  }
0x12c: {  	_ =	swait.ge [sflag:s18], $0x500  }
0x12d: {  	[sflag:s18] =	ssyncset.done $0x0  }
0x12e: {  	s10 =	simm.s32 $0x74E0;
	[sflag:s18] =	ssyncadd.s32 $0xFFFFFB00  }
0x12f: {  	[spmem:s2] =	stream.indirect.scatter.add.f32 [tilespmem:s17], [sflag:$0xB], $0x10, s10, s14, $0xb8;
	[tilespmem:$0xD020] =	vst v63  }
0x130: {  	_ =	swait.ge [sflag:s11], $0x500  }
0x131: {  	[sflag:s11] =	ssyncset.done $0x0  }
0x132: {  	[sflag:s11] =	ssyncadd.s32 $0xFFFFFB00  }
0x133: {  	_ =	swait.ge [sflag:s20], $0x500  }
0x134: {  	[sflag:s20] =	ssyncset.done $0x0  }
0x135: {  	s6 =	simm.s32 $0x7530;
	[sflag:s20] =	ssyncadd.s32 $0xFFFFFB00  }
0x136: {  	[spmem:s2] =	stream.indirect.scatter.add.f32 [tilespmem:s19], [sflag:$0xB], $0x10, s6, s14, $0xb8;
	[tilespmem:$0xD020] =	vst v63  }
0x137: {  	_ =	swait.ge [sflag:s11], $0x500  }
0x138: {  	[sflag:s11] =	ssyncset.done $0x0  }
0x139: {  	[sflag:s11] =	ssyncadd.s32 $0xFFFFFB00  }
0x13a: {  	_ =	swait.ge [sflag:s22], $0x500  }
0x13b: {  	[sflag:s22] =	ssyncset.done $0x0  }
0x13c: {  	s10 =	simm.s32 $0x7580;
	[sflag:s22] =	ssyncadd.s32 $0xFFFFFB00  }
0x13d: {  	[spmem:s2] =	stream.indirect.scatter.add.f32 [tilespmem:s21], [sflag:$0xB], $0x10, s10, s14, $0xb8;
	[tilespmem:$0xD020] =	vst v63  }
0x13e: {  	_ =	swait.ge [sflag:s11], $0x500  }
0x13f: {  	[sflag:s11] =	ssyncset.done $0x0  }
0x140: {  	[sflag:s11] =	ssyncadd.s32 $0xFFFFFB00  }
0x141: {  	_ =	swait.ge [sflag:s24], $0x500  }
0x142: {  	[sflag:s24] =	ssyncset.done $0x0  }
0x143: {  	s6 =	simm.s32 $0x75D0;
	[sflag:s24] =	ssyncadd.s32 $0xFFFFFB00  }
0x144: {  	[spmem:s2] =	stream.indirect.scatter.add.f32 [tilespmem:s23], [sflag:$0xB], $0x10, s6, s14, $0xb8;
	[tilespmem:$0xD020] =	vst v63  }
0x145: {  	s10 =	stileid.u32;
	_ =	swait.ge [sflag:s11], $0x500  }
0x146: {  	s3 =	sadd.s32 $0x1, s3;
	s5 =	sshll.u32 s10, $0x6;
	[sflag:s11] =	ssyncset.done $0x0  }
0x147: {  	p0 =	sne.s32 s3, s9;
	s5 =	sor.u32 $0x1C0B, s5;
	[sflag:s11] =	ssyncadd.s32 $0xFFFFFB00  }
.Ltmp2:
0x148: {  	s6 =	sshrl.u32 s7, $0x3;
	[bflag:$0x0] =	sbarrier.arrive $0xFFFF;
	(pc) =	sbr.rel @p0 .LBB2_1-.Ltmp2, $4  }
0x149: {  	[hbm:s8], [sflag:s5] =	dma.local [spmem:s6], $0x500  }
0x14a: {  	_ =	swait.ge [sflag:s11], $0x500  }
0x14b: {  	[sflag:s11] =	ssyncset.done $0x0  }
0x14c: {  	[sflag:s11] =	ssyncadd.s32 $0xFFFFFB00  }
0x14d: {  	_ =	sfence.sel $0x180000  }
0x14e: {  	[bflag:$0x0] =	sbarrier.arrive $0xFFFF  }
0x14f: {  	_ =	strace $0x9000004A  }
0x150: {  	s0 =	stileid.u32;
	[bflag:$0x2] =	sbarrier.arrive $0xFFFF  }
0x151: {  	p0 =	sne.s32 s0, $0x0;
	s0 =	rddreg [dreg:$0x2]  }
0x152: {  	s0 =	sadd.s32 @!p0 $0x100000, s0  }
0x153: {  	[sflag:s0] =	ssyncadd.tile.s32 @!p0 $0x1;
	_ =	shalt  }
.Lfunc_end2:
_tile_overlayer_lowered:
.L_overlay_start_2:
0x154: {  	(tag) =	ssettag $0x2  }
0x155: {  	s0 =	rddreg [dreg:$0x0];
	s2 =	stileid.u32  }
0x156: {  	s1 =	rddreg [dreg:$0x1];
	p0 =	sne.s32 s2, $0x0  }
0x157: {  	s3 =	rddreg [dreg:$0x2];
	[bflag:$0x3] =	sbarrier.arrive $0xFFFF;
	s2 =	simm.s32 @!p0 $0x1C0B  }
0x158: {  	[timem:s3], [sflag:s2] =	dma.local @!p0 [hbm:s0], s1  }
0x159: {  	s0 =	simm.s32 @!p0 $0xB  }
0x15a: {  	_ =	swait.ge @!p0 [sflag:s0], s1  }
0x15b: {  	s1 =	ssub.s32 @!p0 $0x0, s1;
	[sflag:s0] =	ssyncset.done @!p0 $0x0  }
0x15c: {  	[sflag:s0] =	ssyncadd.s32 @!p0 s1  }
0x15d: {  	[bflag:$0x3] =	sbarrier.arrive $0xFFFF  }
0x15e: {  	_ =	shalt  }

// kernel: kernel.13.cloned.1.call-start
scs
__scs_entry_jumppad:
0x0: {  	(pc) =	sbr.rel $0x88, $3  }
0x1: {  	(tag) =	ssettag $0x0;
	lr =	simm.s32 $0x1  }
0x2: {  	[smem:$0x3F98] =	sst lr;
	_ =	strace $0xD0000000  }
0x3: {  	_ = 	snop  }
0x4: {  	_ = 	snop  }
0x5: {  	_ = 	snop  }
0x6: {  	_ = 	snop  }
0x7: {  	_ = 	snop  }
__scs_overlays_trampoline_lowered:
0x8: {  	[smem:$0x3FA7] =	sst s0  }
0x9: {  	[smem:$0x3FA8] =	sst s1  }
0xa: {  	[smem:$0x3FA9] =	sst s2  }
0xb: {  	[smem:$0x3FAA] =	sst s3  }
0xc: {  	[smem:$0x3FAB] =	sst s4  }
0xd: {  	[smem:$0x3FAC] =	sst s5  }
0xe: {  	[smem:$0x3FAD] =	sst s6  }
0xf: {  	[smem:$0x3FAE] =	sst s7  }
0x10: {  	[smem:$0x3FAF] =	sst s8  }
0x11: {  	[smem:$0x3FB0] =	sst s9;
	s0 =	simm.s32 @!p0 $0x0  }
0x12: {  	s1 =	sld [smem:$0x3F96];
	s0 =	simm.s32 @p0 $0x1  }
0x13: {  	[smem:$0x3FB1] =	sst s0;
	s0 =	simm.s32 @!p1 $0x0  }
0x14: {  	s2 =	sld [smem:$0x3F95];
	s0 =	simm.s32 @p1 $0x1  }
0x15: {  	[smem:$0x3FB2] =	sst s0;
	s0 =	simm.s32 @!p2 $0x0  }
0x16: {  	s3 =	sld [smem:$0x3FDB];
	s0 =	simm.s32 @p2 $0x1  }
0x17: {  	s4 =	simm.s32 $0x1BF5;
	[smem:$0x3FB4] =	sst s0  }
0x18: {  	s0 =	sld [smem:$0x3F97];
	_ =	swait.ge [sflag:s4], $0x0  }
0x19: {  	s7 =	sld [smem:$0x3F98]  }
0x1a: {  	s8 =	sadd.s32 $0xFFFFE003, lr  }
0x1b: {  	s9 =	sadd.s32 $0xFFFFFEF7, lr;
	s5 =	simm.s32 $0xFFFFFFFF;
	p2 =	slt.u32 s8, $0xFFFFF086  }
0x1c: {  	p1 =	slt.u32 s9, $0xF7A;
	s5 =	simm.s32 @!p2 $0x0  }
0x1d: {  	s5 =	simm.s32 @p1 $0x1;
	p0 =	seq.s32 s7, s2  }
0x1e: {  	s7 =	smul.u32 @!p0 $0xF7A, s2;
	p2 =	seq.s32 @!p0 s5, $0x0  }
0x1f: {  	s9 =	smul.u32 $0xF7A, s1;
	s8 =	simm.s32 @!p0 $0x1BF5;
	p2 =	por !p2, p0  }
0x20: {  	[sflag:s8] =	ssyncset.s32 @!p0 $0xFFFFF086;
	s6 =	sadd.s32 @!p0 s3, s7;
	s7 =	simm.s32 @!p0 $0x108  }
0x21: {  	s3 =	sadd.s32 s3, s9;
	s6 =	sadd.s32 @!p0 $0x88, s6;
	s7 =	simm.s32 @p2 $0x1082  }
0x22: {  	[simem:s7], [sflag:s8] =	dma.local @!p0 [hbm:s6], $0xF7A  }
0x23: {  	s9 =	sor.u32 $0xD0000000, s2;
	s6 =	simm.s32 $0x108;
	_ =	swait.ge @!p0 [sflag:s8], $0x0  }
0x24: {  	s3 =	sadd.s32 $0x88, s3;
	s6 =	simm.s32 @!p1 $0x1082;
	[sflag:s4] =	ssyncset.s32 $0xFFFFF086  }
0x25: {  	[simem:s6], [sflag:s4] =	dma.local [hbm:s3], $0xF7A  }
0x26: {  	[smem:$0x3F98] =	sst s1;
	(tag) =	ssettag s2;
	_ =	strace s9  }
0x27: {  	s1 =	sld [smem:$0x3FA8]  }
0x28: {  	s2 =	sld [smem:$0x3FA9]  }
0x29: {  	s4 =	sld [smem:$0x3FAB]  }
0x2a: {  	p0 =	seq.s32 s5, $0x0;
	s5 =	sld [smem:$0x3FAC]  }
0x2b: {  	s6 =	sld [smem:$0x3FAD]  }
0x2c: {  	s7 =	sld [smem:$0x3FAE]  }
0x2d: {  	s3 =	simm.s32 $0x108;
	s8 =	sld [smem:$0x3FAF]  }
0x2e: {  	s3 =	simm.s32 @!p0 $0x1082;
	s9 =	sld [smem:$0x3FB0]  }
0x2f: {  	lr =	sadd.s32 s0, s3;
	s0 =	sld [smem:$0x3FA7]  }
0x30: {  	s3 =	sld [smem:$0x3FAA]  }
0x31: {  	[smem:$0x3FB3] =	sst s10  }
0x32: {  	s10 =	sld [smem:$0x3FB1];
	_ =	sdelay $0x3  }
0x33: {  	p0 =	seq.s32 s10, $0x1;
	s10 =	sld [smem:$0x3FB3];
	_ =	sdelay $0x3  }
0x34: {  	[smem:$0x3FB3] =	sst s10  }
0x35: {  	s10 =	sld [smem:$0x3FB2];
	_ =	sdelay $0x3  }
0x36: {  	p1 =	seq.s32 s10, $0x1;
	s10 =	sld [smem:$0x3FB3];
	_ =	sdelay $0x3  }
0x37: {  	[smem:$0x3FB3] =	sst s10  }
0x38: {  	s10 =	sld [smem:$0x3FB4]  }
0x39: {  	_ = 	snop;
	(pc) =	sbr.ind lr, $3  }
0x3a: {  	_ = 	snop  }
0x3b: {  	_ = 	snop  }
0x3c: {  	p2 =	seq.s32 s10, $0x1;
	s10 =	sld [smem:$0x3FB3]  }
0x3d: {  	_ =	shalt  }
0x3e: {  	_ =	shalt  }
0x3f: {  	_ =	shalt  }
0x40: {  	_ =	shalt  }
0x41: {  	_ =	shalt  }
0x42: {  	_ =	shalt  }
0x43: {  	_ =	shalt  }
0x44: {  	_ =	shalt  }
0x45: {  	_ =	shalt  }
0x46: {  	_ =	shalt  }
0x47: {  	_ =	shalt  }
0x48: {  	_ =	shalt  }
0x49: {  	_ =	shalt  }
0x4a: {  	_ =	shalt  }
0x4b: {  	_ =	shalt  }
0x4c: {  	_ =	shalt  }
0x4d: {  	_ =	shalt  }
0x4e: {  	_ =	shalt  }
0x4f: {  	_ =	shalt  }
0x50: {  	_ =	shalt  }
0x51: {  	_ =	shalt  }
0x52: {  	_ =	shalt  }
0x53: {  	_ =	shalt  }
0x54: {  	_ =	shalt  }
0x55: {  	_ =	shalt  }
0x56: {  	_ =	shalt  }
0x57: {  	_ =	shalt  }
0x58: {  	_ =	shalt  }
0x59: {  	_ =	shalt  }
0x5a: {  	_ =	shalt  }
0x5b: {  	_ =	shalt  }
0x5c: {  	_ =	shalt  }
0x5d: {  	_ =	shalt  }
0x5e: {  	_ =	shalt  }
0x5f: {  	_ =	shalt  }
0x60: {  	_ =	shalt  }
0x61: {  	_ =	shalt  }
0x62: {  	_ =	shalt  }
0x63: {  	_ =	shalt  }
0x64: {  	_ =	shalt  }
0x65: {  	_ =	shalt  }
0x66: {  	_ =	shalt  }
0x67: {  	_ =	shalt  }
0x68: {  	_ =	shalt  }
0x69: {  	_ =	shalt  }
0x6a: {  	_ =	shalt  }
0x6b: {  	_ =	shalt  }
0x6c: {  	_ =	shalt  }
0x6d: {  	_ =	shalt  }
0x6e: {  	_ =	shalt  }
0x6f: {  	_ =	shalt  }
0x70: {  	_ =	shalt  }
0x71: {  	_ =	shalt  }
0x72: {  	_ =	shalt  }
0x73: {  	_ =	shalt  }
0x74: {  	_ =	shalt  }
0x75: {  	_ =	shalt  }
0x76: {  	_ =	shalt  }
0x77: {  	_ =	shalt  }
0x78: {  	_ =	shalt  }
0x79: {  	_ =	shalt  }
0x7a: {  	_ =	shalt  }
0x7b: {  	_ =	shalt  }
0x7c: {  	_ =	shalt  }
0x7d: {  	_ =	shalt  }
0x7e: {  	_ =	shalt  }
0x7f: {  	_ =	shalt  }
0x80: {  	_ =	shalt  }
0x81: {  	_ =	shalt  }
0x82: {  	_ =	shalt  }
0x83: {  	_ =	shalt  }
0x84: {  	_ =	shalt  }
0x85: {  	_ =	shalt  }
0x86: {  	_ =	shalt  }
0x87: {  	_ =	shalt  }
.Lfunc_end0:
.L_simem_size_0:
called_computation.2_lowered:
.L_overlay_start_0:
0x88: {  	s2 =	sld [smem:$0x3FD9]  }
0x89: {  	s3 =	sld [smem:$0x3FFE];
	_ =	sdelay $0x1  }
0x8a: {  	s1 =	srdreg.scid  }
0x8b: {  	s0 =	sand.u32 $0x1, s1  }
0x8c: {  	s16 =	sshll.u32 s0, $0xA;
	s2 =	sadd.s32 s3, s2  }
0x8d: {  	s2 =	sadd.s32 s2, s16  }
0x8e: {  	[smem:$0x3FBF] =	sst s2  }
0x8f: {  	_ = 	snop  }
0x90: {  	(tm) =	ssettm $0x1  }
0x91: {  	s17 =	sld [smem:$0x3FFB];
	_ =	sdelay $0x3  }
0x92: {  	_ =	strace s17  }
0x93: {  	s2 =	sld [smem:$0x3FFC];
	_ =	sdelay $0x3  }
0x94: {  	_ =	strace s2  }
0x95: {  	s2 =	sld [smem:$0x3FFD];
	_ =	sdelay $0x3  }
0x96: {  	_ =	strace s2  }
0x97: {  	_ =	strace $0x8FFFFFFF  }
0x98: {  	s18 =	sld [smem:$0x3FDB];
	_ =	sdelay $0x1  }
0x99: {  	s19 =	simm.s32 $_scs_section_size  }
0x9a: {  	s4 =	simm.s32 $_size__tile_overlayer_lowered;
	s5 =	simm.s32 $_tile_overlayer_lowered  }
0x9b: {  	s22 =	simm.s32 $0x1BFF;
	s21 =	sshll.u32 s5, $0x1;
	s2 =	sadd.s32 s19, s18  }
0x9c: {  	s6 =	simm.s32 $0x0;
	s20 =	sshll.u32 s4, $0x1;
	s4 =	sadd.s32 s21, s2  }
0x9d: {  	[timem:s6], [sflag:s22] =	dma.local [hbm:s4], s20  }
0x9e: {  	_ =	swait.ge [sflag:s22], s20  }
0x9f: {  	s3 =	ssub.s32 $0x0, s20;
	[sflag:s22] =	ssyncset.done $0x0  }
0xa0: {  	[sflag:s22] =	ssyncadd.s32 s3;
	_ =	sdelay $0x1  }
0xa1: {  	s23 =	simm.s32 $0x1B8B  }
0xa2: {  	_ =	swait.ge [sflag:s23], $0x1  }
0xa3: {  	[sflag:s23] =	ssyncset.done $0x0  }
0xa4: {  	s25 =	simm.s32 $0x1B8E;
	s24 =	sld [smem:$0x3FFE];
	[sflag:s23] =	ssyncadd.s32 $0xFFFFFFFF  }
0xa5: {  	s26 =	simm.s32 $execute0_lowered;
	[smem:$0x3FD2] =	sst s25  }
0xa6: {  	s4 =	sshll.u32 s26, $0x1;
	_ =	strace $0x8000004C;
	[dreg:$0x1] =	wrdreg $0xFFFFFFFF  }
0xa7: {  	s28 =	simm.s32 $_size_execute0_lowered;
	s2 =	sadd.s32 s2, s4;
	[dreg:$0x0] =	wrdreg $0x0  }
0xa8: {  	s4 =	sshll.u32 s28, $0x1;
	[dreg:$0x2] =	wrdreg s2  }
0xa9: {  	[dreg:$0x3] =	wrdreg s4  }
0xaa: {  	[dreg:$0x4] =	wrdreg $0xC0  }
0xab: {  	_ =	task [dreg:s6], $0x5FFFF  }
0xac: {  	[dreg:$0x1] =	wrdreg $0xFFFFFFFF  }
0xad: {  	[dreg:$0x0] =	wrdreg $0x60  }
0xae: {  	[dreg:$0x2] =	wrdreg s24  }
0xaf: {  	[dreg:$0x3] =	wrdreg $0x0  }
0xb0: {  	[dreg:$0x4] =	wrdreg $0x9  }
0xb1: {  	_ =	task.clear_ibuf [dreg:s6], $0x5FFFF;
	_ =	strace $0x9000004C  }
0xb2: {  	s29 =	simm.s32 $0x9;
	_ =	strace $0x8000004E  }
0xb3: {  	_ =	swait.ge [sflag:s29], $0x1  }
0xb4: {  	[sflag:s29] =	ssyncadd.s32 $0xFFFFFFFF  }
0xb5: {  	_ =	strace $0x9000004E  }
0xb6: {  	_ =	sfence  }
0xb7: {  	s30 =	sld [smem:$0x0];
	_ =	sdelay $0x2  }
0xb8: {  	s31 =	sshll.u32 s1, $0xD;
	s1 =	sshrl.u32 s1, $0x2  }
0xb9: {  	s3 =	sand.u32 $0x4000, s31;
	s1 =	sadd.s32 s1, s30  }
0xba: {  	s0 =	sor.u32 s3, s0;
	s1 =	sshll.u32 s1, $0x11  }
0xbb: {  	s0 =	sor.u32 s1, s0  }
0xbc: {  	s0 =	sadd.s32 $0x8F2B, s0  }
0xbd: {  	[sflag:s0] =	ssyncadd.remote.s32 $0x1  }
0xbe: {  	_ =	sfence.sel $0xFFFF  }
0xbf: {  	[dreg:$0x0] =	wrdreg $0xFFFFFFFF;
	(pc) =	sbr.abs _section_cstart, $3  }
0xc0: {  	[dreg:$0x1] =	wrdreg $0xFFFFFFFF  }
0xc1: {  	_ =	task.clear_ibuf [dreg:s6], $0x2FFFF;
	_ =	strace $0x9FFFFFFF  }
0xc2: {  	(tm) =	ssettm $0x7FFFFFFF  }
0xc3: {  	_ =	shalt  }
tec
execute0_lowered:
.L_overlay_start_1:
0x0: {  	(tag) =	ssettag $0x1  }
0x1: {  	s4 =	stileid.u32  }
0x2: {  	s7 =	smul.u32 $0x50000, s4;
	_ =	sdelay $0x1  }
0x3: {  	s2 =	rddreg [dreg:$0x1];
	s17 =	sshrl.u32 s7, $0x2  }
0x4: {  	s1 =	rddreg [dreg:$0x0];
	s5 =	simm.s32 $0x0;
	s7 =	sadd.s32 s17, s2  }
0x5: {  	s0 =	srdreg.scid;
	[smem:$0x7FF] =	sst s5;
	s19 =	sadd.s32 $0x800, s7  }
0x6: {  	_ =	strace $0x8000004D;
	s20 =	sadd.s32 $0x1000, s7;
	[dreg:$0x5] =	wrdreg s19  }
0x7: {  	s28 =	simm.s32 $0x1B620;
	s21 =	sadd.s32 $0x1800, s7;
	[dreg:$0x6] =	wrdreg s20  }
0x8: {  	s29 =	simm.s32 $0x1CA20;
	s22 =	sadd.s32 $0x2000, s7;
	[dreg:$0x7] =	wrdreg s21  }
0x9: {  	s0 =	sand.u32 $0x1, s0;
	s23 =	sadd.s32 $0x2800, s7;
	[dreg:$0x8] =	wrdreg s22  }
0xa: {  	s15 =	smul.u32 $0x2800, s4;
	s24 =	sadd.s32 $0x3000, s7;
	[dreg:$0x9] =	wrdreg s23  }
0xb: {  	s6 =	smul.u32 $0x28000, s0;
	s25 =	sadd.s32 $0x3800, s7;
	[dreg:$0xa] =	wrdreg s24  }
0xc: {  	s30 =	simm.s32 $0x1DE20;
	s26 =	sadd.s32 $0x4000, s7;
	[dreg:$0xb] =	wrdreg s25  }
0xd: {  	s5 =	sadd.s32 s15, s6;
	s6 =	sadd.s32 $0x5000, s7;
	[dreg:$0xc] =	wrdreg s26  }
0xe: {  	s31 =	simm.s32 $0x1;
	s8 =	sadd.s32 $0x5800, s7;
	[dreg:$0xe] =	wrdreg s6  }
0xf: {  	s3 =	sshll.u32 s4, $0x1;
	s9 =	sadd.s32 $0x6000, s7;
	[dreg:$0xf] =	wrdreg s8  }
0x10: {  	s3 =	sor.u32 s0, s3;
	s10 =	sadd.s32 $0x6800, s7;
	[dreg:$0x10] =	wrdreg s9  }
0x11: {  	s0 =	ssub.s32 $0x2, s0;
	s11 =	sadd.s32 $0x7000, s7;
	[dreg:$0x11] =	wrdreg s10  }
0x12: {  	s16 =	sshrl.u32 s0, $0x1;
	s12 =	sadd.s32 $0x7800, s7;
	[dreg:$0x12] =	wrdreg s11  }
0x13: {  	s0 =	ssub.s32 s0, s16;
	s13 =	sadd.s32 $0x8000, s7;
	[dreg:$0x13] =	wrdreg s12  }
0x14: {  	s3 =	smul.u32 $0x2710, s3;
	s0 =	smax.u32 s0, $0x1;
	[dreg:$0x14] =	wrdreg s13  }
0x15: {  	s4 =	sadd.s32 $0x15000, s1;
	s14 =	sadd.s32 $0x8800, s7;
	[dreg:$0x16] =	wrdreg s0  }
0x16: {  	s3 =	sshrl.u32 s3, $0x3;
	s15 =	sadd.s32 $0x9000, s7;
	[dreg:$0x17] =	wrdreg s14  }
0x17: {  	s16 =	sadd.s32 $0x9800, s7;
	s17 =	sadd.s32 $0xA000, s7;
	[dreg:$0x18] =	wrdreg s15  }
0x18: {  	s3 =	sadd.s32 s3, s1;
	s1 =	sadd.s32 s5, s1;
	[dreg:$0x19] =	wrdreg s16  }
0x19: {  	s5 =	sadd.s32 $0x4800, s7;
	[dreg:$0x1a] =	wrdreg s17;
	s19 =	sadd.s32 $0xB000, s7  }
0x1a: {  	s20 =	sadd.s32 $0xB800, s7;
	s21 =	sadd.s32 $0xC000, s7;
	s22 =	sadd.s32 $0xC800, s7  }
0x1b: {  	s23 =	sadd.s32 $0xD000, s7;
	s24 =	sadd.s32 $0xD800, s7;
	[dreg:$0xd] =	wrdreg s5  }
0x1c: {  	s25 =	sadd.s32 $0xE000, s7;
	s26 =	sadd.s32 $0xE800, s7;
	[dreg:$0x1c] =	wrdreg s19  }
0x1d: {  	s11 =	sadd.s32 $0xF000, s7;
	s12 =	sadd.s32 $0xF800, s7;
	[dreg:$0x1d] =	wrdreg s20  }
0x1e: {  	s13 =	sadd.s32 $0x10000, s7;
	s14 =	sadd.s32 $0x10800, s7;
	[dreg:$0x1e] =	wrdreg s21  }
0x1f: {  	s15 =	sadd.s32 $0x11000, s7;
	s16 =	sadd.s32 $0x11800, s7;
	[dreg:$0x1f] =	wrdreg s22  }
0x20: {  	s17 =	sadd.s32 $0x12000, s7;
	s0 =	simm.s32 $0x3;
	[smem:$0x7FA] =	sst s23  }
0x21: {  	s6 =	simm.s32 $0x0;
	s18 =	sadd.s32 $0x1600, s3;
	[smem:$0x7FB] =	sst s24  }
0x22: {  	s3 =	sadd.s32 $0xB240, s3;
	s1 =	sadd.s32 $0x3D000, s1;
	[smem:$0x7FC] =	sst s25  }
0x23: {  	[smem:$0x7FD] =	sst s26;
	s19 =	sadd.s32 $0x13000, s7;
	s20 =	sadd.s32 $0x13800, s7  }
0x24: {  	s21 =	simm.s32 $0x14000;
	s22 =	simm.s32 $0x6;
	s23 =	simm.s32 $0x1F220  }
0x25: {  	s24 =	simm.s32 $0x28;
	s25 =	simm.s32 $0x18E20;
	[dreg:$0x3] =	wrdreg s18  }
0x26: {  	s26 =	simm.s32 $0x1A220;
	s5 =	simm.s32 $0x5;
	[dreg:$0x4] =	wrdreg s3  }
0x27: {  	[dreg:$0x15] =	wrdreg s1;
	s18 =	sadd.s32 $0xA800, s7;
	s1 =	simm.s32 $0x2  }
0x28: {  	v0 =	vimm.f32 $0.0e+00;
	s3 =	simm.s32 $0x4;
	[dreg:$0x1b] =	wrdreg s18;
	s18 =	sadd.s32 $0x12800, s7  }
.LBB2_1:
0x29: {  	s8 =	simm.s32 $0x0;
	s9 =	rddreg [dreg:$0x3]  }
0x2a: {  	[tilespmem:s21], [sflag:$0x6] =	stream.linear.gather [hbm4b:s9+s8], $0x2710, $0x38;
	[tilespmem:$0x1FA20] =	vst v63  }
0x2b: {  	_ =	swait.ge [sflag:s22], $0x2710  }
0x2c: {  	[sflag:s22] =	ssyncset.done $0x0  }
0x2d: {  	s10 =	simm.s32 $0x16710;
	s9 =	rddreg [dreg:$0x4];
	[sflag:s22] =	ssyncadd.s32 $0xFFFFD8F0  }
0x2e: {  	[tilespmem:s10], [sflag:$0x6] =	stream.linear.gather [hbm4b:s9+s8], $0x2710, $0x38;
	[tilespmem:$0x1FA20] =	vst v63  }
0x2f: {  	_ =	swait.ge [sflag:s22], $0x2710  }
0x30: {  	[sflag:s22] =	ssyncset.done $0x0  }
0x31: {  	s8 =	simm.s32 $0x0;
	s9 =	simm.s32 $0x200;
	[sflag:s22] =	ssyncadd.s32 $0xFFFFD8F0  }
.LBB2_2:
0x32: {  	p0 =	sne.s32 s9, $0x1E00;
	[tilespmem:s8+$0x1F290] =	vst v0  }
0x33: {  	[tilespmem:s8+$0x1F220] =	vst v0  }
0x34: {  	[tilespmem:s8+$0x1F230] =	vst v0  }
.Ltmp0:
0x35: {  	[tilespmem:s8+$0x1F240] =	vst v0;
	(pc) =	sbr.rel @p0 .LBB2_2-.Ltmp0, $4  }
0x36: {  	[tilespmem:s8+$0x1F250] =	vst v0  }
0x37: {  	[tilespmem:s8+$0x1F260] =	vst v0  }
0x38: {  	[tilespmem:s8+$0x1F270] =	vst v0  }
0x39: {  	[tilespmem:s8+$0x1F280] =	vst v0;
	s8 =	sshra.s32 s9, $0x2;
	s9 =	sadd.s32 $0x200, s9  }
0x3a: {  	[tilespmem:s8+$0x1F290] =	vst v0  }
0x3b: {  	[tilespmem:s8+$0x1F220] =	vst v0  }
0x3c: {  	[tilespmem:s8+$0x1F230] =	vst v0  }
0x3d: {  	[tilespmem:s8+$0x1F240] =	vst v0  }
0x3e: {  	[tilespmem:s8+$0x1F250] =	vst v0  }
0x3f: {  	[tilespmem:s8+$0x1F260] =	vst v0  }
0x40: {  	[tilespmem:s8+$0x1F270] =	vst v0  }
0x41: {  	[tilespmem:s8+$0x1F280] =	vst v0  }
0x42: {  	[spmem:s7] =	stream.linear.scatter [tilespmem:s23], [sflag:$0x6], $0x800, $0x38;
	[tilespmem:$0x1FA20] =	vst v63  }
0x43: {  	_ =	swait.ge [sflag:s22], $0x800  }
0x44: {  	[sflag:s22] =	ssyncset.done $0x0  }
0x45: {  	s9 =	rddreg [dreg:$0x5];
	[sflag:s22] =	ssyncadd.s32 $0xFFFFF800  }
0x46: {  	[spmem:s9] =	stream.linear.scatter [tilespmem:s23], [sflag:$0x6], $0x800, $0x38;
	[tilespmem:$0x1FA20] =	vst v63  }
0x47: {  	_ =	swait.ge [sflag:s22], $0x800  }
0x48: {  	[sflag:s22] =	ssyncset.done $0x0  }
0x49: {  	s10 =	rddreg [dreg:$0x6];
	[sflag:s22] =	ssyncadd.s32 $0xFFFFF800  }
0x4a: {  	[spmem:s10] =	stream.linear.scatter [tilespmem:s23], [sflag:$0x6], $0x800, $0x38;
	[tilespmem:$0x1FA20] =	vst v63  }
0x4b: {  	_ =	swait.ge [sflag:s22], $0x800  }
0x4c: {  	[sflag:s22] =	ssyncset.done $0x0  }
0x4d: {  	s9 =	rddreg [dreg:$0x7];
	[sflag:s22] =	ssyncadd.s32 $0xFFFFF800  }
0x4e: {  	[spmem:s9] =	stream.linear.scatter [tilespmem:s23], [sflag:$0x6], $0x800, $0x38;
	[tilespmem:$0x1FA20] =	vst v63  }
0x4f: {  	_ =	swait.ge [sflag:s22], $0x800  }
0x50: {  	[sflag:s22] =	ssyncset.done $0x0  }
0x51: {  	s10 =	rddreg [dreg:$0x8];
	[sflag:s22] =	ssyncadd.s32 $0xFFFFF800  }
0x52: {  	[spmem:s10] =	stream.linear.scatter [tilespmem:s23], [sflag:$0x6], $0x800, $0x38;
	[tilespmem:$0x1FA20] =	vst v63  }
0x53: {  	_ =	swait.ge [sflag:s22], $0x800  }
0x54: {  	[sflag:s22] =	ssyncset.done $0x0  }
0x55: {  	s9 =	rddreg [dreg:$0x9];
	[sflag:s22] =	ssyncadd.s32 $0xFFFFF800  }
0x56: {  	[spmem:s9] =	stream.linear.scatter [tilespmem:s23], [sflag:$0x6], $0x800, $0x38;
	[tilespmem:$0x1FA20] =	vst v63  }
0x57: {  	_ =	swait.ge [sflag:s22], $0x800  }
0x58: {  	[sflag:s22] =	ssyncset.done $0x0  }
0x59: {  	s10 =	rddreg [dreg:$0xa];
	[sflag:s22] =	ssyncadd.s32 $0xFFFFF800  }
0x5a: {  	[spmem:s10] =	stream.linear.scatter [tilespmem:s23], [sflag:$0x6], $0x800, $0x38;
	[tilespmem:$0x1FA20] =	vst v63  }
0x5b: {  	_ =	swait.ge [sflag:s22], $0x800  }
0x5c: {  	[sflag:s22] =	ssyncset.done $0x0  }
0x5d: {  	s9 =	rddreg [dreg:$0xb];
	[sflag:s22] =	ssyncadd.s32 $0xFFFFF800  }
0x5e: {  	[spmem:s9] =	stream.linear.scatter [tilespmem:s23], [sflag:$0x6], $0x800, $0x38;
	[tilespmem:$0x1FA20] =	vst v63  }
0x5f: {  	_ =	swait.ge [sflag:s22], $0x800  }
0x60: {  	[sflag:s22] =	ssyncset.done $0x0  }
0x61: {  	s10 =	rddreg [dreg:$0xc];
	[sflag:s22] =	ssyncadd.s32 $0xFFFFF800  }
0x62: {  	[spmem:s10] =	stream.linear.scatter [tilespmem:s23], [sflag:$0x6], $0x800, $0x38;
	[tilespmem:$0x1FA20] =	vst v63  }
0x63: {  	_ =	swait.ge [sflag:s22], $0x800  }
0x64: {  	[sflag:s22] =	ssyncset.done $0x0  }
0x65: {  	s9 =	rddreg [dreg:$0xd];
	[sflag:s22] =	ssyncadd.s32 $0xFFFFF800  }
0x66: {  	[spmem:s9] =	stream.linear.scatter [tilespmem:s23], [sflag:$0x6], $0x800, $0x38;
	[tilespmem:$0x1FA20] =	vst v63  }
0x67: {  	_ =	swait.ge [sflag:s22], $0x800  }
0x68: {  	[sflag:s22] =	ssyncset.done $0x0  }
0x69: {  	s10 =	rddreg [dreg:$0xe];
	[sflag:s22] =	ssyncadd.s32 $0xFFFFF800  }
0x6a: {  	[spmem:s10] =	stream.linear.scatter [tilespmem:s23], [sflag:$0x6], $0x800, $0x38;
	[tilespmem:$0x1FA20] =	vst v63  }
0x6b: {  	_ =	swait.ge [sflag:s22], $0x800  }
0x6c: {  	[sflag:s22] =	ssyncset.done $0x0  }
0x6d: {  	s9 =	rddreg [dreg:$0xf];
	[sflag:s22] =	ssyncadd.s32 $0xFFFFF800  }
0x6e: {  	[spmem:s9] =	stream.linear.scatter [tilespmem:s23], [sflag:$0x6], $0x800, $0x38;
	[tilespmem:$0x1FA20] =	vst v63  }
0x6f: {  	_ =	swait.ge [sflag:s22], $0x800  }
0x70: {  	[sflag:s22] =	ssyncset.done $0x0  }
0x71: {  	s10 =	rddreg [dreg:$0x10];
	[sflag:s22] =	ssyncadd.s32 $0xFFFFF800  }
0x72: {  	[spmem:s10] =	stream.linear.scatter [tilespmem:s23], [sflag:$0x6], $0x800, $0x38;
	[tilespmem:$0x1FA20] =	vst v63  }
0x73: {  	_ =	swait.ge [sflag:s22], $0x800  }
0x74: {  	[sflag:s22] =	ssyncset.done $0x0  }
0x75: {  	s9 =	rddreg [dreg:$0x11];
	[sflag:s22] =	ssyncadd.s32 $0xFFFFF800  }
0x76: {  	[spmem:s9] =	stream.linear.scatter [tilespmem:s23], [sflag:$0x6], $0x800, $0x38;
	[tilespmem:$0x1FA20] =	vst v63  }
0x77: {  	_ =	swait.ge [sflag:s22], $0x800  }
0x78: {  	[sflag:s22] =	ssyncset.done $0x0  }
0x79: {  	s10 =	rddreg [dreg:$0x12];
	[sflag:s22] =	ssyncadd.s32 $0xFFFFF800  }
0x7a: {  	[spmem:s10] =	stream.linear.scatter [tilespmem:s23], [sflag:$0x6], $0x800, $0x38;
	[tilespmem:$0x1FA20] =	vst v63  }
0x7b: {  	_ =	swait.ge [sflag:s22], $0x800  }
0x7c: {  	[sflag:s22] =	ssyncset.done $0x0  }
0x7d: {  	s9 =	rddreg [dreg:$0x13];
	[sflag:s22] =	ssyncadd.s32 $0xFFFFF800  }
0x7e: {  	[spmem:s9] =	stream.linear.scatter [tilespmem:s23], [sflag:$0x6], $0x800, $0x38;
	[tilespmem:$0x1FA20] =	vst v63  }
0x7f: {  	_ =	swait.ge [sflag:s22], $0x800  }
0x80: {  	[sflag:s22] =	ssyncset.done $0x0  }
0x81: {  	s10 =	rddreg [dreg:$0x14];
	[sflag:s22] =	ssyncadd.s32 $0xFFFFF800  }
0x82: {  	[spmem:s10] =	stream.linear.scatter [tilespmem:s23], [sflag:$0x6], $0x800, $0x38;
	[tilespmem:$0x1FA20] =	vst v63  }
0x83: {  	_ =	swait.ge [sflag:s22], $0x800  }
0x84: {  	[sflag:s22] =	ssyncset.done $0x0  }
0x85: {  	s9 =	rddreg [dreg:$0x17];
	[sflag:s22] =	ssyncadd.s32 $0xFFFFF800  }
0x86: {  	[spmem:s9] =	stream.linear.scatter [tilespmem:s23], [sflag:$0x6], $0x800, $0x38;
	[tilespmem:$0x1FA20] =	vst v63  }
0x87: {  	_ =	swait.ge [sflag:s22], $0x800  }
0x88: {  	[sflag:s22] =	ssyncset.done $0x0  }
0x89: {  	s10 =	rddreg [dreg:$0x18];
	[sflag:s22] =	ssyncadd.s32 $0xFFFFF800  }
0x8a: {  	[spmem:s10] =	stream.linear.scatter [tilespmem:s23], [sflag:$0x6], $0x800, $0x38;
	[tilespmem:$0x1FA20] =	vst v63  }
0x8b: {  	_ =	swait.ge [sflag:s22], $0x800  }
0x8c: {  	[sflag:s22] =	ssyncset.done $0x0  }
0x8d: {  	s9 =	rddreg [dreg:$0x19];
	[sflag:s22] =	ssyncadd.s32 $0xFFFFF800  }
0x8e: {  	[spmem:s9] =	stream.linear.scatter [tilespmem:s23], [sflag:$0x6], $0x800, $0x38;
	[tilespmem:$0x1FA20] =	vst v63  }
0x8f: {  	_ =	swait.ge [sflag:s22], $0x800  }
0x90: {  	[sflag:s22] =	ssyncset.done $0x0  }
0x91: {  	s10 =	rddreg [dreg:$0x1a];
	[sflag:s22] =	ssyncadd.s32 $0xFFFFF800  }
0x92: {  	[spmem:s10] =	stream.linear.scatter [tilespmem:s23], [sflag:$0x6], $0x800, $0x38;
	[tilespmem:$0x1FA20] =	vst v63  }
0x93: {  	_ =	swait.ge [sflag:s22], $0x800  }
0x94: {  	[sflag:s22] =	ssyncset.done $0x0  }
0x95: {  	s9 =	rddreg [dreg:$0x1b];
	[sflag:s22] =	ssyncadd.s32 $0xFFFFF800  }
0x96: {  	[spmem:s9] =	stream.linear.scatter [tilespmem:s23], [sflag:$0x6], $0x800, $0x38;
	[tilespmem:$0x1FA20] =	vst v63  }
0x97: {  	_ =	swait.ge [sflag:s22], $0x800  }
0x98: {  	[sflag:s22] =	ssyncset.done $0x0  }
0x99: {  	s10 =	rddreg [dreg:$0x1c];
	[sflag:s22] =	ssyncadd.s32 $0xFFFFF800  }
0x9a: {  	[spmem:s10] =	stream.linear.scatter [tilespmem:s23], [sflag:$0x6], $0x800, $0x38;
	[tilespmem:$0x1FA20] =	vst v63  }
0x9b: {  	_ =	swait.ge [sflag:s22], $0x800  }
0x9c: {  	[sflag:s22] =	ssyncset.done $0x0  }
0x9d: {  	s9 =	rddreg [dreg:$0x1d];
	[sflag:s22] =	ssyncadd.s32 $0xFFFFF800  }
0x9e: {  	[spmem:s9] =	stream.linear.scatter [tilespmem:s23], [sflag:$0x6], $0x800, $0x38;
	[tilespmem:$0x1FA20] =	vst v63  }
0x9f: {  	_ =	swait.ge [sflag:s22], $0x800  }
0xa0: {  	[sflag:s22] =	ssyncset.done $0x0  }
0xa1: {  	s10 =	rddreg [dreg:$0x1e];
	[sflag:s22] =	ssyncadd.s32 $0xFFFFF800  }
0xa2: {  	[spmem:s10] =	stream.linear.scatter [tilespmem:s23], [sflag:$0x6], $0x800, $0x38;
	[tilespmem:$0x1FA20] =	vst v63  }
0xa3: {  	_ =	swait.ge [sflag:s22], $0x800  }
0xa4: {  	[sflag:s22] =	ssyncset.done $0x0  }
0xa5: {  	s9 =	rddreg [dreg:$0x1f];
	[sflag:s22] =	ssyncadd.s32 $0xFFFFF800  }
0xa6: {  	[spmem:s9] =	stream.linear.scatter [tilespmem:s23], [sflag:$0x6], $0x800, $0x38;
	[tilespmem:$0x1FA20] =	vst v63  }
0xa7: {  	_ =	swait.ge [sflag:s22], $0x800  }
0xa8: {  	s10 =	sld [smem:$0x7FA]  }
0xa9: {  	[sflag:s22] =	ssyncset.done $0x0  }
0xaa: {  	[sflag:s22] =	ssyncadd.s32 $0xFFFFF800  }
0xab: {  	[spmem:s10] =	stream.linear.scatter [tilespmem:s23], [sflag:$0x6], $0x800, $0x38;
	[tilespmem:$0x1FA20] =	vst v63  }
0xac: {  	_ =	swait.ge [sflag:s22], $0x800  }
0xad: {  	s9 =	sld [smem:$0x7FB]  }
0xae: {  	[sflag:s22] =	ssyncset.done $0x0  }
0xaf: {  	[sflag:s22] =	ssyncadd.s32 $0xFFFFF800  }
0xb0: {  	[spmem:s9] =	stream.linear.scatter [tilespmem:s23], [sflag:$0x6], $0x800, $0x38;
	[tilespmem:$0x1FA20] =	vst v63  }
0xb1: {  	_ =	swait.ge [sflag:s22], $0x800  }
0xb2: {  	s10 =	sld [smem:$0x7FC]  }
0xb3: {  	[sflag:s22] =	ssyncset.done $0x0  }
0xb4: {  	[sflag:s22] =	ssyncadd.s32 $0xFFFFF800  }
0xb5: {  	[spmem:s10] =	stream.linear.scatter [tilespmem:s23], [sflag:$0x6], $0x800, $0x38;
	[tilespmem:$0x1FA20] =	vst v63  }
0xb6: {  	_ =	swait.ge [sflag:s22], $0x800  }
0xb7: {  	s9 =	sld [smem:$0x7FD]  }
0xb8: {  	[sflag:s22] =	ssyncset.done $0x0  }
0xb9: {  	[sflag:s22] =	ssyncadd.s32 $0xFFFFF800  }
0xba: {  	[spmem:s9] =	stream.linear.scatter [tilespmem:s23], [sflag:$0x6], $0x800, $0x38;
	[tilespmem:$0x1FA20] =	vst v63  }
0xbb: {  	_ =	swait.ge [sflag:s22], $0x800  }
0xbc: {  	[sflag:s22] =	ssyncset.done $0x0  }
0xbd: {  	[sflag:s22] =	ssyncadd.s32 $0xFFFFF800  }
0xbe: {  	[spmem:s11] =	stream.linear.scatter [tilespmem:s23], [sflag:$0x6], $0x800, $0x38;
	[tilespmem:$0x1FA20] =	vst v63  }
0xbf: {  	_ =	swait.ge [sflag:s22], $0x800  }
0xc0: {  	[sflag:s22] =	ssyncset.done $0x0  }
0xc1: {  	[sflag:s22] =	ssyncadd.s32 $0xFFFFF800  }
0xc2: {  	[spmem:s12] =	stream.linear.scatter [tilespmem:s23], [sflag:$0x6], $0x800, $0x38;
	[tilespmem:$0x1FA20] =	vst v63  }
0xc3: {  	_ =	swait.ge [sflag:s22], $0x800  }
0xc4: {  	[sflag:s22] =	ssyncset.done $0x0  }
0xc5: {  	[sflag:s22] =	ssyncadd.s32 $0xFFFFF800  }
0xc6: {  	[spmem:s13] =	stream.linear.scatter [tilespmem:s23], [sflag:$0x6], $0x800, $0x38;
	[tilespmem:$0x1FA20] =	vst v63  }
0xc7: {  	_ =	swait.ge [sflag:s22], $0x800  }
0xc8: {  	[sflag:s22] =	ssyncset.done $0x0  }
0xc9: {  	[sflag:s22] =	ssyncadd.s32 $0xFFFFF800  }
0xca: {  	[spmem:s14] =	stream.linear.scatter [tilespmem:s23], [sflag:$0x6], $0x800, $0x38;
	[tilespmem:$0x1FA20] =	vst v63  }
0xcb: {  	_ =	swait.ge [sflag:s22], $0x800  }
0xcc: {  	[sflag:s22] =	ssyncset.done $0x0  }
0xcd: {  	[sflag:s22] =	ssyncadd.s32 $0xFFFFF800  }
0xce: {  	[spmem:s15] =	stream.linear.scatter [tilespmem:s23], [sflag:$0x6], $0x800, $0x38;
	[tilespmem:$0x1FA20] =	vst v63  }
0xcf: {  	_ =	swait.ge [sflag:s22], $0x800  }
0xd0: {  	[sflag:s22] =	ssyncset.done $0x0  }
0xd1: {  	[sflag:s22] =	ssyncadd.s32 $0xFFFFF800  }
0xd2: {  	[spmem:s16] =	stream.linear.scatter [tilespmem:s23], [sflag:$0x6], $0x800, $0x38;
	[tilespmem:$0x1FA20] =	vst v63  }
0xd3: {  	_ =	swait.ge [sflag:s22], $0x800  }
0xd4: {  	[sflag:s22] =	ssyncset.done $0x0  }
0xd5: {  	[sflag:s22] =	ssyncadd.s32 $0xFFFFF800  }
0xd6: {  	[spmem:s17] =	stream.linear.scatter [tilespmem:s23], [sflag:$0x6], $0x800, $0x38;
	[tilespmem:$0x1FA20] =	vst v63  }
0xd7: {  	_ =	swait.ge [sflag:s22], $0x800  }
0xd8: {  	[sflag:s22] =	ssyncset.done $0x0  }
0xd9: {  	[sflag:s22] =	ssyncadd.s32 $0xFFFFF800  }
0xda: {  	[spmem:s18] =	stream.linear.scatter [tilespmem:s23], [sflag:$0x6], $0x800, $0x38;
	[tilespmem:$0x1FA20] =	vst v63  }
0xdb: {  	_ =	swait.ge [sflag:s22], $0x800  }
0xdc: {  	[sflag:s22] =	ssyncset.done $0x0  }
0xdd: {  	[sflag:s22] =	ssyncadd.s32 $0xFFFFF800  }
0xde: {  	[spmem:s19] =	stream.linear.scatter [tilespmem:s23], [sflag:$0x6], $0x800, $0x38;
	[tilespmem:$0x1FA20] =	vst v63  }
0xdf: {  	_ =	swait.ge [sflag:s22], $0x800  }
0xe0: {  	[sflag:s22] =	ssyncset.done $0x0  }
0xe1: {  	[sflag:s22] =	ssyncadd.s32 $0xFFFFF800  }
0xe2: {  	[spmem:s20] =	stream.linear.scatter [tilespmem:s23], [sflag:$0x6], $0x800, $0x38;
	[tilespmem:$0x1FA20] =	vst v63  }
0xe3: {  	_ =	swait.ge [sflag:s22], $0x800  }
0xe4: {  	[sflag:s22] =	ssyncset.done $0x0  }
0xe5: {  	[sflag:s22] =	ssyncadd.s32 $0xFFFFF800  }
0xe6: {  	[bflag:$0x0] =	sbarrier.arrive $0xFFFF  }
0xe7: {  	[tilespmem:s25], [sflag:$0x1] =	stream.indirect.gather [hbm4b:s4+s24], $0x80, s21, s24, $0xb8;
	[tilespmem:$0x1FA20] =	vst v63  }
0xe8: {  	s10 =	simm.s32 $0x14028  }
0xe9: {  	[tilespmem:s26], [sflag:$0x2] =	stream.indirect.gather [hbm4b:s4+s24], $0x80, s10, s24, $0xb8;
	[tilespmem:$0x1FA20] =	vst v63  }
0xea: {  	s9 =	simm.s32 $0x14050  }
0xeb: {  	[tilespmem:s28], [sflag:$0x3] =	stream.indirect.gather [hbm4b:s4+s24], $0x80, s9, s24, $0xb8;
	[tilespmem:$0x1FA20] =	vst v63  }
0xec: {  	s10 =	simm.s32 $0x14078  }
0xed: {  	[tilespmem:s29], [sflag:$0x4] =	stream.indirect.gather [hbm4b:s4+s24], $0x80, s10, s24, $0xb8;
	[tilespmem:$0x1FA20] =	vst v63  }
0xee: {  	s9 =	simm.s32 $0x140A0  }
0xef: {  	[tilespmem:s30], [sflag:$0x5] =	stream.indirect.gather [hbm4b:s4+s24], $0x80, s9, s24, $0xb8;
	[tilespmem:$0x1FA20] =	vst v63  }
0xf0: {  	_ =	swait.ge [sflag:s31], $0x1400  }
0xf1: {  	[sflag:s31] =	ssyncset.done $0x0  }
0xf2: {  	s10 =	simm.s32 $0x16710;
	[sflag:s31] =	ssyncadd.s32 $0xFFFFEC00  }
0xf3: {  	[spmem:s2] =	stream.indirect.scatter.add.f32 [tilespmem:s25], [sflag:$0x6], $0x80, s10, s24, $0xb8;
	[tilespmem:$0x1FA20] =	vst v63  }
0xf4: {  	_ =	swait.ge [sflag:s22], $0x1400  }
0xf5: {  	[sflag:s22] =	ssyncset.done $0x0  }
0xf6: {  	s9 =	simm.s32 $0x140C8;
	[sflag:s22] =	ssyncadd.s32 $0xFFFFEC00  }
0xf7: {  	[tilespmem:s25], [sflag:$0x1] =	stream.indirect.gather [hbm4b:s4+s24], $0x80, s9, s24, $0xb8;
	[tilespmem:$0x1FA20] =	vst v63  }
0xf8: {  	_ =	swait.ge [sflag:s1], $0x1400  }
0xf9: {  	[sflag:s1] =	ssyncset.done $0x0  }
0xfa: {  	s10 =	simm.s32 $0x16738;
	[sflag:s1] =	ssyncadd.s32 $0xFFFFEC00  }
0xfb: {  	[spmem:s2] =	stream.indirect.scatter.add.f32 [tilespmem:s26], [sflag:$0x6], $0x80, s10, s24, $0xb8;
	[tilespmem:$0x1FA20] =	vst v63  }
0xfc: {  	_ =	swait.ge [sflag:s22], $0x1400  }
0xfd: {  	[sflag:s22] =	ssyncset.done $0x0  }
0xfe: {  	s9 =	simm.s32 $0x140F0;
	[sflag:s22] =	ssyncadd.s32 $0xFFFFEC00  }
0xff: {  	[tilespmem:s26], [sflag:$0x2] =	stream.indirect.gather [hbm4b:s4+s24], $0x80, s9, s24, $0xb8;
	[tilespmem:$0x1FA20] =	vst v63  }
0x100: {  	_ =	swait.ge [sflag:s0], $0x1400  }
0x101: {  	[sflag:s0] =	ssyncset.done $0x0  }
0x102: {  	s10 =	simm.s32 $0x16760;
	[sflag:s0] =	ssyncadd.s32 $0xFFFFEC00  }
0x103: {  	[spmem:s2] =	stream.indirect.scatter.add.f32 [tilespmem:s28], [sflag:$0x6], $0x80, s10, s24, $0xb8;
	[tilespmem:$0x1FA20] =	vst v63  }
0x104: {  	_ =	swait.ge [sflag:s22], $0x1400  }
0x105: {  	[sflag:s22] =	ssyncset.done $0x0  }
0x106: {  	s9 =	simm.s32 $0x14118;
	[sflag:s22] =	ssyncadd.s32 $0xFFFFEC00  }
0x107: {  	[tilespmem:s28], [sflag:$0x3] =	stream.indirect.gather [hbm4b:s4+s24], $0x80, s9, s24, $0xb8;
	[tilespmem:$0x1FA20] =	vst v63  }
0x108: {  	_ =	swait.ge [sflag:s3], $0x1400  }
0x109: {  	[sflag:s3] =	ssyncset.done $0x0  }
0x10a: {  	s10 =	simm.s32 $0x16788;
	[sflag:s3] =	ssyncadd.s32 $0xFFFFEC00  }
0x10b: {  	[spmem:s2] =	stream.indirect.scatter.add.f32 [tilespmem:s29], [sflag:$0x6], $0x80, s10, s24, $0xb8;
	[tilespmem:$0x1FA20] =	vst v63  }
0x10c: {  	_ =	swait.ge [sflag:s22], $0x1400  }
0x10d: {  	[sflag:s22] =	ssyncset.done $0x0  }
0x10e: {  	s9 =	simm.s32 $0x14140;
	[sflag:s22] =	ssyncadd.s32 $0xFFFFEC00  }
0x10f: {  	[tilespmem:s29], [sflag:$0x4] =	stream.indirect.gather [hbm4b:s4+s24], $0x80, s9, s24, $0xb8;
	[tilespmem:$0x1FA20] =	vst v63  }
0x110: {  	_ =	swait.ge [sflag:s5], $0x1400  }
0x111: {  	[sflag:s5] =	ssyncset.done $0x0  }
0x112: {  	s10 =	simm.s32 $0x167B0;
	[sflag:s5] =	ssyncadd.s32 $0xFFFFEC00  }
0x113: {  	[spmem:s2] =	stream.indirect.scatter.add.f32 [tilespmem:s30], [sflag:$0x6], $0x80, s10, s24, $0xb8;
	[tilespmem:$0x1FA20] =	vst v63  }
0x114: {  	_ =	swait.ge [sflag:s22], $0x1400  }
0x115: {  	[sflag:s22] =	ssyncset.done $0x0  }
0x116: {  	s8 =	simm.s32 $0x320;
	s9 =	simm.s32 $0x14168;
	[sflag:s22] =	ssyncadd.s32 $0xFFFFEC00  }
.LBB2_4:
0x117: {  	[tilespmem:s30], [sflag:$0x5] =	stream.indirect.gather [hbm4b:s4+s24], $0x80, s9, s24, $0xb8;
	[tilespmem:$0x1FA20] =	vst v63  }
0x118: {  	s9 =	smov.u32 s8  }
0x119: {  	p0 =	sne.s32 s8, $0x9600;
	s8 =	sadd.s32 $0x320, s8;
	_ =	swait.ge [sflag:s31], $0x1400  }
0x11a: {  	s9 =	sshra.s32 s9, $0x2;
	[sflag:s31] =	ssyncset.done $0x0  }
0x11b: {  	s10 =	sadd.s32 $0x16710, s9;
	[sflag:s31] =	ssyncadd.s32 $0xFFFFEC00  }
0x11c: {  	[spmem:s2] =	stream.indirect.scatter.add.f32 [tilespmem:s25], [sflag:$0x6], $0x80, s10, s24, $0xb8;
	[tilespmem:$0x1FA20] =	vst v63  }
0x11d: {  	_ =	swait.ge [sflag:s22], $0x1400  }
0x11e: {  	[sflag:s22] =	ssyncset.done $0x0  }
0x11f: {  	s10 =	sadd.s32 $0x140C8, s9;
	[sflag:s22] =	ssyncadd.s32 $0xFFFFEC00  }
0x120: {  	[tilespmem:s25], [sflag:$0x1] =	stream.indirect.gather [hbm4b:s4+s24], $0x80, s10, s24, $0xb8;
	[tilespmem:$0x1FA20] =	vst v63  }
0x121: {  	_ =	swait.ge [sflag:s1], $0x1400  }
0x122: {  	[sflag:s1] =	ssyncset.done $0x0  }
0x123: {  	s10 =	sadd.s32 $0x16738, s9;
	[sflag:s1] =	ssyncadd.s32 $0xFFFFEC00  }
0x124: {  	[spmem:s2] =	stream.indirect.scatter.add.f32 [tilespmem:s26], [sflag:$0x6], $0x80, s10, s24, $0xb8;
	[tilespmem:$0x1FA20] =	vst v63  }
0x125: {  	_ =	swait.ge [sflag:s22], $0x1400  }
0x126: {  	[sflag:s22] =	ssyncset.done $0x0  }
0x127: {  	s10 =	sadd.s32 $0x140F0, s9;
	[sflag:s22] =	ssyncadd.s32 $0xFFFFEC00  }
0x128: {  	[tilespmem:s26], [sflag:$0x2] =	stream.indirect.gather [hbm4b:s4+s24], $0x80, s10, s24, $0xb8;
	[tilespmem:$0x1FA20] =	vst v63  }
0x129: {  	_ =	swait.ge [sflag:s0], $0x1400  }
0x12a: {  	[sflag:s0] =	ssyncset.done $0x0  }
0x12b: {  	s10 =	sadd.s32 $0x16760, s9;
	[sflag:s0] =	ssyncadd.s32 $0xFFFFEC00  }
0x12c: {  	[spmem:s2] =	stream.indirect.scatter.add.f32 [tilespmem:s28], [sflag:$0x6], $0x80, s10, s24, $0xb8;
	[tilespmem:$0x1FA20] =	vst v63  }
0x12d: {  	_ =	swait.ge [sflag:s22], $0x1400  }
0x12e: {  	[sflag:s22] =	ssyncset.done $0x0  }
0x12f: {  	s10 =	sadd.s32 $0x14118, s9;
	[sflag:s22] =	ssyncadd.s32 $0xFFFFEC00  }
0x130: {  	[tilespmem:s28], [sflag:$0x3] =	stream.indirect.gather [hbm4b:s4+s24], $0x80, s10, s24, $0xb8;
	[tilespmem:$0x1FA20] =	vst v63  }
0x131: {  	_ =	swait.ge [sflag:s3], $0x1400  }
0x132: {  	[sflag:s3] =	ssyncset.done $0x0  }
0x133: {  	s10 =	sadd.s32 $0x16788, s9;
	[sflag:s3] =	ssyncadd.s32 $0xFFFFEC00  }
0x134: {  	[spmem:s2] =	stream.indirect.scatter.add.f32 [tilespmem:s29], [sflag:$0x6], $0x80, s10, s24, $0xb8;
	[tilespmem:$0x1FA20] =	vst v63  }
0x135: {  	_ =	swait.ge [sflag:s22], $0x1400  }
0x136: {  	[sflag:s22] =	ssyncset.done $0x0  }
0x137: {  	s10 =	sadd.s32 $0x14140, s9;
	[sflag:s22] =	ssyncadd.s32 $0xFFFFEC00  }
0x138: {  	[tilespmem:s29], [sflag:$0x4] =	stream.indirect.gather [hbm4b:s4+s24], $0x80, s10, s24, $0xb8;
	[tilespmem:$0x1FA20] =	vst v63  }
0x139: {  	_ =	swait.ge [sflag:s5], $0x1400  }
0x13a: {  	[sflag:s5] =	ssyncset.done $0x0  }
.Ltmp1:
0x13b: {  	s10 =	sadd.s32 $0x167B0, s9;
	[sflag:s5] =	ssyncadd.s32 $0xFFFFEC00;
	(pc) =	sbr.rel @p0 .LBB2_4-.Ltmp1, $4  }
0x13c: {  	[spmem:s2] =	stream.indirect.scatter.add.f32 [tilespmem:s30], [sflag:$0x6], $0x80, s10, s24, $0xb8;
	[tilespmem:$0x1FA20] =	vst v63  }
0x13d: {  	_ =	swait.ge [sflag:s22], $0x1400  }
0x13e: {  	[sflag:s22] =	ssyncset.done $0x0  }
0x13f: {  	s9 =	sadd.s32 $0x14168, s9;
	[sflag:s22] =	ssyncadd.s32 $0xFFFFEC00  }
0x140: {  	[tilespmem:s30], [sflag:$0x5] =	stream.indirect.gather [hbm4b:s4+s24], $0x80, s9, s24, $0xb8;
	[tilespmem:$0x1FA20] =	vst v63  }
0x141: {  	_ =	swait.ge [sflag:s31], $0x1400  }
0x142: {  	[sflag:s31] =	ssyncset.done $0x0  }
0x143: {  	s8 =	simm.s32 $0x18D58;
	[sflag:s31] =	ssyncadd.s32 $0xFFFFEC00  }
0x144: {  	[spmem:s2] =	stream.indirect.scatter.add.f32 [tilespmem:s25], [sflag:$0x6], $0x80, s8, s24, $0xb8;
	[tilespmem:$0x1FA20] =	vst v63  }
0x145: {  	_ =	swait.ge [sflag:s22], $0x1400  }
0x146: {  	[sflag:s22] =	ssyncset.done $0x0  }
0x147: {  	[sflag:s22] =	ssyncadd.s32 $0xFFFFEC00  }
0x148: {  	_ =	swait.ge [sflag:s1], $0x1400  }
0x149: {  	[sflag:s1] =	ssyncset.done $0x0  }
0x14a: {  	s9 =	simm.s32 $0x18D80;
	[sflag:s1] =	ssyncadd.s32 $0xFFFFEC00  }
0x14b: {  	[spmem:s2] =	stream.indirect.scatter.add.f32 [tilespmem:s26], [sflag:$0x6], $0x80, s9, s24, $0xb8;
	[tilespmem:$0x1FA20] =	vst v63  }
0x14c: {  	_ =	swait.ge [sflag:s22], $0x1400  }
0x14d: {  	[sflag:s22] =	ssyncset.done $0x0  }
0x14e: {  	[sflag:s22] =	ssyncadd.s32 $0xFFFFEC00  }
0x14f: {  	_ =	swait.ge [sflag:s0], $0x1400  }
0x150: {  	[sflag:s0] =	ssyncset.done $0x0  }
0x151: {  	s10 =	simm.s32 $0x18DA8;
	[sflag:s0] =	ssyncadd.s32 $0xFFFFEC00  }
0x152: {  	[spmem:s2] =	stream.indirect.scatter.add.f32 [tilespmem:s28], [sflag:$0x6], $0x80, s10, s24, $0xb8;
	[tilespmem:$0x1FA20] =	vst v63  }
0x153: {  	_ =	swait.ge [sflag:s22], $0x1400  }
0x154: {  	[sflag:s22] =	ssyncset.done $0x0  }
0x155: {  	[sflag:s22] =	ssyncadd.s32 $0xFFFFEC00  }
0x156: {  	_ =	swait.ge [sflag:s3], $0x1400  }
0x157: {  	[sflag:s3] =	ssyncset.done $0x0  }
0x158: {  	s9 =	simm.s32 $0x18DD0;
	[sflag:s3] =	ssyncadd.s32 $0xFFFFEC00  }
0x159: {  	[spmem:s2] =	stream.indirect.scatter.add.f32 [tilespmem:s29], [sflag:$0x6], $0x80, s9, s24, $0xb8;
	[tilespmem:$0x1FA20] =	vst v63  }
0x15a: {  	_ =	swait.ge [sflag:s22], $0x1400  }
0x15b: {  	[sflag:s22] =	ssyncset.done $0x0  }
0x15c: {  	[sflag:s22] =	ssyncadd.s32 $0xFFFFEC00  }
0x15d: {  	_ =	swait.ge [sflag:s5], $0x1400  }
0x15e: {  	[sflag:s5] =	ssyncset.done $0x0  }
0x15f: {  	s10 =	simm.s32 $0x18DF8;
	[sflag:s5] =	ssyncadd.s32 $0xFFFFEC00  }
0x160: {  	[spmem:s2] =	stream.indirect.scatter.add.f32 [tilespmem:s30], [sflag:$0x6], $0x80, s10, s24, $0xb8;
	[tilespmem:$0x1FA20] =	vst v63  }
0x161: {  	_ =	swait.ge [sflag:s22], $0x1400  }
0x162: {  	[sflag:s22] =	ssyncset.done $0x0  }
0x163: {  	s9 =	stileid.u32;
	[sflag:s22] =	ssyncadd.s32 $0xFFFFEC00  }
0x164: {  	s8 =	sshll.u32 s9, $0x6;
	[bflag:$0x0] =	sbarrier.arrive $0xFFFF  }
0x165: {  	s9 =	sshrl.u32 s7, $0x3;
	s8 =	sor.u32 $0x1C06, s8;
	s10 =	rddreg [dreg:$0x15]  }
0x166: {  	[hbm:s10], [sflag:s8] =	dma.local [spmem:s9], $0x2800  }
0x167: {  	_ =	swait.ge [sflag:s22], $0x2800  }
0x168: {  	s6 =	sadd.s32 $0x1, s6;
	s10 =	rddreg [dreg:$0x16]  }
0x169: {  	p0 =	sne.s32 s6, s10  }
.Ltmp2:
0x16a: {  	_ = 	snop;
	(pc) =	sbr.rel @p0 .LBB2_1-.Ltmp2, $3  }
0x16b: {  	_ =	sdelay $0x1  }
0x16c: {  	[sflag:s22] =	ssyncset.done $0x0  }
0x16d: {  	[sflag:s22] =	ssyncadd.s32 $0xFFFFD800  }
0x16e: {  	_ =	sfence.sel $0x180000  }
0x16f: {  	[bflag:$0x0] =	sbarrier.arrive $0xFFFF  }
0x170: {  	_ =	strace $0x9000004D  }
0x171: {  	s0 =	stileid.u32;
	[bflag:$0x2] =	sbarrier.arrive $0xFFFF  }
0x172: {  	p0 =	sne.s32 s0, $0x0;
	s0 =	rddreg [dreg:$0x2]  }
0x173: {  	s0 =	sadd.s32 @!p0 $0x100000, s0  }
0x174: {  	[sflag:s0] =	ssyncadd.tile.s32 @!p0 $0x1;
	_ =	shalt  }
.Lfunc_end2:
_tile_overlayer_lowered:
.L_overlay_start_2:
0x175: {  	(tag) =	ssettag $0x2  }
0x176: {  	s0 =	rddreg [dreg:$0x0];
	s2 =	stileid.u32  }
0x177: {  	s1 =	rddreg [dreg:$0x1];
	p0 =	sne.s32 s2, $0x0  }
0x178: {  	s3 =	rddreg [dreg:$0x2];
	[bflag:$0x3] =	sbarrier.arrive $0xFFFF;
	s2 =	simm.s32 @!p0 $0x1C06  }
0x179: {  	[timem:s3], [sflag:s2] =	dma.local @!p0 [hbm:s0], s1  }
0x17a: {  	s0 =	simm.s32 @!p0 $0x6  }
0x17b: {  	_ =	swait.ge @!p0 [sflag:s0], s1  }
0x17c: {  	s1 =	ssub.s32 @!p0 $0x0, s1;
	[sflag:s0] =	ssyncset.done @!p0 $0x0  }
0x17d: {  	[sflag:s0] =	ssyncadd.s32 @!p0 s1  }
0x17e: {  	[bflag:$0x3] =	sbarrier.arrive $0xFFFF  }
0x17f: {  	_ =	shalt  }

// kernel: kernel.7.cloned.1.call-start
scs
__scs_entry_jumppad:
0x0: {  	(pc) =	sbr.rel $0x88, $3  }
0x1: {  	(tag) =	ssettag $0x0;
	lr =	simm.s32 $0x1  }
0x2: {  	[smem:$0x3F98] =	sst lr;
	_ =	strace $0xD0000000  }
0x3: {  	_ = 	snop  }
0x4: {  	_ = 	snop  }
0x5: {  	_ = 	snop  }
0x6: {  	_ = 	snop  }
0x7: {  	_ = 	snop  }
__scs_overlays_trampoline_lowered:
0x8: {  	[smem:$0x3FA7] =	sst s0  }
0x9: {  	[smem:$0x3FA8] =	sst s1  }
0xa: {  	[smem:$0x3FA9] =	sst s2  }
0xb: {  	[smem:$0x3FAA] =	sst s3  }
0xc: {  	[smem:$0x3FAB] =	sst s4  }
0xd: {  	[smem:$0x3FAC] =	sst s5  }
0xe: {  	[smem:$0x3FAD] =	sst s6  }
0xf: {  	[smem:$0x3FAE] =	sst s7  }
0x10: {  	[smem:$0x3FAF] =	sst s8  }
0x11: {  	[smem:$0x3FB0] =	sst s9;
	s0 =	simm.s32 @!p0 $0x0  }
0x12: {  	s1 =	sld [smem:$0x3F96];
	s0 =	simm.s32 @p0 $0x1  }
0x13: {  	[smem:$0x3FB1] =	sst s0;
	s0 =	simm.s32 @!p1 $0x0  }
0x14: {  	s2 =	sld [smem:$0x3F95];
	s0 =	simm.s32 @p1 $0x1  }
0x15: {  	[smem:$0x3FB2] =	sst s0;
	s0 =	simm.s32 @!p2 $0x0  }
0x16: {  	s3 =	sld [smem:$0x3FDB];
	s0 =	simm.s32 @p2 $0x1  }
0x17: {  	s4 =	simm.s32 $0x1BF5;
	[smem:$0x3FB4] =	sst s0  }
0x18: {  	s0 =	sld [smem:$0x3F97];
	_ =	swait.ge [sflag:s4], $0x0  }
0x19: {  	s7 =	sld [smem:$0x3F98]  }
0x1a: {  	s8 =	sadd.s32 $0xFFFFE003, lr  }
0x1b: {  	s9 =	sadd.s32 $0xFFFFFEF7, lr;
	s5 =	simm.s32 $0xFFFFFFFF;
	p2 =	slt.u32 s8, $0xFFFFF086  }
0x1c: {  	p1 =	slt.u32 s9, $0xF7A;
	s5 =	simm.s32 @!p2 $0x0  }
0x1d: {  	s5 =	simm.s32 @p1 $0x1;
	p0 =	seq.s32 s7, s2  }
0x1e: {  	s7 =	smul.u32 @!p0 $0xF7A, s2;
	p2 =	seq.s32 @!p0 s5, $0x0  }
0x1f: {  	s9 =	smul.u32 $0xF7A, s1;
	s8 =	simm.s32 @!p0 $0x1BF5;
	p2 =	por !p2, p0  }
0x20: {  	[sflag:s8] =	ssyncset.s32 @!p0 $0xFFFFF086;
	s6 =	sadd.s32 @!p0 s3, s7;
	s7 =	simm.s32 @!p0 $0x108  }
0x21: {  	s3 =	sadd.s32 s3, s9;
	s6 =	sadd.s32 @!p0 $0x88, s6;
	s7 =	simm.s32 @p2 $0x1082  }
0x22: {  	[simem:s7], [sflag:s8] =	dma.local @!p0 [hbm:s6], $0xF7A  }
0x23: {  	s9 =	sor.u32 $0xD0000000, s2;
	s6 =	simm.s32 $0x108;
	_ =	swait.ge @!p0 [sflag:s8], $0x0  }
0x24: {  	s3 =	sadd.s32 $0x88, s3;
	s6 =	simm.s32 @!p1 $0x1082;
	[sflag:s4] =	ssyncset.s32 $0xFFFFF086  }
0x25: {  	[simem:s6], [sflag:s4] =	dma.local [hbm:s3], $0xF7A  }
0x26: {  	[smem:$0x3F98] =	sst s1;
	(tag) =	ssettag s2;
	_ =	strace s9  }
0x27: {  	s1 =	sld [smem:$0x3FA8]  }
0x28: {  	s2 =	sld [smem:$0x3FA9]  }
0x29: {  	s4 =	sld [smem:$0x3FAB]  }
0x2a: {  	p0 =	seq.s32 s5, $0x0;
	s5 =	sld [smem:$0x3FAC]  }
0x2b: {  	s6 =	sld [smem:$0x3FAD]  }
0x2c: {  	s7 =	sld [smem:$0x3FAE]  }
0x2d: {  	s3 =	simm.s32 $0x108;
	s8 =	sld [smem:$0x3FAF]  }
0x2e: {  	s3 =	simm.s32 @!p0 $0x1082;
	s9 =	sld [smem:$0x3FB0]  }
0x2f: {  	lr =	sadd.s32 s0, s3;
	s0 =	sld [smem:$0x3FA7]  }
0x30: {  	s3 =	sld [smem:$0x3FAA]  }
0x31: {  	[smem:$0x3FB3] =	sst s10  }
0x32: {  	s10 =	sld [smem:$0x3FB1];
	_ =	sdelay $0x3  }
0x33: {  	p0 =	seq.s32 s10, $0x1;
	s10 =	sld [smem:$0x3FB3];
	_ =	sdelay $0x3  }
0x34: {  	[smem:$0x3FB3] =	sst s10  }
0x35: {  	s10 =	sld [smem:$0x3FB2];
	_ =	sdelay $0x3  }
0x36: {  	p1 =	seq.s32 s10, $0x1;
	s10 =	sld [smem:$0x3FB3];
	_ =	sdelay $0x3  }
0x37: {  	[smem:$0x3FB3] =	sst s10  }
0x38: {  	s10 =	sld [smem:$0x3FB4]  }
0x39: {  	_ = 	snop;
	(pc) =	sbr.ind lr, $3  }
0x3a: {  	_ = 	snop  }
0x3b: {  	_ = 	snop  }
0x3c: {  	p2 =	seq.s32 s10, $0x1;
	s10 =	sld [smem:$0x3FB3]  }
0x3d: {  	_ =	shalt  }
0x3e: {  	_ =	shalt  }
0x3f: {  	_ =	shalt  }
0x40: {  	_ =	shalt  }
0x41: {  	_ =	shalt  }
0x42: {  	_ =	shalt  }
0x43: {  	_ =	shalt  }
0x44: {  	_ =	shalt  }
0x45: {  	_ =	shalt  }
0x46: {  	_ =	shalt  }
0x47: {  	_ =	shalt  }
0x48: {  	_ =	shalt  }
0x49: {  	_ =	shalt  }
0x4a: {  	_ =	shalt  }
0x4b: {  	_ =	shalt  }
0x4c: {  	_ =	shalt  }
0x4d: {  	_ =	shalt  }
0x4e: {  	_ =	shalt  }
0x4f: {  	_ =	shalt  }
0x50: {  	_ =	shalt  }
0x51: {  	_ =	shalt  }
0x52: {  	_ =	shalt  }
0x53: {  	_ =	shalt  }
0x54: {  	_ =	shalt  }
0x55: {  	_ =	shalt  }
0x56: {  	_ =	shalt  }
0x57: {  	_ =	shalt  }
0x58: {  	_ =	shalt  }
0x59: {  	_ =	shalt  }
0x5a: {  	_ =	shalt  }
0x5b: {  	_ =	shalt  }
0x5c: {  	_ =	shalt  }
0x5d: {  	_ =	shalt  }
0x5e: {  	_ =	shalt  }
0x5f: {  	_ =	shalt  }
0x60: {  	_ =	shalt  }
0x61: {  	_ =	shalt  }
0x62: {  	_ =	shalt  }
0x63: {  	_ =	shalt  }
0x64: {  	_ =	shalt  }
0x65: {  	_ =	shalt  }
0x66: {  	_ =	shalt  }
0x67: {  	_ =	shalt  }
0x68: {  	_ =	shalt  }
0x69: {  	_ =	shalt  }
0x6a: {  	_ =	shalt  }
0x6b: {  	_ =	shalt  }
0x6c: {  	_ =	shalt  }
0x6d: {  	_ =	shalt  }
0x6e: {  	_ =	shalt  }
0x6f: {  	_ =	shalt  }
0x70: {  	_ =	shalt  }
0x71: {  	_ =	shalt  }
0x72: {  	_ =	shalt  }
0x73: {  	_ =	shalt  }
0x74: {  	_ =	shalt  }
0x75: {  	_ =	shalt  }
0x76: {  	_ =	shalt  }
0x77: {  	_ =	shalt  }
0x78: {  	_ =	shalt  }
0x79: {  	_ =	shalt  }
0x7a: {  	_ =	shalt  }
0x7b: {  	_ =	shalt  }
0x7c: {  	_ =	shalt  }
0x7d: {  	_ =	shalt  }
0x7e: {  	_ =	shalt  }
0x7f: {  	_ =	shalt  }
0x80: {  	_ =	shalt  }
0x81: {  	_ =	shalt  }
0x82: {  	_ =	shalt  }
0x83: {  	_ =	shalt  }
0x84: {  	_ =	shalt  }
0x85: {  	_ =	shalt  }
0x86: {  	_ =	shalt  }
0x87: {  	_ =	shalt  }
.Lfunc_end0:
.L_simem_size_0:
called_computation_lowered:
.L_overlay_start_0:
0x88: {  	s2 =	sld [smem:$0x3FD9]  }
0x89: {  	s3 =	sld [smem:$0x3FFE];
	_ =	sdelay $0x1  }
0x8a: {  	s1 =	srdreg.scid  }
0x8b: {  	s0 =	sand.u32 $0x1, s1  }
0x8c: {  	s17 =	sshll.u32 s0, $0xA;
	s2 =	sadd.s32 s3, s2  }
0x8d: {  	s2 =	sadd.s32 s2, s17  }
0x8e: {  	[smem:$0x3FBF] =	sst s2  }
0x8f: {  	_ = 	snop  }
0x90: {  	s2 =	sld [smem:$0x3FD0];
	(tm) =	ssettm $0x1  }
0x91: {  	s18 =	sld [smem:$0x3FFB];
	_ =	sdelay $0x3  }
0x92: {  	_ =	strace s18  }
0x93: {  	s3 =	sld [smem:$0x3FFC];
	_ =	sdelay $0x3  }
0x94: {  	_ =	strace s3  }
0x95: {  	s3 =	sld [smem:$0x3FFD];
	_ =	sdelay $0x3  }
0x96: {  	_ =	strace s3  }
0x97: {  	_ =	strace $0x8FFFFFFF  }
0x98: {  	s19 =	sld [smem:$0x3FDB];
	_ =	sdelay $0x1  }
0x99: {  	s4 =	simm.s32 $_scs_section_size  }
0x9a: {  	s5 =	simm.s32 $_size__tile_overlayer_lowered;
	s6 =	simm.s32 $_tile_overlayer_lowered  }
0x9b: {  	s22 =	simm.s32 $0x1BFF;
	s21 =	sshll.u32 s6, $0x1;
	s3 =	sadd.s32 s4, s19  }
0x9c: {  	s7 =	simm.s32 $0x0;
	s20 =	sshll.u32 s5, $0x1;
	s5 =	sadd.s32 s21, s3  }
0x9d: {  	[timem:s7], [sflag:s22] =	dma.local [hbm:s5], s20  }
0x9e: {  	_ =	swait.ge [sflag:s22], s20  }
0x9f: {  	s4 =	ssub.s32 $0x0, s20;
	[sflag:s22] =	ssyncset.done $0x0  }
0xa0: {  	[sflag:s22] =	ssyncadd.s32 s4;
	_ =	sdelay $0x1  }
0xa1: {  	s23 =	simm.s32 $0x1B8B  }
0xa2: {  	_ =	swait.ge [sflag:s23], $0x1  }
0xa3: {  	[sflag:s23] =	ssyncset.done $0x0  }
0xa4: {  	s25 =	simm.s32 $0x1B8E;
	s24 =	sld [smem:$0x3FFE];
	[sflag:s23] =	ssyncadd.s32 $0xFFFFFFFF  }
0xa5: {  	s26 =	simm.s32 $execute0_lowered;
	[smem:$0x3FD2] =	sst s25  }
0xa6: {  	s5 =	sshll.u32 s26, $0x1;
	_ =	strace $0x80000046;
	[dreg:$0x1] =	wrdreg $0xFFFFFFFF  }
0xa7: {  	s28 =	simm.s32 $_size_execute0_lowered;
	s3 =	sadd.s32 s3, s5;
	[dreg:$0x0] =	wrdreg $0x0  }
0xa8: {  	s5 =	sshll.u32 s28, $0x1;
	[dreg:$0x2] =	wrdreg s3  }
0xa9: {  	[dreg:$0x3] =	wrdreg s5  }
0xaa: {  	[dreg:$0x4] =	wrdreg $0xC0  }
0xab: {  	_ =	task [dreg:s7], $0x5FFFF  }
0xac: {  	[dreg:$0x1] =	wrdreg $0xFFFFFFFF  }
0xad: {  	[dreg:$0x0] =	wrdreg $0x60  }
0xae: {  	[dreg:$0x2] =	wrdreg s2  }
0xaf: {  	[dreg:$0x3] =	wrdreg s24  }
0xb0: {  	[dreg:$0x4] =	wrdreg $0x0  }
0xb1: {  	[dreg:$0x5] =	wrdreg $0x9  }
0xb2: {  	_ =	task.clear_ibuf [dreg:s7], $0x6FFFF;
	_ =	strace $0x90000046  }
0xb3: {  	s29 =	simm.s32 $0x9;
	_ =	strace $0x80000048  }
0xb4: {  	_ =	swait.ge [sflag:s29], $0x1  }
0xb5: {  	[sflag:s29] =	ssyncadd.s32 $0xFFFFFFFF  }
0xb6: {  	_ =	strace $0x90000048  }
0xb7: {  	_ =	sfence  }
0xb8: {  	s30 =	sld [smem:$0x0];
	_ =	sdelay $0x2  }
0xb9: {  	s31 =	sshll.u32 s1, $0xD;
	s1 =	sshrl.u32 s1, $0x2  }
0xba: {  	s3 =	sand.u32 $0x4000, s31;
	s1 =	sadd.s32 s1, s30  }
0xbb: {  	s0 =	sor.u32 s3, s0;
	s1 =	sshll.u32 s1, $0x11  }
0xbc: {  	s0 =	sor.u32 s1, s0  }
0xbd: {  	s0 =	sadd.s32 $0x8F2B, s0  }
0xbe: {  	[sflag:s0] =	ssyncadd.remote.s32 $0x1  }
0xbf: {  	_ =	sfence.sel $0xFFFF  }
0xc0: {  	[dreg:$0x0] =	wrdreg $0xFFFFFFFF;
	(pc) =	sbr.abs _section_cstart, $3  }
0xc1: {  	[dreg:$0x1] =	wrdreg $0xFFFFFFFF  }
0xc2: {  	_ =	task.clear_ibuf [dreg:s7], $0x2FFFF;
	_ =	strace $0x9FFFFFFF  }
0xc3: {  	(tm) =	ssettm $0x7FFFFFFF  }
tec
execute0_lowered:
.L_overlay_start_1:
0x0: {  	(tag) =	ssettag $0x1  }
0x1: {  	s0 =	rddreg [dreg:$0x0]  }
0x2: {  	s1 =	rddreg [dreg:$0x1]  }
0x3: {  	s2 =	rddreg [dreg:$0x2]  }
0x4: {  	s9 =	stileid.u32;
	s3 =	srdreg.scid  }
0x5: {  	s6 =	simm.s32 $0x0;
	s29 =	simm.s32 $0x1;
	s30 =	simm.s32 $0x2800  }
0x6: {  	s28 =	simm.s32 $0xD020;
	s31 =	simm.s32 $0x0;
	s5 =	smul.u32 $0x280, s9  }
0x7: {  	s3 =	sand.u32 $0x1, s3;
	s4 =	sshll.u32 s9, $0x1;
	s8 =	smul.u32 $0x4E20, s9  }
0x8: {  	[smem:$0x7FF] =	sst s6;
	s10 =	sadd.s32 $0x15000, s1;
	s9 =	smul.u32 $0xA000, s9  }
0x9: {  	s4 =	sor.u32 s3, s4;
	_ =	strace $0x80000047;
	[dreg:$0x4] =	wrdreg s10  }
0xa: {  	s23 =	ssub.s32 $0x2, s3;
	s26 =	smul.u32 $0x500, s3;
	p0 =	sne.s32 s3, $0x0  }
0xb: {  	s21 =	smul.u32 $0x280, s4;
	s7 =	sshrl.u32 s5, $0x3;
	s8 =	sshrl.u32 s8, $0x3  }
0xc: {  	s24 =	sshrl.u32 s23, $0x1;
	s4 =	smul.u32 $0x28, s4;
	s25 =	sshrl.u32 s9, $0x2  }
0xd: {  	s22 =	sadd.s32 s7, s1;
	s23 =	ssub.s32 s23, s24;
	s7 =	sadd.s32 s5, s2  }
0xe: {  	s6 =	sadd.s32 s21, s1;
	s1 =	sadd.s32 s1, s8;
	s0 =	sadd.s32 s0, s4  }
0xf: {  	s8 =	sadd.s32 $0x2800, s7;
	s9 =	sadd.s32 $0x5000, s7;
	s10 =	sadd.s32 $0x7800, s7  }
0x10: {  	s11 =	sadd.s32 $0xA000, s7;
	s12 =	sadd.s32 $0xC800, s7;
	s13 =	sadd.s32 $0xF000, s7  }
0x11: {  	s14 =	sadd.s32 $0x11800, s7;
	s15 =	sadd.s32 $0x14000, s7;
	s16 =	sadd.s32 $0x16800, s7  }
0x12: {  	s17 =	sadd.s32 $0x19000, s7;
	s18 =	sadd.s32 $0x1B800, s7;
	s19 =	sadd.s32 $0x1E000, s7  }
0x13: {  	s20 =	sadd.s32 $0x20800, s7;
	s21 =	sadd.s32 $0x23000, s7;
	s22 =	sadd.s32 $0x1A200, s22  }
0x14: {  	s1 =	sadd.s32 $0xB240, s1;
	[dreg:$0x7] =	wrdreg s0;
	s0 =	sshrl.u32 s26, $0x2  }
0x15: {  	s24 =	sadd.s32 $0x15200, s6;
	s26 =	sadd.s32 $0x25800, s7;
	[dreg:$0x5] =	wrdreg s1  }
0x16: {  	v2 =	vlaneseq.u32;
	s1 =	sadd.s32 s25, s2;
	s3 =	sor.u32 $0xC620, s0;
	s25 =	smax.u32 s23, $0x1  }
0x17: {  	v0 =	vimm.f32 $0.0e+00;
	v1 =	vimm.f32 $1.000000000e+00;
	v2 =	vmul.u32 $0x10, v2;
	s0 =	simm.s32 $0xC9E0;
	[dreg:$0x6] =	wrdreg s1;
	s1 =	simm.s32 $0x0  }
.LBB2_1:
0x18: {  	s2 =	rddreg [dreg:$0x5];
	s4 =	simm.s32 $0x5000  }
0x19: {  	[tilespmem:s4], [sflag:$0x1] =	stream.linear.gather [hbm4b:s2+s1], $0x4E20, $0x38;
	[tilespmem:$0xE420] =	vst v63  }
0x1a: {  	_ =	swait.ge [sflag:s29], $0x4E20  }
0x1b: {  	[sflag:s29] =	ssyncset.done $0x0  }
0x1c: {  	s1 =	simm.s32 $0x0;
	[sflag:s29] =	ssyncadd.s32 $0xFFFFB1E0  }
.LBB2_2:
0x1d: {  	p1 =	sne.s32 s1, $0x9FC0  }
.Ltmp0:
0x1e: {  	_ = 	snop;
	(pc) =	sbr.rel @p1 .LBB2_2-.Ltmp0, $3  }
0x1f: {  	_ =	sdelay $0x1  }
0x20: {  	s2 =	sshra.s32 s1, $0x2  }
0x21: {  	s1 =	sadd.s32 $0x40, s1;
	[tilespmem:s2+$0x2800] =	vst v0  }
0x22: {  	s1 =	simm.s32 $0x0  }
.LBB2_4:
0x23: {  	s2 =	sshra.s32 s1, $0x2  }
0x24: {  	v3 =	vld [tilespmem:s2+$0x5000];
	_ =	sdelay $0x7  }
0x25: {  	[tilespmem:v3+s30+$0x0] =	vst.idx.add.f32.msk $0xffff, v1  }
0x26: {  	v3 =	vld [tilespmem:s2+$0x5010];
	_ =	sdelay $0x7  }
0x27: {  	[tilespmem:v3+s30+$0x0] =	vst.idx.add.f32.msk $0xffff, v1  }
0x28: {  	v3 =	vld [tilespmem:s2+$0x5020];
	_ =	sdelay $0x7  }
0x29: {  	[tilespmem:v3+s30+$0x0] =	vst.idx.add.f32.msk $0xffff, v1  }
0x2a: {  	v3 =	vld [tilespmem:s2+$0x5030];
	_ =	sdelay $0x2  }
0x2b: {  	p1 =	sne.s32 s1, $0x13700  }
.Ltmp1:
0x2c: {  	_ = 	snop;
	(pc) =	sbr.rel @p1 .LBB2_4-.Ltmp1, $2  }
0x2d: {  	_ =	sdelay $0x2  }
0x2e: {  	s1 =	sadd.s32 $0x100, s1;
	[tilespmem:v3+s30+$0x0] =	vst.idx.add.f32.msk $0xffff, v1  }
0x2f: {  	s1 =	rddreg [dreg:$0x6]  }
0x30: {  	[spmem:s1] =	stream.linear.scatter [tilespmem:s30], [sflag:$0x1], $0x2800, $0x38;
	[tilespmem:$0xE420] =	vst v63  }
0x31: {  	_ =	swait.ge [sflag:s29], $0x2800  }
0x32: {  	s5 =	simm.s32 $0x0;
	[sflag:s29] =	ssyncset.done $0x0  }
0x33: {  	s4 =	simm.s32 $0xC8A0;
	s2 =	rddreg [dreg:$0x7];
	[sflag:s29] =	ssyncadd.s32 $0xFFFFD800  }
0x34: {  	[tilespmem:s4], [sflag:$0x1] =	stream.linear.gather [hbm4b:s2+s5], $0x140, $0x38;
	[tilespmem:$0xE420] =	vst v63  }
0x35: {  	_ =	swait.ge [sflag:s29], $0x140  }
0x36: {  	[sflag:s29] =	ssyncset.done $0x0  }
0x37: {  	s6 =	rddreg [dreg:$0x4];
	[sflag:s29] =	ssyncadd.s32 $0xFFFFFEC0  }
0x38: {  	[tilespmem:s0], [sflag:$0x1] =	stream.linear.gather [hbm4b:s6+s5], $0x640, $0x38;
	[tilespmem:$0xE420] =	vst v63  }
0x39: {  	_ =	swait.ge [sflag:s29], $0x640  }
0x3a: {  	[sflag:s29] =	ssyncset.done $0x0  }
0x3b: {  	[sflag:s29] =	ssyncadd.s32 $0xFFFFF9C0  }
0x3c: {  	s23 =	simm.s32 $0x9E20;
	[bflag:$0x0] =	sbarrier.arrive $0xFFFF  }
0x3d: {  	[tilespmem:s23], [sflag:$0x1] =	stream.linear.gather [spmem:s7], $0x280, $0x38;
	[tilespmem:$0xE420] =	vst v63  }
0x3e: {  	_ =	swait.ge [sflag:s29], $0x280  }
0x3f: {  	[sflag:s29] =	ssyncset.done $0x0  }
0x40: {  	s2 =	simm.s32 $0xA0A0;
	[sflag:s29] =	ssyncadd.s32 $0xFFFFFD80  }
0x41: {  	[tilespmem:s2], [sflag:$0x1] =	stream.linear.gather [spmem:s8], $0x280, $0x38;
	[tilespmem:$0xE420] =	vst v63  }
0x42: {  	_ =	swait.ge [sflag:s29], $0x280  }
0x43: {  	[sflag:s29] =	ssyncset.done $0x0  }
0x44: {  	s4 =	simm.s32 $0xA320;
	[sflag:s29] =	ssyncadd.s32 $0xFFFFFD80  }
0x45: {  	[tilespmem:s4], [sflag:$0x1] =	stream.linear.gather [spmem:s9], $0x280, $0x38;
	[tilespmem:$0xE420] =	vst v63  }
0x46: {  	_ =	swait.ge [sflag:s29], $0x280  }
0x47: {  	[sflag:s29] =	ssyncset.done $0x0  }
0x48: {  	s5 =	simm.s32 $0xA5A0;
	[sflag:s29] =	ssyncadd.s32 $0xFFFFFD80  }
0x49: {  	[tilespmem:s5], [sflag:$0x1] =	stream.linear.gather [spmem:s10], $0x280, $0x38;
	[tilespmem:$0xE420] =	vst v63  }
0x4a: {  	_ =	swait.ge [sflag:s29], $0x280  }
0x4b: {  	[sflag:s29] =	ssyncset.done $0x0  }
0x4c: {  	s6 =	simm.s32 $0xA820;
	[sflag:s29] =	ssyncadd.s32 $0xFFFFFD80  }
0x4d: {  	[tilespmem:s6], [sflag:$0x1] =	stream.linear.gather [spmem:s11], $0x280, $0x38;
	[tilespmem:$0xE420] =	vst v63  }
0x4e: {  	_ =	swait.ge [sflag:s29], $0x280  }
0x4f: {  	[sflag:s29] =	ssyncset.done $0x0  }
0x50: {  	s23 =	simm.s32 $0xAAA0;
	[sflag:s29] =	ssyncadd.s32 $0xFFFFFD80  }
0x51: {  	[tilespmem:s23], [sflag:$0x1] =	stream.linear.gather [spmem:s12], $0x280, $0x38;
	[tilespmem:$0xE420] =	vst v63  }
0x52: {  	_ =	swait.ge [sflag:s29], $0x280  }
0x53: {  	[sflag:s29] =	ssyncset.done $0x0  }
0x54: {  	s2 =	simm.s32 $0xAD20;
	[sflag:s29] =	ssyncadd.s32 $0xFFFFFD80  }
0x55: {  	[tilespmem:s2], [sflag:$0x1] =	stream.linear.gather [spmem:s13], $0x280, $0x38;
	[tilespmem:$0xE420] =	vst v63  }
0x56: {  	_ =	swait.ge [sflag:s29], $0x280  }
0x57: {  	[sflag:s29] =	ssyncset.done $0x0  }
0x58: {  	s4 =	simm.s32 $0xAFA0;
	[sflag:s29] =	ssyncadd.s32 $0xFFFFFD80  }
0x59: {  	[tilespmem:s4], [sflag:$0x1] =	stream.linear.gather [spmem:s14], $0x280, $0x38;
	[tilespmem:$0xE420] =	vst v63  }
0x5a: {  	_ =	swait.ge [sflag:s29], $0x280  }
0x5b: {  	[sflag:s29] =	ssyncset.done $0x0  }
0x5c: {  	s5 =	simm.s32 $0xB220;
	[sflag:s29] =	ssyncadd.s32 $0xFFFFFD80  }
0x5d: {  	[tilespmem:s5], [sflag:$0x1] =	stream.linear.gather [spmem:s15], $0x280, $0x38;
	[tilespmem:$0xE420] =	vst v63  }
0x5e: {  	_ =	swait.ge [sflag:s29], $0x280  }
0x5f: {  	[sflag:s29] =	ssyncset.done $0x0  }
0x60: {  	s6 =	simm.s32 $0xB4A0;
	[sflag:s29] =	ssyncadd.s32 $0xFFFFFD80  }
0x61: {  	[tilespmem:s6], [sflag:$0x1] =	stream.linear.gather [spmem:s16], $0x280, $0x38;
	[tilespmem:$0xE420] =	vst v63  }
0x62: {  	_ =	swait.ge [sflag:s29], $0x280  }
0x63: {  	[sflag:s29] =	ssyncset.done $0x0  }
0x64: {  	s23 =	simm.s32 $0xB720;
	[sflag:s29] =	ssyncadd.s32 $0xFFFFFD80  }
0x65: {  	[tilespmem:s23], [sflag:$0x1] =	stream.linear.gather [spmem:s17], $0x280, $0x38;
	[tilespmem:$0xE420] =	vst v63  }
0x66: {  	_ =	swait.ge [sflag:s29], $0x280  }
0x67: {  	[sflag:s29] =	ssyncset.done $0x0  }
0x68: {  	s2 =	simm.s32 $0xB9A0;
	[sflag:s29] =	ssyncadd.s32 $0xFFFFFD80  }
0x69: {  	[tilespmem:s2], [sflag:$0x1] =	stream.linear.gather [spmem:s18], $0x280, $0x38;
	[tilespmem:$0xE420] =	vst v63  }
0x6a: {  	_ =	swait.ge [sflag:s29], $0x280  }
0x6b: {  	[sflag:s29] =	ssyncset.done $0x0  }
0x6c: {  	s4 =	simm.s32 $0xBC20;
	[sflag:s29] =	ssyncadd.s32 $0xFFFFFD80  }
0x6d: {  	[tilespmem:s4], [sflag:$0x1] =	stream.linear.gather [spmem:s19], $0x280, $0x38;
	[tilespmem:$0xE420] =	vst v63  }
0x6e: {  	_ =	swait.ge [sflag:s29], $0x280  }
0x6f: {  	[sflag:s29] =	ssyncset.done $0x0  }
0x70: {  	s5 =	simm.s32 $0xBEA0;
	[sflag:s29] =	ssyncadd.s32 $0xFFFFFD80  }
0x71: {  	[tilespmem:s5], [sflag:$0x1] =	stream.linear.gather [spmem:s20], $0x280, $0x38;
	[tilespmem:$0xE420] =	vst v63  }
0x72: {  	_ =	swait.ge [sflag:s29], $0x280  }
0x73: {  	[sflag:s29] =	ssyncset.done $0x0  }
0x74: {  	s6 =	simm.s32 $0xC120;
	[sflag:s29] =	ssyncadd.s32 $0xFFFFFD80  }
0x75: {  	[tilespmem:s6], [sflag:$0x1] =	stream.linear.gather [spmem:s21], $0x280, $0x38;
	[tilespmem:$0xE420] =	vst v63  }
0x76: {  	_ =	swait.ge [sflag:s29], $0x280  }
0x77: {  	[sflag:s29] =	ssyncset.done $0x0  }
0x78: {  	s23 =	simm.s32 $0xC3A0;
	[sflag:s29] =	ssyncadd.s32 $0xFFFFFD80  }
0x79: {  	[tilespmem:s23], [sflag:$0x1] =	stream.linear.gather [spmem:s26], $0x280, $0x38;
	[tilespmem:$0xE420] =	vst v63  }
0x7a: {  	_ =	swait.ge [sflag:s29], $0x280  }
0x7b: {  	[sflag:s29] =	ssyncset.done $0x0  }
0x7c: {  	s23 =	simm.s32 $0x0;
	[sflag:s29] =	ssyncadd.s32 $0xFFFFFD80  }
0x7d: {  	v3 =	vld [tilespmem:s23+$0x9E20]  }
0x7e: {  	v4 =	vld [tilespmem:s23+$0xA0A0];
	_ =	sdelay $0x1  }
0x7f: {  	v5 =	vld [tilespmem:s23+$0xA320];
	_ =	sdelay $0x1  }
0x80: {  	v6 =	vld [tilespmem:s23+$0xA5A0]  }
0x81: {  	v3 =	vadd.f32 v4, v3  }
0x82: {  	v4 =	vld [tilespmem:s23+$0xA820]  }
0x83: {  	v3 =	vadd.f32 v5, v3  }
0x84: {  	v5 =	vld [tilespmem:s23+$0xAAA0]  }
0x85: {  	v3 =	vadd.f32 v6, v3  }
0x86: {  	v6 =	vld [tilespmem:s23+$0xAD20]  }
0x87: {  	v7 =	vld [tilespmem:s23+$0xB4A0];
	v3 =	vadd.f32 v4, v3  }
0x88: {  	s1 =	simm.s32 $0x10;
	v4 =	vld [tilespmem:s23+$0xAFA0]  }
0x89: {  	v8 =	vld [tilespmem:s1+$0x9E20];
	v3 =	vadd.f32 v5, v3  }
0x8a: {  	v5 =	vld [tilespmem:s23+$0xB220]  }
0x8b: {  	v9 =	vld [tilespmem:s23+$0xB720];
	v3 =	vadd.f32 v6, v3  }
0x8c: {  	v6 =	vld [tilespmem:s1+$0xA0A0]  }
0x8d: {  	v10 =	vld [tilespmem:s23+$0xB9A0];
	v3 =	vadd.f32 v4, v3  }
0x8e: {  	v4 =	vld [tilespmem:s1+$0xA320]  }
0x8f: {  	v11 =	vld [tilespmem:s23+$0xBC20];
	v3 =	vadd.f32 v5, v3  }
0x90: {  	s2 =	simm.s32 $0x20;
	v5 =	vld [tilespmem:s1+$0xA5A0]  }
0x91: {  	v12 =	vld [tilespmem:s2+$0xA820];
	v6 =	vadd.f32 v6, v8;
	v3 =	vadd.f32 v7, v3  }
0x92: {  	v7 =	vld [tilespmem:s1+$0xA820]  }
0x93: {  	v4 =	vadd.f32 v4, v6;
	v6 =	vld [tilespmem:s1+$0xAAA0];
	v3 =	vadd.f32 v9, v3  }
0x94: {  	v9 =	vld [tilespmem:s23+$0xBEA0]  }
0x95: {  	v4 =	vadd.f32 v5, v4;
	v5 =	vld [tilespmem:s1+$0xAD20];
	v3 =	vadd.f32 v10, v3  }
0x96: {  	v10 =	vld [tilespmem:s23+$0xC120]  }
0x97: {  	v8 =	vld [tilespmem:s23+$0xC3A0];
	v4 =	vadd.f32 v7, v4;
	v3 =	vadd.f32 v11, v3  }
0x98: {  	v7 =	vld [tilespmem:s1+$0xAFA0]  }
0x99: {  	v4 =	vadd.f32 v6, v4;
	v6 =	vld [tilespmem:s1+$0xB220];
	v3 =	vadd.f32 v9, v3  }
0x9a: {  	v9 =	vld [tilespmem:s2+$0x9E20]  }
0x9b: {  	v4 =	vadd.f32 v5, v4;
	v5 =	vld [tilespmem:s2+$0xA0A0];
	v3 =	vadd.f32 v10, v3  }
0x9c: {  	v11 =	vld [tilespmem:s1+$0xB4A0]  }
0x9d: {  	v4 =	vadd.f32 v7, v4;
	v7 =	vld [tilespmem:s2+$0xA320];
	v3 =	vadd.f32 v8, v3  }
0x9e: {  	v10 =	vld [tilespmem:s1+$0xB720]  }
0x9f: {  	v4 =	vadd.f32 v6, v4;
	v6 =	vld [tilespmem:s2+$0xA5A0];
	v3 =	vadd.f32 $1.000000000e+00, v3  }
0xa0: {  	v8 =	vld [tilespmem:s1+$0xB9A0];
	v5 =	vadd.f32 v5, v9  }
0xa1: {  	v14 =	vld [tilespmem:s1+$0xBEA0];
	v11 =	vadd.f32 v11, v4;
	v13 =	vshra.s32 v3, $0x1;
	v4 =	vmul.f32 $5.000000000e-01, v3  }
0xa2: {  	v9 =	vld [tilespmem:s1+$0xBC20];
	v5 =	vadd.f32 v7, v5;
	v13 =	vsub.s32 $0x5F3759DF, v13  }
0xa3: {  	v7 =	vadd.f32 v10, v11;
	v10 =	vld [tilespmem:s2+$0xAAA0];
	v11 =	vmul.f32 v13, v4  }
0xa4: {  	v15 =	vld [tilespmem:s1+$0xC120];
	v5 =	vadd.f32 v6, v5  }
0xa5: {  	v6 =	vadd.f32 v8, v7;
	v8 =	vld [tilespmem:s2+$0xAD20];
	v7 =	vmul.f32 v13, v11  }
0xa6: {  	v3 =	vld [tilespmem:s1+$0xC3A0];
	v11 =	vadd.f32 v12, v5  }
0xa7: {  	v9 =	vadd.f32 v9, v6;
	v6 =	vld [tilespmem:s2+$0xAFA0];
	v12 =	vsub.f32 $1.500000000e+00, v7  }
0xa8: {  	v5 =	vld [tilespmem:s2+$0xB4A0];
	v10 =	vadd.f32 v10, v11  }
0xa9: {  	s4 =	simm.s32 $0x30;
	v7 =	vld [tilespmem:s2+$0xB220];
	v14 =	vadd.f32 v14, v9;
	v9 =	vmul.f32 v13, v12  }
0xaa: {  	v11 =	vld [tilespmem:s4+$0x9E20];
	v10 =	vadd.f32 v8, v10  }
0xab: {  	s5 =	simm.s32 $0x100;
	v12 =	vld [tilespmem:s4+$0xA0A0];
	v8 =	vadd.f32 v15, v14;
	v13 =	vmul.f32 v9, v4  }
.LBB2_6:
0xac: {  	p1 =	sne.s32 s5, $0x9C0;
	v6 =	vadd.f32 v6, v10;
	v10 =	vld [tilespmem:s2+$0xB720];
	s6 =	smov.u32 s2;
	s2 =	smov.u32 s4  }
0xad: {  	v14 =	vld [tilespmem:s2+$0xA320];
	v3 =	vadd.f32 v3, v8;
	v8 =	vmul.f32 v13, v9  }
0xae: {  	v6 =	vadd.f32 v7, v6;
	v7 =	vld [tilespmem:s6+$0xB9A0]  }
0xaf: {  	v13 =	vld [tilespmem:s2+$0xA5A0];
	v3 =	vadd.f32 $1.000000000e+00, v3;
	v8 =	vsub.f32 $1.500000000e+00, v8  }
0xb0: {  	v11 =	vadd.f32 v12, v11;
	v5 =	vadd.f32 v5, v6;
	v6 =	vld [tilespmem:s6+$0xBC20]  }
0xb1: {  	v12 =	vld [tilespmem:s2+$0xA820];
	v15 =	vshra.s32 v3, $0x1;
	v16 =	vmul.f32 $5.000000000e-01, v3;
	v8 =	vmul.f32 v8, v9  }
0xb2: {  	v9 =	vadd.f32 v14, v11;
	v5 =	vadd.f32 v10, v5;
	v3 =	vld [tilespmem:s6+$0xC3A0];
	v10 =	vsub.s32 $0x5F3759DF, v15  }
0xb3: {  	v11 =	vld [tilespmem:s2+$0xAAA0];
	v14 =	vmul.f32 v10, v16;
	v15 =	vmul.f32 v8, v4;
	v4 =	vmov v16  }
0xb4: {  	v9 =	vadd.f32 v13, v9;
	v5 =	vadd.f32 v7, v5;
	v13 =	vld [tilespmem:s6+$0xBEA0]  }
0xb5: {  	v16 =	vld [tilespmem:s2+$0xAD20];
	v7 =	vmul.f32 v10, v14;
	v14 =	vmul.f32 v15, v8  }
0xb6: {  	v9 =	vadd.f32 v12, v9;
	v12 =	vadd.f32 v6, v5;
	v15 =	vld [tilespmem:s6+$0xC120]  }
.Ltmp2:
0xb7: {  	v6 =	vld [tilespmem:s2+$0xAFA0];
	v17 =	vsub.f32 $1.500000000e+00, v7;
	v14 =	vsub.f32 $1.500000000e+00, v14;
	(pc) =	sbr.rel @p1 .LBB2_6-.Ltmp2, $4  }
0xb8: {  	v18 =	vadd.f32 v11, v9;
	v5 =	vld [tilespmem:s2+$0xB4A0]  }
0xb9: {  	s4 =	sshra.s32 s5, $0x2;
	v7 =	vld [tilespmem:s2+$0xB220];
	v13 =	vadd.f32 v13, v12;
	v9 =	vmul.f32 v10, v17;
	v14 =	vmul.f32 v14, v8  }
0xba: {  	v11 =	vld [tilespmem:s4+$0x9E20];
	v10 =	vadd.f32 v16, v18  }
0xbb: {  	s5 =	sadd.s32 $0x40, s5;
	v12 =	vld [tilespmem:s4+$0xA0A0];
	v8 =	vadd.f32 v15, v13;
	v13 =	vmul.f32 v9, v4;
	[tilespmem:s23+$0xC620] =	vst v14;
	s23 =	smov.u32 s1;
	s1 =	smov.u32 s6  }
0xbc: {  	_ = 	snop  }
0xbd: {  	v14 =	vld [tilespmem:s4+$0xA320]  }
0xbe: {  	v13 =	vmul.f32 v13, v9  }
0xbf: {  	v15 =	vld [tilespmem:s4+$0xA5A0]  }
0xc0: {  	v13 =	vsub.f32 $1.500000000e+00, v13;
	v11 =	vadd.f32 v12, v11  }
0xc1: {  	v31 =	vld [tilespmem:s4+$0xA820]  }
0xc2: {  	v16 =	vld [tilespmem:s2+$0xB720];
	v32 =	vmul.f32 v13, v9;
	v11 =	vadd.f32 v14, v11  }
0xc3: {  	v33 =	vld [tilespmem:s4+$0xAAA0]  }
0xc4: {  	v17 =	vld [tilespmem:s2+$0xB9A0];
	v4 =	vmul.f32 v32, v4;
	v11 =	vadd.f32 v15, v11  }
0xc5: {  	v35 =	vld [tilespmem:s4+$0xAD20]  }
0xc6: {  	v34 =	vld [tilespmem:s2+$0xBC20];
	v4 =	vmul.f32 v4, v32;
	v11 =	vadd.f32 v31, v11  }
0xc7: {  	v36 =	vld [tilespmem:s4+$0xAFA0]  }
0xc8: {  	v18 =	vld [tilespmem:s2+$0xC3A0];
	v4 =	vsub.f32 $1.500000000e+00, v4;
	v11 =	vadd.f32 v33, v11  }
0xc9: {  	v37 =	vld [tilespmem:s4+$0xB220];
	v6 =	vadd.f32 v6, v10  }
0xca: {  	v19 =	vld [tilespmem:s2+$0xBEA0];
	v4 =	vmul.f32 v4, v32;
	v38 =	vadd.f32 v35, v11  }
0xcb: {  	v40 =	vld [tilespmem:s4+$0xB4A0];
	v6 =	vadd.f32 v7, v6  }
0xcc: {  	v39 =	vld [tilespmem:s2+$0xC120];
	[tilespmem:s23+$0xC620] =	vst v4;
	v4 =	vadd.f32 v36, v38  }
0xcd: {  	v5 =	vadd.f32 v5, v6;
	v7 =	vld [tilespmem:s4+$0xB720]  }
0xce: {  	v4 =	vadd.f32 v37, v4  }
0xcf: {  	v5 =	vadd.f32 v16, v5;
	v6 =	vld [tilespmem:s4+$0xB9A0]  }
0xd0: {  	v4 =	vadd.f32 v40, v4  }
0xd1: {  	v5 =	vadd.f32 v17, v5;
	v41 =	vld [tilespmem:s4+$0xBC20]  }
0xd2: {  	v4 =	vadd.f32 v7, v4  }
0xd3: {  	v5 =	vadd.f32 v34, v5;
	v7 =	vld [tilespmem:s4+$0xBEA0]  }
0xd4: {  	v4 =	vadd.f32 v6, v4  }
0xd5: {  	v5 =	vadd.f32 v19, v5;
	v6 =	vld [tilespmem:s4+$0xC120]  }
0xd6: {  	v4 =	vadd.f32 v41, v4  }
0xd7: {  	v5 =	vadd.f32 v39, v5;
	v42 =	vld [tilespmem:s4+$0xC3A0]  }
0xd8: {  	v4 =	vadd.f32 v7, v4  }
0xd9: {  	v5 =	vadd.f32 v18, v5  }
0xda: {  	v3 =	vadd.f32 v3, v8;
	v4 =	vadd.f32 v6, v4  }
0xdb: {  	v5 =	vadd.f32 $1.000000000e+00, v5  }
0xdc: {  	v3 =	vadd.f32 $1.000000000e+00, v3;
	v4 =	vadd.f32 v42, v4  }
0xdd: {  	v43 =	vshra.s32 v5, $0x1  }
0xde: {  	v6 =	vshra.s32 v3, $0x1;
	v3 =	vmul.f32 $5.000000000e-01, v3;
	v4 =	vadd.f32 $1.000000000e+00, v4  }
0xdf: {  	v5 =	vmul.f32 $5.000000000e-01, v5;
	v8 =	vsub.s32 $0x5F3759DF, v43;
	v6 =	vsub.s32 $0x5F3759DF, v6  }
0xe0: {  	v7 =	vmul.f32 v6, v3;
	v44 =	vshra.s32 v4, $0x1;
	v4 =	vmul.f32 $5.000000000e-01, v4  }
0xe1: {  	v45 =	vmul.f32 v8, v5;
	v9 =	vsub.s32 $0x5F3759DF, v44  }
0xe2: {  	v7 =	vmul.f32 v6, v7;
	v46 =	vmul.f32 v9, v4  }
0xe3: {  	v10 =	vmul.f32 v8, v45  }
0xe4: {  	v7 =	vsub.f32 $1.500000000e+00, v7;
	v11 =	vmul.f32 v9, v46  }
0xe5: {  	v10 =	vsub.f32 $1.500000000e+00, v10  }
0xe6: {  	v6 =	vmul.f32 v6, v7;
	v7 =	vsub.f32 $1.500000000e+00, v11  }
0xe7: {  	v8 =	vmul.f32 v8, v10  }
0xe8: {  	v47 =	vmul.f32 v6, v3;
	v7 =	vmul.f32 v9, v7  }
0xe9: {  	v48 =	vmul.f32 v8, v5  }
0xea: {  	v10 =	vmul.f32 v47, v6;
	v49 =	vmul.f32 v7, v4  }
0xeb: {  	v9 =	vmul.f32 v48, v8  }
0xec: {  	v10 =	vsub.f32 $1.500000000e+00, v10;
	v11 =	vmul.f32 v49, v7  }
0xed: {  	v9 =	vsub.f32 $1.500000000e+00, v9  }
0xee: {  	v6 =	vmul.f32 v10, v6;
	v50 =	vsub.f32 $1.500000000e+00, v11  }
0xef: {  	v8 =	vmul.f32 v9, v8  }
0xf0: {  	v3 =	vmul.f32 v6, v3;
	v7 =	vmul.f32 v50, v7  }
0xf1: {  	v5 =	vmul.f32 v8, v5  }
0xf2: {  	v3 =	vmul.f32 v3, v6;
	v4 =	vmul.f32 v7, v4  }
0xf3: {  	v5 =	vmul.f32 v5, v8  }
0xf4: {  	v3 =	vsub.f32 $1.500000000e+00, v3;
	v4 =	vmul.f32 v4, v7  }
0xf5: {  	v5 =	vsub.f32 $1.500000000e+00, v5  }
0xf6: {  	v3 =	vmul.f32 v3, v6;
	v4 =	vsub.f32 $1.500000000e+00, v4  }
0xf7: {  	v5 =	vmul.f32 v5, v8  }
0xf8: {  	[tilespmem:s1+$0xC620] =	vst v3;
	v3 =	vmul.f32 v4, v7  }
0xf9: {  	[tilespmem:s2+$0xC620] =	vst v5  }
0xfa: {  	s1 =	simm.s32 @!p0 $0x0;
	s2 =	simm.s32 @!p0 $0xC620;
	[tilespmem:s4+$0xC620] =	vst v3  }
0xfb: {  	[hbm4b:s22+s1] =	stream.linear.scatter @!p0 [tilespmem:s2], [sflag:$0x1], $0x280, $0x38;
	[tilespmem:$0xE420] =	vst v63  }
0xfc: {  	s1 =	simm.s32 @!p0 $0x1  }
0xfd: {  	_ =	swait.ge @!p0 [sflag:s1], $0x280  }
0xfe: {  	[sflag:s1] =	ssyncset.done @!p0 $0x0  }
0xff: {  	[sflag:s1] =	ssyncadd.s32 @!p0 $0xFFFFFD80;
	s1 =	simm.s32 $0xC8A0  }
0x100: {  	v3 =	vld [tilespmem:s1+$0x0];
	_ =	sdelay $0x4  }
0x101: {  	v3 =	vshll.u32 v3, $0x4;
	_ =	sdelay $0x3  }
0x102: {  	s23 =	simm.s32 $0x0;
	v5 =	vld [tilespmem:s3+$0x0]  }
0x103: {  	v6 =	vmov s23;
	v4 =	vld.idx.msk [tilespmem:v3+s0+$0x0], $0xffff  }
0x104: {  	v6 =	vshll.u32 v6, $0x4  }
0x105: {  	v6 =	vor.u32 v2, v6  }
0x106: {  	v7 =	vor.u32 $0x1, v3;
	_ =	sdelay $0x1  }
0x107: {  	v4 =	vmul.f32 v4, v5;
	_ =	sdelay $0x1  }
0x108: {  	[tilespmem:v6+s28+$0x0] =	vst.idx.msk $0xffff, v4  }
0x109: {  	v4 =	vld.idx.msk [tilespmem:v7+s0+$0x0], $0xffff;
	_ =	sdelay $0x1  }
0x10a: {  	v7 =	vor.u32 $0x1, v6  }
0x10b: {  	v51 =	vor.u32 $0x2, v3;
	_ =	sdelay $0x1  }
0x10c: {  	v4 =	vmul.f32 v4, v5;
	_ =	sdelay $0x1  }
0x10d: {  	[tilespmem:v7+s28+$0x0] =	vst.idx.msk $0xffff, v4  }
0x10e: {  	v4 =	vld.idx.msk [tilespmem:v51+s0+$0x0], $0xffff;
	_ =	sdelay $0x1  }
0x10f: {  	v7 =	vor.u32 $0x2, v6  }
0x110: {  	v52 =	vor.u32 $0x3, v3;
	_ =	sdelay $0x1  }
0x111: {  	v4 =	vmul.f32 v4, v5;
	_ =	sdelay $0x1  }
0x112: {  	[tilespmem:v7+s28+$0x0] =	vst.idx.msk $0xffff, v4  }
0x113: {  	v4 =	vld.idx.msk [tilespmem:v52+s0+$0x0], $0xffff;
	_ =	sdelay $0x1  }
0x114: {  	v7 =	vor.u32 $0x3, v6  }
0x115: {  	v53 =	vor.u32 $0x4, v3;
	_ =	sdelay $0x1  }
0x116: {  	v4 =	vmul.f32 v4, v5;
	_ =	sdelay $0x1  }
0x117: {  	[tilespmem:v7+s28+$0x0] =	vst.idx.msk $0xffff, v4  }
0x118: {  	v4 =	vld.idx.msk [tilespmem:v53+s0+$0x0], $0xffff;
	_ =	sdelay $0x1  }
0x119: {  	v7 =	vor.u32 $0x4, v6  }
0x11a: {  	v54 =	vor.u32 $0x5, v3;
	_ =	sdelay $0x1  }
0x11b: {  	v4 =	vmul.f32 v4, v5;
	_ =	sdelay $0x1  }
0x11c: {  	[tilespmem:v7+s28+$0x0] =	vst.idx.msk $0xffff, v4  }
0x11d: {  	v4 =	vld.idx.msk [tilespmem:v54+s0+$0x0], $0xffff;
	_ =	sdelay $0x1  }
0x11e: {  	v7 =	vor.u32 $0x5, v6  }
0x11f: {  	v55 =	vor.u32 $0x6, v3;
	_ =	sdelay $0x1  }
0x120: {  	v4 =	vmul.f32 v4, v5;
	_ =	sdelay $0x1  }
0x121: {  	[tilespmem:v7+s28+$0x0] =	vst.idx.msk $0xffff, v4  }
0x122: {  	v4 =	vld.idx.msk [tilespmem:v55+s0+$0x0], $0xffff;
	_ =	sdelay $0x1  }
0x123: {  	v7 =	vor.u32 $0x6, v6  }
0x124: {  	v56 =	vor.u32 $0x7, v3;
	_ =	sdelay $0x1  }
0x125: {  	v4 =	vmul.f32 v4, v5;
	_ =	sdelay $0x1  }
0x126: {  	[tilespmem:v7+s28+$0x0] =	vst.idx.msk $0xffff, v4  }
0x127: {  	v4 =	vld.idx.msk [tilespmem:v56+s0+$0x0], $0xffff;
	_ =	sdelay $0x1  }
0x128: {  	v7 =	vor.u32 $0x7, v6  }
0x129: {  	v57 =	vor.u32 $0x8, v3;
	_ =	sdelay $0x1  }
0x12a: {  	v4 =	vmul.f32 v4, v5;
	_ =	sdelay $0x1  }
0x12b: {  	[tilespmem:v7+s28+$0x0] =	vst.idx.msk $0xffff, v4  }
0x12c: {  	v4 =	vld.idx.msk [tilespmem:v57+s0+$0x0], $0xffff;
	_ =	sdelay $0x1  }
0x12d: {  	v7 =	vor.u32 $0x8, v6  }
0x12e: {  	v58 =	vor.u32 $0x9, v3;
	_ =	sdelay $0x1  }
0x12f: {  	v4 =	vmul.f32 v4, v5;
	_ =	sdelay $0x1  }
0x130: {  	[tilespmem:v7+s28+$0x0] =	vst.idx.msk $0xffff, v4  }
0x131: {  	v4 =	vld.idx.msk [tilespmem:v58+s0+$0x0], $0xffff;
	_ =	sdelay $0x1  }
0x132: {  	v7 =	vor.u32 $0x9, v6  }
0x133: {  	v59 =	vor.u32 $0xA, v3;
	_ =	sdelay $0x1  }
0x134: {  	v4 =	vmul.f32 v4, v5;
	_ =	sdelay $0x1  }
0x135: {  	[tilespmem:v7+s28+$0x0] =	vst.idx.msk $0xffff, v4  }
0x136: {  	v4 =	vld.idx.msk [tilespmem:v59+s0+$0x0], $0xffff;
	_ =	sdelay $0x1  }
0x137: {  	v7 =	vor.u32 $0xA, v6  }
0x138: {  	v60 =	vor.u32 $0xB, v3;
	_ =	sdelay $0x1  }
0x139: {  	v4 =	vmul.f32 v4, v5;
	_ =	sdelay $0x1  }
0x13a: {  	[tilespmem:v7+s28+$0x0] =	vst.idx.msk $0xffff, v4  }
0x13b: {  	v4 =	vld.idx.msk [tilespmem:v60+s0+$0x0], $0xffff;
	_ =	sdelay $0x1  }
0x13c: {  	v7 =	vor.u32 $0xB, v6  }
0x13d: {  	v61 =	vor.u32 $0xC, v3;
	_ =	sdelay $0x1  }
0x13e: {  	v4 =	vmul.f32 v4, v5;
	_ =	sdelay $0x1  }
0x13f: {  	[tilespmem:v7+s28+$0x0] =	vst.idx.msk $0xffff, v4  }
0x140: {  	v4 =	vld.idx.msk [tilespmem:v61+s0+$0x0], $0xffff;
	_ =	sdelay $0x1  }
0x141: {  	v7 =	vor.u32 $0xC, v6  }
0x142: {  	v62 =	vor.u32 $0xD, v3;
	_ =	sdelay $0x1  }
0x143: {  	v4 =	vmul.f32 v4, v5;
	_ =	sdelay $0x1  }
0x144: {  	[tilespmem:v7+s28+$0x0] =	vst.idx.msk $0xffff, v4  }
0x145: {  	v4 =	vld.idx.msk [tilespmem:v62+s0+$0x0], $0xffff;
	_ =	sdelay $0x1  }
0x146: {  	v7 =	vor.u32 $0xD, v6  }
0x147: {  	v63 =	vor.u32 $0xE, v3;
	_ =	sdelay $0x1  }
0x148: {  	v4 =	vmul.f32 v4, v5;
	_ =	sdelay $0x1  }
0x149: {  	[tilespmem:v7+s28+$0x0] =	vst.idx.msk $0xffff, v4  }
0x14a: {  	v4 =	vld.idx.msk [tilespmem:v63+s0+$0x0], $0xffff;
	_ =	sdelay $0x1  }
0x14b: {  	v7 =	vor.u32 $0xE, v6  }
0x14c: {  	v3 =	vor.u32 $0xF, v3;
	_ =	sdelay $0x1  }
0x14d: {  	v4 =	vmul.f32 v4, v5;
	_ =	sdelay $0x1  }
0x14e: {  	[tilespmem:v7+s28+$0x0] =	vst.idx.msk $0xffff, v4  }
0x14f: {  	v3 =	vld.idx.msk [tilespmem:v3+s0+$0x0], $0xffff;
	_ =	sdelay $0x1  }
0x150: {  	v4 =	vor.u32 $0xF, v6;
	_ =	sdelay $0x2  }
0x151: {  	s23 =	smov.u32 s3;
	s2 =	simm.s32 $0x10;
	v3 =	vmul.f32 v3, v5  }
.LBB2_8:
0x152: {  	_ = 	snop  }
0x153: {  	p1 =	sne.s32 s2, $0x130;
	s23 =	sadd.s32 $0x10, s23;
	s1 =	sadd.s32 $0x10, s1;
	[tilespmem:v4+s28+$0x0] =	vst.idx.msk $0xffff, v3  }
0x154: {  	s4 =	smov.u32 s2;
	s2 =	sadd.s32 $0x10, s2;
	v3 =	vld [tilespmem:s1+$0x0];
	_ =	sdelay $0x4  }
0x155: {  	v4 =	vshll.u32 v3, $0x4;
	_ =	sdelay $0x4  }
0x156: {  	v6 =	vld.idx.msk [tilespmem:v4+s0+$0x0], $0xffff  }
0x157: {  	v5 =	vmov s4;
	v3 =	vld [tilespmem:s23+$0x0]  }
0x158: {  	v5 =	vshll.u32 v5, $0x4  }
0x159: {  	v5 =	vor.u32 v2, v5  }
0x15a: {  	v7 =	vor.u32 $0x1, v4;
	_ =	sdelay $0x1  }
0x15b: {  	v6 =	vmul.f32 v6, v3;
	_ =	sdelay $0x1  }
0x15c: {  	[tilespmem:v5+s28+$0x0] =	vst.idx.msk $0xffff, v6  }
0x15d: {  	v6 =	vld.idx.msk [tilespmem:v7+s0+$0x0], $0xffff;
	_ =	sdelay $0x2  }
0x15e: {  	v7 =	vor.u32 $0x1, v5  }
0x15f: {  	v8 =	vor.u32 $0x2, v4;
	_ =	sdelay $0x1  }
0x160: {  	v6 =	vmul.f32 v6, v3;
	_ =	sdelay $0x1  }
0x161: {  	[tilespmem:v7+s28+$0x0] =	vst.idx.msk $0xffff, v6  }
0x162: {  	v6 =	vld.idx.msk [tilespmem:v8+s0+$0x0], $0xffff;
	_ =	sdelay $0x2  }
0x163: {  	v7 =	vor.u32 $0x2, v5  }
0x164: {  	v8 =	vor.u32 $0x3, v4;
	_ =	sdelay $0x1  }
0x165: {  	v6 =	vmul.f32 v6, v3;
	_ =	sdelay $0x1  }
0x166: {  	[tilespmem:v7+s28+$0x0] =	vst.idx.msk $0xffff, v6  }
0x167: {  	v6 =	vld.idx.msk [tilespmem:v8+s0+$0x0], $0xffff;
	_ =	sdelay $0x2  }
0x168: {  	v7 =	vor.u32 $0x3, v5  }
0x169: {  	v8 =	vor.u32 $0x4, v4;
	_ =	sdelay $0x1  }
0x16a: {  	v6 =	vmul.f32 v6, v3;
	_ =	sdelay $0x1  }
0x16b: {  	[tilespmem:v7+s28+$0x0] =	vst.idx.msk $0xffff, v6  }
0x16c: {  	v6 =	vld.idx.msk [tilespmem:v8+s0+$0x0], $0xffff;
	_ =	sdelay $0x2  }
0x16d: {  	v7 =	vor.u32 $0x4, v5  }
0x16e: {  	v8 =	vor.u32 $0x5, v4;
	_ =	sdelay $0x1  }
0x16f: {  	v6 =	vmul.f32 v6, v3;
	_ =	sdelay $0x1  }
0x170: {  	[tilespmem:v7+s28+$0x0] =	vst.idx.msk $0xffff, v6  }
0x171: {  	v6 =	vld.idx.msk [tilespmem:v8+s0+$0x0], $0xffff;
	_ =	sdelay $0x2  }
0x172: {  	v7 =	vor.u32 $0x5, v5  }
0x173: {  	v8 =	vor.u32 $0x6, v4;
	_ =	sdelay $0x1  }
0x174: {  	v6 =	vmul.f32 v6, v3;
	_ =	sdelay $0x1  }
0x175: {  	[tilespmem:v7+s28+$0x0] =	vst.idx.msk $0xffff, v6  }
0x176: {  	v6 =	vld.idx.msk [tilespmem:v8+s0+$0x0], $0xffff;
	_ =	sdelay $0x2  }
0x177: {  	v7 =	vor.u32 $0x6, v5  }
0x178: {  	v8 =	vor.u32 $0x7, v4;
	_ =	sdelay $0x1  }
0x179: {  	v6 =	vmul.f32 v6, v3;
	_ =	sdelay $0x1  }
0x17a: {  	[tilespmem:v7+s28+$0x0] =	vst.idx.msk $0xffff, v6  }
0x17b: {  	v6 =	vld.idx.msk [tilespmem:v8+s0+$0x0], $0xffff;
	_ =	sdelay $0x2  }
0x17c: {  	v7 =	vor.u32 $0x7, v5  }
0x17d: {  	v8 =	vor.u32 $0x8, v4;
	_ =	sdelay $0x1  }
0x17e: {  	v6 =	vmul.f32 v6, v3;
	_ =	sdelay $0x1  }
0x17f: {  	[tilespmem:v7+s28+$0x0] =	vst.idx.msk $0xffff, v6  }
0x180: {  	v6 =	vld.idx.msk [tilespmem:v8+s0+$0x0], $0xffff;
	_ =	sdelay $0x2  }
0x181: {  	v7 =	vor.u32 $0x8, v5  }
0x182: {  	v8 =	vor.u32 $0x9, v4;
	_ =	sdelay $0x1  }
0x183: {  	v6 =	vmul.f32 v6, v3;
	_ =	sdelay $0x1  }
0x184: {  	[tilespmem:v7+s28+$0x0] =	vst.idx.msk $0xffff, v6  }
0x185: {  	v6 =	vld.idx.msk [tilespmem:v8+s0+$0x0], $0xffff;
	_ =	sdelay $0x2  }
0x186: {  	v7 =	vor.u32 $0x9, v5  }
0x187: {  	v8 =	vor.u32 $0xA, v4;
	_ =	sdelay $0x1  }
0x188: {  	v6 =	vmul.f32 v6, v3;
	_ =	sdelay $0x1  }
0x189: {  	[tilespmem:v7+s28+$0x0] =	vst.idx.msk $0xffff, v6  }
0x18a: {  	v6 =	vld.idx.msk [tilespmem:v8+s0+$0x0], $0xffff;
	_ =	sdelay $0x2  }
0x18b: {  	v7 =	vor.u32 $0xA, v5  }
0x18c: {  	v8 =	vor.u32 $0xB, v4;
	_ =	sdelay $0x1  }
0x18d: {  	v6 =	vmul.f32 v6, v3;
	_ =	sdelay $0x1  }
0x18e: {  	[tilespmem:v7+s28+$0x0] =	vst.idx.msk $0xffff, v6  }
0x18f: {  	v6 =	vld.idx.msk [tilespmem:v8+s0+$0x0], $0xffff;
	_ =	sdelay $0x2  }
0x190: {  	v7 =	vor.u32 $0xB, v5  }
0x191: {  	v8 =	vor.u32 $0xC, v4;
	_ =	sdelay $0x1  }
0x192: {  	v6 =	vmul.f32 v6, v3;
	_ =	sdelay $0x1  }
0x193: {  	[tilespmem:v7+s28+$0x0] =	vst.idx.msk $0xffff, v6  }
0x194: {  	v6 =	vld.idx.msk [tilespmem:v8+s0+$0x0], $0xffff;
	_ =	sdelay $0x2  }
0x195: {  	v7 =	vor.u32 $0xC, v5  }
0x196: {  	v8 =	vor.u32 $0xD, v4;
	_ =	sdelay $0x1  }
0x197: {  	v6 =	vmul.f32 v6, v3;
	_ =	sdelay $0x1  }
0x198: {  	[tilespmem:v7+s28+$0x0] =	vst.idx.msk $0xffff, v6  }
0x199: {  	v6 =	vld.idx.msk [tilespmem:v8+s0+$0x0], $0xffff;
	_ =	sdelay $0x2  }
0x19a: {  	v7 =	vor.u32 $0xD, v5  }
0x19b: {  	v8 =	vor.u32 $0xE, v4;
	_ =	sdelay $0x1  }
0x19c: {  	v6 =	vmul.f32 v6, v3;
	_ =	sdelay $0x1  }
0x19d: {  	[tilespmem:v7+s28+$0x0] =	vst.idx.msk $0xffff, v6  }
0x19e: {  	v6 =	vld.idx.msk [tilespmem:v8+s0+$0x0], $0xffff;
	_ =	sdelay $0x2  }
0x19f: {  	v7 =	vor.u32 $0xE, v5  }
0x1a0: {  	v4 =	vor.u32 $0xF, v4;
	_ =	sdelay $0x1  }
0x1a1: {  	v6 =	vmul.f32 v6, v3;
	_ =	sdelay $0x1  }
0x1a2: {  	[tilespmem:v7+s28+$0x0] =	vst.idx.msk $0xffff, v6  }
0x1a3: {  	v6 =	vld.idx.msk [tilespmem:v4+s0+$0x0], $0xffff;
	_ =	sdelay $0x1  }
.Ltmp3:
0x1a4: {  	(pc) =	sbr.rel @p1 .LBB2_8-.Ltmp3, $2  }
0x1a5: {  	v4 =	vor.u32 $0xF, v5;
	_ =	sdelay $0x2  }
0x1a6: {  	v3 =	vmul.f32 v6, v3  }
0x1a7: {  	_ =	sdelay $0x1  }
0x1a8: {  	s31 =	sadd.s32 $0x1, s31  }
0x1a9: {  	p1 =	sne.s32 s31, s25  }
.Ltmp4:
0x1aa: {  	s1 =	simm.s32 $0x0;
	[tilespmem:v4+s28+$0x0] =	vst.idx.msk $0xffff, v3;
	(pc) =	sbr.rel @p1 .LBB2_1-.Ltmp4, $4  }
0x1ab: {  	[hbm4b:s24+s1] =	stream.linear.scatter [tilespmem:s28], [sflag:$0x1], $0x1400, $0x38;
	[tilespmem:$0xE420] =	vst v63  }
0x1ac: {  	_ =	swait.ge [sflag:s29], $0x1400  }
0x1ad: {  	[sflag:s29] =	ssyncset.done $0x0  }
0x1ae: {  	[sflag:s29] =	ssyncadd.s32 $0xFFFFEC00  }
0x1af: {  	_ =	sfence.sel $0x180000  }
0x1b0: {  	[bflag:$0x0] =	sbarrier.arrive $0xFFFF  }
0x1b1: {  	_ =	strace $0x90000047  }
0x1b2: {  	s0 =	stileid.u32;
	[bflag:$0x2] =	sbarrier.arrive $0xFFFF  }
0x1b3: {  	p0 =	sne.s32 s0, $0x0;
	s0 =	rddreg [dreg:$0x3]  }
0x1b4: {  	s0 =	sadd.s32 @!p0 $0x100000, s0  }
0x1b5: {  	[sflag:s0] =	ssyncadd.tile.s32 @!p0 $0x1;
	_ =	shalt  }
.Lfunc_end2:
_tile_overlayer_lowered:
.L_overlay_start_2:
0x1b6: {  	(tag) =	ssettag $0x2  }
0x1b7: {  	s0 =	rddreg [dreg:$0x0];
	s2 =	stileid.u32  }
0x1b8: {  	s1 =	rddreg [dreg:$0x1];
	p0 =	sne.s32 s2, $0x0  }
0x1b9: {  	s3 =	rddreg [dreg:$0x2];
	[bflag:$0x3] =	sbarrier.arrive $0xFFFF;
	s2 =	simm.s32 @!p0 $0x1C01  }
0x1ba: {  	[timem:s3], [sflag:s2] =	dma.local @!p0 [hbm:s0], s1  }
0x1bb: {  	s0 =	simm.s32 @!p0 $0x1  }
0x1bc: {  	_ =	swait.ge @!p0 [sflag:s0], s1  }
0x1bd: {  	s1 =	ssub.s32 @!p0 $0x0, s1;
	[sflag:s0] =	ssyncset.done @!p0 $0x0  }
0x1be: {  	[sflag:s0] =	ssyncadd.s32 @!p0 s1  }
0x1bf: {  	[bflag:$0x3] =	sbarrier.arrive $0xFFFF  }
0x1c0: {  	_ =	shalt  }

</sc_bundles>
